<compile_context>
chip_gen: v7x
topology: tpu7x:2x2x1
jax: 0.10.2.dev20260603
libtpu: 0.0.44.dev20260713+nightly
codegen_flags: <defaults>
</compile_context>

<pallas_src>
import jax
import jax.numpy as jnp
from jax import lax
from jax.experimental import pallas as pl
from jax.experimental.pallas import tpu as pltpu
from jax.experimental.pallas import tpu_sc as plsc

B, T = 16, 750
DW, DL, DM = 1280, 1024, 1024
D = DW + DL + DM
CODE_DIM, K = 256, 1024
N = B * T

G = 4
GB = B // G

WIN = 8
NWK = 8
WSPAN = 96
TLIM = 744
NWIN = 12

_mesh = plsc.VectorSubcoreMesh(core_axis_name="core", subcore_axis_name="subcore")


def _dec_body(cb_ref, wd_ref, bd_ref, out_ref):
    out_ref[...] = (jnp.dot(cb_ref[...].astype(jnp.bfloat16), wd_ref[...],
                            preferred_element_type=jnp.float32)
                    + bd_ref[...])


def _main_body(w_ref, l_ref, m_ref, wew_ref, wel_ref, wem_ref, be_ref,
               cbt_ref, cbb_ref, wd_ref, bd_ref,
               codes_ref, tail_ref, ps_ref, cs_ref,
               acc_ref, csum_ref):
    i = pl.program_id(0)

    @pl.when(i == 0)
    def _init():
        acc_ref[...] = jnp.zeros_like(acc_ref)
        cbt = cbt_ref[...]
        acc_ref[1:2, :] = jnp.sum(cbt * cbt, axis=0, keepdims=True)
        csum_ref[...] = jnp.zeros_like(csum_ref)

    ze = (jnp.dot(w_ref[0], wew_ref[...], preferred_element_type=jnp.float32)
          + jnp.dot(l_ref[0], wel_ref[...], preferred_element_type=jnp.float32)
          + jnp.dot(m_ref[0], wem_ref[...], preferred_element_type=jnp.float32)
          + be_ref[...])

    z2 = jnp.sum(ze * ze, axis=1, keepdims=True)
    zc = jnp.dot(ze, cbt_ref[...], preferred_element_type=jnp.float32)
    d = z2 - 2.0 * zc + acc_ref[1:2, :]

    dmin = jnp.min(d, axis=1, keepdims=True)
    kiota = jax.lax.broadcasted_iota(jnp.int32, d.shape, 1)
    codes = jnp.min(jnp.where(d == dmin, kiota, K), axis=1,
                    keepdims=True)
    codes_ref[0] = codes

    p = jnp.exp(dmin - d)
    s = jnp.sum(p, axis=1, keepdims=True)
    acc_ref[0:1, :] = acc_ref[0:1, :] + jnp.sum(p / s, axis=0, keepdims=True)
    csum_ref[0:1, 0:1] = csum_ref[0:1, 0:1] + jnp.sum(dmin, axis=0,
                                                      keepdims=True)

    ct = jnp.concatenate(
        [lax.slice(codes, (TLIM, 0), (T, 1)),
         jnp.zeros((2, 1), jnp.int32)], axis=0)
    kiota8 = jax.lax.broadcasted_iota(jnp.int32, (8, K), 1)
    oneh = (kiota8 == ct).astype(jnp.bfloat16)
    zqt = jnp.dot(oneh, cbb_ref[...], preferred_element_type=jnp.float32)
    ze_t = jnp.concatenate(
        [lax.slice(ze, (TLIM, 0), (T, CODE_DIM)),
         jnp.zeros((2, CODE_DIM), jnp.float32)], axis=0)
    zq_st = ze_t + (zqt - ze_t)
    tail_ref[0] = (jnp.dot(zq_st.astype(jnp.bfloat16), wd_ref[...],
                           preferred_element_type=jnp.float32)
                   + bd_ref[...])

    @pl.when(i == GB - 1)
    def _fin():
        ps_ref[...] = acc_ref[0:1, :]
        cs_ref[...] = csum_ref[0:1, 0:1]


def _make_sc_gather(g, first):
    def body(tab_hbm, codes_hbm, o_hbm, idx_v, b0, b1, b2, b3,
             s0, s1, s2, s3, t0s, t1s, t2s, t3s):
        wid = lax.axis_index("core") * 16 + lax.axis_index("subcore")
        bl = wid // NWK
        h = wid % NWK
        b = g * GB + bl
        base = h * WSPAN

        pltpu.sync_copy(codes_hbm.at[bl, 0], idx_v)

        bufs = (b0, b1, b2, b3)
        gsems = (s0, s1, s2, s3)
        osems = (t0s, t1s, t2s, t3s)

        def t0c(w):
            return pl.multiple_of(jnp.minimum(base + w * WIN, TLIM - WIN), 8)

        def gidx(w):
            return idx_v.at[pl.ds(t0c(w), WIN)]

        def oslc(w):
            return o_hbm.at[b, pl.ds(t0c(w), WIN), :]

        def gstart(w, k):
            pltpu.make_async_copy(tab_hbm.at[gidx(w)], bufs[k],
                                  gsems[k]).start()

        def gwait(w, k):
            pltpu.make_async_copy(tab_hbm.at[gidx(w)], bufs[k],
                                  gsems[k]).wait()

        def ostart(w, k):
            pltpu.make_async_copy(bufs[k], oslc(w), osems[k]).start()

        def owait(w, k):
            pltpu.make_async_copy(bufs[k], oslc(w), osems[k]).wait()

        gstart(0, 0)
        gstart(1, 1)

        @pl.loop(0, NWIN // 4)
        def _(m):
            w = m * 4
            gwait(w, 0)
            gwait(w + 1, 1)

            @pl.when(m > 0)
            def _():
                owait(w - 2, 2)
                owait(w - 1, 3)

            gstart(w + 2, 2)
            gstart(w + 3, 3)
            ostart(w, 0)
            ostart(w + 1, 1)

            gwait(w + 2, 2)
            gwait(w + 3, 3)
            owait(w, 0)
            owait(w + 1, 1)
            gstart(w + 4, 0)
            gstart(w + 5, 1)
            ostart(w + 2, 2)
            ostart(w + 3, 3)

        gwait(NWIN, 0)
        gwait(NWIN + 1, 1)
        owait(NWIN - 2, 2)
        owait(NWIN - 1, 3)

    scratch = [
        pltpu.VMEM((T,), jnp.int32),
        pltpu.VMEM((WIN, D), jnp.float32),
        pltpu.VMEM((WIN, D), jnp.float32),
        pltpu.VMEM((WIN, D), jnp.float32),
        pltpu.VMEM((WIN, D), jnp.float32),
    ] + [pltpu.SemaphoreType.DMA] * 8

    if first:
        return pl.kernel(body, out_type=jax.ShapeDtypeStruct((B, T, D),
                                                             jnp.float32),
                         mesh=_mesh, scratch_types=scratch)

    return pl.kernel(body, out_type=(), mesh=_mesh, scratch_types=scratch)


def _tail_body(dummy_ref, tail_ref, out_ref):
    out_ref[...] = tail_ref[...]


def _stats_body(ps_ref, cs_ref, commit_ref, ent_ref):
    commit_ref[...] = jnp.sum(cs_ref[...], axis=0,
                              keepdims=True) / (N * CODE_DIM)
    avg = jnp.sum(ps_ref[...], axis=0, keepdims=True) / N
    ent_ref[...] = jnp.sum(avg * jnp.log(avg + 1e-10), axis=1, keepdims=True)


@jax.jit
def kernel(whisper_feat, wavlm_feat, muq_feat, W_enc, b_enc, codebook,
           W_dec, b_dec):
    wew = W_enc[:DW]
    wel = W_enc[DW:DW + DL]
    wem = W_enc[DW + DL:]
    cbt = codebook.T
    cbb = codebook.astype(jnp.bfloat16)
    wdb = W_dec.astype(jnp.bfloat16)
    be2 = b_enc.reshape(1, CODE_DIM)
    bd2 = b_dec.reshape(1, D)

    dec_cb = pl.pallas_call(
        _dec_body,
        out_shape=jax.ShapeDtypeStruct((K, D), jnp.float32),
    )(codebook, wdb, bd2)

    def run_main(g):
        return pl.pallas_call(
            _main_body,
            grid=(GB,),
            in_specs=[
                pl.BlockSpec((1, T, DW), lambda i: (g * GB + i, 0, 0)),
                pl.BlockSpec((1, T, DL), lambda i: (g * GB + i, 0, 0)),
                pl.BlockSpec((1, T, DM), lambda i: (g * GB + i, 0, 0)),
                pl.BlockSpec((DW, CODE_DIM), lambda i: (0, 0)),
                pl.BlockSpec((DL, CODE_DIM), lambda i: (0, 0)),
                pl.BlockSpec((DM, CODE_DIM), lambda i: (0, 0)),
                pl.BlockSpec((1, CODE_DIM), lambda i: (0, 0)),
                pl.BlockSpec((CODE_DIM, K), lambda i: (0, 0)),
                pl.BlockSpec((K, CODE_DIM), lambda i: (0, 0)),
                pl.BlockSpec((CODE_DIM, D), lambda i: (0, 0)),
                pl.BlockSpec((1, D), lambda i: (0, 0)),
            ],
            out_specs=[
                pl.BlockSpec((1, T, 1), lambda i: (i, 0, 0)),
                pl.BlockSpec((1, 8, D), lambda i: (i, 0, 0)),
                pl.BlockSpec((1, K), lambda i: (0, 0)),
                pl.BlockSpec((1, 1), lambda i: (0, 0)),
            ],
            out_shape=[
                jax.ShapeDtypeStruct((GB, T, 1), jnp.int32),
                jax.ShapeDtypeStruct((GB, 8, D), jnp.float32),
                jax.ShapeDtypeStruct((1, K), jnp.float32),
                jax.ShapeDtypeStruct((1, 1), jnp.float32),
            ],
            scratch_shapes=[
                pltpu.VMEM((8, K), jnp.float32),
                pltpu.VMEM((8, 128), jnp.float32),
            ],
        )(whisper_feat, wavlm_feat, muq_feat, wew, wel, wem, be2, cbt, cbb,
          wdb, bd2)

    codes_l, tails_l, ps_l, cs_l = [], [], [], []
    recon_ref = None
    for g in range(G):
        c, t, p, s = run_main(g)
        codes_l.append(c)
        tails_l.append(t)
        ps_l.append(p)
        cs_l.append(s)
        if g == 0:
            recon0 = _make_sc_gather(0, True)(dec_cb, c.reshape(GB, 1, T))
            recon_ref = jax.new_ref(recon0)
        else:
            _make_sc_gather(g, False)(dec_cb, c.reshape(GB, 1, T),
                                      recon_ref)
    recon_sc = recon_ref[...]

    tails = jnp.concatenate(tails_l, axis=0)
    recon = pl.pallas_call(
        _tail_body,
        grid=(B,),
        in_specs=[
            pl.BlockSpec((1, 8, 128), lambda i: (i, 93, 0)),
            pl.BlockSpec((1, 8, D), lambda i: (i, 0, 0)),
        ],
        out_specs=pl.BlockSpec((1, 8, D), lambda i: (i, 93, 0)),
        out_shape=jax.ShapeDtypeStruct((B, T, D), jnp.float32),
        input_output_aliases={0: 0},
    )(recon_sc, tails)

    commit, ent = pl.pallas_call(
        _stats_body,
        out_shape=[
            jax.ShapeDtypeStruct((1, 1), jnp.float32),
            jax.ShapeDtypeStruct((1, 1), jnp.float32),
        ],
    )(jnp.concatenate(ps_l, axis=0), jnp.concatenate(cs_l, axis=0))

    codes = jnp.concatenate(codes_l, axis=0).reshape(B, T)
    return (recon, codes, commit[0, 0], None, ent[0, 0])

# --- scband reference (transcript-rebuilt; emitter-appended) ---
"""Pipeline reference for scband-vqpretrain-wrapper-32847909879860 (READ-ONLY COPY).

The authoritative reference and input builder live on the scoring server;
editing this copy changes nothing except your own understanding.
"""

import jax, jax.numpy as jnp
import numpy as np

B, T = 16, 750
DW, DL, DM = 1280, 1024, 1024
D = DW + DL + DM
CODE_DIM, K = 256, 1024


def setup_inputs(seed: int = 0) -> dict:
    key = jax.random.key(seed)
    ks = jax.random.split(key, 8)
    whisper_feat = jax.random.normal(ks[0], (B, T, DW), dtype=jnp.float32)
    wavlm_feat = jax.random.normal(ks[1], (B, T, DL), dtype=jnp.float32)
    muq_feat = jax.random.normal(ks[2], (B, T, DM), dtype=jnp.float32)
    W_enc = jax.random.normal(ks[3], (D, CODE_DIM), dtype=jnp.float32) * 0.02
    b_enc = jnp.zeros((CODE_DIM,), dtype=jnp.float32)
    codebook = jax.random.normal(ks[4], (K, CODE_DIM), dtype=jnp.float32) * 0.02
    W_dec = jax.random.normal(ks[5], (CODE_DIM, D), dtype=jnp.float32) * 0.02
    b_dec = jnp.zeros((D,), dtype=jnp.float32)
    return {"whisper_feat": whisper_feat, "wavlm_feat": wavlm_feat, "muq_feat": muq_feat,
            "W_enc": W_enc, "b_enc": b_enc, "codebook": codebook, "W_dec": W_dec, "b_dec": b_dec}


def reference(whisper_feat, wavlm_feat, muq_feat, W_enc, b_enc, codebook, W_dec, b_dec):
    # encoder: fuse the three SSL feature streams and project to code space
    x = jnp.concatenate([whisper_feat, wavlm_feat, muq_feat], axis=-1)  # [B,T,D]
    z_e = jnp.dot(x, W_enc) + b_enc  # [B,T,CODE_DIM]
    flat = z_e.reshape(-1, CODE_DIM)  # [B*T, CODE_DIM]
    # squared L2 distances to codebook entries
    d = (jnp.sum(flat * flat, axis=1, keepdims=True)
         - 2.0 * jnp.dot(flat, codebook.T)
         + jnp.sum(codebook * codebook, axis=1)[None, :])  # [B*T, K]
    codes_flat = jnp.argmin(d, axis=-1)  # [B*T]
    z_q = jnp.take(codebook, codes_flat, axis=0).reshape(z_e.shape)  # [B,T,CODE_DIM]
    # VQ losses (use_rvq = False -> commit + entropy only)
    commit_loss = jnp.mean((z_e - jax.lax.stop_gradient(z_q)) ** 2)
    probs = jax.nn.softmax(-d, axis=-1)  # [B*T, K]
    avg_probs = jnp.mean(probs, axis=0)  # [K]
    entropy_loss = jnp.sum(avg_probs * jnp.log(avg_probs + 1e-10))  # negative codebook-usage entropy
    # straight-through estimator
    z_q_st = z_e + jax.lax.stop_gradient(z_q - z_e)
    # throwaway decoder: reconstruct the concatenated SSL features
    recon = jnp.dot(z_q_st, W_dec) + b_dec  # [B,T,D]
    codes = codes_flat.reshape(z_e.shape[0], z_e.shape[1])
    codebook_loss = None  # use_rvq is False
    return (recon, codes, commit_loss, codebook_loss, entropy_loss)

if __name__ == "__main__":
    import jax
    _d = setup_inputs()
    print(jax.jit(kernel)(*tuple(_d.values())))

</pallas_src>

<mosaic_0001>
#map = affine_map<(d0, d1) -> (0, 0)>
#map1 = affine_map<(d0, d1) -> (0, 0, 0)>
module attributes {stable_mosaic.version = 14 : i64} {
  func.func @new_body(%arg0: i32, %arg1: i32, %arg2: memref<1024x3328xf32, #tpu.memory_space<hbm>>, %arg3: memref<4x1x750xi32, #tpu.memory_space<hbm>>, %arg4: memref<16x750x3328xf32, #tpu.memory_space<hbm>>, %arg5: memref<16x750x3328xf32, #tpu.memory_space<hbm>>, %arg6: memref<750xi32, #tpu.memory_space<vmem>>, %arg7: memref<8x3328xf32, #tpu.memory_space<vmem>>, %arg8: memref<8x3328xf32, #tpu.memory_space<vmem>>, %arg9: memref<8x3328xf32, #tpu.memory_space<vmem>>, %arg10: memref<8x3328xf32, #tpu.memory_space<vmem>>, %arg11: memref<!tpu.dma_semaphore, #tpu.memory_space<semaphore_mem>>, %arg12: memref<!tpu.dma_semaphore, #tpu.memory_space<semaphore_mem>>, %arg13: memref<!tpu.dma_semaphore, #tpu.memory_space<semaphore_mem>>, %arg14: memref<!tpu.dma_semaphore, #tpu.memory_space<semaphore_mem>>, %arg15: memref<!tpu.dma_semaphore, #tpu.memory_space<semaphore_mem>>, %arg16: memref<!tpu.dma_semaphore, #tpu.memory_space<semaphore_mem>>, %arg17: memref<!tpu.dma_semaphore, #tpu.memory_space<semaphore_mem>>, %arg18: memref<!tpu.dma_semaphore, #tpu.memory_space<semaphore_mem>>) attributes {dimension_semantics = [#tpu.dimension_semantics<core_parallel>, #tpu.dimension_semantics<subcore_parallel>], iteration_bounds = array<i64: 2, 16>, scalar_prefetch = 0 : i64, scratch_operands = 13 : i64, tpu.core_type = #tpu.core_type<sc_vector_subcore>, window_params = [{transform_indices = #map}, {transform_indices = #map1}, {transform_indices = #map1}, {transform_indices = #map1}]} {
    %mul3A = arith.constant 16 : i32
    %mul3A_0 = arith.muli %arg0, %mul3A : i32
    %add3A = arith.addi %mul3A_0, %arg1 : i32
    %jit3A = arith.constant 8 : i32
    %div3A = arith.divsi %add3A, %jit3A : i32
    %sign3A = arith.constant 0 : i32
    %sign3A_1 = arith.cmpi sgt, %add3A, %sign3A : i32
    %sign3A_2 = arith.extui %sign3A_1 : i1 to i32
    %sign3A_3 = arith.constant 0 : i32
    %sign3A_4 = arith.cmpi slt, %add3A, %sign3A_3 : i32
    %sign3A_5 = arith.extui %sign3A_4 : i1 to i32
    %sign3A_6 = arith.subi %sign3A_2, %sign3A_5 : i32
    %sign3A_7 = arith.constant 0 : i32
    %sign3A_8 = arith.cmpi sgt, %jit3A, %sign3A_7 : i32
    %sign3A_9 = arith.extui %sign3A_8 : i1 to i32
    %sign3A_10 = arith.constant 0 : i32
    %sign3A_11 = arith.cmpi slt, %jit3A, %sign3A_10 : i32
    %sign3A_12 = arith.extui %sign3A_11 : i1 to i32
    %sign3A_13 = arith.subi %sign3A_9, %sign3A_12 : i32
    %ne3A = arith.cmpi ne, %sign3A_6, %sign3A_13 : i32
    %rem3A = arith.remsi %add3A, %jit3A : i32
    %ne3A_14 = arith.constant 0 : i32
    %ne3A_15 = arith.cmpi ne, %rem3A, %ne3A_14 : i32
    %and3A = arith.andi %ne3A, %ne3A_15 : i1
    %sub3A = arith.constant 1 : i32
    %sub3A_16 = arith.subi %div3A, %sub3A : i32
    %select_n3A = arith.select %and3A, %sub3A_16, %div3A : i32
    %jit3A_17 = arith.constant 8 : i32
    %eq3A = arith.constant 0 : i32
    %eq3A_18 = arith.cmpi eq, %jit3A_17, %eq3A : i32
    %jit3A_19 = arith.constant 1 : i32
    %select_n3A_20 = arith.select %eq3A_18, %jit3A_19, %jit3A_17 : i32
    %rem3A_21 = arith.remsi %add3A, %select_n3A_20 : i32
    %ne3A_22 = arith.constant 0 : i32
    %ne3A_23 = arith.cmpi ne, %rem3A_21, %ne3A_22 : i32
    %lt3A = arith.constant 0 : i32
    %lt3A_24 = arith.cmpi slt, %rem3A_21, %lt3A : i32
    %lt3A_25 = arith.constant 0 : i32
    %lt3A_26 = arith.cmpi slt, %select_n3A_20, %lt3A_25 : i32
    %ne3A_27 = arith.xori %lt3A_24, %lt3A_26 : i1
    %and3A_28 = arith.andi %ne3A_27, %ne3A_23 : i1
    %add3A_29 = arith.addi %rem3A_21, %select_n3A_20 : i32
    %select_n3A_30 = arith.select %and3A_28, %add3A_29, %rem3A_21 : i32
    %add3A_31 = arith.constant 12 : i32
    %add3A_32 = arith.addi %add3A_31, %select_n3A : i32
    %mul3A_33 = arith.constant 96 : i32
    %mul3A_34 = arith.muli %select_n3A_30, %mul3A_33 : i32
    %run_scoped3A = arith.constant 0 : i32
    "tpu.region"() ({
      %run_scoped3A_93 = tpu.sem_alloc : memref<!tpu.dma_semaphore, #tpu.memory_space<semaphore_mem>>
      %dma_start3A_94 = arith.constant 0 : i32
      %dma_start3A_95 = tpu.memref_slice %arg3[%select_n3A, %run_scoped3A, %dma_start3A_94] : memref<4x1x750xi32, #tpu.memory_space<hbm>> -> memref<1x1x750xi32, #tpu.memory_space<hbm>>
      %dma_start3A_96 = tpu.memref_squeeze %dma_start3A_95 : memref<1x1x750xi32, #tpu.memory_space<hbm>> -> memref<750xi32, #tpu.memory_space<hbm>>
      %dma_start3A_97 = arith.constant 0 : i32
      %dma_start3A_98 = tpu.memref_slice %arg3[%select_n3A, %run_scoped3A, %dma_start3A_97] : memref<4x1x750xi32, #tpu.memory_space<hbm>> -> memref<1x1x750xi32, #tpu.memory_space<hbm>>
      %dma_start3A_99 = tpu.memref_squeeze %dma_start3A_98 : memref<1x1x750xi32, #tpu.memory_space<hbm>> -> memref<750xi32, #tpu.memory_space<hbm>>
      tpu.enqueue_dma source(%dma_start3A_99 : memref<750xi32, #tpu.memory_space<hbm>>) target(%arg6 : memref<750xi32, #tpu.memory_space<vmem>>) target_semaphore(%run_scoped3A_93 : memref<!tpu.dma_semaphore, #tpu.memory_space<semaphore_mem>>)
      %dma_wait3A_100 = arith.constant 0 : i32
      %dma_wait3A_101 = tpu.memref_slice %arg3[%select_n3A, %run_scoped3A, %dma_wait3A_100] : memref<4x1x750xi32, #tpu.memory_space<hbm>> -> memref<1x1x750xi32, #tpu.memory_space<hbm>>
      %dma_wait3A_102 = tpu.memref_squeeze %dma_wait3A_101 : memref<1x1x750xi32, #tpu.memory_space<hbm>> -> memref<750xi32, #tpu.memory_space<hbm>>
      %dma_wait3A_103 = arith.constant 0 : i32
      %dma_wait3A_104 = tpu.memref_slice %arg3[%select_n3A, %run_scoped3A, %dma_wait3A_103] : memref<4x1x750xi32, #tpu.memory_space<hbm>> -> memref<1x1x750xi32, #tpu.memory_space<hbm>>
      %dma_wait3A_105 = tpu.memref_squeeze %dma_wait3A_104 : memref<1x1x750xi32, #tpu.memory_space<hbm>> -> memref<750xi32, #tpu.memory_space<hbm>>
      tpu.wait_dma2 semaphore(%run_scoped3A_93 : memref<!tpu.dma_semaphore, #tpu.memory_space<semaphore_mem>>) src(%dma_wait3A_105 : memref<750xi32, #tpu.memory_space<hbm>>) dst(%arg6 : memref<750xi32, #tpu.memory_space<vmem>>)
      tpu.yield
    }) : () -> ()
    %add3A_35 = arith.constant 0 : i32
    %add3A_36 = arith.addi %mul3A_34, %add3A_35 : i32
    %min3A = arith.constant 736 : i32
    %min3A_37 = arith.minsi %add3A_36, %min3A : i32
    %multiple_of3A = tpu.assume_multiple %min3A_37, 8 : i32
    %dma_start3A = tpu.memref_slice %arg6[%multiple_of3A] : memref<750xi32, #tpu.memory_space<vmem>> -> memref<8xi32, #tpu.memory_space<vmem>>
    %dma_start3A_38 = arith.constant 0 : i32
    %dma_start3A_39 = arith.constant 0 : i32
    %dma_start3A_40 = tpu.memref_slice %arg2[%dma_start3A_38, %dma_start3A_39] : memref<1024x3328xf32, #tpu.memory_space<hbm>> -> memref<1024x3328xf32, #tpu.memory_space<hbm>>
    tpu.enqueue_indirect_dma source(%dma_start3A_40 : memref<1024x3328xf32, #tpu.memory_space<hbm>>) target(%arg7 : memref<8x3328xf32, #tpu.memory_space<vmem>>) offsets(%dma_start3A : memref<8xi32, #tpu.memory_space<vmem>>) semaphore(%arg11 : memref<!tpu.dma_semaphore, #tpu.memory_space<semaphore_mem>>)
    %add3A_41 = arith.constant 8 : i32
    %add3A_42 = arith.addi %mul3A_34, %add3A_41 : i32
    %min3A_43 = arith.constant 736 : i32
    %min3A_44 = arith.minsi %add3A_42, %min3A_43 : i32
    %multiple_of3A_45 = tpu.assume_multiple %min3A_44, 8 : i32
    %dma_start3A_46 = tpu.memref_slice %arg6[%multiple_of3A_45] : memref<750xi32, #tpu.memory_space<vmem>> -> memref<8xi32, #tpu.memory_space<vmem>>
    %dma_start3A_47 = arith.constant 0 : i32
    %dma_start3A_48 = arith.constant 0 : i32
    %dma_start3A_49 = tpu.memref_slice %arg2[%dma_start3A_47, %dma_start3A_48] : memref<1024x3328xf32, #tpu.memory_space<hbm>> -> memref<1024x3328xf32, #tpu.memory_space<hbm>>
    tpu.enqueue_indirect_dma source(%dma_start3A_49 : memref<1024x3328xf32, #tpu.memory_space<hbm>>) target(%arg8 : memref<8x3328xf32, #tpu.memory_space<vmem>>) offsets(%dma_start3A_46 : memref<8xi32, #tpu.memory_space<vmem>>) semaphore(%arg12 : memref<!tpu.dma_semaphore, #tpu.memory_space<semaphore_mem>>)
    %scan3A = arith.constant 0 : i32
    %scan3A_50 = arith.constant 3 : i32
    %scan3A_51 = arith.addi %scan3A, %scan3A_50 : i32
    %scan3A_52 = arith.constant 1 : i32
    scf.for %scan3A_93 = %scan3A to %scan3A_51 step %scan3A_52  : i32 {
      %mul3A_94 = arith.constant 1 : i32
      %mul3A_95 = arith.muli %scan3A_93, %mul3A_94 : i32
      %add3A_96 = arith.constant 0 : i32
      %add3A_97 = arith.addi %add3A_96, %mul3A_95 : i32
      %mul3A_98 = arith.constant 4 : i32
      %mul3A_99 = arith.muli %add3A_97, %mul3A_98 : i32
      %mul3A_100 = arith.constant 8 : i32
      %mul3A_101 = arith.muli %mul3A_99, %mul3A_100 : i32
      %add3A_102 = arith.addi %mul3A_34, %mul3A_101 : i32
      %min3A_103 = arith.constant 736 : i32
      %min3A_104 = arith.minsi %add3A_102, %min3A_103 : i32
      %multiple_of3A_105 = tpu.assume_multiple %min3A_104, 8 : i32
      %dma_wait3A_106 = tpu.memref_slice %arg6[%multiple_of3A_105] : memref<750xi32, #tpu.memory_space<vmem>> -> memref<8xi32, #tpu.memory_space<vmem>>
      %dma_wait3A_107 = arith.constant 0 : i32
      %dma_wait3A_108 = arith.constant 0 : i32
      %dma_wait3A_109 = tpu.memref_slice %arg2[%dma_wait3A_107, %dma_wait3A_108] : memref<1024x3328xf32, #tpu.memory_space<hbm>> -> memref<1024x3328xf32, #tpu.memory_space<hbm>>
      tpu.wait_indirect_dma semaphore(%arg11 : memref<!tpu.dma_semaphore, #tpu.memory_space<semaphore_mem>>) src(%dma_wait3A_109 : memref<1024x3328xf32, #tpu.memory_space<hbm>>) dst(%arg7 : memref<8x3328xf32, #tpu.memory_space<vmem>>)
      %add3A_110 = arith.constant 1 : i32
      %add3A_111 = arith.addi %mul3A_99, %add3A_110 : i32
      %mul3A_112 = arith.constant 8 : i32
      %mul3A_113 = arith.muli %add3A_111, %mul3A_112 : i32
      %add3A_114 = arith.addi %mul3A_34, %mul3A_113 : i32
      %min3A_115 = arith.constant 736 : i32
      %min3A_116 = arith.minsi %add3A_114, %min3A_115 : i32
      %multiple_of3A_117 = tpu.assume_multiple %min3A_116, 8 : i32
      %dma_wait3A_118 = tpu.memref_slice %arg6[%multiple_of3A_117] : memref<750xi32, #tpu.memory_space<vmem>> -> memref<8xi32, #tpu.memory_space<vmem>>
      %dma_wait3A_119 = arith.constant 0 : i32
      %dma_wait3A_120 = arith.constant 0 : i32
      %dma_wait3A_121 = tpu.memref_slice %arg2[%dma_wait3A_119, %dma_wait3A_120] : memref<1024x3328xf32, #tpu.memory_space<hbm>> -> memref<1024x3328xf32, #tpu.memory_space<hbm>>
      tpu.wait_indirect_dma semaphore(%arg12 : memref<!tpu.dma_semaphore, #tpu.memory_space<semaphore_mem>>) src(%dma_wait3A_121 : memref<1024x3328xf32, #tpu.memory_space<hbm>>) dst(%arg8 : memref<8x3328xf32, #tpu.memory_space<vmem>>)
      %gt3A = arith.constant 0 : i32
      %gt3A_122 = arith.cmpi sgt, %add3A_97, %gt3A : i32
      %convert_element_type3A = arith.extui %gt3A_122 : i1 to i32
      %cond3A = arith.constant 0 : i32
      %cond3A_123 = arith.cmpi ne, %convert_element_type3A, %cond3A : i32
      scf.if %cond3A_123 {
        %sub3A_276 = arith.constant 2 : i32
        %sub3A_277 = arith.subi %mul3A_99, %sub3A_276 : i32
        %mul3A_278 = arith.constant 8 : i32
        %mul3A_279 = arith.muli %sub3A_277, %mul3A_278 : i32
        %add3A_280 = arith.addi %mul3A_34, %mul3A_279 : i32
        %min3A_281 = arith.constant 736 : i32
        %min3A_282 = arith.minsi %add3A_280, %min3A_281 : i32
        %multiple_of3A_283 = tpu.assume_multiple %min3A_282, 8 : i32
        %dma_wait3A_284 = arith.constant 0 : i32
        %dma_wait3A_285 = tpu.memref_slice %arg4[%add3A_32, %multiple_of3A_283, %dma_wait3A_284] : memref<16x750x3328xf32, #tpu.memory_space<hbm>> -> memref<1x8x3328xf32, #tpu.memory_space<hbm>>
        %dma_wait3A_286 = tpu.memref_squeeze %dma_wait3A_285 : memref<1x8x3328xf32, #tpu.memory_space<hbm>> -> memref<8x3328xf32, #tpu.memory_space<hbm>>
        %dma_wait3A_287 = arith.constant 0 : i32
        %dma_wait3A_288 = tpu.memref_slice %arg4[%add3A_32, %multiple_of3A_283, %dma_wait3A_287] : memref<16x750x3328xf32, #tpu.memory_space<hbm>> -> memref<1x8x3328xf32, #tpu.memory_space<hbm>>
        %dma_wait3A_289 = tpu.memref_squeeze %dma_wait3A_288 : memref<1x8x3328xf32, #tpu.memory_space<hbm>> -> memref<8x3328xf32, #tpu.memory_space<hbm>>
        tpu.wait_dma2 semaphore(%arg17 : memref<!tpu.dma_semaphore, #tpu.memory_space<semaphore_mem>>) src(%arg9 : memref<8x3328xf32, #tpu.memory_space<vmem>>) dst(%dma_wait3A_289 : memref<8x3328xf32, #tpu.memory_space<hbm>>)
        %sub3A_290 = arith.constant 1 : i32
        %sub3A_291 = arith.subi %mul3A_99, %sub3A_290 : i32
        %mul3A_292 = arith.constant 8 : i32
        %mul3A_293 = arith.muli %sub3A_291, %mul3A_292 : i32
        %add3A_294 = arith.addi %mul3A_34, %mul3A_293 : i32
        %min3A_295 = arith.constant 736 : i32
        %min3A_296 = arith.minsi %add3A_294, %min3A_295 : i32
        %multiple_of3A_297 = tpu.assume_multiple %min3A_296, 8 : i32
        %dma_wait3A_298 = arith.constant 0 : i32
        %dma_wait3A_299 = tpu.memref_slice %arg4[%add3A_32, %multiple_of3A_297, %dma_wait3A_298] : memref<16x750x3328xf32, #tpu.memory_space<hbm>> -> memref<1x8x3328xf32, #tpu.memory_space<hbm>>
        %dma_wait3A_300 = tpu.memref_squeeze %dma_wait3A_299 : memref<1x8x3328xf32, #tpu.memory_space<hbm>> -> memref<8x3328xf32, #tpu.memory_space<hbm>>
        %dma_wait3A_301 = arith.constant 0 : i32
        %dma_wait3A_302 = tpu.memref_slice %arg4[%add3A_32, %multiple_of3A_297, %dma_wait3A_301] : memref<16x750x3328xf32, #tpu.memory_space<hbm>> -> memref<1x8x3328xf32, #tpu.memory_space<hbm>>
        %dma_wait3A_303 = tpu.memref_squeeze %dma_wait3A_302 : memref<1x8x3328xf32, #tpu.memory_space<hbm>> -> memref<8x3328xf32, #tpu.memory_space<hbm>>
        tpu.wait_dma2 semaphore(%arg18 : memref<!tpu.dma_semaphore, #tpu.memory_space<semaphore_mem>>) src(%arg10 : memref<8x3328xf32, #tpu.memory_space<vmem>>) dst(%dma_wait3A_303 : memref<8x3328xf32, #tpu.memory_space<hbm>>)
      } else {
      }
      %add3A_124 = arith.constant 2 : i32
      %add3A_125 = arith.addi %mul3A_99, %add3A_124 : i32
      %mul3A_126 = arith.constant 8 : i32
      %mul3A_127 = arith.muli %add3A_125, %mul3A_126 : i32
      %add3A_128 = arith.addi %mul3A_34, %mul3A_127 : i32
      %min3A_129 = arith.constant 736 : i32
      %min3A_130 = arith.minsi %add3A_128, %min3A_129 : i32
      %multiple_of3A_131 = tpu.assume_multiple %min3A_130, 8 : i32
      %dma_start3A_132 = tpu.memref_slice %arg6[%multiple_of3A_131] : memref<750xi32, #tpu.memory_space<vmem>> -> memref<8xi32, #tpu.memory_space<vmem>>
      %dma_start3A_133 = arith.constant 0 : i32
      %dma_start3A_134 = arith.constant 0 : i32
      %dma_start3A_135 = tpu.memref_slice %arg2[%dma_start3A_133, %dma_start3A_134] : memref<1024x3328xf32, #tpu.memory_space<hbm>> -> memref<1024x3328xf32, #tpu.memory_space<hbm>>
      tpu.enqueue_indirect_dma source(%dma_start3A_135 : memref<1024x3328xf32, #tpu.memory_space<hbm>>) target(%arg9 : memref<8x3328xf32, #tpu.memory_space<vmem>>) offsets(%dma_start3A_132 : memref<8xi32, #tpu.memory_space<vmem>>) semaphore(%arg13 : memref<!tpu.dma_semaphore, #tpu.memory_space<semaphore_mem>>)
      %add3A_136 = arith.constant 3 : i32
      %add3A_137 = arith.addi %mul3A_99, %add3A_136 : i32
      %mul3A_138 = arith.constant 8 : i32
      %mul3A_139 = arith.muli %add3A_137, %mul3A_138 : i32
      %add3A_140 = arith.addi %mul3A_34, %mul3A_139 : i32
      %min3A_141 = arith.constant 736 : i32
      %min3A_142 = arith.minsi %add3A_140, %min3A_141 : i32
      %multiple_of3A_143 = tpu.assume_multiple %min3A_142, 8 : i32
      %dma_start3A_144 = tpu.memref_slice %arg6[%multiple_of3A_143] : memref<750xi32, #tpu.memory_space<vmem>> -> memref<8xi32, #tpu.memory_space<vmem>>
      %dma_start3A_145 = arith.constant 0 : i32
      %dma_start3A_146 = arith.constant 0 : i32
      %dma_start3A_147 = tpu.memref_slice %arg2[%dma_start3A_145, %dma_start3A_146] : memref<1024x3328xf32, #tpu.memory_space<hbm>> -> memref<1024x3328xf32, #tpu.memory_space<hbm>>
      tpu.enqueue_indirect_dma source(%dma_start3A_147 : memref<1024x3328xf32, #tpu.memory_space<hbm>>) target(%arg10 : memref<8x3328xf32, #tpu.memory_space<vmem>>) offsets(%dma_start3A_144 : memref<8xi32, #tpu.memory_space<vmem>>) semaphore(%arg14 : memref<!tpu.dma_semaphore, #tpu.memory_space<semaphore_mem>>)
      %mul3A_148 = arith.constant 8 : i32
      %mul3A_149 = arith.muli %mul3A_99, %mul3A_148 : i32
      %add3A_150 = arith.addi %mul3A_34, %mul3A_149 : i32
      %min3A_151 = arith.constant 736 : i32
      %min3A_152 = arith.minsi %add3A_150, %min3A_151 : i32
      %multiple_of3A_153 = tpu.assume_multiple %min3A_152, 8 : i32
      %dma_start3A_154 = arith.constant 0 : i32
      %dma_start3A_155 = tpu.memref_slice %arg4[%add3A_32, %multiple_of3A_153, %dma_start3A_154] : memref<16x750x3328xf32, #tpu.memory_space<hbm>> -> memref<1x8x3328xf32, #tpu.memory_space<hbm>>
      %dma_start3A_156 = tpu.memref_squeeze %dma_start3A_155 : memref<1x8x3328xf32, #tpu.memory_space<hbm>> -> memref<8x3328xf32, #tpu.memory_space<hbm>>
      %dma_start3A_157 = arith.constant 0 : i32
      %dma_start3A_158 = tpu.memref_slice %arg4[%add3A_32, %multiple_of3A_153, %dma_start3A_157] : memref<16x750x3328xf32, #tpu.memory_space<hbm>> -> memref<1x8x3328xf32, #tpu.memory_space<hbm>>
      %dma_start3A_159 = tpu.memref_squeeze %dma_start3A_158 : memref<1x8x3328xf32, #tpu.memory_space<hbm>> -> memref<8x3328xf32, #tpu.memory_space<hbm>>
      tpu.enqueue_dma source(%arg7 : memref<8x3328xf32, #tpu.memory_space<vmem>>) target(%dma_start3A_159 : memref<8x3328xf32, #tpu.memory_space<hbm>>) target_semaphore(%arg15 : memref<!tpu.dma_semaphore, #tpu.memory_space<semaphore_mem>>)
      %add3A_160 = arith.constant 1 : i32
      %add3A_161 = arith.addi %mul3A_99, %add3A_160 : i32
      %mul3A_162 = arith.constant 8 : i32
      %mul3A_163 = arith.muli %add3A_161, %mul3A_162 : i32
      %add3A_164 = arith.addi %mul3A_34, %mul3A_163 : i32
      %min3A_165 = arith.constant 736 : i32
      %min3A_166 = arith.minsi %add3A_164, %min3A_165 : i32
      %multiple_of3A_167 = tpu.assume_multiple %min3A_166, 8 : i32
      %dma_start3A_168 = arith.constant 0 : i32
      %dma_start3A_169 = tpu.memref_slice %arg4[%add3A_32, %multiple_of3A_167, %dma_start3A_168] : memref<16x750x3328xf32, #tpu.memory_space<hbm>> -> memref<1x8x3328xf32, #tpu.memory_space<hbm>>
      %dma_start3A_170 = tpu.memref_squeeze %dma_start3A_169 : memref<1x8x3328xf32, #tpu.memory_space<hbm>> -> memref<8x3328xf32, #tpu.memory_space<hbm>>
      %dma_start3A_171 = arith.constant 0 : i32
      %dma_start3A_172 = tpu.memref_slice %arg4[%add3A_32, %multiple_of3A_167, %dma_start3A_171] : memref<16x750x3328xf32, #tpu.memory_space<hbm>> -> memref<1x8x3328xf32, #tpu.memory_space<hbm>>
      %dma_start3A_173 = tpu.memref_squeeze %dma_start3A_172 : memref<1x8x3328xf32, #tpu.memory_space<hbm>> -> memref<8x3328xf32, #tpu.memory_space<hbm>>
      tpu.enqueue_dma source(%arg8 : memref<8x3328xf32, #tpu.memory_space<vmem>>) target(%dma_start3A_173 : memref<8x3328xf32, #tpu.memory_space<hbm>>) target_semaphore(%arg16 : memref<!tpu.dma_semaphore, #tpu.memory_space<semaphore_mem>>)
      %add3A_174 = arith.constant 2 : i32
      %add3A_175 = arith.addi %mul3A_99, %add3A_174 : i32
      %mul3A_176 = arith.constant 8 : i32
      %mul3A_177 = arith.muli %add3A_175, %mul3A_176 : i32
      %add3A_178 = arith.addi %mul3A_34, %mul3A_177 : i32
      %min3A_179 = arith.constant 736 : i32
      %min3A_180 = arith.minsi %add3A_178, %min3A_179 : i32
      %multiple_of3A_181 = tpu.assume_multiple %min3A_180, 8 : i32
      %dma_wait3A_182 = tpu.memref_slice %arg6[%multiple_of3A_181] : memref<750xi32, #tpu.memory_space<vmem>> -> memref<8xi32, #tpu.memory_space<vmem>>
      %dma_wait3A_183 = arith.constant 0 : i32
      %dma_wait3A_184 = arith.constant 0 : i32
      %dma_wait3A_185 = tpu.memref_slice %arg2[%dma_wait3A_183, %dma_wait3A_184] : memref<1024x3328xf32, #tpu.memory_space<hbm>> -> memref<1024x3328xf32, #tpu.memory_space<hbm>>
      tpu.wait_indirect_dma semaphore(%arg13 : memref<!tpu.dma_semaphore, #tpu.memory_space<semaphore_mem>>) src(%dma_wait3A_185 : memref<1024x3328xf32, #tpu.memory_space<hbm>>) dst(%arg9 : memref<8x3328xf32, #tpu.memory_space<vmem>>)
      %add3A_186 = arith.constant 3 : i32
      %add3A_187 = arith.addi %mul3A_99, %add3A_186 : i32
      %mul3A_188 = arith.constant 8 : i32
      %mul3A_189 = arith.muli %add3A_187, %mul3A_188 : i32
      %add3A_190 = arith.addi %mul3A_34, %mul3A_189 : i32
      %min3A_191 = arith.constant 736 : i32
      %min3A_192 = arith.minsi %add3A_190, %min3A_191 : i32
      %multiple_of3A_193 = tpu.assume_multiple %min3A_192, 8 : i32
      %dma_wait3A_194 = tpu.memref_slice %arg6[%multiple_of3A_193] : memref<750xi32, #tpu.memory_space<vmem>> -> memref<8xi32, #tpu.memory_space<vmem>>
      %dma_wait3A_195 = arith.constant 0 : i32
      %dma_wait3A_196 = arith.constant 0 : i32
      %dma_wait3A_197 = tpu.memref_slice %arg2[%dma_wait3A_195, %dma_wait3A_196] : memref<1024x3328xf32, #tpu.memory_space<hbm>> -> memref<1024x3328xf32, #tpu.memory_space<hbm>>
      tpu.wait_indirect_dma semaphore(%arg14 : memref<!tpu.dma_semaphore, #tpu.memory_space<semaphore_mem>>) src(%dma_wait3A_197 : memref<1024x3328xf32, #tpu.memory_space<hbm>>) dst(%arg10 : memref<8x3328xf32, #tpu.memory_space<vmem>>)
      %mul3A_198 = arith.constant 8 : i32
      %mul3A_199 = arith.muli %mul3A_99, %mul3A_198 : i32
      %add3A_200 = arith.addi %mul3A_34, %mul3A_199 : i32
      %min3A_201 = arith.constant 736 : i32
      %min3A_202 = arith.minsi %add3A_200, %min3A_201 : i32
      %multiple_of3A_203 = tpu.assume_multiple %min3A_202, 8 : i32
      %dma_wait3A_204 = arith.constant 0 : i32
      %dma_wait3A_205 = tpu.memref_slice %arg4[%add3A_32, %multiple_of3A_203, %dma_wait3A_204] : memref<16x750x3328xf32, #tpu.memory_space<hbm>> -> memref<1x8x3328xf32, #tpu.memory_space<hbm>>
      %dma_wait3A_206 = tpu.memref_squeeze %dma_wait3A_205 : memref<1x8x3328xf32, #tpu.memory_space<hbm>> -> memref<8x3328xf32, #tpu.memory_space<hbm>>
      %dma_wait3A_207 = arith.constant 0 : i32
      %dma_wait3A_208 = tpu.memref_slice %arg4[%add3A_32, %multiple_of3A_203, %dma_wait3A_207] : memref<16x750x3328xf32, #tpu.memory_space<hbm>> -> memref<1x8x3328xf32, #tpu.memory_space<hbm>>
      %dma_wait3A_209 = tpu.memref_squeeze %dma_wait3A_208 : memref<1x8x3328xf32, #tpu.memory_space<hbm>> -> memref<8x3328xf32, #tpu.memory_space<hbm>>
      tpu.wait_dma2 semaphore(%arg15 : memref<!tpu.dma_semaphore, #tpu.memory_space<semaphore_mem>>) src(%arg7 : memref<8x3328xf32, #tpu.memory_space<vmem>>) dst(%dma_wait3A_209 : memref<8x3328xf32, #tpu.memory_space<hbm>>)
      %add3A_210 = arith.constant 1 : i32
      %add3A_211 = arith.addi %mul3A_99, %add3A_210 : i32
      %mul3A_212 = arith.constant 8 : i32
      %mul3A_213 = arith.muli %add3A_211, %mul3A_212 : i32
      %add3A_214 = arith.addi %mul3A_34, %mul3A_213 : i32
      %min3A_215 = arith.constant 736 : i32
      %min3A_216 = arith.minsi %add3A_214, %min3A_215 : i32
      %multiple_of3A_217 = tpu.assume_multiple %min3A_216, 8 : i32
      %dma_wait3A_218 = arith.constant 0 : i32
      %dma_wait3A_219 = tpu.memref_slice %arg4[%add3A_32, %multiple_of3A_217, %dma_wait3A_218] : memref<16x750x3328xf32, #tpu.memory_space<hbm>> -> memref<1x8x3328xf32, #tpu.memory_space<hbm>>
      %dma_wait3A_220 = tpu.memref_squeeze %dma_wait3A_219 : memref<1x8x3328xf32, #tpu.memory_space<hbm>> -> memref<8x3328xf32, #tpu.memory_space<hbm>>
      %dma_wait3A_221 = arith.constant 0 : i32
      %dma_wait3A_222 = tpu.memref_slice %arg4[%add3A_32, %multiple_of3A_217, %dma_wait3A_221] : memref<16x750x3328xf32, #tpu.memory_space<hbm>> -> memref<1x8x3328xf32, #tpu.memory_space<hbm>>
      %dma_wait3A_223 = tpu.memref_squeeze %dma_wait3A_222 : memref<1x8x3328xf32, #tpu.memory_space<hbm>> -> memref<8x3328xf32, #tpu.memory_space<hbm>>
      tpu.wait_dma2 semaphore(%arg16 : memref<!tpu.dma_semaphore, #tpu.memory_space<semaphore_mem>>) src(%arg8 : memref<8x3328xf32, #tpu.memory_space<vmem>>) dst(%dma_wait3A_223 : memref<8x3328xf32, #tpu.memory_space<hbm>>)
      %add3A_224 = arith.constant 4 : i32
      %add3A_225 = arith.addi %mul3A_99, %add3A_224 : i32
      %mul3A_226 = arith.constant 8 : i32
      %mul3A_227 = arith.muli %add3A_225, %mul3A_226 : i32
      %add3A_228 = arith.addi %mul3A_34, %mul3A_227 : i32
      %min3A_229 = arith.constant 736 : i32
      %min3A_230 = arith.minsi %add3A_228, %min3A_229 : i32
      %multiple_of3A_231 = tpu.assume_multiple %min3A_230, 8 : i32
      %dma_start3A_232 = tpu.memref_slice %arg6[%multiple_of3A_231] : memref<750xi32, #tpu.memory_space<vmem>> -> memref<8xi32, #tpu.memory_space<vmem>>
      %dma_start3A_233 = arith.constant 0 : i32
      %dma_start3A_234 = arith.constant 0 : i32
      %dma_start3A_235 = tpu.memref_slice %arg2[%dma_start3A_233, %dma_start3A_234] : memref<1024x3328xf32, #tpu.memory_space<hbm>> -> memref<1024x3328xf32, #tpu.memory_space<hbm>>
      tpu.enqueue_indirect_dma source(%dma_start3A_235 : memref<1024x3328xf32, #tpu.memory_space<hbm>>) target(%arg7 : memref<8x3328xf32, #tpu.memory_space<vmem>>) offsets(%dma_start3A_232 : memref<8xi32, #tpu.memory_space<vmem>>) semaphore(%arg11 : memref<!tpu.dma_semaphore, #tpu.memory_space<semaphore_mem>>)
      %add3A_236 = arith.constant 5 : i32
      %add3A_237 = arith.addi %mul3A_99, %add3A_236 : i32
      %mul3A_238 = arith.constant 8 : i32
      %mul3A_239 = arith.muli %add3A_237, %mul3A_238 : i32
      %add3A_240 = arith.addi %mul3A_34, %mul3A_239 : i32
      %min3A_241 = arith.constant 736 : i32
      %min3A_242 = arith.minsi %add3A_240, %min3A_241 : i32
      %multiple_of3A_243 = tpu.assume_multiple %min3A_242, 8 : i32
      %dma_start3A_244 = tpu.memref_slice %arg6[%multiple_of3A_243] : memref<750xi32, #tpu.memory_space<vmem>> -> memref<8xi32, #tpu.memory_space<vmem>>
      %dma_start3A_245 = arith.constant 0 : i32
      %dma_start3A_246 = arith.constant 0 : i32
      %dma_start3A_247 = tpu.memref_slice %arg2[%dma_start3A_245, %dma_start3A_246] : memref<1024x3328xf32, #tpu.memory_space<hbm>> -> memref<1024x3328xf32, #tpu.memory_space<hbm>>
      tpu.enqueue_indirect_dma source(%dma_start3A_247 : memref<1024x3328xf32, #tpu.memory_space<hbm>>) target(%arg8 : memref<8x3328xf32, #tpu.memory_space<vmem>>) offsets(%dma_start3A_244 : memref<8xi32, #tpu.memory_space<vmem>>) semaphore(%arg12 : memref<!tpu.dma_semaphore, #tpu.memory_space<semaphore_mem>>)
      %add3A_248 = arith.constant 2 : i32
      %add3A_249 = arith.addi %mul3A_99, %add3A_248 : i32
      %mul3A_250 = arith.constant 8 : i32
      %mul3A_251 = arith.muli %add3A_249, %mul3A_250 : i32
      %add3A_252 = arith.addi %mul3A_34, %mul3A_251 : i32
      %min3A_253 = arith.constant 736 : i32
      %min3A_254 = arith.minsi %add3A_252, %min3A_253 : i32
      %multiple_of3A_255 = tpu.assume_multiple %min3A_254, 8 : i32
      %dma_start3A_256 = arith.constant 0 : i32
      %dma_start3A_257 = tpu.memref_slice %arg4[%add3A_32, %multiple_of3A_255, %dma_start3A_256] : memref<16x750x3328xf32, #tpu.memory_space<hbm>> -> memref<1x8x3328xf32, #tpu.memory_space<hbm>>
      %dma_start3A_258 = tpu.memref_squeeze %dma_start3A_257 : memref<1x8x3328xf32, #tpu.memory_space<hbm>> -> memref<8x3328xf32, #tpu.memory_space<hbm>>
      %dma_start3A_259 = arith.constant 0 : i32
      %dma_start3A_260 = tpu.memref_slice %arg4[%add3A_32, %multiple_of3A_255, %dma_start3A_259] : memref<16x750x3328xf32, #tpu.memory_space<hbm>> -> memref<1x8x3328xf32, #tpu.memory_space<hbm>>
      %dma_start3A_261 = tpu.memref_squeeze %dma_start3A_260 : memref<1x8x3328xf32, #tpu.memory_space<hbm>> -> memref<8x3328xf32, #tpu.memory_space<hbm>>
      tpu.enqueue_dma source(%arg9 : memref<8x3328xf32, #tpu.memory_space<vmem>>) target(%dma_start3A_261 : memref<8x3328xf32, #tpu.memory_space<hbm>>) target_semaphore(%arg17 : memref<!tpu.dma_semaphore, #tpu.memory_space<semaphore_mem>>)
      %add3A_262 = arith.constant 3 : i32
      %add3A_263 = arith.addi %mul3A_99, %add3A_262 : i32
      %mul3A_264 = arith.constant 8 : i32
      %mul3A_265 = arith.muli %add3A_263, %mul3A_264 : i32
      %add3A_266 = arith.addi %mul3A_34, %mul3A_265 : i32
      %min3A_267 = arith.constant 736 : i32
      %min3A_268 = arith.minsi %add3A_266, %min3A_267 : i32
      %multiple_of3A_269 = tpu.assume_multiple %min3A_268, 8 : i32
      %dma_start3A_270 = arith.constant 0 : i32
      %dma_start3A_271 = tpu.memref_slice %arg4[%add3A_32, %multiple_of3A_269, %dma_start3A_270] : memref<16x750x3328xf32, #tpu.memory_space<hbm>> -> memref<1x8x3328xf32, #tpu.memory_space<hbm>>
      %dma_start3A_272 = tpu.memref_squeeze %dma_start3A_271 : memref<1x8x3328xf32, #tpu.memory_space<hbm>> -> memref<8x3328xf32, #tpu.memory_space<hbm>>
      %dma_start3A_273 = arith.constant 0 : i32
      %dma_start3A_274 = tpu.memref_slice %arg4[%add3A_32, %multiple_of3A_269, %dma_start3A_273] : memref<16x750x3328xf32, #tpu.memory_space<hbm>> -> memref<1x8x3328xf32, #tpu.memory_space<hbm>>
      %dma_start3A_275 = tpu.memref_squeeze %dma_start3A_274 : memref<1x8x3328xf32, #tpu.memory_space<hbm>> -> memref<8x3328xf32, #tpu.memory_space<hbm>>
      tpu.enqueue_dma source(%arg10 : memref<8x3328xf32, #tpu.memory_space<vmem>>) target(%dma_start3A_275 : memref<8x3328xf32, #tpu.memory_space<hbm>>) target_semaphore(%arg18 : memref<!tpu.dma_semaphore, #tpu.memory_space<semaphore_mem>>)
    }
    %scan3A_53 = arith.constant 3 : i32
    %add3A_54 = arith.constant 96 : i32
    %add3A_55 = arith.addi %mul3A_34, %add3A_54 : i32
    %min3A_56 = arith.constant 736 : i32
    %min3A_57 = arith.minsi %add3A_55, %min3A_56 : i32
    %multiple_of3A_58 = tpu.assume_multiple %min3A_57, 8 : i32
    %dma_wait3A = tpu.memref_slice %arg6[%multiple_of3A_58] : memref<750xi32, #tpu.memory_space<vmem>> -> memref<8xi32, #tpu.memory_space<vmem>>
    %dma_wait3A_59 = arith.constant 0 : i32
    %dma_wait3A_60 = arith.constant 0 : i32
    %dma_wait3A_61 = tpu.memref_slice %arg2[%dma_wait3A_59, %dma_wait3A_60] : memref<1024x3328xf32, #tpu.memory_space<hbm>> -> memref<1024x3328xf32, #tpu.memory_space<hbm>>
    tpu.wait_indirect_dma semaphore(%arg11 : memref<!tpu.dma_semaphore, #tpu.memory_space<semaphore_mem>>) src(%dma_wait3A_61 : memref<1024x3328xf32, #tpu.memory_space<hbm>>) dst(%arg7 : memref<8x3328xf32, #tpu.memory_space<vmem>>)
    %add3A_62 = arith.constant 104 : i32
    %add3A_63 = arith.addi %mul3A_34, %add3A_62 : i32
    %min3A_64 = arith.constant 736 : i32
    %min3A_65 = arith.minsi %add3A_63, %min3A_64 : i32
    %multiple_of3A_66 = tpu.assume_multiple %min3A_65, 8 : i32
    %dma_wait3A_67 = tpu.memref_slice %arg6[%multiple_of3A_66] : memref<750xi32, #tpu.memory_space<vmem>> -> memref<8xi32, #tpu.memory_space<vmem>>
    %dma_wait3A_68 = arith.constant 0 : i32
    %dma_wait3A_69 = arith.constant 0 : i32
    %dma_wait3A_70 = tpu.memref_slice %arg2[%dma_wait3A_68, %dma_wait3A_69] : memref<1024x3328xf32, #tpu.memory_space<hbm>> -> memref<1024x3328xf32, #tpu.memory_space<hbm>>
    tpu.wait_indirect_dma semaphore(%arg12 : memref<!tpu.dma_semaphore, #tpu.memory_space<semaphore_mem>>) src(%dma_wait3A_70 : memref<1024x3328xf32, #tpu.memory_space<hbm>>) dst(%arg8 : memref<8x3328xf32, #tpu.memory_space<vmem>>)
    %add3A_71 = arith.constant 80 : i32
    %add3A_72 = arith.addi %mul3A_34, %add3A_71 : i32
    %min3A_73 = arith.constant 736 : i32
    %min3A_74 = arith.minsi %add3A_72, %min3A_73 : i32
    %multiple_of3A_75 = tpu.assume_multiple %min3A_74, 8 : i32
    %dma_wait3A_76 = arith.constant 0 : i32
    %dma_wait3A_77 = tpu.memref_slice %arg4[%add3A_32, %multiple_of3A_75, %dma_wait3A_76] : memref<16x750x3328xf32, #tpu.memory_space<hbm>> -> memref<1x8x3328xf32, #tpu.memory_space<hbm>>
    %dma_wait3A_78 = tpu.memref_squeeze %dma_wait3A_77 : memref<1x8x3328xf32, #tpu.memory_space<hbm>> -> memref<8x3328xf32, #tpu.memory_space<hbm>>
    %dma_wait3A_79 = arith.constant 0 : i32
    %dma_wait3A_80 = tpu.memref_slice %arg4[%add3A_32, %multiple_of3A_75, %dma_wait3A_79] : memref<16x750x3328xf32, #tpu.memory_space<hbm>> -> memref<1x8x3328xf32, #tpu.memory_space<hbm>>
    %dma_wait3A_81 = tpu.memref_squeeze %dma_wait3A_80 : memref<1x8x3328xf32, #tpu.memory_space<hbm>> -> memref<8x3328xf32, #tpu.memory_space<hbm>>
    tpu.wait_dma2 semaphore(%arg17 : memref<!tpu.dma_semaphore, #tpu.memory_space<semaphore_mem>>) src(%arg9 : memref<8x3328xf32, #tpu.memory_space<vmem>>) dst(%dma_wait3A_81 : memref<8x3328xf32, #tpu.memory_space<hbm>>)
    %add3A_82 = arith.constant 88 : i32
    %add3A_83 = arith.addi %mul3A_34, %add3A_82 : i32
    %min3A_84 = arith.constant 736 : i32
    %min3A_85 = arith.minsi %add3A_83, %min3A_84 : i32
    %multiple_of3A_86 = tpu.assume_multiple %min3A_85, 8 : i32
    %dma_wait3A_87 = arith.constant 0 : i32
    %dma_wait3A_88 = tpu.memref_slice %arg4[%add3A_32, %multiple_of3A_86, %dma_wait3A_87] : memref<16x750x3328xf32, #tpu.memory_space<hbm>> -> memref<1x8x3328xf32, #tpu.memory_space<hbm>>
    %dma_wait3A_89 = tpu.memref_squeeze %dma_wait3A_88 : memref<1x8x3328xf32, #tpu.memory_space<hbm>> -> memref<8x3328xf32, #tpu.memory_space<hbm>>
    %dma_wait3A_90 = arith.constant 0 : i32
    %dma_wait3A_91 = tpu.memref_slice %arg4[%add3A_32, %multiple_of3A_86, %dma_wait3A_90] : memref<16x750x3328xf32, #tpu.memory_space<hbm>> -> memref<1x8x3328xf32, #tpu.memory_space<hbm>>
    %dma_wait3A_92 = tpu.memref_squeeze %dma_wait3A_91 : memref<1x8x3328xf32, #tpu.memory_space<hbm>> -> memref<8x3328xf32, #tpu.memory_space<hbm>>
    tpu.wait_dma2 semaphore(%arg18 : memref<!tpu.dma_semaphore, #tpu.memory_space<semaphore_mem>>) src(%arg10 : memref<8x3328xf32, #tpu.memory_space<vmem>>) dst(%dma_wait3A_92 : memref<8x3328xf32, #tpu.memory_space<hbm>>)
    return
  }
}

#map = affine_map<(d0, d1) -> (0, 0)>
#map1 = affine_map<(d0, d1) -> (0, 0, 0)>
module attributes {stable_mosaic.version = 14 : i64} {
  func.func @body(%arg0: i32, %arg1: i32, %arg2: memref<1024x3328xf32, #tpu.memory_space<hbm>>, %arg3: memref<4x1x750xi32, #tpu.memory_space<hbm>>, %arg4: memref<16x750x3328xf32, #tpu.memory_space<hbm>>, %arg5: memref<750xi32, #tpu.memory_space<vmem>>, %arg6: memref<8x3328xf32, #tpu.memory_space<vmem>>, %arg7: memref<8x3328xf32, #tpu.memory_space<vmem>>, %arg8: memref<8x3328xf32, #tpu.memory_space<vmem>>, %arg9: memref<8x3328xf32, #tpu.memory_space<vmem>>, %arg10: memref<!tpu.dma_semaphore, #tpu.memory_space<semaphore_mem>>, %arg11: memref<!tpu.dma_semaphore, #tpu.memory_space<semaphore_mem>>, %arg12: memref<!tpu.dma_semaphore, #tpu.memory_space<semaphore_mem>>, %arg13: memref<!tpu.dma_semaphore, #tpu.memory_space<semaphore_mem>>, %arg14: memref<!tpu.dma_semaphore, #tpu.memory_space<semaphore_mem>>, %arg15: memref<!tpu.dma_semaphore, #tpu.memory_space<semaphore_mem>>, %arg16: memref<!tpu.dma_semaphore, #tpu.memory_space<semaphore_mem>>, %arg17: memref<!tpu.dma_semaphore, #tpu.memory_space<semaphore_mem>>) attributes {dimension_semantics = [#tpu.dimension_semantics<core_parallel>, #tpu.dimension_semantics<subcore_parallel>], iteration_bounds = array<i64: 2, 16>, scalar_prefetch = 0 : i64, scratch_operands = 13 : i64, tpu.core_type = #tpu.core_type<sc_vector_subcore>, window_params = [{transform_indices = #map}, {transform_indices = #map1}, {transform_indices = #map1}]} {
    %mul3A = arith.constant 16 : i32
    %mul3A_0 = arith.muli %arg0, %mul3A : i32
    %add3A = arith.addi %mul3A_0, %arg1 : i32
    %jit3A = arith.constant 8 : i32
    %div3A = arith.divsi %add3A, %jit3A : i32
    %sign3A = arith.constant 0 : i32
    %sign3A_1 = arith.cmpi sgt, %add3A, %sign3A : i32
    %sign3A_2 = arith.extui %sign3A_1 : i1 to i32
    %sign3A_3 = arith.constant 0 : i32
    %sign3A_4 = arith.cmpi slt, %add3A, %sign3A_3 : i32
    %sign3A_5 = arith.extui %sign3A_4 : i1 to i32
    %sign3A_6 = arith.subi %sign3A_2, %sign3A_5 : i32
    %sign3A_7 = arith.constant 0 : i32
    %sign3A_8 = arith.cmpi sgt, %jit3A, %sign3A_7 : i32
    %sign3A_9 = arith.extui %sign3A_8 : i1 to i32
    %sign3A_10 = arith.constant 0 : i32
    %sign3A_11 = arith.cmpi slt, %jit3A, %sign3A_10 : i32
    %sign3A_12 = arith.extui %sign3A_11 : i1 to i32
    %sign3A_13 = arith.subi %sign3A_9, %sign3A_12 : i32
    %ne3A = arith.cmpi ne, %sign3A_6, %sign3A_13 : i32
    %rem3A = arith.remsi %add3A, %jit3A : i32
    %ne3A_14 = arith.constant 0 : i32
    %ne3A_15 = arith.cmpi ne, %rem3A, %ne3A_14 : i32
    %and3A = arith.andi %ne3A, %ne3A_15 : i1
    %sub3A = arith.constant 1 : i32
    %sub3A_16 = arith.subi %div3A, %sub3A : i32
    %select_n3A = arith.select %and3A, %sub3A_16, %div3A : i32
    %jit3A_17 = arith.constant 8 : i32
    %eq3A = arith.constant 0 : i32
    %eq3A_18 = arith.cmpi eq, %jit3A_17, %eq3A : i32
    %jit3A_19 = arith.constant 1 : i32
    %select_n3A_20 = arith.select %eq3A_18, %jit3A_19, %jit3A_17 : i32
    %rem3A_21 = arith.remsi %add3A, %select_n3A_20 : i32
    %ne3A_22 = arith.constant 0 : i32
    %ne3A_23 = arith.cmpi ne, %rem3A_21, %ne3A_22 : i32
    %lt3A = arith.constant 0 : i32
    %lt3A_24 = arith.cmpi slt, %rem3A_21, %lt3A : i32
    %lt3A_25 = arith.constant 0 : i32
    %lt3A_26 = arith.cmpi slt, %select_n3A_20, %lt3A_25 : i32
    %ne3A_27 = arith.xori %lt3A_24, %lt3A_26 : i1
    %and3A_28 = arith.andi %ne3A_27, %ne3A_23 : i1
    %add3A_29 = arith.addi %rem3A_21, %select_n3A_20 : i32
    %select_n3A_30 = arith.select %and3A_28, %add3A_29, %rem3A_21 : i32
    %add3A_31 = arith.constant 0 : i32
    %add3A_32 = arith.addi %add3A_31, %select_n3A : i32
    %mul3A_33 = arith.constant 96 : i32
    %mul3A_34 = arith.muli %select_n3A_30, %mul3A_33 : i32
    %run_scoped3A = arith.constant 0 : i32
    "tpu.region"() ({
      %run_scoped3A_93 = tpu.sem_alloc : memref<!tpu.dma_semaphore, #tpu.memory_space<semaphore_mem>>
      %dma_start3A_94 = arith.constant 0 : i32
      %dma_start3A_95 = tpu.memref_slice %arg3[%select_n3A, %run_scoped3A, %dma_start3A_94] : memref<4x1x750xi32, #tpu.memory_space<hbm>> -> memref<1x1x750xi32, #tpu.memory_space<hbm>>
      %dma_start3A_96 = tpu.memref_squeeze %dma_start3A_95 : memref<1x1x750xi32, #tpu.memory_space<hbm>> -> memref<750xi32, #tpu.memory_space<hbm>>
      %dma_start3A_97 = arith.constant 0 : i32
      %dma_start3A_98 = tpu.memref_slice %arg3[%select_n3A, %run_scoped3A, %dma_start3A_97] : memref<4x1x750xi32, #tpu.memory_space<hbm>> -> memref<1x1x750xi32, #tpu.memory_space<hbm>>
      %dma_start3A_99 = tpu.memref_squeeze %dma_start3A_98 : memref<1x1x750xi32, #tpu.memory_space<hbm>> -> memref<750xi32, #tpu.memory_space<hbm>>
      tpu.enqueue_dma source(%dma_start3A_99 : memref<750xi32, #tpu.memory_space<hbm>>) target(%arg5 : memref<750xi32, #tpu.memory_space<vmem>>) target_semaphore(%run_scoped3A_93 : memref<!tpu.dma_semaphore, #tpu.memory_space<semaphore_mem>>)
      %dma_wait3A_100 = arith.constant 0 : i32
      %dma_wait3A_101 = tpu.memref_slice %arg3[%select_n3A, %run_scoped3A, %dma_wait3A_100] : memref<4x1x750xi32, #tpu.memory_space<hbm>> -> memref<1x1x750xi32, #tpu.memory_space<hbm>>
      %dma_wait3A_102 = tpu.memref_squeeze %dma_wait3A_101 : memref<1x1x750xi32, #tpu.memory_space<hbm>> -> memref<750xi32, #tpu.memory_space<hbm>>
      %dma_wait3A_103 = arith.constant 0 : i32
      %dma_wait3A_104 = tpu.memref_slice %arg3[%select_n3A, %run_scoped3A, %dma_wait3A_103] : memref<4x1x750xi32, #tpu.memory_space<hbm>> -> memref<1x1x750xi32, #tpu.memory_space<hbm>>
      %dma_wait3A_105 = tpu.memref_squeeze %dma_wait3A_104 : memref<1x1x750xi32, #tpu.memory_space<hbm>> -> memref<750xi32, #tpu.memory_space<hbm>>
      tpu.wait_dma2 semaphore(%run_scoped3A_93 : memref<!tpu.dma_semaphore, #tpu.memory_space<semaphore_mem>>) src(%dma_wait3A_105 : memref<750xi32, #tpu.memory_space<hbm>>) dst(%arg5 : memref<750xi32, #tpu.memory_space<vmem>>)
      tpu.yield
    }) : () -> ()
    %add3A_35 = arith.constant 0 : i32
    %add3A_36 = arith.addi %mul3A_34, %add3A_35 : i32
    %min3A = arith.constant 736 : i32
    %min3A_37 = arith.minsi %add3A_36, %min3A : i32
    %multiple_of3A = tpu.assume_multiple %min3A_37, 8 : i32
    %dma_start3A = tpu.memref_slice %arg5[%multiple_of3A] : memref<750xi32, #tpu.memory_space<vmem>> -> memref<8xi32, #tpu.memory_space<vmem>>
    %dma_start3A_38 = arith.constant 0 : i32
    %dma_start3A_39 = arith.constant 0 : i32
    %dma_start3A_40 = tpu.memref_slice %arg2[%dma_start3A_38, %dma_start3A_39] : memref<1024x3328xf32, #tpu.memory_space<hbm>> -> memref<1024x3328xf32, #tpu.memory_space<hbm>>
    tpu.enqueue_indirect_dma source(%dma_start3A_40 : memref<1024x3328xf32, #tpu.memory_space<hbm>>) target(%arg6 : memref<8x3328xf32, #tpu.memory_space<vmem>>) offsets(%dma_start3A : memref<8xi32, #tpu.memory_space<vmem>>) semaphore(%arg10 : memref<!tpu.dma_semaphore, #tpu.memory_space<semaphore_mem>>)
    %add3A_41 = arith.constant 8 : i32
    %add3A_42 = arith.addi %mul3A_34, %add3A_41 : i32
    %min3A_43 = arith.constant 736 : i32
    %min3A_44 = arith.minsi %add3A_42, %min3A_43 : i32
    %multiple_of3A_45 = tpu.assume_multiple %min3A_44, 8 : i32
    %dma_start3A_46 = tpu.memref_slice %arg5[%multiple_of3A_45] : memref<750xi32, #tpu.memory_space<vmem>> -> memref<8xi32, #tpu.memory_space<vmem>>
    %dma_start3A_47 = arith.constant 0 : i32
    %dma_start3A_48 = arith.constant 0 : i32
    %dma_start3A_49 = tpu.memref_slice %arg2[%dma_start3A_47, %dma_start3A_48] : memref<1024x3328xf32, #tpu.memory_space<hbm>> -> memref<1024x3328xf32, #tpu.memory_space<hbm>>
    tpu.enqueue_indirect_dma source(%dma_start3A_49 : memref<1024x3328xf32, #tpu.memory_space<hbm>>) target(%arg7 : memref<8x3328xf32, #tpu.memory_space<vmem>>) offsets(%dma_start3A_46 : memref<8xi32, #tpu.memory_space<vmem>>) semaphore(%arg11 : memref<!tpu.dma_semaphore, #tpu.memory_space<semaphore_mem>>)
    %scan3A = arith.constant 0 : i32
    %scan3A_50 = arith.constant 3 : i32
    %scan3A_51 = arith.addi %scan3A, %scan3A_50 : i32
    %scan3A_52 = arith.constant 1 : i32
    scf.for %scan3A_93 = %scan3A to %scan3A_51 step %scan3A_52  : i32 {
      %mul3A_94 = arith.constant 1 : i32
      %mul3A_95 = arith.muli %scan3A_93, %mul3A_94 : i32
      %add3A_96 = arith.constant 0 : i32
      %add3A_97 = arith.addi %add3A_96, %mul3A_95 : i32
      %mul3A_98 = arith.constant 4 : i32
      %mul3A_99 = arith.muli %add3A_97, %mul3A_98 : i32
      %mul3A_100 = arith.constant 8 : i32
      %mul3A_101 = arith.muli %mul3A_99, %mul3A_100 : i32
      %add3A_102 = arith.addi %mul3A_34, %mul3A_101 : i32
      %min3A_103 = arith.constant 736 : i32
      %min3A_104 = arith.minsi %add3A_102, %min3A_103 : i32
      %multiple_of3A_105 = tpu.assume_multiple %min3A_104, 8 : i32
      %dma_wait3A_106 = tpu.memref_slice %arg5[%multiple_of3A_105] : memref<750xi32, #tpu.memory_space<vmem>> -> memref<8xi32, #tpu.memory_space<vmem>>
      %dma_wait3A_107 = arith.constant 0 : i32
      %dma_wait3A_108 = arith.constant 0 : i32
      %dma_wait3A_109 = tpu.memref_slice %arg2[%dma_wait3A_107, %dma_wait3A_108] : memref<1024x3328xf32, #tpu.memory_space<hbm>> -> memref<1024x3328xf32, #tpu.memory_space<hbm>>
      tpu.wait_indirect_dma semaphore(%arg10 : memref<!tpu.dma_semaphore, #tpu.memory_space<semaphore_mem>>) src(%dma_wait3A_109 : memref<1024x3328xf32, #tpu.memory_space<hbm>>) dst(%arg6 : memref<8x3328xf32, #tpu.memory_space<vmem>>)
      %add3A_110 = arith.constant 1 : i32
      %add3A_111 = arith.addi %mul3A_99, %add3A_110 : i32
      %mul3A_112 = arith.constant 8 : i32
      %mul3A_113 = arith.muli %add3A_111, %mul3A_112 : i32
      %add3A_114 = arith.addi %mul3A_34, %mul3A_113 : i32
      %min3A_115 = arith.constant 736 : i32
      %min3A_116 = arith.minsi %add3A_114, %min3A_115 : i32
      %multiple_of3A_117 = tpu.assume_multiple %min3A_116, 8 : i32
      %dma_wait3A_118 = tpu.memref_slice %arg5[%multiple_of3A_117] : memref<750xi32, #tpu.memory_space<vmem>> -> memref<8xi32, #tpu.memory_space<vmem>>
      %dma_wait3A_119 = arith.constant 0 : i32
      %dma_wait3A_120 = arith.constant 0 : i32
      %dma_wait3A_121 = tpu.memref_slice %arg2[%dma_wait3A_119, %dma_wait3A_120] : memref<1024x3328xf32, #tpu.memory_space<hbm>> -> memref<1024x3328xf32, #tpu.memory_space<hbm>>
      tpu.wait_indirect_dma semaphore(%arg11 : memref<!tpu.dma_semaphore, #tpu.memory_space<semaphore_mem>>) src(%dma_wait3A_121 : memref<1024x3328xf32, #tpu.memory_space<hbm>>) dst(%arg7 : memref<8x3328xf32, #tpu.memory_space<vmem>>)
      %gt3A = arith.constant 0 : i32
      %gt3A_122 = arith.cmpi sgt, %add3A_97, %gt3A : i32
      %convert_element_type3A = arith.extui %gt3A_122 : i1 to i32
      %cond3A = arith.constant 0 : i32
      %cond3A_123 = arith.cmpi ne, %convert_element_type3A, %cond3A : i32
      scf.if %cond3A_123 {
        %sub3A_276 = arith.constant 2 : i32
        %sub3A_277 = arith.subi %mul3A_99, %sub3A_276 : i32
        %mul3A_278 = arith.constant 8 : i32
        %mul3A_279 = arith.muli %sub3A_277, %mul3A_278 : i32
        %add3A_280 = arith.addi %mul3A_34, %mul3A_279 : i32
        %min3A_281 = arith.constant 736 : i32
        %min3A_282 = arith.minsi %add3A_280, %min3A_281 : i32
        %multiple_of3A_283 = tpu.assume_multiple %min3A_282, 8 : i32
        %dma_wait3A_284 = arith.constant 0 : i32
        %dma_wait3A_285 = tpu.memref_slice %arg4[%add3A_32, %multiple_of3A_283, %dma_wait3A_284] : memref<16x750x3328xf32, #tpu.memory_space<hbm>> -> memref<1x8x3328xf32, #tpu.memory_space<hbm>>
        %dma_wait3A_286 = tpu.memref_squeeze %dma_wait3A_285 : memref<1x8x3328xf32, #tpu.memory_space<hbm>> -> memref<8x3328xf32, #tpu.memory_space<hbm>>
        %dma_wait3A_287 = arith.constant 0 : i32
        %dma_wait3A_288 = tpu.memref_slice %arg4[%add3A_32, %multiple_of3A_283, %dma_wait3A_287] : memref<16x750x3328xf32, #tpu.memory_space<hbm>> -> memref<1x8x3328xf32, #tpu.memory_space<hbm>>
        %dma_wait3A_289 = tpu.memref_squeeze %dma_wait3A_288 : memref<1x8x3328xf32, #tpu.memory_space<hbm>> -> memref<8x3328xf32, #tpu.memory_space<hbm>>
        tpu.wait_dma2 semaphore(%arg16 : memref<!tpu.dma_semaphore, #tpu.memory_space<semaphore_mem>>) src(%arg8 : memref<8x3328xf32, #tpu.memory_space<vmem>>) dst(%dma_wait3A_289 : memref<8x3328xf32, #tpu.memory_space<hbm>>)
        %sub3A_290 = arith.constant 1 : i32
        %sub3A_291 = arith.subi %mul3A_99, %sub3A_290 : i32
        %mul3A_292 = arith.constant 8 : i32
        %mul3A_293 = arith.muli %sub3A_291, %mul3A_292 : i32
        %add3A_294 = arith.addi %mul3A_34, %mul3A_293 : i32
        %min3A_295 = arith.constant 736 : i32
        %min3A_296 = arith.minsi %add3A_294, %min3A_295 : i32
        %multiple_of3A_297 = tpu.assume_multiple %min3A_296, 8 : i32
        %dma_wait3A_298 = arith.constant 0 : i32
        %dma_wait3A_299 = tpu.memref_slice %arg4[%add3A_32, %multiple_of3A_297, %dma_wait3A_298] : memref<16x750x3328xf32, #tpu.memory_space<hbm>> -> memref<1x8x3328xf32, #tpu.memory_space<hbm>>
        %dma_wait3A_300 = tpu.memref_squeeze %dma_wait3A_299 : memref<1x8x3328xf32, #tpu.memory_space<hbm>> -> memref<8x3328xf32, #tpu.memory_space<hbm>>
        %dma_wait3A_301 = arith.constant 0 : i32
        %dma_wait3A_302 = tpu.memref_slice %arg4[%add3A_32, %multiple_of3A_297, %dma_wait3A_301] : memref<16x750x3328xf32, #tpu.memory_space<hbm>> -> memref<1x8x3328xf32, #tpu.memory_space<hbm>>
        %dma_wait3A_303 = tpu.memref_squeeze %dma_wait3A_302 : memref<1x8x3328xf32, #tpu.memory_space<hbm>> -> memref<8x3328xf32, #tpu.memory_space<hbm>>
        tpu.wait_dma2 semaphore(%arg17 : memref<!tpu.dma_semaphore, #tpu.memory_space<semaphore_mem>>) src(%arg9 : memref<8x3328xf32, #tpu.memory_space<vmem>>) dst(%dma_wait3A_303 : memref<8x3328xf32, #tpu.memory_space<hbm>>)
      } else {
      }
      %add3A_124 = arith.constant 2 : i32
      %add3A_125 = arith.addi %mul3A_99, %add3A_124 : i32
      %mul3A_126 = arith.constant 8 : i32
      %mul3A_127 = arith.muli %add3A_125, %mul3A_126 : i32
      %add3A_128 = arith.addi %mul3A_34, %mul3A_127 : i32
      %min3A_129 = arith.constant 736 : i32
      %min3A_130 = arith.minsi %add3A_128, %min3A_129 : i32
      %multiple_of3A_131 = tpu.assume_multiple %min3A_130, 8 : i32
      %dma_start3A_132 = tpu.memref_slice %arg5[%multiple_of3A_131] : memref<750xi32, #tpu.memory_space<vmem>> -> memref<8xi32, #tpu.memory_space<vmem>>
      %dma_start3A_133 = arith.constant 0 : i32
      %dma_start3A_134 = arith.constant 0 : i32
      %dma_start3A_135 = tpu.memref_slice %arg2[%dma_start3A_133, %dma_start3A_134] : memref<1024x3328xf32, #tpu.memory_space<hbm>> -> memref<1024x3328xf32, #tpu.memory_space<hbm>>
      tpu.enqueue_indirect_dma source(%dma_start3A_135 : memref<1024x3328xf32, #tpu.memory_space<hbm>>) target(%arg8 : memref<8x3328xf32, #tpu.memory_space<vmem>>) offsets(%dma_start3A_132 : memref<8xi32, #tpu.memory_space<vmem>>) semaphore(%arg12 : memref<!tpu.dma_semaphore, #tpu.memory_space<semaphore_mem>>)
      %add3A_136 = arith.constant 3 : i32
      %add3A_137 = arith.addi %mul3A_99, %add3A_136 : i32
      %mul3A_138 = arith.constant 8 : i32
      %mul3A_139 = arith.muli %add3A_137, %mul3A_138 : i32
      %add3A_140 = arith.addi %mul3A_34, %mul3A_139 : i32
      %min3A_141 = arith.constant 736 : i32
      %min3A_142 = arith.minsi %add3A_140, %min3A_141 : i32
      %multiple_of3A_143 = tpu.assume_multiple %min3A_142, 8 : i32
      %dma_start3A_144 = tpu.memref_slice %arg5[%multiple_of3A_143] : memref<750xi32, #tpu.memory_space<vmem>> -> memref<8xi32, #tpu.memory_space<vmem>>
      %dma_start3A_145 = arith.constant 0 : i32
      %dma_start3A_146 = arith.constant 0 : i32
      %dma_start3A_147 = tpu.memref_slice %arg2[%dma_start3A_145, %dma_start3A_146] : memref<1024x3328xf32, #tpu.memory_space<hbm>> -> memref<1024x3328xf32, #tpu.memory_space<hbm>>
      tpu.enqueue_indirect_dma source(%dma_start3A_147 : memref<1024x3328xf32, #tpu.memory_space<hbm>>) target(%arg9 : memref<8x3328xf32, #tpu.memory_space<vmem>>) offsets(%dma_start3A_144 : memref<8xi32, #tpu.memory_space<vmem>>) semaphore(%arg13 : memref<!tpu.dma_semaphore, #tpu.memory_space<semaphore_mem>>)
      %mul3A_148 = arith.constant 8 : i32
      %mul3A_149 = arith.muli %mul3A_99, %mul3A_148 : i32
      %add3A_150 = arith.addi %mul3A_34, %mul3A_149 : i32
      %min3A_151 = arith.constant 736 : i32
      %min3A_152 = arith.minsi %add3A_150, %min3A_151 : i32
      %multiple_of3A_153 = tpu.assume_multiple %min3A_152, 8 : i32
      %dma_start3A_154 = arith.constant 0 : i32
      %dma_start3A_155 = tpu.memref_slice %arg4[%add3A_32, %multiple_of3A_153, %dma_start3A_154] : memref<16x750x3328xf32, #tpu.memory_space<hbm>> -> memref<1x8x3328xf32, #tpu.memory_space<hbm>>
      %dma_start3A_156 = tpu.memref_squeeze %dma_start3A_155 : memref<1x8x3328xf32, #tpu.memory_space<hbm>> -> memref<8x3328xf32, #tpu.memory_space<hbm>>
      %dma_start3A_157 = arith.constant 0 : i32
      %dma_start3A_158 = tpu.memref_slice %arg4[%add3A_32, %multiple_of3A_153, %dma_start3A_157] : memref<16x750x3328xf32, #tpu.memory_space<hbm>> -> memref<1x8x3328xf32, #tpu.memory_space<hbm>>
      %dma_start3A_159 = tpu.memref_squeeze %dma_start3A_158 : memref<1x8x3328xf32, #tpu.memory_space<hbm>> -> memref<8x3328xf32, #tpu.memory_space<hbm>>
      tpu.enqueue_dma source(%arg6 : memref<8x3328xf32, #tpu.memory_space<vmem>>) target(%dma_start3A_159 : memref<8x3328xf32, #tpu.memory_space<hbm>>) target_semaphore(%arg14 : memref<!tpu.dma_semaphore, #tpu.memory_space<semaphore_mem>>)
      %add3A_160 = arith.constant 1 : i32
      %add3A_161 = arith.addi %mul3A_99, %add3A_160 : i32
      %mul3A_162 = arith.constant 8 : i32
      %mul3A_163 = arith.muli %add3A_161, %mul3A_162 : i32
      %add3A_164 = arith.addi %mul3A_34, %mul3A_163 : i32
      %min3A_165 = arith.constant 736 : i32
      %min3A_166 = arith.minsi %add3A_164, %min3A_165 : i32
      %multiple_of3A_167 = tpu.assume_multiple %min3A_166, 8 : i32
      %dma_start3A_168 = arith.constant 0 : i32
      %dma_start3A_169 = tpu.memref_slice %arg4[%add3A_32, %multiple_of3A_167, %dma_start3A_168] : memref<16x750x3328xf32, #tpu.memory_space<hbm>> -> memref<1x8x3328xf32, #tpu.memory_space<hbm>>
      %dma_start3A_170 = tpu.memref_squeeze %dma_start3A_169 : memref<1x8x3328xf32, #tpu.memory_space<hbm>> -> memref<8x3328xf32, #tpu.memory_space<hbm>>
      %dma_start3A_171 = arith.constant 0 : i32
      %dma_start3A_172 = tpu.memref_slice %arg4[%add3A_32, %multiple_of3A_167, %dma_start3A_171] : memref<16x750x3328xf32, #tpu.memory_space<hbm>> -> memref<1x8x3328xf32, #tpu.memory_space<hbm>>
      %dma_start3A_173 = tpu.memref_squeeze %dma_start3A_172 : memref<1x8x3328xf32, #tpu.memory_space<hbm>> -> memref<8x3328xf32, #tpu.memory_space<hbm>>
      tpu.enqueue_dma source(%arg7 : memref<8x3328xf32, #tpu.memory_space<vmem>>) target(%dma_start3A_173 : memref<8x3328xf32, #tpu.memory_space<hbm>>) target_semaphore(%arg15 : memref<!tpu.dma_semaphore, #tpu.memory_space<semaphore_mem>>)
      %add3A_174 = arith.constant 2 : i32
      %add3A_175 = arith.addi %mul3A_99, %add3A_174 : i32
      %mul3A_176 = arith.constant 8 : i32
      %mul3A_177 = arith.muli %add3A_175, %mul3A_176 : i32
      %add3A_178 = arith.addi %mul3A_34, %mul3A_177 : i32
      %min3A_179 = arith.constant 736 : i32
      %min3A_180 = arith.minsi %add3A_178, %min3A_179 : i32
      %multiple_of3A_181 = tpu.assume_multiple %min3A_180, 8 : i32
      %dma_wait3A_182 = tpu.memref_slice %arg5[%multiple_of3A_181] : memref<750xi32, #tpu.memory_space<vmem>> -> memref<8xi32, #tpu.memory_space<vmem>>
      %dma_wait3A_183 = arith.constant 0 : i32
      %dma_wait3A_184 = arith.constant 0 : i32
      %dma_wait3A_185 = tpu.memref_slice %arg2[%dma_wait3A_183, %dma_wait3A_184] : memref<1024x3328xf32, #tpu.memory_space<hbm>> -> memref<1024x3328xf32, #tpu.memory_space<hbm>>
      tpu.wait_indirect_dma semaphore(%arg12 : memref<!tpu.dma_semaphore, #tpu.memory_space<semaphore_mem>>) src(%dma_wait3A_185 : memref<1024x3328xf32, #tpu.memory_space<hbm>>) dst(%arg8 : memref<8x3328xf32, #tpu.memory_space<vmem>>)
      %add3A_186 = arith.constant 3 : i32
      %add3A_187 = arith.addi %mul3A_99, %add3A_186 : i32
      %mul3A_188 = arith.constant 8 : i32
      %mul3A_189 = arith.muli %add3A_187, %mul3A_188 : i32
      %add3A_190 = arith.addi %mul3A_34, %mul3A_189 : i32
      %min3A_191 = arith.constant 736 : i32
      %min3A_192 = arith.minsi %add3A_190, %min3A_191 : i32
      %multiple_of3A_193 = tpu.assume_multiple %min3A_192, 8 : i32
      %dma_wait3A_194 = tpu.memref_slice %arg5[%multiple_of3A_193] : memref<750xi32, #tpu.memory_space<vmem>> -> memref<8xi32, #tpu.memory_space<vmem>>
      %dma_wait3A_195 = arith.constant 0 : i32
      %dma_wait3A_196 = arith.constant 0 : i32
      %dma_wait3A_197 = tpu.memref_slice %arg2[%dma_wait3A_195, %dma_wait3A_196] : memref<1024x3328xf32, #tpu.memory_space<hbm>> -> memref<1024x3328xf32, #tpu.memory_space<hbm>>
      tpu.wait_indirect_dma semaphore(%arg13 : memref<!tpu.dma_semaphore, #tpu.memory_space<semaphore_mem>>) src(%dma_wait3A_197 : memref<1024x3328xf32, #tpu.memory_space<hbm>>) dst(%arg9 : memref<8x3328xf32, #tpu.memory_space<vmem>>)
      %mul3A_198 = arith.constant 8 : i32
      %mul3A_199 = arith.muli %mul3A_99, %mul3A_198 : i32
      %add3A_200 = arith.addi %mul3A_34, %mul3A_199 : i32
      %min3A_201 = arith.constant 736 : i32
      %min3A_202 = arith.minsi %add3A_200, %min3A_201 : i32
      %multiple_of3A_203 = tpu.assume_multiple %min3A_202, 8 : i32
      %dma_wait3A_204 = arith.constant 0 : i32
      %dma_wait3A_205 = tpu.memref_slice %arg4[%add3A_32, %multiple_of3A_203, %dma_wait3A_204] : memref<16x750x3328xf32, #tpu.memory_space<hbm>> -> memref<1x8x3328xf32, #tpu.memory_space<hbm>>
      %dma_wait3A_206 = tpu.memref_squeeze %dma_wait3A_205 : memref<1x8x3328xf32, #tpu.memory_space<hbm>> -> memref<8x3328xf32, #tpu.memory_space<hbm>>
      %dma_wait3A_207 = arith.constant 0 : i32
      %dma_wait3A_208 = tpu.memref_slice %arg4[%add3A_32, %multiple_of3A_203, %dma_wait3A_207] : memref<16x750x3328xf32, #tpu.memory_space<hbm>> -> memref<1x8x3328xf32, #tpu.memory_space<hbm>>
      %dma_wait3A_209 = tpu.memref_squeeze %dma_wait3A_208 : memref<1x8x3328xf32, #tpu.memory_space<hbm>> -> memref<8x3328xf32, #tpu.memory_space<hbm>>
      tpu.wait_dma2 semaphore(%arg14 : memref<!tpu.dma_semaphore, #tpu.memory_space<semaphore_mem>>) src(%arg6 : memref<8x3328xf32, #tpu.memory_space<vmem>>) dst(%dma_wait3A_209 : memref<8x3328xf32, #tpu.memory_space<hbm>>)
      %add3A_210 = arith.constant 1 : i32
      %add3A_211 = arith.addi %mul3A_99, %add3A_210 : i32
      %mul3A_212 = arith.constant 8 : i32
      %mul3A_213 = arith.muli %add3A_211, %mul3A_212 : i32
      %add3A_214 = arith.addi %mul3A_34, %mul3A_213 : i32
      %min3A_215 = arith.constant 736 : i32
      %min3A_216 = arith.minsi %add3A_214, %min3A_215 : i32
      %multiple_of3A_217 = tpu.assume_multiple %min3A_216, 8 : i32
      %dma_wait3A_218 = arith.constant 0 : i32
      %dma_wait3A_219 = tpu.memref_slice %arg4[%add3A_32, %multiple_of3A_217, %dma_wait3A_218] : memref<16x750x3328xf32, #tpu.memory_space<hbm>> -> memref<1x8x3328xf32, #tpu.memory_space<hbm>>
      %dma_wait3A_220 = tpu.memref_squeeze %dma_wait3A_219 : memref<1x8x3328xf32, #tpu.memory_space<hbm>> -> memref<8x3328xf32, #tpu.memory_space<hbm>>
      %dma_wait3A_221 = arith.constant 0 : i32
      %dma_wait3A_222 = tpu.memref_slice %arg4[%add3A_32, %multiple_of3A_217, %dma_wait3A_221] : memref<16x750x3328xf32, #tpu.memory_space<hbm>> -> memref<1x8x3328xf32, #tpu.memory_space<hbm>>
      %dma_wait3A_223 = tpu.memref_squeeze %dma_wait3A_222 : memref<1x8x3328xf32, #tpu.memory_space<hbm>> -> memref<8x3328xf32, #tpu.memory_space<hbm>>
      tpu.wait_dma2 semaphore(%arg15 : memref<!tpu.dma_semaphore, #tpu.memory_space<semaphore_mem>>) src(%arg7 : memref<8x3328xf32, #tpu.memory_space<vmem>>) dst(%dma_wait3A_223 : memref<8x3328xf32, #tpu.memory_space<hbm>>)
      %add3A_224 = arith.constant 4 : i32
      %add3A_225 = arith.addi %mul3A_99, %add3A_224 : i32
      %mul3A_226 = arith.constant 8 : i32
      %mul3A_227 = arith.muli %add3A_225, %mul3A_226 : i32
      %add3A_228 = arith.addi %mul3A_34, %mul3A_227 : i32
      %min3A_229 = arith.constant 736 : i32
      %min3A_230 = arith.minsi %add3A_228, %min3A_229 : i32
      %multiple_of3A_231 = tpu.assume_multiple %min3A_230, 8 : i32
      %dma_start3A_232 = tpu.memref_slice %arg5[%multiple_of3A_231] : memref<750xi32, #tpu.memory_space<vmem>> -> memref<8xi32, #tpu.memory_space<vmem>>
      %dma_start3A_233 = arith.constant 0 : i32
      %dma_start3A_234 = arith.constant 0 : i32
      %dma_start3A_235 = tpu.memref_slice %arg2[%dma_start3A_233, %dma_start3A_234] : memref<1024x3328xf32, #tpu.memory_space<hbm>> -> memref<1024x3328xf32, #tpu.memory_space<hbm>>
      tpu.enqueue_indirect_dma source(%dma_start3A_235 : memref<1024x3328xf32, #tpu.memory_space<hbm>>) target(%arg6 : memref<8x3328xf32, #tpu.memory_space<vmem>>) offsets(%dma_start3A_232 : memref<8xi32, #tpu.memory_space<vmem>>) semaphore(%arg10 : memref<!tpu.dma_semaphore, #tpu.memory_space<semaphore_mem>>)
      %add3A_236 = arith.constant 5 : i32
      %add3A_237 = arith.addi %mul3A_99, %add3A_236 : i32
      %mul3A_238 = arith.constant 8 : i32
      %mul3A_239 = arith.muli %add3A_237, %mul3A_238 : i32
      %add3A_240 = arith.addi %mul3A_34, %mul3A_239 : i32
      %min3A_241 = arith.constant 736 : i32
      %min3A_242 = arith.minsi %add3A_240, %min3A_241 : i32
      %multiple_of3A_243 = tpu.assume_multiple %min3A_242, 8 : i32
      %dma_start3A_244 = tpu.memref_slice %arg5[%multiple_of3A_243] : memref<750xi32, #tpu.memory_space<vmem>> -> memref<8xi32, #tpu.memory_space<vmem>>
      %dma_start3A_245 = arith.constant 0 : i32
      %dma_start3A_246 = arith.constant 0 : i32
      %dma_start3A_247 = tpu.memref_slice %arg2[%dma_start3A_245, %dma_start3A_246] : memref<1024x3328xf32, #tpu.memory_space<hbm>> -> memref<1024x3328xf32, #tpu.memory_space<hbm>>
      tpu.enqueue_indirect_dma source(%dma_start3A_247 : memref<1024x3328xf32, #tpu.memory_space<hbm>>) target(%arg7 : memref<8x3328xf32, #tpu.memory_space<vmem>>) offsets(%dma_start3A_244 : memref<8xi32, #tpu.memory_space<vmem>>) semaphore(%arg11 : memref<!tpu.dma_semaphore, #tpu.memory_space<semaphore_mem>>)
      %add3A_248 = arith.constant 2 : i32
      %add3A_249 = arith.addi %mul3A_99, %add3A_248 : i32
      %mul3A_250 = arith.constant 8 : i32
      %mul3A_251 = arith.muli %add3A_249, %mul3A_250 : i32
      %add3A_252 = arith.addi %mul3A_34, %mul3A_251 : i32
      %min3A_253 = arith.constant 736 : i32
      %min3A_254 = arith.minsi %add3A_252, %min3A_253 : i32
      %multiple_of3A_255 = tpu.assume_multiple %min3A_254, 8 : i32
      %dma_start3A_256 = arith.constant 0 : i32
      %dma_start3A_257 = tpu.memref_slice %arg4[%add3A_32, %multiple_of3A_255, %dma_start3A_256] : memref<16x750x3328xf32, #tpu.memory_space<hbm>> -> memref<1x8x3328xf32, #tpu.memory_space<hbm>>
      %dma_start3A_258 = tpu.memref_squeeze %dma_start3A_257 : memref<1x8x3328xf32, #tpu.memory_space<hbm>> -> memref<8x3328xf32, #tpu.memory_space<hbm>>
      %dma_start3A_259 = arith.constant 0 : i32
      %dma_start3A_260 = tpu.memref_slice %arg4[%add3A_32, %multiple_of3A_255, %dma_start3A_259] : memref<16x750x3328xf32, #tpu.memory_space<hbm>> -> memref<1x8x3328xf32, #tpu.memory_space<hbm>>
      %dma_start3A_261 = tpu.memref_squeeze %dma_start3A_260 : memref<1x8x3328xf32, #tpu.memory_space<hbm>> -> memref<8x3328xf32, #tpu.memory_space<hbm>>
      tpu.enqueue_dma source(%arg8 : memref<8x3328xf32, #tpu.memory_space<vmem>>) target(%dma_start3A_261 : memref<8x3328xf32, #tpu.memory_space<hbm>>) target_semaphore(%arg16 : memref<!tpu.dma_semaphore, #tpu.memory_space<semaphore_mem>>)
      %add3A_262 = arith.constant 3 : i32
      %add3A_263 = arith.addi %mul3A_99, %add3A_262 : i32
      %mul3A_264 = arith.constant 8 : i32
      %mul3A_265 = arith.muli %add3A_263, %mul3A_264 : i32
      %add3A_266 = arith.addi %mul3A_34, %mul3A_265 : i32
      %min3A_267 = arith.constant 736 : i32
      %min3A_268 = arith.minsi %add3A_266, %min3A_267 : i32
      %multiple_of3A_269 = tpu.assume_multiple %min3A_268, 8 : i32
      %dma_start3A_270 = arith.constant 0 : i32
      %dma_start3A_271 = tpu.memref_slice %arg4[%add3A_32, %multiple_of3A_269, %dma_start3A_270] : memref<16x750x3328xf32, #tpu.memory_space<hbm>> -> memref<1x8x3328xf32, #tpu.memory_space<hbm>>
      %dma_start3A_272 = tpu.memref_squeeze %dma_start3A_271 : memref<1x8x3328xf32, #tpu.memory_space<hbm>> -> memref<8x3328xf32, #tpu.memory_space<hbm>>
      %dma_start3A_273 = arith.constant 0 : i32
      %dma_start3A_274 = tpu.memref_slice %arg4[%add3A_32, %multiple_of3A_269, %dma_start3A_273] : memref<16x750x3328xf32, #tpu.memory_space<hbm>> -> memref<1x8x3328xf32, #tpu.memory_space<hbm>>
      %dma_start3A_275 = tpu.memref_squeeze %dma_start3A_274 : memref<1x8x3328xf32, #tpu.memory_space<hbm>> -> memref<8x3328xf32, #tpu.memory_space<hbm>>
      tpu.enqueue_dma source(%arg9 : memref<8x3328xf32, #tpu.memory_space<vmem>>) target(%dma_start3A_275 : memref<8x3328xf32, #tpu.memory_space<hbm>>) target_semaphore(%arg17 : memref<!tpu.dma_semaphore, #tpu.memory_space<semaphore_mem>>)
    }
    %scan3A_53 = arith.constant 3 : i32
    %add3A_54 = arith.constant 96 : i32
    %add3A_55 = arith.addi %mul3A_34, %add3A_54 : i32
    %min3A_56 = arith.constant 736 : i32
    %min3A_57 = arith.minsi %add3A_55, %min3A_56 : i32
    %multiple_of3A_58 = tpu.assume_multiple %min3A_57, 8 : i32
    %dma_wait3A = tpu.memref_slice %arg5[%multiple_of3A_58] : memref<750xi32, #tpu.memory_space<vmem>> -> memref<8xi32, #tpu.memory_space<vmem>>
    %dma_wait3A_59 = arith.constant 0 : i32
    %dma_wait3A_60 = arith.constant 0 : i32
    %dma_wait3A_61 = tpu.memref_slice %arg2[%dma_wait3A_59, %dma_wait3A_60] : memref<1024x3328xf32, #tpu.memory_space<hbm>> -> memref<1024x3328xf32, #tpu.memory_space<hbm>>
    tpu.wait_indirect_dma semaphore(%arg10 : memref<!tpu.dma_semaphore, #tpu.memory_space<semaphore_mem>>) src(%dma_wait3A_61 : memref<1024x3328xf32, #tpu.memory_space<hbm>>) dst(%arg6 : memref<8x3328xf32, #tpu.memory_space<vmem>>)
    %add3A_62 = arith.constant 104 : i32
    %add3A_63 = arith.addi %mul3A_34, %add3A_62 : i32
    %min3A_64 = arith.constant 736 : i32
    %min3A_65 = arith.minsi %add3A_63, %min3A_64 : i32
    %multiple_of3A_66 = tpu.assume_multiple %min3A_65, 8 : i32
    %dma_wait3A_67 = tpu.memref_slice %arg5[%multiple_of3A_66] : memref<750xi32, #tpu.memory_space<vmem>> -> memref<8xi32, #tpu.memory_space<vmem>>
    %dma_wait3A_68 = arith.constant 0 : i32
    %dma_wait3A_69 = arith.constant 0 : i32
    %dma_wait3A_70 = tpu.memref_slice %arg2[%dma_wait3A_68, %dma_wait3A_69] : memref<1024x3328xf32, #tpu.memory_space<hbm>> -> memref<1024x3328xf32, #tpu.memory_space<hbm>>
    tpu.wait_indirect_dma semaphore(%arg11 : memref<!tpu.dma_semaphore, #tpu.memory_space<semaphore_mem>>) src(%dma_wait3A_70 : memref<1024x3328xf32, #tpu.memory_space<hbm>>) dst(%arg7 : memref<8x3328xf32, #tpu.memory_space<vmem>>)
    %add3A_71 = arith.constant 80 : i32
    %add3A_72 = arith.addi %mul3A_34, %add3A_71 : i32
    %min3A_73 = arith.constant 736 : i32
    %min3A_74 = arith.minsi %add3A_72, %min3A_73 : i32
    %multiple_of3A_75 = tpu.assume_multiple %min3A_74, 8 : i32
    %dma_wait3A_76 = arith.constant 0 : i32
    %dma_wait3A_77 = tpu.memref_slice %arg4[%add3A_32, %multiple_of3A_75, %dma_wait3A_76] : memref<16x750x3328xf32, #tpu.memory_space<hbm>> -> memref<1x8x3328xf32, #tpu.memory_space<hbm>>
    %dma_wait3A_78 = tpu.memref_squeeze %dma_wait3A_77 : memref<1x8x3328xf32, #tpu.memory_space<hbm>> -> memref<8x3328xf32, #tpu.memory_space<hbm>>
    %dma_wait3A_79 = arith.constant 0 : i32
    %dma_wait3A_80 = tpu.memref_slice %arg4[%add3A_32, %multiple_of3A_75, %dma_wait3A_79] : memref<16x750x3328xf32, #tpu.memory_space<hbm>> -> memref<1x8x3328xf32, #tpu.memory_space<hbm>>
    %dma_wait3A_81 = tpu.memref_squeeze %dma_wait3A_80 : memref<1x8x3328xf32, #tpu.memory_space<hbm>> -> memref<8x3328xf32, #tpu.memory_space<hbm>>
    tpu.wait_dma2 semaphore(%arg16 : memref<!tpu.dma_semaphore, #tpu.memory_space<semaphore_mem>>) src(%arg8 : memref<8x3328xf32, #tpu.memory_space<vmem>>) dst(%dma_wait3A_81 : memref<8x3328xf32, #tpu.memory_space<hbm>>)
    %add3A_82 = arith.constant 88 : i32
    %add3A_83 = arith.addi %mul3A_34, %add3A_82 : i32
    %min3A_84 = arith.constant 736 : i32
    %min3A_85 = arith.minsi %add3A_83, %min3A_84 : i32
    %multiple_of3A_86 = tpu.assume_multiple %min3A_85, 8 : i32
    %dma_wait3A_87 = arith.constant 0 : i32
    %dma_wait3A_88 = tpu.memref_slice %arg4[%add3A_32, %multiple_of3A_86, %dma_wait3A_87] : memref<16x750x3328xf32, #tpu.memory_space<hbm>> -> memref<1x8x3328xf32, #tpu.memory_space<hbm>>
    %dma_wait3A_89 = tpu.memref_squeeze %dma_wait3A_88 : memref<1x8x3328xf32, #tpu.memory_space<hbm>> -> memref<8x3328xf32, #tpu.memory_space<hbm>>
    %dma_wait3A_90 = arith.constant 0 : i32
    %dma_wait3A_91 = tpu.memref_slice %arg4[%add3A_32, %multiple_of3A_86, %dma_wait3A_90] : memref<16x750x3328xf32, #tpu.memory_space<hbm>> -> memref<1x8x3328xf32, #tpu.memory_space<hbm>>
    %dma_wait3A_92 = tpu.memref_squeeze %dma_wait3A_91 : memref<1x8x3328xf32, #tpu.memory_space<hbm>> -> memref<8x3328xf32, #tpu.memory_space<hbm>>
    tpu.wait_dma2 semaphore(%arg17 : memref<!tpu.dma_semaphore, #tpu.memory_space<semaphore_mem>>) src(%arg9 : memref<8x3328xf32, #tpu.memory_space<vmem>>) dst(%dma_wait3A_92 : memref<8x3328xf32, #tpu.memory_space<hbm>>)
    return
  }
}

#map = affine_map<(d0, d1) -> (0, 0)>
#map1 = affine_map<(d0, d1) -> (0, 0, 0)>
module attributes {stable_mosaic.version = 14 : i64} {
  func.func @new_body(%arg0: i32, %arg1: i32, %arg2: memref<1024x3328xf32, #tpu.memory_space<hbm>>, %arg3: memref<4x1x750xi32, #tpu.memory_space<hbm>>, %arg4: memref<16x750x3328xf32, #tpu.memory_space<hbm>>, %arg5: memref<16x750x3328xf32, #tpu.memory_space<hbm>>, %arg6: memref<750xi32, #tpu.memory_space<vmem>>, %arg7: memref<8x3328xf32, #tpu.memory_space<vmem>>, %arg8: memref<8x3328xf32, #tpu.memory_space<vmem>>, %arg9: memref<8x3328xf32, #tpu.memory_space<vmem>>, %arg10: memref<8x3328xf32, #tpu.memory_space<vmem>>, %arg11: memref<!tpu.dma_semaphore, #tpu.memory_space<semaphore_mem>>, %arg12: memref<!tpu.dma_semaphore, #tpu.memory_space<semaphore_mem>>, %arg13: memref<!tpu.dma_semaphore, #tpu.memory_space<semaphore_mem>>, %arg14: memref<!tpu.dma_semaphore, #tpu.memory_space<semaphore_mem>>, %arg15: memref<!tpu.dma_semaphore, #tpu.memory_space<semaphore_mem>>, %arg16: memref<!tpu.dma_semaphore, #tpu.memory_space<semaphore_mem>>, %arg17: memref<!tpu.dma_semaphore, #tpu.memory_space<semaphore_mem>>, %arg18: memref<!tpu.dma_semaphore, #tpu.memory_space<semaphore_mem>>) attributes {dimension_semantics = [#tpu.dimension_semantics<core_parallel>, #tpu.dimension_semantics<subcore_parallel>], iteration_bounds = array<i64: 2, 16>, scalar_prefetch = 0 : i64, scratch_operands = 13 : i64, tpu.core_type = #tpu.core_type<sc_vector_subcore>, window_params = [{transform_indices = #map}, {transform_indices = #map1}, {transform_indices = #map1}, {transform_indices = #map1}]} {
    %mul3A = arith.constant 16 : i32
    %mul3A_0 = arith.muli %arg0, %mul3A : i32
    %add3A = arith.addi %mul3A_0, %arg1 : i32
    %jit3A = arith.constant 8 : i32
    %div3A = arith.divsi %add3A, %jit3A : i32
    %sign3A = arith.constant 0 : i32
    %sign3A_1 = arith.cmpi sgt, %add3A, %sign3A : i32
    %sign3A_2 = arith.extui %sign3A_1 : i1 to i32
    %sign3A_3 = arith.constant 0 : i32
    %sign3A_4 = arith.cmpi slt, %add3A, %sign3A_3 : i32
    %sign3A_5 = arith.extui %sign3A_4 : i1 to i32
    %sign3A_6 = arith.subi %sign3A_2, %sign3A_5 : i32
    %sign3A_7 = arith.constant 0 : i32
    %sign3A_8 = arith.cmpi sgt, %jit3A, %sign3A_7 : i32
    %sign3A_9 = arith.extui %sign3A_8 : i1 to i32
    %sign3A_10 = arith.constant 0 : i32
    %sign3A_11 = arith.cmpi slt, %jit3A, %sign3A_10 : i32
    %sign3A_12 = arith.extui %sign3A_11 : i1 to i32
    %sign3A_13 = arith.subi %sign3A_9, %sign3A_12 : i32
    %ne3A = arith.cmpi ne, %sign3A_6, %sign3A_13 : i32
    %rem3A = arith.remsi %add3A, %jit3A : i32
    %ne3A_14 = arith.constant 0 : i32
    %ne3A_15 = arith.cmpi ne, %rem3A, %ne3A_14 : i32
    %and3A = arith.andi %ne3A, %ne3A_15 : i1
    %sub3A = arith.constant 1 : i32
    %sub3A_16 = arith.subi %div3A, %sub3A : i32
    %select_n3A = arith.select %and3A, %sub3A_16, %div3A : i32
    %jit3A_17 = arith.constant 8 : i32
    %eq3A = arith.constant 0 : i32
    %eq3A_18 = arith.cmpi eq, %jit3A_17, %eq3A : i32
    %jit3A_19 = arith.constant 1 : i32
    %select_n3A_20 = arith.select %eq3A_18, %jit3A_19, %jit3A_17 : i32
    %rem3A_21 = arith.remsi %add3A, %select_n3A_20 : i32
    %ne3A_22 = arith.constant 0 : i32
    %ne3A_23 = arith.cmpi ne, %rem3A_21, %ne3A_22 : i32
    %lt3A = arith.constant 0 : i32
    %lt3A_24 = arith.cmpi slt, %rem3A_21, %lt3A : i32
    %lt3A_25 = arith.constant 0 : i32
    %lt3A_26 = arith.cmpi slt, %select_n3A_20, %lt3A_25 : i32
    %ne3A_27 = arith.xori %lt3A_24, %lt3A_26 : i1
    %and3A_28 = arith.andi %ne3A_27, %ne3A_23 : i1
    %add3A_29 = arith.addi %rem3A_21, %select_n3A_20 : i32
    %select_n3A_30 = arith.select %and3A_28, %add3A_29, %rem3A_21 : i32
    %add3A_31 = arith.constant 4 : i32
    %add3A_32 = arith.addi %add3A_31, %select_n3A : i32
    %mul3A_33 = arith.constant 96 : i32
    %mul3A_34 = arith.muli %select_n3A_30, %mul3A_33 : i32
    %run_scoped3A = arith.constant 0 : i32
    "tpu.region"() ({
      %run_scoped3A_93 = tpu.sem_alloc : memref<!tpu.dma_semaphore, #tpu.memory_space<semaphore_mem>>
      %dma_start3A_94 = arith.constant 0 : i32
      %dma_start3A_95 = tpu.memref_slice %arg3[%select_n3A, %run_scoped3A, %dma_start3A_94] : memref<4x1x750xi32, #tpu.memory_space<hbm>> -> memref<1x1x750xi32, #tpu.memory_space<hbm>>
      %dma_start3A_96 = tpu.memref_squeeze %dma_start3A_95 : memref<1x1x750xi32, #tpu.memory_space<hbm>> -> memref<750xi32, #tpu.memory_space<hbm>>
      %dma_start3A_97 = arith.constant 0 : i32
      %dma_start3A_98 = tpu.memref_slice %arg3[%select_n3A, %run_scoped3A, %dma_start3A_97] : memref<4x1x750xi32, #tpu.memory_space<hbm>> -> memref<1x1x750xi32, #tpu.memory_space<hbm>>
      %dma_start3A_99 = tpu.memref_squeeze %dma_start3A_98 : memref<1x1x750xi32, #tpu.memory_space<hbm>> -> memref<750xi32, #tpu.memory_space<hbm>>
      tpu.enqueue_dma source(%dma_start3A_99 : memref<750xi32, #tpu.memory_space<hbm>>) target(%arg6 : memref<750xi32, #tpu.memory_space<vmem>>) target_semaphore(%run_scoped3A_93 : memref<!tpu.dma_semaphore, #tpu.memory_space<semaphore_mem>>)
      %dma_wait3A_100 = arith.constant 0 : i32
      %dma_wait3A_101 = tpu.memref_slice %arg3[%select_n3A, %run_scoped3A, %dma_wait3A_100] : memref<4x1x750xi32, #tpu.memory_space<hbm>> -> memref<1x1x750xi32, #tpu.memory_space<hbm>>
      %dma_wait3A_102 = tpu.memref_squeeze %dma_wait3A_101 : memref<1x1x750xi32, #tpu.memory_space<hbm>> -> memref<750xi32, #tpu.memory_space<hbm>>
      %dma_wait3A_103 = arith.constant 0 : i32
      %dma_wait3A_104 = tpu.memref_slice %arg3[%select_n3A, %run_scoped3A, %dma_wait3A_103] : memref<4x1x750xi32, #tpu.memory_space<hbm>> -> memref<1x1x750xi32, #tpu.memory_space<hbm>>
      %dma_wait3A_105 = tpu.memref_squeeze %dma_wait3A_104 : memref<1x1x750xi32, #tpu.memory_space<hbm>> -> memref<750xi32, #tpu.memory_space<hbm>>
      tpu.wait_dma2 semaphore(%run_scoped3A_93 : memref<!tpu.dma_semaphore, #tpu.memory_space<semaphore_mem>>) src(%dma_wait3A_105 : memref<750xi32, #tpu.memory_space<hbm>>) dst(%arg6 : memref<750xi32, #tpu.memory_space<vmem>>)
      tpu.yield
    }) : () -> ()
    %add3A_35 = arith.constant 0 : i32
    %add3A_36 = arith.addi %mul3A_34, %add3A_35 : i32
    %min3A = arith.constant 736 : i32
    %min3A_37 = arith.minsi %add3A_36, %min3A : i32
    %multiple_of3A = tpu.assume_multiple %min3A_37, 8 : i32
    %dma_start3A = tpu.memref_slice %arg6[%multiple_of3A] : memref<750xi32, #tpu.memory_space<vmem>> -> memref<8xi32, #tpu.memory_space<vmem>>
    %dma_start3A_38 = arith.constant 0 : i32
    %dma_start3A_39 = arith.constant 0 : i32
    %dma_start3A_40 = tpu.memref_slice %arg2[%dma_start3A_38, %dma_start3A_39] : memref<1024x3328xf32, #tpu.memory_space<hbm>> -> memref<1024x3328xf32, #tpu.memory_space<hbm>>
    tpu.enqueue_indirect_dma source(%dma_start3A_40 : memref<1024x3328xf32, #tpu.memory_space<hbm>>) target(%arg7 : memref<8x3328xf32, #tpu.memory_space<vmem>>) offsets(%dma_start3A : memref<8xi32, #tpu.memory_space<vmem>>) semaphore(%arg11 : memref<!tpu.dma_semaphore, #tpu.memory_space<semaphore_mem>>)
    %add3A_41 = arith.constant 8 : i32
    %add3A_42 = arith.addi %mul3A_34, %add3A_41 : i32
    %min3A_43 = arith.constant 736 : i32
    %min3A_44 = arith.minsi %add3A_42, %min3A_43 : i32
    %multiple_of3A_45 = tpu.assume_multiple %min3A_44, 8 : i32
    %dma_start3A_46 = tpu.memref_slice %arg6[%multiple_of3A_45] : memref<750xi32, #tpu.memory_space<vmem>> -> memref<8xi32, #tpu.memory_space<vmem>>
    %dma_start3A_47 = arith.constant 0 : i32
    %dma_start3A_48 = arith.constant 0 : i32
    %dma_start3A_49 = tpu.memref_slice %arg2[%dma_start3A_47, %dma_start3A_48] : memref<1024x3328xf32, #tpu.memory_space<hbm>> -> memref<1024x3328xf32, #tpu.memory_space<hbm>>
    tpu.enqueue_indirect_dma source(%dma_start3A_49 : memref<1024x3328xf32, #tpu.memory_space<hbm>>) target(%arg8 : memref<8x3328xf32, #tpu.memory_space<vmem>>) offsets(%dma_start3A_46 : memref<8xi32, #tpu.memory_space<vmem>>) semaphore(%arg12 : memref<!tpu.dma_semaphore, #tpu.memory_space<semaphore_mem>>)
    %scan3A = arith.constant 0 : i32
    %scan3A_50 = arith.constant 3 : i32
    %scan3A_51 = arith.addi %scan3A, %scan3A_50 : i32
    %scan3A_52 = arith.constant 1 : i32
    scf.for %scan3A_93 = %scan3A to %scan3A_51 step %scan3A_52  : i32 {
      %mul3A_94 = arith.constant 1 : i32
      %mul3A_95 = arith.muli %scan3A_93, %mul3A_94 : i32
      %add3A_96 = arith.constant 0 : i32
      %add3A_97 = arith.addi %add3A_96, %mul3A_95 : i32
      %mul3A_98 = arith.constant 4 : i32
      %mul3A_99 = arith.muli %add3A_97, %mul3A_98 : i32
      %mul3A_100 = arith.constant 8 : i32
      %mul3A_101 = arith.muli %mul3A_99, %mul3A_100 : i32
      %add3A_102 = arith.addi %mul3A_34, %mul3A_101 : i32
      %min3A_103 = arith.constant 736 : i32
      %min3A_104 = arith.minsi %add3A_102, %min3A_103 : i32
      %multiple_of3A_105 = tpu.assume_multiple %min3A_104, 8 : i32
      %dma_wait3A_106 = tpu.memref_slice %arg6[%multiple_of3A_105] : memref<750xi32, #tpu.memory_space<vmem>> -> memref<8xi32, #tpu.memory_space<vmem>>
      %dma_wait3A_107 = arith.constant 0 : i32
      %dma_wait3A_108 = arith.constant 0 : i32
      %dma_wait3A_109 = tpu.memref_slice %arg2[%dma_wait3A_107, %dma_wait3A_108] : memref<1024x3328xf32, #tpu.memory_space<hbm>> -> memref<1024x3328xf32, #tpu.memory_space<hbm>>
      tpu.wait_indirect_dma semaphore(%arg11 : memref<!tpu.dma_semaphore, #tpu.memory_space<semaphore_mem>>) src(%dma_wait3A_109 : memref<1024x3328xf32, #tpu.memory_space<hbm>>) dst(%arg7 : memref<8x3328xf32, #tpu.memory_space<vmem>>)
      %add3A_110 = arith.constant 1 : i32
      %add3A_111 = arith.addi %mul3A_99, %add3A_110 : i32
      %mul3A_112 = arith.constant 8 : i32
      %mul3A_113 = arith.muli %add3A_111, %mul3A_112 : i32
      %add3A_114 = arith.addi %mul3A_34, %mul3A_113 : i32
      %min3A_115 = arith.constant 736 : i32
      %min3A_116 = arith.minsi %add3A_114, %min3A_115 : i32
      %multiple_of3A_117 = tpu.assume_multiple %min3A_116, 8 : i32
      %dma_wait3A_118 = tpu.memref_slice %arg6[%multiple_of3A_117] : memref<750xi32, #tpu.memory_space<vmem>> -> memref<8xi32, #tpu.memory_space<vmem>>
      %dma_wait3A_119 = arith.constant 0 : i32
      %dma_wait3A_120 = arith.constant 0 : i32
      %dma_wait3A_121 = tpu.memref_slice %arg2[%dma_wait3A_119, %dma_wait3A_120] : memref<1024x3328xf32, #tpu.memory_space<hbm>> -> memref<1024x3328xf32, #tpu.memory_space<hbm>>
      tpu.wait_indirect_dma semaphore(%arg12 : memref<!tpu.dma_semaphore, #tpu.memory_space<semaphore_mem>>) src(%dma_wait3A_121 : memref<1024x3328xf32, #tpu.memory_space<hbm>>) dst(%arg8 : memref<8x3328xf32, #tpu.memory_space<vmem>>)
      %gt3A = arith.constant 0 : i32
      %gt3A_122 = arith.cmpi sgt, %add3A_97, %gt3A : i32
      %convert_element_type3A = arith.extui %gt3A_122 : i1 to i32
      %cond3A = arith.constant 0 : i32
      %cond3A_123 = arith.cmpi ne, %convert_element_type3A, %cond3A : i32
      scf.if %cond3A_123 {
        %sub3A_276 = arith.constant 2 : i32
        %sub3A_277 = arith.subi %mul3A_99, %sub3A_276 : i32
        %mul3A_278 = arith.constant 8 : i32
        %mul3A_279 = arith.muli %sub3A_277, %mul3A_278 : i32
        %add3A_280 = arith.addi %mul3A_34, %mul3A_279 : i32
        %min3A_281 = arith.constant 736 : i32
        %min3A_282 = arith.minsi %add3A_280, %min3A_281 : i32
        %multiple_of3A_283 = tpu.assume_multiple %min3A_282, 8 : i32
        %dma_wait3A_284 = arith.constant 0 : i32
        %dma_wait3A_285 = tpu.memref_slice %arg4[%add3A_32, %multiple_of3A_283, %dma_wait3A_284] : memref<16x750x3328xf32, #tpu.memory_space<hbm>> -> memref<1x8x3328xf32, #tpu.memory_space<hbm>>
        %dma_wait3A_286 = tpu.memref_squeeze %dma_wait3A_285 : memref<1x8x3328xf32, #tpu.memory_space<hbm>> -> memref<8x3328xf32, #tpu.memory_space<hbm>>
        %dma_wait3A_287 = arith.constant 0 : i32
        %dma_wait3A_288 = tpu.memref_slice %arg4[%add3A_32, %multiple_of3A_283, %dma_wait3A_287] : memref<16x750x3328xf32, #tpu.memory_space<hbm>> -> memref<1x8x3328xf32, #tpu.memory_space<hbm>>
        %dma_wait3A_289 = tpu.memref_squeeze %dma_wait3A_288 : memref<1x8x3328xf32, #tpu.memory_space<hbm>> -> memref<8x3328xf32, #tpu.memory_space<hbm>>
        tpu.wait_dma2 semaphore(%arg17 : memref<!tpu.dma_semaphore, #tpu.memory_space<semaphore_mem>>) src(%arg9 : memref<8x3328xf32, #tpu.memory_space<vmem>>) dst(%dma_wait3A_289 : memref<8x3328xf32, #tpu.memory_space<hbm>>)
        %sub3A_290 = arith.constant 1 : i32
        %sub3A_291 = arith.subi %mul3A_99, %sub3A_290 : i32
        %mul3A_292 = arith.constant 8 : i32
        %mul3A_293 = arith.muli %sub3A_291, %mul3A_292 : i32
        %add3A_294 = arith.addi %mul3A_34, %mul3A_293 : i32
        %min3A_295 = arith.constant 736 : i32
        %min3A_296 = arith.minsi %add3A_294, %min3A_295 : i32
        %multiple_of3A_297 = tpu.assume_multiple %min3A_296, 8 : i32
        %dma_wait3A_298 = arith.constant 0 : i32
        %dma_wait3A_299 = tpu.memref_slice %arg4[%add3A_32, %multiple_of3A_297, %dma_wait3A_298] : memref<16x750x3328xf32, #tpu.memory_space<hbm>> -> memref<1x8x3328xf32, #tpu.memory_space<hbm>>
        %dma_wait3A_300 = tpu.memref_squeeze %dma_wait3A_299 : memref<1x8x3328xf32, #tpu.memory_space<hbm>> -> memref<8x3328xf32, #tpu.memory_space<hbm>>
        %dma_wait3A_301 = arith.constant 0 : i32
        %dma_wait3A_302 = tpu.memref_slice %arg4[%add3A_32, %multiple_of3A_297, %dma_wait3A_301] : memref<16x750x3328xf32, #tpu.memory_space<hbm>> -> memref<1x8x3328xf32, #tpu.memory_space<hbm>>
        %dma_wait3A_303 = tpu.memref_squeeze %dma_wait3A_302 : memref<1x8x3328xf32, #tpu.memory_space<hbm>> -> memref<8x3328xf32, #tpu.memory_space<hbm>>
        tpu.wait_dma2 semaphore(%arg18 : memref<!tpu.dma_semaphore, #tpu.memory_space<semaphore_mem>>) src(%arg10 : memref<8x3328xf32, #tpu.memory_space<vmem>>) dst(%dma_wait3A_303 : memref<8x3328xf32, #tpu.memory_space<hbm>>)
      } else {
      }
      %add3A_124 = arith.constant 2 : i32
      %add3A_125 = arith.addi %mul3A_99, %add3A_124 : i32
      %mul3A_126 = arith.constant 8 : i32
      %mul3A_127 = arith.muli %add3A_125, %mul3A_126 : i32
      %add3A_128 = arith.addi %mul3A_34, %mul3A_127 : i32
      %min3A_129 = arith.constant 736 : i32
      %min3A_130 = arith.minsi %add3A_128, %min3A_129 : i32
      %multiple_of3A_131 = tpu.assume_multiple %min3A_130, 8 : i32
      %dma_start3A_132 = tpu.memref_slice %arg6[%multiple_of3A_131] : memref<750xi32, #tpu.memory_space<vmem>> -> memref<8xi32, #tpu.memory_space<vmem>>
      %dma_start3A_133 = arith.constant 0 : i32
      %dma_start3A_134 = arith.constant 0 : i32
      %dma_start3A_135 = tpu.memref_slice %arg2[%dma_start3A_133, %dma_start3A_134] : memref<1024x3328xf32, #tpu.memory_space<hbm>> -> memref<1024x3328xf32, #tpu.memory_space<hbm>>
      tpu.enqueue_indirect_dma source(%dma_start3A_135 : memref<1024x3328xf32, #tpu.memory_space<hbm>>) target(%arg9 : memref<8x3328xf32, #tpu.memory_space<vmem>>) offsets(%dma_start3A_132 : memref<8xi32, #tpu.memory_space<vmem>>) semaphore(%arg13 : memref<!tpu.dma_semaphore, #tpu.memory_space<semaphore_mem>>)
      %add3A_136 = arith.constant 3 : i32
      %add3A_137 = arith.addi %mul3A_99, %add3A_136 : i32
      %mul3A_138 = arith.constant 8 : i32
      %mul3A_139 = arith.muli %add3A_137, %mul3A_138 : i32
      %add3A_140 = arith.addi %mul3A_34, %mul3A_139 : i32
      %min3A_141 = arith.constant 736 : i32
      %min3A_142 = arith.minsi %add3A_140, %min3A_141 : i32
      %multiple_of3A_143 = tpu.assume_multiple %min3A_142, 8 : i32
      %dma_start3A_144 = tpu.memref_slice %arg6[%multiple_of3A_143] : memref<750xi32, #tpu.memory_space<vmem>> -> memref<8xi32, #tpu.memory_space<vmem>>
      %dma_start3A_145 = arith.constant 0 : i32
      %dma_start3A_146 = arith.constant 0 : i32
      %dma_start3A_147 = tpu.memref_slice %arg2[%dma_start3A_145, %dma_start3A_146] : memref<1024x3328xf32, #tpu.memory_space<hbm>> -> memref<1024x3328xf32, #tpu.memory_space<hbm>>
      tpu.enqueue_indirect_dma source(%dma_start3A_147 : memref<1024x3328xf32, #tpu.memory_space<hbm>>) target(%arg10 : memref<8x3328xf32, #tpu.memory_space<vmem>>) offsets(%dma_start3A_144 : memref<8xi32, #tpu.memory_space<vmem>>) semaphore(%arg14 : memref<!tpu.dma_semaphore, #tpu.memory_space<semaphore_mem>>)
      %mul3A_148 = arith.constant 8 : i32
      %mul3A_149 = arith.muli %mul3A_99, %mul3A_148 : i32
      %add3A_150 = arith.addi %mul3A_34, %mul3A_149 : i32
      %min3A_151 = arith.constant 736 : i32
      %min3A_152 = arith.minsi %add3A_150, %min3A_151 : i32
      %multiple_of3A_153 = tpu.assume_multiple %min3A_152, 8 : i32
      %dma_start3A_154 = arith.constant 0 : i32
      %dma_start3A_155 = tpu.memref_slice %arg4[%add3A_32, %multiple_of3A_153, %dma_start3A_154] : memref<16x750x3328xf32, #tpu.memory_space<hbm>> -> memref<1x8x3328xf32, #tpu.memory_space<hbm>>
      %dma_start3A_156 = tpu.memref_squeeze %dma_start3A_155 : memref<1x8x3328xf32, #tpu.memory_space<hbm>> -> memref<8x3328xf32, #tpu.memory_space<hbm>>
      %dma_start3A_157 = arith.constant 0 : i32
      %dma_start3A_158 = tpu.memref_slice %arg4[%add3A_32, %multiple_of3A_153, %dma_start3A_157] : memref<16x750x3328xf32, #tpu.memory_space<hbm>> -> memref<1x8x3328xf32, #tpu.memory_space<hbm>>
      %dma_start3A_159 = tpu.memref_squeeze %dma_start3A_158 : memref<1x8x3328xf32, #tpu.memory_space<hbm>> -> memref<8x3328xf32, #tpu.memory_space<hbm>>
      tpu.enqueue_dma source(%arg7 : memref<8x3328xf32, #tpu.memory_space<vmem>>) target(%dma_start3A_159 : memref<8x3328xf32, #tpu.memory_space<hbm>>) target_semaphore(%arg15 : memref<!tpu.dma_semaphore, #tpu.memory_space<semaphore_mem>>)
      %add3A_160 = arith.constant 1 : i32
      %add3A_161 = arith.addi %mul3A_99, %add3A_160 : i32
      %mul3A_162 = arith.constant 8 : i32
      %mul3A_163 = arith.muli %add3A_161, %mul3A_162 : i32
      %add3A_164 = arith.addi %mul3A_34, %mul3A_163 : i32
      %min3A_165 = arith.constant 736 : i32
      %min3A_166 = arith.minsi %add3A_164, %min3A_165 : i32
      %multiple_of3A_167 = tpu.assume_multiple %min3A_166, 8 : i32
      %dma_start3A_168 = arith.constant 0 : i32
      %dma_start3A_169 = tpu.memref_slice %arg4[%add3A_32, %multiple_of3A_167, %dma_start3A_168] : memref<16x750x3328xf32, #tpu.memory_space<hbm>> -> memref<1x8x3328xf32, #tpu.memory_space<hbm>>
      %dma_start3A_170 = tpu.memref_squeeze %dma_start3A_169 : memref<1x8x3328xf32, #tpu.memory_space<hbm>> -> memref<8x3328xf32, #tpu.memory_space<hbm>>
      %dma_start3A_171 = arith.constant 0 : i32
      %dma_start3A_172 = tpu.memref_slice %arg4[%add3A_32, %multiple_of3A_167, %dma_start3A_171] : memref<16x750x3328xf32, #tpu.memory_space<hbm>> -> memref<1x8x3328xf32, #tpu.memory_space<hbm>>
      %dma_start3A_173 = tpu.memref_squeeze %dma_start3A_172 : memref<1x8x3328xf32, #tpu.memory_space<hbm>> -> memref<8x3328xf32, #tpu.memory_space<hbm>>
      tpu.enqueue_dma source(%arg8 : memref<8x3328xf32, #tpu.memory_space<vmem>>) target(%dma_start3A_173 : memref<8x3328xf32, #tpu.memory_space<hbm>>) target_semaphore(%arg16 : memref<!tpu.dma_semaphore, #tpu.memory_space<semaphore_mem>>)
      %add3A_174 = arith.constant 2 : i32
      %add3A_175 = arith.addi %mul3A_99, %add3A_174 : i32
      %mul3A_176 = arith.constant 8 : i32
      %mul3A_177 = arith.muli %add3A_175, %mul3A_176 : i32
      %add3A_178 = arith.addi %mul3A_34, %mul3A_177 : i32
      %min3A_179 = arith.constant 736 : i32
      %min3A_180 = arith.minsi %add3A_178, %min3A_179 : i32
      %multiple_of3A_181 = tpu.assume_multiple %min3A_180, 8 : i32
      %dma_wait3A_182 = tpu.memref_slice %arg6[%multiple_of3A_181] : memref<750xi32, #tpu.memory_space<vmem>> -> memref<8xi32, #tpu.memory_space<vmem>>
      %dma_wait3A_183 = arith.constant 0 : i32
      %dma_wait3A_184 = arith.constant 0 : i32
      %dma_wait3A_185 = tpu.memref_slice %arg2[%dma_wait3A_183, %dma_wait3A_184] : memref<1024x3328xf32, #tpu.memory_space<hbm>> -> memref<1024x3328xf32, #tpu.memory_space<hbm>>
      tpu.wait_indirect_dma semaphore(%arg13 : memref<!tpu.dma_semaphore, #tpu.memory_space<semaphore_mem>>) src(%dma_wait3A_185 : memref<1024x3328xf32, #tpu.memory_space<hbm>>) dst(%arg9 : memref<8x3328xf32, #tpu.memory_space<vmem>>)
      %add3A_186 = arith.constant 3 : i32
      %add3A_187 = arith.addi %mul3A_99, %add3A_186 : i32
      %mul3A_188 = arith.constant 8 : i32
      %mul3A_189 = arith.muli %add3A_187, %mul3A_188 : i32
      %add3A_190 = arith.addi %mul3A_34, %mul3A_189 : i32
      %min3A_191 = arith.constant 736 : i32
      %min3A_192 = arith.minsi %add3A_190, %min3A_191 : i32
      %multiple_of3A_193 = tpu.assume_multiple %min3A_192, 8 : i32
      %dma_wait3A_194 = tpu.memref_slice %arg6[%multiple_of3A_193] : memref<750xi32, #tpu.memory_space<vmem>> -> memref<8xi32, #tpu.memory_space<vmem>>
      %dma_wait3A_195 = arith.constant 0 : i32
      %dma_wait3A_196 = arith.constant 0 : i32
      %dma_wait3A_197 = tpu.memref_slice %arg2[%dma_wait3A_195, %dma_wait3A_196] : memref<1024x3328xf32, #tpu.memory_space<hbm>> -> memref<1024x3328xf32, #tpu.memory_space<hbm>>
      tpu.wait_indirect_dma semaphore(%arg14 : memref<!tpu.dma_semaphore, #tpu.memory_space<semaphore_mem>>) src(%dma_wait3A_197 : memref<1024x3328xf32, #tpu.memory_space<hbm>>) dst(%arg10 : memref<8x3328xf32, #tpu.memory_space<vmem>>)
      %mul3A_198 = arith.constant 8 : i32
      %mul3A_199 = arith.muli %mul3A_99, %mul3A_198 : i32
      %add3A_200 = arith.addi %mul3A_34, %mul3A_199 : i32
      %min3A_201 = arith.constant 736 : i32
      %min3A_202 = arith.minsi %add3A_200, %min3A_201 : i32
      %multiple_of3A_203 = tpu.assume_multiple %min3A_202, 8 : i32
      %dma_wait3A_204 = arith.constant 0 : i32
      %dma_wait3A_205 = tpu.memref_slice %arg4[%add3A_32, %multiple_of3A_203, %dma_wait3A_204] : memref<16x750x3328xf32, #tpu.memory_space<hbm>> -> memref<1x8x3328xf32, #tpu.memory_space<hbm>>
      %dma_wait3A_206 = tpu.memref_squeeze %dma_wait3A_205 : memref<1x8x3328xf32, #tpu.memory_space<hbm>> -> memref<8x3328xf32, #tpu.memory_space<hbm>>
      %dma_wait3A_207 = arith.constant 0 : i32
      %dma_wait3A_208 = tpu.memref_slice %arg4[%add3A_32, %multiple_of3A_203, %dma_wait3A_207] : memref<16x750x3328xf32, #tpu.memory_space<hbm>> -> memref<1x8x3328xf32, #tpu.memory_space<hbm>>
      %dma_wait3A_209 = tpu.memref_squeeze %dma_wait3A_208 : memref<1x8x3328xf32, #tpu.memory_space<hbm>> -> memref<8x3328xf32, #tpu.memory_space<hbm>>
      tpu.wait_dma2 semaphore(%arg15 : memref<!tpu.dma_semaphore, #tpu.memory_space<semaphore_mem>>) src(%arg7 : memref<8x3328xf32, #tpu.memory_space<vmem>>) dst(%dma_wait3A_209 : memref<8x3328xf32, #tpu.memory_space<hbm>>)
      %add3A_210 = arith.constant 1 : i32
      %add3A_211 = arith.addi %mul3A_99, %add3A_210 : i32
      %mul3A_212 = arith.constant 8 : i32
      %mul3A_213 = arith.muli %add3A_211, %mul3A_212 : i32
      %add3A_214 = arith.addi %mul3A_34, %mul3A_213 : i32
      %min3A_215 = arith.constant 736 : i32
      %min3A_216 = arith.minsi %add3A_214, %min3A_215 : i32
      %multiple_of3A_217 = tpu.assume_multiple %min3A_216, 8 : i32
      %dma_wait3A_218 = arith.constant 0 : i32
      %dma_wait3A_219 = tpu.memref_slice %arg4[%add3A_32, %multiple_of3A_217, %dma_wait3A_218] : memref<16x750x3328xf32, #tpu.memory_space<hbm>> -> memref<1x8x3328xf32, #tpu.memory_space<hbm>>
      %dma_wait3A_220 = tpu.memref_squeeze %dma_wait3A_219 : memref<1x8x3328xf32, #tpu.memory_space<hbm>> -> memref<8x3328xf32, #tpu.memory_space<hbm>>
      %dma_wait3A_221 = arith.constant 0 : i32
      %dma_wait3A_222 = tpu.memref_slice %arg4[%add3A_32, %multiple_of3A_217, %dma_wait3A_221] : memref<16x750x3328xf32, #tpu.memory_space<hbm>> -> memref<1x8x3328xf32, #tpu.memory_space<hbm>>
      %dma_wait3A_223 = tpu.memref_squeeze %dma_wait3A_222 : memref<1x8x3328xf32, #tpu.memory_space<hbm>> -> memref<8x3328xf32, #tpu.memory_space<hbm>>
      tpu.wait_dma2 semaphore(%arg16 : memref<!tpu.dma_semaphore, #tpu.memory_space<semaphore_mem>>) src(%arg8 : memref<8x3328xf32, #tpu.memory_space<vmem>>) dst(%dma_wait3A_223 : memref<8x3328xf32, #tpu.memory_space<hbm>>)
      %add3A_224 = arith.constant 4 : i32
      %add3A_225 = arith.addi %mul3A_99, %add3A_224 : i32
      %mul3A_226 = arith.constant 8 : i32
      %mul3A_227 = arith.muli %add3A_225, %mul3A_226 : i32
      %add3A_228 = arith.addi %mul3A_34, %mul3A_227 : i32
      %min3A_229 = arith.constant 736 : i32
      %min3A_230 = arith.minsi %add3A_228, %min3A_229 : i32
      %multiple_of3A_231 = tpu.assume_multiple %min3A_230, 8 : i32
      %dma_start3A_232 = tpu.memref_slice %arg6[%multiple_of3A_231] : memref<750xi32, #tpu.memory_space<vmem>> -> memref<8xi32, #tpu.memory_space<vmem>>
      %dma_start3A_233 = arith.constant 0 : i32
      %dma_start3A_234 = arith.constant 0 : i32
      %dma_start3A_235 = tpu.memref_slice %arg2[%dma_start3A_233, %dma_start3A_234] : memref<1024x3328xf32, #tpu.memory_space<hbm>> -> memref<1024x3328xf32, #tpu.memory_space<hbm>>
      tpu.enqueue_indirect_dma source(%dma_start3A_235 : memref<1024x3328xf32, #tpu.memory_space<hbm>>) target(%arg7 : memref<8x3328xf32, #tpu.memory_space<vmem>>) offsets(%dma_start3A_232 : memref<8xi32, #tpu.memory_space<vmem>>) semaphore(%arg11 : memref<!tpu.dma_semaphore, #tpu.memory_space<semaphore_mem>>)
      %add3A_236 = arith.constant 5 : i32
      %add3A_237 = arith.addi %mul3A_99, %add3A_236 : i32
      %mul3A_238 = arith.constant 8 : i32
      %mul3A_239 = arith.muli %add3A_237, %mul3A_238 : i32
      %add3A_240 = arith.addi %mul3A_34, %mul3A_239 : i32
      %min3A_241 = arith.constant 736 : i32
      %min3A_242 = arith.minsi %add3A_240, %min3A_241 : i32
      %multiple_of3A_243 = tpu.assume_multiple %min3A_242, 8 : i32
      %dma_start3A_244 = tpu.memref_slice %arg6[%multiple_of3A_243] : memref<750xi32, #tpu.memory_space<vmem>> -> memref<8xi32, #tpu.memory_space<vmem>>
      %dma_start3A_245 = arith.constant 0 : i32
      %dma_start3A_246 = arith.constant 0 : i32
      %dma_start3A_247 = tpu.memref_slice %arg2[%dma_start3A_245, %dma_start3A_246] : memref<1024x3328xf32, #tpu.memory_space<hbm>> -> memref<1024x3328xf32, #tpu.memory_space<hbm>>
      tpu.enqueue_indirect_dma source(%dma_start3A_247 : memref<1024x3328xf32, #tpu.memory_space<hbm>>) target(%arg8 : memref<8x3328xf32, #tpu.memory_space<vmem>>) offsets(%dma_start3A_244 : memref<8xi32, #tpu.memory_space<vmem>>) semaphore(%arg12 : memref<!tpu.dma_semaphore, #tpu.memory_space<semaphore_mem>>)
      %add3A_248 = arith.constant 2 : i32
      %add3A_249 = arith.addi %mul3A_99, %add3A_248 : i32
      %mul3A_250 = arith.constant 8 : i32
      %mul3A_251 = arith.muli %add3A_249, %mul3A_250 : i32
      %add3A_252 = arith.addi %mul3A_34, %mul3A_251 : i32
      %min3A_253 = arith.constant 736 : i32
      %min3A_254 = arith.minsi %add3A_252, %min3A_253 : i32
      %multiple_of3A_255 = tpu.assume_multiple %min3A_254, 8 : i32
      %dma_start3A_256 = arith.constant 0 : i32
      %dma_start3A_257 = tpu.memref_slice %arg4[%add3A_32, %multiple_of3A_255, %dma_start3A_256] : memref<16x750x3328xf32, #tpu.memory_space<hbm>> -> memref<1x8x3328xf32, #tpu.memory_space<hbm>>
      %dma_start3A_258 = tpu.memref_squeeze %dma_start3A_257 : memref<1x8x3328xf32, #tpu.memory_space<hbm>> -> memref<8x3328xf32, #tpu.memory_space<hbm>>
      %dma_start3A_259 = arith.constant 0 : i32
      %dma_start3A_260 = tpu.memref_slice %arg4[%add3A_32, %multiple_of3A_255, %dma_start3A_259] : memref<16x750x3328xf32, #tpu.memory_space<hbm>> -> memref<1x8x3328xf32, #tpu.memory_space<hbm>>
      %dma_start3A_261 = tpu.memref_squeeze %dma_start3A_260 : memref<1x8x3328xf32, #tpu.memory_space<hbm>> -> memref<8x3328xf32, #tpu.memory_space<hbm>>
      tpu.enqueue_dma source(%arg9 : memref<8x3328xf32, #tpu.memory_space<vmem>>) target(%dma_start3A_261 : memref<8x3328xf32, #tpu.memory_space<hbm>>) target_semaphore(%arg17 : memref<!tpu.dma_semaphore, #tpu.memory_space<semaphore_mem>>)
      %add3A_262 = arith.constant 3 : i32
      %add3A_263 = arith.addi %mul3A_99, %add3A_262 : i32
      %mul3A_264 = arith.constant 8 : i32
      %mul3A_265 = arith.muli %add3A_263, %mul3A_264 : i32
      %add3A_266 = arith.addi %mul3A_34, %mul3A_265 : i32
      %min3A_267 = arith.constant 736 : i32
      %min3A_268 = arith.minsi %add3A_266, %min3A_267 : i32
      %multiple_of3A_269 = tpu.assume_multiple %min3A_268, 8 : i32
      %dma_start3A_270 = arith.constant 0 : i32
      %dma_start3A_271 = tpu.memref_slice %arg4[%add3A_32, %multiple_of3A_269, %dma_start3A_270] : memref<16x750x3328xf32, #tpu.memory_space<hbm>> -> memref<1x8x3328xf32, #tpu.memory_space<hbm>>
      %dma_start3A_272 = tpu.memref_squeeze %dma_start3A_271 : memref<1x8x3328xf32, #tpu.memory_space<hbm>> -> memref<8x3328xf32, #tpu.memory_space<hbm>>
      %dma_start3A_273 = arith.constant 0 : i32
      %dma_start3A_274 = tpu.memref_slice %arg4[%add3A_32, %multiple_of3A_269, %dma_start3A_273] : memref<16x750x3328xf32, #tpu.memory_space<hbm>> -> memref<1x8x3328xf32, #tpu.memory_space<hbm>>
      %dma_start3A_275 = tpu.memref_squeeze %dma_start3A_274 : memref<1x8x3328xf32, #tpu.memory_space<hbm>> -> memref<8x3328xf32, #tpu.memory_space<hbm>>
      tpu.enqueue_dma source(%arg10 : memref<8x3328xf32, #tpu.memory_space<vmem>>) target(%dma_start3A_275 : memref<8x3328xf32, #tpu.memory_space<hbm>>) target_semaphore(%arg18 : memref<!tpu.dma_semaphore, #tpu.memory_space<semaphore_mem>>)
    }
    %scan3A_53 = arith.constant 3 : i32
    %add3A_54 = arith.constant 96 : i32
    %add3A_55 = arith.addi %mul3A_34, %add3A_54 : i32
    %min3A_56 = arith.constant 736 : i32
    %min3A_57 = arith.minsi %add3A_55, %min3A_56 : i32
    %multiple_of3A_58 = tpu.assume_multiple %min3A_57, 8 : i32
    %dma_wait3A = tpu.memref_slice %arg6[%multiple_of3A_58] : memref<750xi32, #tpu.memory_space<vmem>> -> memref<8xi32, #tpu.memory_space<vmem>>
    %dma_wait3A_59 = arith.constant 0 : i32
    %dma_wait3A_60 = arith.constant 0 : i32
    %dma_wait3A_61 = tpu.memref_slice %arg2[%dma_wait3A_59, %dma_wait3A_60] : memref<1024x3328xf32, #tpu.memory_space<hbm>> -> memref<1024x3328xf32, #tpu.memory_space<hbm>>
    tpu.wait_indirect_dma semaphore(%arg11 : memref<!tpu.dma_semaphore, #tpu.memory_space<semaphore_mem>>) src(%dma_wait3A_61 : memref<1024x3328xf32, #tpu.memory_space<hbm>>) dst(%arg7 : memref<8x3328xf32, #tpu.memory_space<vmem>>)
    %add3A_62 = arith.constant 104 : i32
    %add3A_63 = arith.addi %mul3A_34, %add3A_62 : i32
    %min3A_64 = arith.constant 736 : i32
    %min3A_65 = arith.minsi %add3A_63, %min3A_64 : i32
    %multiple_of3A_66 = tpu.assume_multiple %min3A_65, 8 : i32
    %dma_wait3A_67 = tpu.memref_slice %arg6[%multiple_of3A_66] : memref<750xi32, #tpu.memory_space<vmem>> -> memref<8xi32, #tpu.memory_space<vmem>>
    %dma_wait3A_68 = arith.constant 0 : i32
    %dma_wait3A_69 = arith.constant 0 : i32
    %dma_wait3A_70 = tpu.memref_slice %arg2[%dma_wait3A_68, %dma_wait3A_69] : memref<1024x3328xf32, #tpu.memory_space<hbm>> -> memref<1024x3328xf32, #tpu.memory_space<hbm>>
    tpu.wait_indirect_dma semaphore(%arg12 : memref<!tpu.dma_semaphore, #tpu.memory_space<semaphore_mem>>) src(%dma_wait3A_70 : memref<1024x3328xf32, #tpu.memory_space<hbm>>) dst(%arg8 : memref<8x3328xf32, #tpu.memory_space<vmem>>)
    %add3A_71 = arith.constant 80 : i32
    %add3A_72 = arith.addi %mul3A_34, %add3A_71 : i32
    %min3A_73 = arith.constant 736 : i32
    %min3A_74 = arith.minsi %add3A_72, %min3A_73 : i32
    %multiple_of3A_75 = tpu.assume_multiple %min3A_74, 8 : i32
    %dma_wait3A_76 = arith.constant 0 : i32
    %dma_wait3A_77 = tpu.memref_slice %arg4[%add3A_32, %multiple_of3A_75, %dma_wait3A_76] : memref<16x750x3328xf32, #tpu.memory_space<hbm>> -> memref<1x8x3328xf32, #tpu.memory_space<hbm>>
    %dma_wait3A_78 = tpu.memref_squeeze %dma_wait3A_77 : memref<1x8x3328xf32, #tpu.memory_space<hbm>> -> memref<8x3328xf32, #tpu.memory_space<hbm>>
    %dma_wait3A_79 = arith.constant 0 : i32
    %dma_wait3A_80 = tpu.memref_slice %arg4[%add3A_32, %multiple_of3A_75, %dma_wait3A_79] : memref<16x750x3328xf32, #tpu.memory_space<hbm>> -> memref<1x8x3328xf32, #tpu.memory_space<hbm>>
    %dma_wait3A_81 = tpu.memref_squeeze %dma_wait3A_80 : memref<1x8x3328xf32, #tpu.memory_space<hbm>> -> memref<8x3328xf32, #tpu.memory_space<hbm>>
    tpu.wait_dma2 semaphore(%arg17 : memref<!tpu.dma_semaphore, #tpu.memory_space<semaphore_mem>>) src(%arg9 : memref<8x3328xf32, #tpu.memory_space<vmem>>) dst(%dma_wait3A_81 : memref<8x3328xf32, #tpu.memory_space<hbm>>)
    %add3A_82 = arith.constant 88 : i32
    %add3A_83 = arith.addi %mul3A_34, %add3A_82 : i32
    %min3A_84 = arith.constant 736 : i32
    %min3A_85 = arith.minsi %add3A_83, %min3A_84 : i32
    %multiple_of3A_86 = tpu.assume_multiple %min3A_85, 8 : i32
    %dma_wait3A_87 = arith.constant 0 : i32
    %dma_wait3A_88 = tpu.memref_slice %arg4[%add3A_32, %multiple_of3A_86, %dma_wait3A_87] : memref<16x750x3328xf32, #tpu.memory_space<hbm>> -> memref<1x8x3328xf32, #tpu.memory_space<hbm>>
    %dma_wait3A_89 = tpu.memref_squeeze %dma_wait3A_88 : memref<1x8x3328xf32, #tpu.memory_space<hbm>> -> memref<8x3328xf32, #tpu.memory_space<hbm>>
    %dma_wait3A_90 = arith.constant 0 : i32
    %dma_wait3A_91 = tpu.memref_slice %arg4[%add3A_32, %multiple_of3A_86, %dma_wait3A_90] : memref<16x750x3328xf32, #tpu.memory_space<hbm>> -> memref<1x8x3328xf32, #tpu.memory_space<hbm>>
    %dma_wait3A_92 = tpu.memref_squeeze %dma_wait3A_91 : memref<1x8x3328xf32, #tpu.memory_space<hbm>> -> memref<8x3328xf32, #tpu.memory_space<hbm>>
    tpu.wait_dma2 semaphore(%arg18 : memref<!tpu.dma_semaphore, #tpu.memory_space<semaphore_mem>>) src(%arg10 : memref<8x3328xf32, #tpu.memory_space<vmem>>) dst(%dma_wait3A_92 : memref<8x3328xf32, #tpu.memory_space<hbm>>)
    return
  }
}

#map = affine_map<(d0, d1) -> (0, 0)>
#map1 = affine_map<(d0, d1) -> (0, 0, 0)>
module attributes {stable_mosaic.version = 14 : i64} {
  func.func @new_body(%arg0: i32, %arg1: i32, %arg2: memref<1024x3328xf32, #tpu.memory_space<hbm>>, %arg3: memref<4x1x750xi32, #tpu.memory_space<hbm>>, %arg4: memref<16x750x3328xf32, #tpu.memory_space<hbm>>, %arg5: memref<16x750x3328xf32, #tpu.memory_space<hbm>>, %arg6: memref<750xi32, #tpu.memory_space<vmem>>, %arg7: memref<8x3328xf32, #tpu.memory_space<vmem>>, %arg8: memref<8x3328xf32, #tpu.memory_space<vmem>>, %arg9: memref<8x3328xf32, #tpu.memory_space<vmem>>, %arg10: memref<8x3328xf32, #tpu.memory_space<vmem>>, %arg11: memref<!tpu.dma_semaphore, #tpu.memory_space<semaphore_mem>>, %arg12: memref<!tpu.dma_semaphore, #tpu.memory_space<semaphore_mem>>, %arg13: memref<!tpu.dma_semaphore, #tpu.memory_space<semaphore_mem>>, %arg14: memref<!tpu.dma_semaphore, #tpu.memory_space<semaphore_mem>>, %arg15: memref<!tpu.dma_semaphore, #tpu.memory_space<semaphore_mem>>, %arg16: memref<!tpu.dma_semaphore, #tpu.memory_space<semaphore_mem>>, %arg17: memref<!tpu.dma_semaphore, #tpu.memory_space<semaphore_mem>>, %arg18: memref<!tpu.dma_semaphore, #tpu.memory_space<semaphore_mem>>) attributes {dimension_semantics = [#tpu.dimension_semantics<core_parallel>, #tpu.dimension_semantics<subcore_parallel>], iteration_bounds = array<i64: 2, 16>, scalar_prefetch = 0 : i64, scratch_operands = 13 : i64, tpu.core_type = #tpu.core_type<sc_vector_subcore>, window_params = [{transform_indices = #map}, {transform_indices = #map1}, {transform_indices = #map1}, {transform_indices = #map1}]} {
    %mul3A = arith.constant 16 : i32
    %mul3A_0 = arith.muli %arg0, %mul3A : i32
    %add3A = arith.addi %mul3A_0, %arg1 : i32
    %jit3A = arith.constant 8 : i32
    %div3A = arith.divsi %add3A, %jit3A : i32
    %sign3A = arith.constant 0 : i32
    %sign3A_1 = arith.cmpi sgt, %add3A, %sign3A : i32
    %sign3A_2 = arith.extui %sign3A_1 : i1 to i32
    %sign3A_3 = arith.constant 0 : i32
    %sign3A_4 = arith.cmpi slt, %add3A, %sign3A_3 : i32
    %sign3A_5 = arith.extui %sign3A_4 : i1 to i32
    %sign3A_6 = arith.subi %sign3A_2, %sign3A_5 : i32
    %sign3A_7 = arith.constant 0 : i32
    %sign3A_8 = arith.cmpi sgt, %jit3A, %sign3A_7 : i32
    %sign3A_9 = arith.extui %sign3A_8 : i1 to i32
    %sign3A_10 = arith.constant 0 : i32
    %sign3A_11 = arith.cmpi slt, %jit3A, %sign3A_10 : i32
    %sign3A_12 = arith.extui %sign3A_11 : i1 to i32
    %sign3A_13 = arith.subi %sign3A_9, %sign3A_12 : i32
    %ne3A = arith.cmpi ne, %sign3A_6, %sign3A_13 : i32
    %rem3A = arith.remsi %add3A, %jit3A : i32
    %ne3A_14 = arith.constant 0 : i32
    %ne3A_15 = arith.cmpi ne, %rem3A, %ne3A_14 : i32
    %and3A = arith.andi %ne3A, %ne3A_15 : i1
    %sub3A = arith.constant 1 : i32
    %sub3A_16 = arith.subi %div3A, %sub3A : i32
    %select_n3A = arith.select %and3A, %sub3A_16, %div3A : i32
    %jit3A_17 = arith.constant 8 : i32
    %eq3A = arith.constant 0 : i32
    %eq3A_18 = arith.cmpi eq, %jit3A_17, %eq3A : i32
    %jit3A_19 = arith.constant 1 : i32
    %select_n3A_20 = arith.select %eq3A_18, %jit3A_19, %jit3A_17 : i32
    %rem3A_21 = arith.remsi %add3A, %select_n3A_20 : i32
    %ne3A_22 = arith.constant 0 : i32
    %ne3A_23 = arith.cmpi ne, %rem3A_21, %ne3A_22 : i32
    %lt3A = arith.constant 0 : i32
    %lt3A_24 = arith.cmpi slt, %rem3A_21, %lt3A : i32
    %lt3A_25 = arith.constant 0 : i32
    %lt3A_26 = arith.cmpi slt, %select_n3A_20, %lt3A_25 : i32
    %ne3A_27 = arith.xori %lt3A_24, %lt3A_26 : i1
    %and3A_28 = arith.andi %ne3A_27, %ne3A_23 : i1
    %add3A_29 = arith.addi %rem3A_21, %select_n3A_20 : i32
    %select_n3A_30 = arith.select %and3A_28, %add3A_29, %rem3A_21 : i32
    %add3A_31 = arith.constant 8 : i32
    %add3A_32 = arith.addi %add3A_31, %select_n3A : i32
    %mul3A_33 = arith.constant 96 : i32
    %mul3A_34 = arith.muli %select_n3A_30, %mul3A_33 : i32
    %run_scoped3A = arith.constant 0 : i32
    "tpu.region"() ({
      %run_scoped3A_93 = tpu.sem_alloc : memref<!tpu.dma_semaphore, #tpu.memory_space<semaphore_mem>>
      %dma_start3A_94 = arith.constant 0 : i32
      %dma_start3A_95 = tpu.memref_slice %arg3[%select_n3A, %run_scoped3A, %dma_start3A_94] : memref<4x1x750xi32, #tpu.memory_space<hbm>> -> memref<1x1x750xi32, #tpu.memory_space<hbm>>
      %dma_start3A_96 = tpu.memref_squeeze %dma_start3A_95 : memref<1x1x750xi32, #tpu.memory_space<hbm>> -> memref<750xi32, #tpu.memory_space<hbm>>
      %dma_start3A_97 = arith.constant 0 : i32
      %dma_start3A_98 = tpu.memref_slice %arg3[%select_n3A, %run_scoped3A, %dma_start3A_97] : memref<4x1x750xi32, #tpu.memory_space<hbm>> -> memref<1x1x750xi32, #tpu.memory_space<hbm>>
      %dma_start3A_99 = tpu.memref_squeeze %dma_start3A_98 : memref<1x1x750xi32, #tpu.memory_space<hbm>> -> memref<750xi32, #tpu.memory_space<hbm>>
      tpu.enqueue_dma source(%dma_start3A_99 : memref<750xi32, #tpu.memory_space<hbm>>) target(%arg6 : memref<750xi32, #tpu.memory_space<vmem>>) target_semaphore(%run_scoped3A_93 : memref<!tpu.dma_semaphore, #tpu.memory_space<semaphore_mem>>)
      %dma_wait3A_100 = arith.constant 0 : i32
      %dma_wait3A_101 = tpu.memref_slice %arg3[%select_n3A, %run_scoped3A, %dma_wait3A_100] : memref<4x1x750xi32, #tpu.memory_space<hbm>> -> memref<1x1x750xi32, #tpu.memory_space<hbm>>
      %dma_wait3A_102 = tpu.memref_squeeze %dma_wait3A_101 : memref<1x1x750xi32, #tpu.memory_space<hbm>> -> memref<750xi32, #tpu.memory_space<hbm>>
      %dma_wait3A_103 = arith.constant 0 : i32
      %dma_wait3A_104 = tpu.memref_slice %arg3[%select_n3A, %run_scoped3A, %dma_wait3A_103] : memref<4x1x750xi32, #tpu.memory_space<hbm>> -> memref<1x1x750xi32, #tpu.memory_space<hbm>>
      %dma_wait3A_105 = tpu.memref_squeeze %dma_wait3A_104 : memref<1x1x750xi32, #tpu.memory_space<hbm>> -> memref<750xi32, #tpu.memory_space<hbm>>
      tpu.wait_dma2 semaphore(%run_scoped3A_93 : memref<!tpu.dma_semaphore, #tpu.memory_space<semaphore_mem>>) src(%dma_wait3A_105 : memref<750xi32, #tpu.memory_space<hbm>>) dst(%arg6 : memref<750xi32, #tpu.memory_space<vmem>>)
      tpu.yield
    }) : () -> ()
    %add3A_35 = arith.constant 0 : i32
    %add3A_36 = arith.addi %mul3A_34, %add3A_35 : i32
    %min3A = arith.constant 736 : i32
    %min3A_37 = arith.minsi %add3A_36, %min3A : i32
    %multiple_of3A = tpu.assume_multiple %min3A_37, 8 : i32
    %dma_start3A = tpu.memref_slice %arg6[%multiple_of3A] : memref<750xi32, #tpu.memory_space<vmem>> -> memref<8xi32, #tpu.memory_space<vmem>>
    %dma_start3A_38 = arith.constant 0 : i32
    %dma_start3A_39 = arith.constant 0 : i32
    %dma_start3A_40 = tpu.memref_slice %arg2[%dma_start3A_38, %dma_start3A_39] : memref<1024x3328xf32, #tpu.memory_space<hbm>> -> memref<1024x3328xf32, #tpu.memory_space<hbm>>
    tpu.enqueue_indirect_dma source(%dma_start3A_40 : memref<1024x3328xf32, #tpu.memory_space<hbm>>) target(%arg7 : memref<8x3328xf32, #tpu.memory_space<vmem>>) offsets(%dma_start3A : memref<8xi32, #tpu.memory_space<vmem>>) semaphore(%arg11 : memref<!tpu.dma_semaphore, #tpu.memory_space<semaphore_mem>>)
    %add3A_41 = arith.constant 8 : i32
    %add3A_42 = arith.addi %mul3A_34, %add3A_41 : i32
    %min3A_43 = arith.constant 736 : i32
    %min3A_44 = arith.minsi %add3A_42, %min3A_43 : i32
    %multiple_of3A_45 = tpu.assume_multiple %min3A_44, 8 : i32
    %dma_start3A_46 = tpu.memref_slice %arg6[%multiple_of3A_45] : memref<750xi32, #tpu.memory_space<vmem>> -> memref<8xi32, #tpu.memory_space<vmem>>
    %dma_start3A_47 = arith.constant 0 : i32
    %dma_start3A_48 = arith.constant 0 : i32
    %dma_start3A_49 = tpu.memref_slice %arg2[%dma_start3A_47, %dma_start3A_48] : memref<1024x3328xf32, #tpu.memory_space<hbm>> -> memref<1024x3328xf32, #tpu.memory_space<hbm>>
    tpu.enqueue_indirect_dma source(%dma_start3A_49 : memref<1024x3328xf32, #tpu.memory_space<hbm>>) target(%arg8 : memref<8x3328xf32, #tpu.memory_space<vmem>>) offsets(%dma_start3A_46 : memref<8xi32, #tpu.memory_space<vmem>>) semaphore(%arg12 : memref<!tpu.dma_semaphore, #tpu.memory_space<semaphore_mem>>)
    %scan3A = arith.constant 0 : i32
    %scan3A_50 = arith.constant 3 : i32
    %scan3A_51 = arith.addi %scan3A, %scan3A_50 : i32
    %scan3A_52 = arith.constant 1 : i32
    scf.for %scan3A_93 = %scan3A to %scan3A_51 step %scan3A_52  : i32 {
      %mul3A_94 = arith.constant 1 : i32
      %mul3A_95 = arith.muli %scan3A_93, %mul3A_94 : i32
      %add3A_96 = arith.constant 0 : i32
      %add3A_97 = arith.addi %add3A_96, %mul3A_95 : i32
      %mul3A_98 = arith.constant 4 : i32
      %mul3A_99 = arith.muli %add3A_97, %mul3A_98 : i32
      %mul3A_100 = arith.constant 8 : i32
      %mul3A_101 = arith.muli %mul3A_99, %mul3A_100 : i32
      %add3A_102 = arith.addi %mul3A_34, %mul3A_101 : i32
      %min3A_103 = arith.constant 736 : i32
      %min3A_104 = arith.minsi %add3A_102, %min3A_103 : i32
      %multiple_of3A_105 = tpu.assume_multiple %min3A_104, 8 : i32
      %dma_wait3A_106 = tpu.memref_slice %arg6[%multiple_of3A_105] : memref<750xi32, #tpu.memory_space<vmem>> -> memref<8xi32, #tpu.memory_space<vmem>>
      %dma_wait3A_107 = arith.constant 0 : i32
      %dma_wait3A_108 = arith.constant 0 : i32
      %dma_wait3A_109 = tpu.memref_slice %arg2[%dma_wait3A_107, %dma_wait3A_108] : memref<1024x3328xf32, #tpu.memory_space<hbm>> -> memref<1024x3328xf32, #tpu.memory_space<hbm>>
      tpu.wait_indirect_dma semaphore(%arg11 : memref<!tpu.dma_semaphore, #tpu.memory_space<semaphore_mem>>) src(%dma_wait3A_109 : memref<1024x3328xf32, #tpu.memory_space<hbm>>) dst(%arg7 : memref<8x3328xf32, #tpu.memory_space<vmem>>)
      %add3A_110 = arith.constant 1 : i32
      %add3A_111 = arith.addi %mul3A_99, %add3A_110 : i32
      %mul3A_112 = arith.constant 8 : i32
      %mul3A_113 = arith.muli %add3A_111, %mul3A_112 : i32
      %add3A_114 = arith.addi %mul3A_34, %mul3A_113 : i32
      %min3A_115 = arith.constant 736 : i32
      %min3A_116 = arith.minsi %add3A_114, %min3A_115 : i32
      %multiple_of3A_117 = tpu.assume_multiple %min3A_116, 8 : i32
      %dma_wait3A_118 = tpu.memref_slice %arg6[%multiple_of3A_117] : memref<750xi32, #tpu.memory_space<vmem>> -> memref<8xi32, #tpu.memory_space<vmem>>
      %dma_wait3A_119 = arith.constant 0 : i32
      %dma_wait3A_120 = arith.constant 0 : i32
      %dma_wait3A_121 = tpu.memref_slice %arg2[%dma_wait3A_119, %dma_wait3A_120] : memref<1024x3328xf32, #tpu.memory_space<hbm>> -> memref<1024x3328xf32, #tpu.memory_space<hbm>>
      tpu.wait_indirect_dma semaphore(%arg12 : memref<!tpu.dma_semaphore, #tpu.memory_space<semaphore_mem>>) src(%dma_wait3A_121 : memref<1024x3328xf32, #tpu.memory_space<hbm>>) dst(%arg8 : memref<8x3328xf32, #tpu.memory_space<vmem>>)
      %gt3A = arith.constant 0 : i32
      %gt3A_122 = arith.cmpi sgt, %add3A_97, %gt3A : i32
      %convert_element_type3A = arith.extui %gt3A_122 : i1 to i32
      %cond3A = arith.constant 0 : i32
      %cond3A_123 = arith.cmpi ne, %convert_element_type3A, %cond3A : i32
      scf.if %cond3A_123 {
        %sub3A_276 = arith.constant 2 : i32
        %sub3A_277 = arith.subi %mul3A_99, %sub3A_276 : i32
        %mul3A_278 = arith.constant 8 : i32
        %mul3A_279 = arith.muli %sub3A_277, %mul3A_278 : i32
        %add3A_280 = arith.addi %mul3A_34, %mul3A_279 : i32
        %min3A_281 = arith.constant 736 : i32
        %min3A_282 = arith.minsi %add3A_280, %min3A_281 : i32
        %multiple_of3A_283 = tpu.assume_multiple %min3A_282, 8 : i32
        %dma_wait3A_284 = arith.constant 0 : i32
        %dma_wait3A_285 = tpu.memref_slice %arg4[%add3A_32, %multiple_of3A_283, %dma_wait3A_284] : memref<16x750x3328xf32, #tpu.memory_space<hbm>> -> memref<1x8x3328xf32, #tpu.memory_space<hbm>>
        %dma_wait3A_286 = tpu.memref_squeeze %dma_wait3A_285 : memref<1x8x3328xf32, #tpu.memory_space<hbm>> -> memref<8x3328xf32, #tpu.memory_space<hbm>>
        %dma_wait3A_287 = arith.constant 0 : i32
        %dma_wait3A_288 = tpu.memref_slice %arg4[%add3A_32, %multiple_of3A_283, %dma_wait3A_287] : memref<16x750x3328xf32, #tpu.memory_space<hbm>> -> memref<1x8x3328xf32, #tpu.memory_space<hbm>>
        %dma_wait3A_289 = tpu.memref_squeeze %dma_wait3A_288 : memref<1x8x3328xf32, #tpu.memory_space<hbm>> -> memref<8x3328xf32, #tpu.memory_space<hbm>>
        tpu.wait_dma2 semaphore(%arg17 : memref<!tpu.dma_semaphore, #tpu.memory_space<semaphore_mem>>) src(%arg9 : memref<8x3328xf32, #tpu.memory_space<vmem>>) dst(%dma_wait3A_289 : memref<8x3328xf32, #tpu.memory_space<hbm>>)
        %sub3A_290 = arith.constant 1 : i32
        %sub3A_291 = arith.subi %mul3A_99, %sub3A_290 : i32
        %mul3A_292 = arith.constant 8 : i32
        %mul3A_293 = arith.muli %sub3A_291, %mul3A_292 : i32
        %add3A_294 = arith.addi %mul3A_34, %mul3A_293 : i32
        %min3A_295 = arith.constant 736 : i32
        %min3A_296 = arith.minsi %add3A_294, %min3A_295 : i32
        %multiple_of3A_297 = tpu.assume_multiple %min3A_296, 8 : i32
        %dma_wait3A_298 = arith.constant 0 : i32
        %dma_wait3A_299 = tpu.memref_slice %arg4[%add3A_32, %multiple_of3A_297, %dma_wait3A_298] : memref<16x750x3328xf32, #tpu.memory_space<hbm>> -> memref<1x8x3328xf32, #tpu.memory_space<hbm>>
        %dma_wait3A_300 = tpu.memref_squeeze %dma_wait3A_299 : memref<1x8x3328xf32, #tpu.memory_space<hbm>> -> memref<8x3328xf32, #tpu.memory_space<hbm>>
        %dma_wait3A_301 = arith.constant 0 : i32
        %dma_wait3A_302 = tpu.memref_slice %arg4[%add3A_32, %multiple_of3A_297, %dma_wait3A_301] : memref<16x750x3328xf32, #tpu.memory_space<hbm>> -> memref<1x8x3328xf32, #tpu.memory_space<hbm>>
        %dma_wait3A_303 = tpu.memref_squeeze %dma_wait3A_302 : memref<1x8x3328xf32, #tpu.memory_space<hbm>> -> memref<8x3328xf32, #tpu.memory_space<hbm>>
        tpu.wait_dma2 semaphore(%arg18 : memref<!tpu.dma_semaphore, #tpu.memory_space<semaphore_mem>>) src(%arg10 : memref<8x3328xf32, #tpu.memory_space<vmem>>) dst(%dma_wait3A_303 : memref<8x3328xf32, #tpu.memory_space<hbm>>)
      } else {
      }
      %add3A_124 = arith.constant 2 : i32
      %add3A_125 = arith.addi %mul3A_99, %add3A_124 : i32
      %mul3A_126 = arith.constant 8 : i32
      %mul3A_127 = arith.muli %add3A_125, %mul3A_126 : i32
      %add3A_128 = arith.addi %mul3A_34, %mul3A_127 : i32
      %min3A_129 = arith.constant 736 : i32
      %min3A_130 = arith.minsi %add3A_128, %min3A_129 : i32
      %multiple_of3A_131 = tpu.assume_multiple %min3A_130, 8 : i32
      %dma_start3A_132 = tpu.memref_slice %arg6[%multiple_of3A_131] : memref<750xi32, #tpu.memory_space<vmem>> -> memref<8xi32, #tpu.memory_space<vmem>>
      %dma_start3A_133 = arith.constant 0 : i32
      %dma_start3A_134 = arith.constant 0 : i32
      %dma_start3A_135 = tpu.memref_slice %arg2[%dma_start3A_133, %dma_start3A_134] : memref<1024x3328xf32, #tpu.memory_space<hbm>> -> memref<1024x3328xf32, #tpu.memory_space<hbm>>
      tpu.enqueue_indirect_dma source(%dma_start3A_135 : memref<1024x3328xf32, #tpu.memory_space<hbm>>) target(%arg9 : memref<8x3328xf32, #tpu.memory_space<vmem>>) offsets(%dma_start3A_132 : memref<8xi32, #tpu.memory_space<vmem>>) semaphore(%arg13 : memref<!tpu.dma_semaphore, #tpu.memory_space<semaphore_mem>>)
      %add3A_136 = arith.constant 3 : i32
      %add3A_137 = arith.addi %mul3A_99, %add3A_136 : i32
      %mul3A_138 = arith.constant 8 : i32
      %mul3A_139 = arith.muli %add3A_137, %mul3A_138 : i32
      %add3A_140 = arith.addi %mul3A_34, %mul3A_139 : i32
      %min3A_141 = arith.constant 736 : i32
      %min3A_142 = arith.minsi %add3A_140, %min3A_141 : i32
      %multiple_of3A_143 = tpu.assume_multiple %min3A_142, 8 : i32
      %dma_start3A_144 = tpu.memref_slice %arg6[%multiple_of3A_143] : memref<750xi32, #tpu.memory_space<vmem>> -> memref<8xi32, #tpu.memory_space<vmem>>
      %dma_start3A_145 = arith.constant 0 : i32
      %dma_start3A_146 = arith.constant 0 : i32
      %dma_start3A_147 = tpu.memref_slice %arg2[%dma_start3A_145, %dma_start3A_146] : memref<1024x3328xf32, #tpu.memory_space<hbm>> -> memref<1024x3328xf32, #tpu.memory_space<hbm>>
      tpu.enqueue_indirect_dma source(%dma_start3A_147 : memref<1024x3328xf32, #tpu.memory_space<hbm>>) target(%arg10 : memref<8x3328xf32, #tpu.memory_space<vmem>>) offsets(%dma_start3A_144 : memref<8xi32, #tpu.memory_space<vmem>>) semaphore(%arg14 : memref<!tpu.dma_semaphore, #tpu.memory_space<semaphore_mem>>)
      %mul3A_148 = arith.constant 8 : i32
      %mul3A_149 = arith.muli %mul3A_99, %mul3A_148 : i32
      %add3A_150 = arith.addi %mul3A_34, %mul3A_149 : i32
      %min3A_151 = arith.constant 736 : i32
      %min3A_152 = arith.minsi %add3A_150, %min3A_151 : i32
      %multiple_of3A_153 = tpu.assume_multiple %min3A_152, 8 : i32
      %dma_start3A_154 = arith.constant 0 : i32
      %dma_start3A_155 = tpu.memref_slice %arg4[%add3A_32, %multiple_of3A_153, %dma_start3A_154] : memref<16x750x3328xf32, #tpu.memory_space<hbm>> -> memref<1x8x3328xf32, #tpu.memory_space<hbm>>
      %dma_start3A_156 = tpu.memref_squeeze %dma_start3A_155 : memref<1x8x3328xf32, #tpu.memory_space<hbm>> -> memref<8x3328xf32, #tpu.memory_space<hbm>>
      %dma_start3A_157 = arith.constant 0 : i32
      %dma_start3A_158 = tpu.memref_slice %arg4[%add3A_32, %multiple_of3A_153, %dma_start3A_157] : memref<16x750x3328xf32, #tpu.memory_space<hbm>> -> memref<1x8x3328xf32, #tpu.memory_space<hbm>>
      %dma_start3A_159 = tpu.memref_squeeze %dma_start3A_158 : memref<1x8x3328xf32, #tpu.memory_space<hbm>> -> memref<8x3328xf32, #tpu.memory_space<hbm>>
      tpu.enqueue_dma source(%arg7 : memref<8x3328xf32, #tpu.memory_space<vmem>>) target(%dma_start3A_159 : memref<8x3328xf32, #tpu.memory_space<hbm>>) target_semaphore(%arg15 : memref<!tpu.dma_semaphore, #tpu.memory_space<semaphore_mem>>)
      %add3A_160 = arith.constant 1 : i32
      %add3A_161 = arith.addi %mul3A_99, %add3A_160 : i32
      %mul3A_162 = arith.constant 8 : i32
      %mul3A_163 = arith.muli %add3A_161, %mul3A_162 : i32
      %add3A_164 = arith.addi %mul3A_34, %mul3A_163 : i32
      %min3A_165 = arith.constant 736 : i32
      %min3A_166 = arith.minsi %add3A_164, %min3A_165 : i32
      %multiple_of3A_167 = tpu.assume_multiple %min3A_166, 8 : i32
      %dma_start3A_168 = arith.constant 0 : i32
      %dma_start3A_169 = tpu.memref_slice %arg4[%add3A_32, %multiple_of3A_167, %dma_start3A_168] : memref<16x750x3328xf32, #tpu.memory_space<hbm>> -> memref<1x8x3328xf32, #tpu.memory_space<hbm>>
      %dma_start3A_170 = tpu.memref_squeeze %dma_start3A_169 : memref<1x8x3328xf32, #tpu.memory_space<hbm>> -> memref<8x3328xf32, #tpu.memory_space<hbm>>
      %dma_start3A_171 = arith.constant 0 : i32
      %dma_start3A_172 = tpu.memref_slice %arg4[%add3A_32, %multiple_of3A_167, %dma_start3A_171] : memref<16x750x3328xf32, #tpu.memory_space<hbm>> -> memref<1x8x3328xf32, #tpu.memory_space<hbm>>
      %dma_start3A_173 = tpu.memref_squeeze %dma_start3A_172 : memref<1x8x3328xf32, #tpu.memory_space<hbm>> -> memref<8x3328xf32, #tpu.memory_space<hbm>>
      tpu.enqueue_dma source(%arg8 : memref<8x3328xf32, #tpu.memory_space<vmem>>) target(%dma_start3A_173 : memref<8x3328xf32, #tpu.memory_space<hbm>>) target_semaphore(%arg16 : memref<!tpu.dma_semaphore, #tpu.memory_space<semaphore_mem>>)
      %add3A_174 = arith.constant 2 : i32
      %add3A_175 = arith.addi %mul3A_99, %add3A_174 : i32
      %mul3A_176 = arith.constant 8 : i32
      %mul3A_177 = arith.muli %add3A_175, %mul3A_176 : i32
      %add3A_178 = arith.addi %mul3A_34, %mul3A_177 : i32
      %min3A_179 = arith.constant 736 : i32
      %min3A_180 = arith.minsi %add3A_178, %min3A_179 : i32
      %multiple_of3A_181 = tpu.assume_multiple %min3A_180, 8 : i32
      %dma_wait3A_182 = tpu.memref_slice %arg6[%multiple_of3A_181] : memref<750xi32, #tpu.memory_space<vmem>> -> memref<8xi32, #tpu.memory_space<vmem>>
      %dma_wait3A_183 = arith.constant 0 : i32
      %dma_wait3A_184 = arith.constant 0 : i32
      %dma_wait3A_185 = tpu.memref_slice %arg2[%dma_wait3A_183, %dma_wait3A_184] : memref<1024x3328xf32, #tpu.memory_space<hbm>> -> memref<1024x3328xf32, #tpu.memory_space<hbm>>
      tpu.wait_indirect_dma semaphore(%arg13 : memref<!tpu.dma_semaphore, #tpu.memory_space<semaphore_mem>>) src(%dma_wait3A_185 : memref<1024x3328xf32, #tpu.memory_space<hbm>>) dst(%arg9 : memref<8x3328xf32, #tpu.memory_space<vmem>>)
      %add3A_186 = arith.constant 3 : i32
      %add3A_187 = arith.addi %mul3A_99, %add3A_186 : i32
      %mul3A_188 = arith.constant 8 : i32
      %mul3A_189 = arith.muli %add3A_187, %mul3A_188 : i32
      %add3A_190 = arith.addi %mul3A_34, %mul3A_189 : i32
      %min3A_191 = arith.constant 736 : i32
      %min3A_192 = arith.minsi %add3A_190, %min3A_191 : i32
      %multiple_of3A_193 = tpu.assume_multiple %min3A_192, 8 : i32
      %dma_wait3A_194 = tpu.memref_slice %arg6[%multiple_of3A_193] : memref<750xi32, #tpu.memory_space<vmem>> -> memref<8xi32, #tpu.memory_space<vmem>>
      %dma_wait3A_195 = arith.constant 0 : i32
      %dma_wait3A_196 = arith.constant 0 : i32
      %dma_wait3A_197 = tpu.memref_slice %arg2[%dma_wait3A_195, %dma_wait3A_196] : memref<1024x3328xf32, #tpu.memory_space<hbm>> -> memref<1024x3328xf32, #tpu.memory_space<hbm>>
      tpu.wait_indirect_dma semaphore(%arg14 : memref<!tpu.dma_semaphore, #tpu.memory_space<semaphore_mem>>) src(%dma_wait3A_197 : memref<1024x3328xf32, #tpu.memory_space<hbm>>) dst(%arg10 : memref<8x3328xf32, #tpu.memory_space<vmem>>)
      %mul3A_198 = arith.constant 8 : i32
      %mul3A_199 = arith.muli %mul3A_99, %mul3A_198 : i32
      %add3A_200 = arith.addi %mul3A_34, %mul3A_199 : i32
      %min3A_201 = arith.constant 736 : i32
      %min3A_202 = arith.minsi %add3A_200, %min3A_201 : i32
      %multiple_of3A_203 = tpu.assume_multiple %min3A_202, 8 : i32
      %dma_wait3A_204 = arith.constant 0 : i32
      %dma_wait3A_205 = tpu.memref_slice %arg4[%add3A_32, %multiple_of3A_203, %dma_wait3A_204] : memref<16x750x3328xf32, #tpu.memory_space<hbm>> -> memref<1x8x3328xf32, #tpu.memory_space<hbm>>
      %dma_wait3A_206 = tpu.memref_squeeze %dma_wait3A_205 : memref<1x8x3328xf32, #tpu.memory_space<hbm>> -> memref<8x3328xf32, #tpu.memory_space<hbm>>
      %dma_wait3A_207 = arith.constant 0 : i32
      %dma_wait3A_208 = tpu.memref_slice %arg4[%add3A_32, %multiple_of3A_203, %dma_wait3A_207] : memref<16x750x3328xf32, #tpu.memory_space<hbm>> -> memref<1x8x3328xf32, #tpu.memory_space<hbm>>
      %dma_wait3A_209 = tpu.memref_squeeze %dma_wait3A_208 : memref<1x8x3328xf32, #tpu.memory_space<hbm>> -> memref<8x3328xf32, #tpu.memory_space<hbm>>
      tpu.wait_dma2 semaphore(%arg15 : memref<!tpu.dma_semaphore, #tpu.memory_space<semaphore_mem>>) src(%arg7 : memref<8x3328xf32, #tpu.memory_space<vmem>>) dst(%dma_wait3A_209 : memref<8x3328xf32, #tpu.memory_space<hbm>>)
      %add3A_210 = arith.constant 1 : i32
      %add3A_211 = arith.addi %mul3A_99, %add3A_210 : i32
      %mul3A_212 = arith.constant 8 : i32
      %mul3A_213 = arith.muli %add3A_211, %mul3A_212 : i32
      %add3A_214 = arith.addi %mul3A_34, %mul3A_213 : i32
      %min3A_215 = arith.constant 736 : i32
      %min3A_216 = arith.minsi %add3A_214, %min3A_215 : i32
      %multiple_of3A_217 = tpu.assume_multiple %min3A_216, 8 : i32
      %dma_wait3A_218 = arith.constant 0 : i32
      %dma_wait3A_219 = tpu.memref_slice %arg4[%add3A_32, %multiple_of3A_217, %dma_wait3A_218] : memref<16x750x3328xf32, #tpu.memory_space<hbm>> -> memref<1x8x3328xf32, #tpu.memory_space<hbm>>
      %dma_wait3A_220 = tpu.memref_squeeze %dma_wait3A_219 : memref<1x8x3328xf32, #tpu.memory_space<hbm>> -> memref<8x3328xf32, #tpu.memory_space<hbm>>
      %dma_wait3A_221 = arith.constant 0 : i32
      %dma_wait3A_222 = tpu.memref_slice %arg4[%add3A_32, %multiple_of3A_217, %dma_wait3A_221] : memref<16x750x3328xf32, #tpu.memory_space<hbm>> -> memref<1x8x3328xf32, #tpu.memory_space<hbm>>
      %dma_wait3A_223 = tpu.memref_squeeze %dma_wait3A_222 : memref<1x8x3328xf32, #tpu.memory_space<hbm>> -> memref<8x3328xf32, #tpu.memory_space<hbm>>
      tpu.wait_dma2 semaphore(%arg16 : memref<!tpu.dma_semaphore, #tpu.memory_space<semaphore_mem>>) src(%arg8 : memref<8x3328xf32, #tpu.memory_space<vmem>>) dst(%dma_wait3A_223 : memref<8x3328xf32, #tpu.memory_space<hbm>>)
      %add3A_224 = arith.constant 4 : i32
      %add3A_225 = arith.addi %mul3A_99, %add3A_224 : i32
      %mul3A_226 = arith.constant 8 : i32
      %mul3A_227 = arith.muli %add3A_225, %mul3A_226 : i32
      %add3A_228 = arith.addi %mul3A_34, %mul3A_227 : i32
      %min3A_229 = arith.constant 736 : i32
      %min3A_230 = arith.minsi %add3A_228, %min3A_229 : i32
      %multiple_of3A_231 = tpu.assume_multiple %min3A_230, 8 : i32
      %dma_start3A_232 = tpu.memref_slice %arg6[%multiple_of3A_231] : memref<750xi32, #tpu.memory_space<vmem>> -> memref<8xi32, #tpu.memory_space<vmem>>
      %dma_start3A_233 = arith.constant 0 : i32
      %dma_start3A_234 = arith.constant 0 : i32
      %dma_start3A_235 = tpu.memref_slice %arg2[%dma_start3A_233, %dma_start3A_234] : memref<1024x3328xf32, #tpu.memory_space<hbm>> -> memref<1024x3328xf32, #tpu.memory_space<hbm>>
      tpu.enqueue_indirect_dma source(%dma_start3A_235 : memref<1024x3328xf32, #tpu.memory_space<hbm>>) target(%arg7 : memref<8x3328xf32, #tpu.memory_space<vmem>>) offsets(%dma_start3A_232 : memref<8xi32, #tpu.memory_space<vmem>>) semaphore(%arg11 : memref<!tpu.dma_semaphore, #tpu.memory_space<semaphore_mem>>)
      %add3A_236 = arith.constant 5 : i32
      %add3A_237 = arith.addi %mul3A_99, %add3A_236 : i32
      %mul3A_238 = arith.constant 8 : i32
      %mul3A_239 = arith.muli %add3A_237, %mul3A_238 : i32
      %add3A_240 = arith.addi %mul3A_34, %mul3A_239 : i32
      %min3A_241 = arith.constant 736 : i32
      %min3A_242 = arith.minsi %add3A_240, %min3A_241 : i32
      %multiple_of3A_243 = tpu.assume_multiple %min3A_242, 8 : i32
      %dma_start3A_244 = tpu.memref_slice %arg6[%multiple_of3A_243] : memref<750xi32, #tpu.memory_space<vmem>> -> memref<8xi32, #tpu.memory_space<vmem>>
      %dma_start3A_245 = arith.constant 0 : i32
      %dma_start3A_246 = arith.constant 0 : i32
      %dma_start3A_247 = tpu.memref_slice %arg2[%dma_start3A_245, %dma_start3A_246] : memref<1024x3328xf32, #tpu.memory_space<hbm>> -> memref<1024x3328xf32, #tpu.memory_space<hbm>>
      tpu.enqueue_indirect_dma source(%dma_start3A_247 : memref<1024x3328xf32, #tpu.memory_space<hbm>>) target(%arg8 : memref<8x3328xf32, #tpu.memory_space<vmem>>) offsets(%dma_start3A_244 : memref<8xi32, #tpu.memory_space<vmem>>) semaphore(%arg12 : memref<!tpu.dma_semaphore, #tpu.memory_space<semaphore_mem>>)
      %add3A_248 = arith.constant 2 : i32
      %add3A_249 = arith.addi %mul3A_99, %add3A_248 : i32
      %mul3A_250 = arith.constant 8 : i32
      %mul3A_251 = arith.muli %add3A_249, %mul3A_250 : i32
      %add3A_252 = arith.addi %mul3A_34, %mul3A_251 : i32
      %min3A_253 = arith.constant 736 : i32
      %min3A_254 = arith.minsi %add3A_252, %min3A_253 : i32
      %multiple_of3A_255 = tpu.assume_multiple %min3A_254, 8 : i32
      %dma_start3A_256 = arith.constant 0 : i32
      %dma_start3A_257 = tpu.memref_slice %arg4[%add3A_32, %multiple_of3A_255, %dma_start3A_256] : memref<16x750x3328xf32, #tpu.memory_space<hbm>> -> memref<1x8x3328xf32, #tpu.memory_space<hbm>>
      %dma_start3A_258 = tpu.memref_squeeze %dma_start3A_257 : memref<1x8x3328xf32, #tpu.memory_space<hbm>> -> memref<8x3328xf32, #tpu.memory_space<hbm>>
      %dma_start3A_259 = arith.constant 0 : i32
      %dma_start3A_260 = tpu.memref_slice %arg4[%add3A_32, %multiple_of3A_255, %dma_start3A_259] : memref<16x750x3328xf32, #tpu.memory_space<hbm>> -> memref<1x8x3328xf32, #tpu.memory_space<hbm>>
      %dma_start3A_261 = tpu.memref_squeeze %dma_start3A_260 : memref<1x8x3328xf32, #tpu.memory_space<hbm>> -> memref<8x3328xf32, #tpu.memory_space<hbm>>
      tpu.enqueue_dma source(%arg9 : memref<8x3328xf32, #tpu.memory_space<vmem>>) target(%dma_start3A_261 : memref<8x3328xf32, #tpu.memory_space<hbm>>) target_semaphore(%arg17 : memref<!tpu.dma_semaphore, #tpu.memory_space<semaphore_mem>>)
      %add3A_262 = arith.constant 3 : i32
      %add3A_263 = arith.addi %mul3A_99, %add3A_262 : i32
      %mul3A_264 = arith.constant 8 : i32
      %mul3A_265 = arith.muli %add3A_263, %mul3A_264 : i32
      %add3A_266 = arith.addi %mul3A_34, %mul3A_265 : i32
      %min3A_267 = arith.constant 736 : i32
      %min3A_268 = arith.minsi %add3A_266, %min3A_267 : i32
      %multiple_of3A_269 = tpu.assume_multiple %min3A_268, 8 : i32
      %dma_start3A_270 = arith.constant 0 : i32
      %dma_start3A_271 = tpu.memref_slice %arg4[%add3A_32, %multiple_of3A_269, %dma_start3A_270] : memref<16x750x3328xf32, #tpu.memory_space<hbm>> -> memref<1x8x3328xf32, #tpu.memory_space<hbm>>
      %dma_start3A_272 = tpu.memref_squeeze %dma_start3A_271 : memref<1x8x3328xf32, #tpu.memory_space<hbm>> -> memref<8x3328xf32, #tpu.memory_space<hbm>>
      %dma_start3A_273 = arith.constant 0 : i32
      %dma_start3A_274 = tpu.memref_slice %arg4[%add3A_32, %multiple_of3A_269, %dma_start3A_273] : memref<16x750x3328xf32, #tpu.memory_space<hbm>> -> memref<1x8x3328xf32, #tpu.memory_space<hbm>>
      %dma_start3A_275 = tpu.memref_squeeze %dma_start3A_274 : memref<1x8x3328xf32, #tpu.memory_space<hbm>> -> memref<8x3328xf32, #tpu.memory_space<hbm>>
      tpu.enqueue_dma source(%arg10 : memref<8x3328xf32, #tpu.memory_space<vmem>>) target(%dma_start3A_275 : memref<8x3328xf32, #tpu.memory_space<hbm>>) target_semaphore(%arg18 : memref<!tpu.dma_semaphore, #tpu.memory_space<semaphore_mem>>)
    }
    %scan3A_53 = arith.constant 3 : i32
    %add3A_54 = arith.constant 96 : i32
    %add3A_55 = arith.addi %mul3A_34, %add3A_54 : i32
    %min3A_56 = arith.constant 736 : i32
    %min3A_57 = arith.minsi %add3A_55, %min3A_56 : i32
    %multiple_of3A_58 = tpu.assume_multiple %min3A_57, 8 : i32
    %dma_wait3A = tpu.memref_slice %arg6[%multiple_of3A_58] : memref<750xi32, #tpu.memory_space<vmem>> -> memref<8xi32, #tpu.memory_space<vmem>>
    %dma_wait3A_59 = arith.constant 0 : i32
    %dma_wait3A_60 = arith.constant 0 : i32
    %dma_wait3A_61 = tpu.memref_slice %arg2[%dma_wait3A_59, %dma_wait3A_60] : memref<1024x3328xf32, #tpu.memory_space<hbm>> -> memref<1024x3328xf32, #tpu.memory_space<hbm>>
    tpu.wait_indirect_dma semaphore(%arg11 : memref<!tpu.dma_semaphore, #tpu.memory_space<semaphore_mem>>) src(%dma_wait3A_61 : memref<1024x3328xf32, #tpu.memory_space<hbm>>) dst(%arg7 : memref<8x3328xf32, #tpu.memory_space<vmem>>)
    %add3A_62 = arith.constant 104 : i32
    %add3A_63 = arith.addi %mul3A_34, %add3A_62 : i32
    %min3A_64 = arith.constant 736 : i32
    %min3A_65 = arith.minsi %add3A_63, %min3A_64 : i32
    %multiple_of3A_66 = tpu.assume_multiple %min3A_65, 8 : i32
    %dma_wait3A_67 = tpu.memref_slice %arg6[%multiple_of3A_66] : memref<750xi32, #tpu.memory_space<vmem>> -> memref<8xi32, #tpu.memory_space<vmem>>
    %dma_wait3A_68 = arith.constant 0 : i32
    %dma_wait3A_69 = arith.constant 0 : i32
    %dma_wait3A_70 = tpu.memref_slice %arg2[%dma_wait3A_68, %dma_wait3A_69] : memref<1024x3328xf32, #tpu.memory_space<hbm>> -> memref<1024x3328xf32, #tpu.memory_space<hbm>>
    tpu.wait_indirect_dma semaphore(%arg12 : memref<!tpu.dma_semaphore, #tpu.memory_space<semaphore_mem>>) src(%dma_wait3A_70 : memref<1024x3328xf32, #tpu.memory_space<hbm>>) dst(%arg8 : memref<8x3328xf32, #tpu.memory_space<vmem>>)
    %add3A_71 = arith.constant 80 : i32
    %add3A_72 = arith.addi %mul3A_34, %add3A_71 : i32
    %min3A_73 = arith.constant 736 : i32
    %min3A_74 = arith.minsi %add3A_72, %min3A_73 : i32
    %multiple_of3A_75 = tpu.assume_multiple %min3A_74, 8 : i32
    %dma_wait3A_76 = arith.constant 0 : i32
    %dma_wait3A_77 = tpu.memref_slice %arg4[%add3A_32, %multiple_of3A_75, %dma_wait3A_76] : memref<16x750x3328xf32, #tpu.memory_space<hbm>> -> memref<1x8x3328xf32, #tpu.memory_space<hbm>>
    %dma_wait3A_78 = tpu.memref_squeeze %dma_wait3A_77 : memref<1x8x3328xf32, #tpu.memory_space<hbm>> -> memref<8x3328xf32, #tpu.memory_space<hbm>>
    %dma_wait3A_79 = arith.constant 0 : i32
    %dma_wait3A_80 = tpu.memref_slice %arg4[%add3A_32, %multiple_of3A_75, %dma_wait3A_79] : memref<16x750x3328xf32, #tpu.memory_space<hbm>> -> memref<1x8x3328xf32, #tpu.memory_space<hbm>>
    %dma_wait3A_81 = tpu.memref_squeeze %dma_wait3A_80 : memref<1x8x3328xf32, #tpu.memory_space<hbm>> -> memref<8x3328xf32, #tpu.memory_space<hbm>>
    tpu.wait_dma2 semaphore(%arg17 : memref<!tpu.dma_semaphore, #tpu.memory_space<semaphore_mem>>) src(%arg9 : memref<8x3328xf32, #tpu.memory_space<vmem>>) dst(%dma_wait3A_81 : memref<8x3328xf32, #tpu.memory_space<hbm>>)
    %add3A_82 = arith.constant 88 : i32
    %add3A_83 = arith.addi %mul3A_34, %add3A_82 : i32
    %min3A_84 = arith.constant 736 : i32
    %min3A_85 = arith.minsi %add3A_83, %min3A_84 : i32
    %multiple_of3A_86 = tpu.assume_multiple %min3A_85, 8 : i32
    %dma_wait3A_87 = arith.constant 0 : i32
    %dma_wait3A_88 = tpu.memref_slice %arg4[%add3A_32, %multiple_of3A_86, %dma_wait3A_87] : memref<16x750x3328xf32, #tpu.memory_space<hbm>> -> memref<1x8x3328xf32, #tpu.memory_space<hbm>>
    %dma_wait3A_89 = tpu.memref_squeeze %dma_wait3A_88 : memref<1x8x3328xf32, #tpu.memory_space<hbm>> -> memref<8x3328xf32, #tpu.memory_space<hbm>>
    %dma_wait3A_90 = arith.constant 0 : i32
    %dma_wait3A_91 = tpu.memref_slice %arg4[%add3A_32, %multiple_of3A_86, %dma_wait3A_90] : memref<16x750x3328xf32, #tpu.memory_space<hbm>> -> memref<1x8x3328xf32, #tpu.memory_space<hbm>>
    %dma_wait3A_92 = tpu.memref_squeeze %dma_wait3A_91 : memref<1x8x3328xf32, #tpu.memory_space<hbm>> -> memref<8x3328xf32, #tpu.memory_space<hbm>>
    tpu.wait_dma2 semaphore(%arg18 : memref<!tpu.dma_semaphore, #tpu.memory_space<semaphore_mem>>) src(%arg10 : memref<8x3328xf32, #tpu.memory_space<vmem>>) dst(%dma_wait3A_92 : memref<8x3328xf32, #tpu.memory_space<hbm>>)
    return
  }
}

module attributes {stable_mosaic.version = 14 : i64} {
  func.func @_dec_body(%arg0: memref<1024x256xf32, #tpu.memory_space<vmem>>, %arg1: memref<256x3328xbf16, #tpu.memory_space<vmem>>, %arg2: memref<1x3328xf32, #tpu.memory_space<vmem>>, %arg3: memref<1024x3328xf32, #tpu.memory_space<vmem>>) attributes {dimension_semantics = [], scalar_prefetch = 0 : i64, scratch_operands = 0 : i64, tpu.core_type = #tpu.core_type<tc>} {
    %get3A = arith.constant 0 : index
    %get3A_0 = arith.constant 0 : index
    %get3A_1 = vector.load %arg0[%get3A, %get3A_0] : memref<1024x256xf32, #tpu.memory_space<vmem>>, vector<1024x256xf32>
    %convert_element_type3A = arith.truncf %get3A_1 : vector<1024x256xf32> to vector<1024x256xbf16>
    %get3A_2 = arith.constant 0 : index
    %get3A_3 = arith.constant 0 : index
    %get3A_4 = vector.load %arg1[%get3A_2, %get3A_3] : memref<256x3328xbf16, #tpu.memory_space<vmem>>, vector<256x3328xbf16>
    %dot_general3A = arith.constant dense<0.000000e+00> : vector<1024x3328xf32>
    %dot_general3A_5 = tpu.matmul %convert_element_type3A, %get3A_4, %dot_general3A {dimension_numbers = #tpu.dot_dimension_numbers<[1], [0], [0], [1], [0, 0, 1, 1], [], []>, transpose_lhs_hint = false} : vector<1024x256xbf16>, vector<256x3328xbf16>, vector<1024x3328xf32> -> vector<1024x3328xf32>
    %get3A_6 = arith.constant 0 : index
    %get3A_7 = arith.constant 0 : index
    %get3A_8 = vector.load %arg2[%get3A_6, %get3A_7] : memref<1x3328xf32, #tpu.memory_space<vmem>>, vector<1x3328xf32>
    %add3A = vector.broadcast %get3A_8 : vector<1x3328xf32> to vector<1024x3328xf32>
    %add3A_9 = arith.addf %dot_general3A_5, %add3A : vector<1024x3328xf32>
    %swap3A = arith.constant 0 : index
    %swap3A_10 = arith.constant 0 : index
    %swap3A_11 = vector.load %arg3[%swap3A, %swap3A_10] : memref<1024x3328xf32, #tpu.memory_space<vmem>>, vector<1024x3328xf32>
    tpu.vector_store %arg3[%swap3A, %swap3A_10], %add3A_9 {strides = array<i32>} : memref<1024x3328xf32, #tpu.memory_space<vmem>>, vector<1024x3328xf32>,
    return
  }
}

module attributes {stable_mosaic.version = 14 : i64} {
  func.func @_main_body(%arg0: i32, %arg1: memref<1x750x1280xf32, #tpu.memory_space<vmem>>, %arg2: memref<1x750x1024xf32, #tpu.memory_space<vmem>>, %arg3: memref<1x750x1024xf32, #tpu.memory_space<vmem>>, %arg4: memref<1280x256xf32, #tpu.memory_space<vmem>>, %arg5: memref<1024x256xf32, #tpu.memory_space<vmem>>, %arg6: memref<1024x256xf32, #tpu.memory_space<vmem>>, %arg7: memref<1x256xf32, #tpu.memory_space<vmem>>, %arg8: memref<256x1024xf32, #tpu.memory_space<vmem>>, %arg9: memref<1024x256xbf16, #tpu.memory_space<vmem>>, %arg10: memref<256x3328xbf16, #tpu.memory_space<vmem>>, %arg11: memref<1x3328xf32, #tpu.memory_space<vmem>>, %arg12: memref<1x750x1xi32, #tpu.memory_space<vmem>>, %arg13: memref<1x8x3328xf32, #tpu.memory_space<vmem>>, %arg14: memref<1x1024xf32, #tpu.memory_space<vmem>>, %arg15: memref<1x1xf32, #tpu.memory_space<vmem>>, %arg16: memref<8x1024xf32, #tpu.memory_space<vmem>>, %arg17: memref<8x128xf32, #tpu.memory_space<vmem>>) attributes {dimension_semantics = [#tpu.dimension_semantics<arbitrary>], iteration_bounds = array<i64: 4>, scalar_prefetch = 0 : i64, scratch_operands = 2 : i64, tpu.core_type = #tpu.core_type<tc>, window_params = [{transform_indices = @transform_0, window_bounds = array<i64: 1, 750, 1280>}, {transform_indices = @transform_1, window_bounds = array<i64: 1, 750, 1024>}, {transform_indices = @transform_2, window_bounds = array<i64: 1, 750, 1024>}, {pipeline_mode = #tpu.pipeline_mode<synchronous>, transform_indices = @transform_3, window_bounds = array<i64: 1280, 256>}, {pipeline_mode = #tpu.pipeline_mode<synchronous>, transform_indices = @transform_4, window_bounds = array<i64: 1024, 256>}, {pipeline_mode = #tpu.pipeline_mode<synchronous>, transform_indices = @transform_5, window_bounds = array<i64: 1024, 256>}, {pipeline_mode = #tpu.pipeline_mode<synchronous>, transform_indices = @transform_6, window_bounds = array<i64: 1, 256>}, {pipeline_mode = #tpu.pipeline_mode<synchronous>, transform_indices = @transform_7, window_bounds = array<i64: 256, 1024>}, {pipeline_mode = #tpu.pipeline_mode<synchronous>, transform_indices = @transform_8, window_bounds = array<i64: 1024, 256>}, {pipeline_mode = #tpu.pipeline_mode<synchronous>, transform_indices = @transform_9, window_bounds = array<i64: 256, 3328>}, {pipeline_mode = #tpu.pipeline_mode<synchronous>, transform_indices = @transform_10, window_bounds = array<i64: 1, 3328>}, {transform_indices = @transform_11, window_bounds = array<i64: 1, 750, 1>}, {transform_indices = @transform_12, window_bounds = array<i64: 1, 8, 3328>}, {pipeline_mode = #tpu.pipeline_mode<synchronous>, transform_indices = @transform_13, window_bounds = array<i64: 1, 1024>}, {pipeline_mode = #tpu.pipeline_mode<synchronous>, transform_indices = @transform_14, window_bounds = array<i64: 1, 1>}]} {
    %eq3A = arith.constant 0 : i32
    %eq3A_0 = arith.cmpi eq, %arg0, %eq3A : i32
    %convert_element_type3A = arith.extui %eq3A_0 : i1 to i32
    %cond3A = arith.constant 0 : i32
    %cond3A_1 = arith.cmpi ne, %convert_element_type3A, %cond3A : i32
    scf.if %cond3A_1 {
      %broadcast_in_dim3A_131 = arith.constant 0.000000e+00 : f32
      %broadcast_in_dim3A_132 = vector.broadcast %broadcast_in_dim3A_131 : f32 to vector<8x1024xf32>
      %swap3A_133 = arith.constant 0 : index
      %swap3A_134 = arith.constant 0 : index
      %swap3A_135 = vector.load %arg16[%swap3A_133, %swap3A_134] : memref<8x1024xf32, #tpu.memory_space<vmem>>, vector<8x1024xf32>
      tpu.vector_store %arg16[%swap3A_133, %swap3A_134], %broadcast_in_dim3A_132 {strides = array<i32>} : memref<8x1024xf32, #tpu.memory_space<vmem>>, vector<8x1024xf32>,
      %get3A_136 = arith.constant 0 : index
      %get3A_137 = arith.constant 0 : index
      %get3A_138 = vector.load %arg8[%get3A_136, %get3A_137] : memref<256x1024xf32, #tpu.memory_space<vmem>>, vector<256x1024xf32>
      %mul3A_139 = arith.mulf %get3A_138, %get3A_138 : vector<256x1024xf32>
      %reduce_sum3A_140 = arith.constant dense<0.000000e+00> : vector<1024xf32>
      %reduce_sum3A_141 = vector.multi_reduction <add>, %mul3A_139, %reduce_sum3A_140 [0] : vector<256x1024xf32> to vector<1024xf32>
      %broadcast_in_dim3A_142 = vector.shape_cast %reduce_sum3A_141 : vector<1024xf32> to vector<1x1024xf32>
      %swap3A_143 = arith.constant 1 : index
      %swap3A_144 = arith.constant 0 : index
      %swap3A_145 = vector.load %arg16[%swap3A_143, %swap3A_144] : memref<8x1024xf32, #tpu.memory_space<vmem>>, vector<1x1024xf32>
      tpu.vector_store %arg16[%swap3A_143, %swap3A_144], %broadcast_in_dim3A_142 {strides = array<i32>} : memref<8x1024xf32, #tpu.memory_space<vmem>>, vector<1x1024xf32>,
      %broadcast_in_dim3A_146 = arith.constant 0.000000e+00 : f32
      %broadcast_in_dim3A_147 = vector.broadcast %broadcast_in_dim3A_146 : f32 to vector<8x128xf32>
      %swap3A_148 = arith.constant 0 : index
      %swap3A_149 = arith.constant 0 : index
      %swap3A_150 = vector.load %arg17[%swap3A_148, %swap3A_149] : memref<8x128xf32, #tpu.memory_space<vmem>>, vector<8x128xf32>
      tpu.vector_store %arg17[%swap3A_148, %swap3A_149], %broadcast_in_dim3A_147 {strides = array<i32>} : memref<8x128xf32, #tpu.memory_space<vmem>>, vector<8x128xf32>,
    } else {
    }
    %get3A = arith.constant 0 : index
    %get3A_2 = arith.constant 0 : index
    %get3A_3 = arith.constant 0 : index
    %get3A_4 = vector.load %arg1[%get3A, %get3A_2, %get3A_3] : memref<1x750x1280xf32, #tpu.memory_space<vmem>>, vector<1x750x1280xf32>
    %get3A_5 = vector.shape_cast %get3A_4 : vector<1x750x1280xf32> to vector<750x1280xf32>
    %get3A_6 = arith.constant 0 : index
    %get3A_7 = arith.constant 0 : index
    %get3A_8 = vector.load %arg4[%get3A_6, %get3A_7] : memref<1280x256xf32, #tpu.memory_space<vmem>>, vector<1280x256xf32>
    %dot_general3A = arith.constant dense<0.000000e+00> : vector<750x256xf32>
    %dot_general3A_9 = tpu.matmul %get3A_5, %get3A_8, %dot_general3A {dimension_numbers = #tpu.dot_dimension_numbers<[1], [0], [0], [1], [0, 0, 1, 1], [], []>, transpose_lhs_hint = false} : vector<750x1280xf32>, vector<1280x256xf32>, vector<750x256xf32> -> vector<750x256xf32>
    %get3A_10 = arith.constant 0 : index
    %get3A_11 = arith.constant 0 : index
    %get3A_12 = arith.constant 0 : index
    %get3A_13 = vector.load %arg2[%get3A_10, %get3A_11, %get3A_12] : memref<1x750x1024xf32, #tpu.memory_space<vmem>>, vector<1x750x1024xf32>
    %get3A_14 = vector.shape_cast %get3A_13 : vector<1x750x1024xf32> to vector<750x1024xf32>
    %get3A_15 = arith.constant 0 : index
    %get3A_16 = arith.constant 0 : index
    %get3A_17 = vector.load %arg5[%get3A_15, %get3A_16] : memref<1024x256xf32, #tpu.memory_space<vmem>>, vector<1024x256xf32>
    %dot_general3A_18 = arith.constant dense<0.000000e+00> : vector<750x256xf32>
    %dot_general3A_19 = tpu.matmul %get3A_14, %get3A_17, %dot_general3A_18 {dimension_numbers = #tpu.dot_dimension_numbers<[1], [0], [0], [1], [0, 0, 1, 1], [], []>, transpose_lhs_hint = false} : vector<750x1024xf32>, vector<1024x256xf32>, vector<750x256xf32> -> vector<750x256xf32>
    %add3A = arith.addf %dot_general3A_9, %dot_general3A_19 : vector<750x256xf32>
    %get3A_20 = arith.constant 0 : index
    %get3A_21 = arith.constant 0 : index
    %get3A_22 = arith.constant 0 : index
    %get3A_23 = vector.load %arg3[%get3A_20, %get3A_21, %get3A_22] : memref<1x750x1024xf32, #tpu.memory_space<vmem>>, vector<1x750x1024xf32>
    %get3A_24 = vector.shape_cast %get3A_23 : vector<1x750x1024xf32> to vector<750x1024xf32>
    %get3A_25 = arith.constant 0 : index
    %get3A_26 = arith.constant 0 : index
    %get3A_27 = vector.load %arg6[%get3A_25, %get3A_26] : memref<1024x256xf32, #tpu.memory_space<vmem>>, vector<1024x256xf32>
    %dot_general3A_28 = arith.constant dense<0.000000e+00> : vector<750x256xf32>
    %dot_general3A_29 = tpu.matmul %get3A_24, %get3A_27, %dot_general3A_28 {dimension_numbers = #tpu.dot_dimension_numbers<[1], [0], [0], [1], [0, 0, 1, 1], [], []>, transpose_lhs_hint = false} : vector<750x1024xf32>, vector<1024x256xf32>, vector<750x256xf32> -> vector<750x256xf32>
    %add3A_30 = arith.addf %add3A, %dot_general3A_29 : vector<750x256xf32>
    %get3A_31 = arith.constant 0 : index
    %get3A_32 = arith.constant 0 : index
    %get3A_33 = vector.load %arg7[%get3A_31, %get3A_32] : memref<1x256xf32, #tpu.memory_space<vmem>>, vector<1x256xf32>
    %add3A_34 = vector.broadcast %get3A_33 : vector<1x256xf32> to vector<750x256xf32>
    %add3A_35 = arith.addf %add3A_30, %add3A_34 : vector<750x256xf32>
    %mul3A = arith.mulf %add3A_35, %add3A_35 : vector<750x256xf32>
    %reduce_sum3A = arith.constant dense<0.000000e+00> : vector<750xf32>
    %reduce_sum3A_36 = vector.multi_reduction <add>, %mul3A, %reduce_sum3A [1] : vector<750x256xf32> to vector<750xf32>
    %broadcast_in_dim3A = vector.shape_cast %reduce_sum3A_36 : vector<750xf32> to vector<750x1xf32>
    %get3A_37 = arith.constant 0 : index
    %get3A_38 = arith.constant 0 : index
    %get3A_39 = vector.load %arg8[%get3A_37, %get3A_38] : memref<256x1024xf32, #tpu.memory_space<vmem>>, vector<256x1024xf32>
    %dot_general3A_40 = arith.constant dense<0.000000e+00> : vector<750x1024xf32>
    %dot_general3A_41 = tpu.matmul %add3A_35, %get3A_39, %dot_general3A_40 {dimension_numbers = #tpu.dot_dimension_numbers<[1], [0], [0], [1], [0, 0, 1, 1], [], []>, transpose_lhs_hint = false} : vector<750x256xf32>, vector<256x1024xf32>, vector<750x1024xf32> -> vector<750x1024xf32>
    %mul3A_42 = arith.constant 2.000000e+00 : f32
    %mul3A_43 = vector.broadcast %mul3A_42 : f32 to vector<750x1024xf32>
    %mul3A_44 = arith.mulf %mul3A_43, %dot_general3A_41 : vector<750x1024xf32>
    %sub3A = vector.broadcast %broadcast_in_dim3A : vector<750x1xf32> to vector<750x1024xf32>
    %sub3A_45 = arith.subf %sub3A, %mul3A_44 : vector<750x1024xf32>
    %get3A_46 = arith.constant 1 : index
    %get3A_47 = arith.constant 0 : index
    %get3A_48 = vector.load %arg16[%get3A_46, %get3A_47] : memref<8x1024xf32, #tpu.memory_space<vmem>>, vector<1x1024xf32>
    %add3A_49 = vector.broadcast %get3A_48 : vector<1x1024xf32> to vector<750x1024xf32>
    %add3A_50 = arith.addf %sub3A_45, %add3A_49 : vector<750x1024xf32>
    %reduce_min3A = arith.constant dense<0x7F800000> : vector<750xf32>
    %reduce_min3A_51 = vector.multi_reduction <minimumf>, %add3A_50, %reduce_min3A [1] : vector<750x1024xf32> to vector<750xf32>
    %broadcast_in_dim3A_52 = vector.shape_cast %reduce_min3A_51 : vector<750xf32> to vector<750x1xf32>
    %iota3A = tpu.iota {dimensions = array<i32: 1>} : vector<750x1024xi32>
    %eq3A_53 = vector.broadcast %broadcast_in_dim3A_52 : vector<750x1xf32> to vector<750x1024xf32>
    %eq3A_54 = arith.cmpf oeq, %add3A_50, %eq3A_53 : vector<750x1024xf32>
    %jit3A = arith.constant 1024 : i32
    %broadcast_in_dim3A_55 = vector.broadcast %jit3A : i32 to vector<750x1024xi32>
    %select_n3A = arith.select %eq3A_54, %iota3A, %broadcast_in_dim3A_55 : vector<750x1024xi1>, vector<750x1024xi32>
    %reduce_min3A_56 = arith.constant dense<2147483647> : vector<750xi32>
    %reduce_min3A_57 = vector.multi_reduction <minsi>, %select_n3A, %reduce_min3A_56 [1] : vector<750x1024xi32> to vector<750xi32>
    %broadcast_in_dim3A_58 = vector.shape_cast %reduce_min3A_57 : vector<750xi32> to vector<750x1xi32>
    %swap3A = arith.constant 0 : index
    %swap3A_59 = arith.constant 0 : index
    %swap3A_60 = arith.constant 0 : index
    %swap3A_61 = vector.load %arg12[%swap3A, %swap3A_59, %swap3A_60] : memref<1x750x1xi32, #tpu.memory_space<vmem>>, vector<1x750x1xi32>
    %swap3A_62 = vector.shape_cast %swap3A_61 : vector<1x750x1xi32> to vector<750x1xi32>
    %swap3A_63 = vector.shape_cast %broadcast_in_dim3A_58 : vector<750x1xi32> to vector<1x750x1xi32>
    tpu.vector_store %arg12[%swap3A, %swap3A_59, %swap3A_60], %swap3A_63 {strides = array<i32>} : memref<1x750x1xi32, #tpu.memory_space<vmem>>, vector<1x750x1xi32>,
    %sub3A_64 = vector.broadcast %broadcast_in_dim3A_52 : vector<750x1xf32> to vector<750x1024xf32>
    %sub3A_65 = arith.subf %sub3A_64, %add3A_50 : vector<750x1024xf32>
    %exp3A = math.exp %sub3A_65 : vector<750x1024xf32>
    %reduce_sum3A_66 = arith.constant dense<0.000000e+00> : vector<750xf32>
    %reduce_sum3A_67 = vector.multi_reduction <add>, %exp3A, %reduce_sum3A_66 [1] : vector<750x1024xf32> to vector<750xf32>
    %broadcast_in_dim3A_68 = vector.shape_cast %reduce_sum3A_67 : vector<750xf32> to vector<750x1xf32>
    %get3A_69 = arith.constant 0 : index
    %get3A_70 = arith.constant 0 : index
    %get3A_71 = vector.load %arg16[%get3A_69, %get3A_70] : memref<8x1024xf32, #tpu.memory_space<vmem>>, vector<1x1024xf32>
    %div3A = vector.broadcast %broadcast_in_dim3A_68 : vector<750x1xf32> to vector<750x1024xf32>
    %div3A_72 = arith.divf %exp3A, %div3A : vector<750x1024xf32>
    %reduce_sum3A_73 = arith.constant dense<0.000000e+00> : vector<1024xf32>
    %reduce_sum3A_74 = vector.multi_reduction <add>, %div3A_72, %reduce_sum3A_73 [0] : vector<750x1024xf32> to vector<1024xf32>
    %broadcast_in_dim3A_75 = vector.shape_cast %reduce_sum3A_74 : vector<1024xf32> to vector<1x1024xf32>
    %add3A_76 = arith.addf %get3A_71, %broadcast_in_dim3A_75 : vector<1x1024xf32>
    %swap3A_77 = arith.constant 0 : index
    %swap3A_78 = arith.constant 0 : index
    %swap3A_79 = vector.load %arg16[%swap3A_77, %swap3A_78] : memref<8x1024xf32, #tpu.memory_space<vmem>>, vector<1x1024xf32>
    tpu.vector_store %arg16[%swap3A_77, %swap3A_78], %add3A_76 {strides = array<i32>} : memref<8x1024xf32, #tpu.memory_space<vmem>>, vector<1x1024xf32>,
    %get3A_80 = arith.constant 0 : index
    %get3A_81 = arith.constant 0 : index
    %get3A_82 = vector.load %arg17[%get3A_80, %get3A_81] : memref<8x128xf32, #tpu.memory_space<vmem>>, vector<1x1xf32>
    %reduce_sum3A_83 = arith.constant dense<0.000000e+00> : vector<1xf32>
    %reduce_sum3A_84 = vector.multi_reduction <add>, %broadcast_in_dim3A_52, %reduce_sum3A_83 [0] : vector<750x1xf32> to vector<1xf32>
    %broadcast_in_dim3A_85 = vector.shape_cast %reduce_sum3A_84 : vector<1xf32> to vector<1x1xf32>
    %add3A_86 = arith.addf %get3A_82, %broadcast_in_dim3A_85 : vector<1x1xf32>
    %swap3A_87 = arith.constant 0 : index
    %swap3A_88 = arith.constant 0 : index
    %swap3A_89 = vector.load %arg17[%swap3A_87, %swap3A_88] : memref<8x128xf32, #tpu.memory_space<vmem>>, vector<1x1xf32>
    tpu.vector_store %arg17[%swap3A_87, %swap3A_88], %add3A_86 {strides = array<i32>} : memref<8x128xf32, #tpu.memory_space<vmem>>, vector<1x1xf32>,
    %slice3A = vector.extract_strided_slice %broadcast_in_dim3A_58 {offsets = [744, 0], sizes = [6, 1], strides = [1, 1]} : vector<750x1xi32> to vector<6x1xi32>
    %broadcast_in_dim3A_90 = arith.constant 0 : i32
    %broadcast_in_dim3A_91 = vector.broadcast %broadcast_in_dim3A_90 : i32 to vector<2x1xi32>
    %concatenate3A = tpu.concatenate %slice3A, %broadcast_in_dim3A_91 in 0 : vector<6x1xi32>, vector<2x1xi32> -> vector<8x1xi32>
    %iota3A_92 = tpu.iota {dimensions = array<i32: 1>} : vector<8x1024xi32>
    %eq3A_93 = vector.broadcast %concatenate3A : vector<8x1xi32> to vector<8x1024xi32>
    %eq3A_94 = arith.cmpi eq, %iota3A_92, %eq3A_93 : vector<8x1024xi32>
    %convert_element_type3A_95 = arith.extui %eq3A_94 : vector<8x1024xi1> to vector<8x1024xi32>
    %convert_element_type3A_96 = arith.sitofp %convert_element_type3A_95 : vector<8x1024xi32> to vector<8x1024xf32>
    %convert_element_type3A_97 = arith.truncf %convert_element_type3A_96 : vector<8x1024xf32> to vector<8x1024xbf16>
    %get3A_98 = arith.constant 0 : index
    %get3A_99 = arith.constant 0 : index
    %get3A_100 = vector.load %arg9[%get3A_98, %get3A_99] : memref<1024x256xbf16, #tpu.memory_space<vmem>>, vector<1024x256xbf16>
    %dot_general3A_101 = arith.constant dense<0.000000e+00> : vector<8x256xf32>
    %dot_general3A_102 = tpu.matmul %convert_element_type3A_97, %get3A_100, %dot_general3A_101 {dimension_numbers = #tpu.dot_dimension_numbers<[1], [0], [0], [1], [0, 0, 1, 1], [], []>, transpose_lhs_hint = false} : vector<8x1024xbf16>, vector<1024x256xbf16>, vector<8x256xf32> -> vector<8x256xf32>
    %slice3A_103 = vector.extract_strided_slice %add3A_35 {offsets = [744, 0], sizes = [6, 256], strides = [1, 1]} : vector<750x256xf32> to vector<6x256xf32>
    %broadcast_in_dim3A_104 = arith.constant 0.000000e+00 : f32
    %broadcast_in_dim3A_105 = vector.broadcast %broadcast_in_dim3A_104 : f32 to vector<2x256xf32>
    %concatenate3A_106 = tpu.concatenate %slice3A_103, %broadcast_in_dim3A_105 in 0 : vector<6x256xf32>, vector<2x256xf32> -> vector<8x256xf32>
    %sub3A_107 = arith.subf %dot_general3A_102, %concatenate3A_106 : vector<8x256xf32>
    %add3A_108 = arith.addf %concatenate3A_106, %sub3A_107 : vector<8x256xf32>
    %convert_element_type3A_109 = arith.truncf %add3A_108 : vector<8x256xf32> to vector<8x256xbf16>
    %get3A_110 = arith.constant 0 : index
    %get3A_111 = arith.constant 0 : index
    %get3A_112 = vector.load %arg10[%get3A_110, %get3A_111] : memref<256x3328xbf16, #tpu.memory_space<vmem>>, vector<256x3328xbf16>
    %dot_general3A_113 = arith.constant dense<0.000000e+00> : vector<8x3328xf32>
    %dot_general3A_114 = tpu.matmul %convert_element_type3A_109, %get3A_112, %dot_general3A_113 {dimension_numbers = #tpu.dot_dimension_numbers<[1], [0], [0], [1], [0, 0, 1, 1], [], []>, transpose_lhs_hint = false} : vector<8x256xbf16>, vector<256x3328xbf16>, vector<8x3328xf32> -> vector<8x3328xf32>
    %get3A_115 = arith.constant 0 : index
    %get3A_116 = arith.constant 0 : index
    %get3A_117 = vector.load %arg11[%get3A_115, %get3A_116] : memref<1x3328xf32, #tpu.memory_space<vmem>>, vector<1x3328xf32>
    %add3A_118 = vector.broadcast %get3A_117 : vector<1x3328xf32> to vector<8x3328xf32>
    %add3A_119 = arith.addf %dot_general3A_114, %add3A_118 : vector<8x3328xf32>
    %swap3A_120 = arith.constant 0 : index
    %swap3A_121 = arith.constant 0 : index
    %swap3A_122 = arith.constant 0 : index
    %swap3A_123 = vector.load %arg13[%swap3A_120, %swap3A_121, %swap3A_122] : memref<1x8x3328xf32, #tpu.memory_space<vmem>>, vector<1x8x3328xf32>
    %swap3A_124 = vector.shape_cast %swap3A_123 : vector<1x8x3328xf32> to vector<8x3328xf32>
    %swap3A_125 = vector.shape_cast %add3A_119 : vector<8x3328xf32> to vector<1x8x3328xf32>
    tpu.vector_store %arg13[%swap3A_120, %swap3A_121, %swap3A_122], %swap3A_125 {strides = array<i32>} : memref<1x8x3328xf32, #tpu.memory_space<vmem>>, vector<1x8x3328xf32>,
    %eq3A_126 = arith.constant 3 : i32
    %eq3A_127 = arith.cmpi eq, %arg0, %eq3A_126 : i32
    %convert_element_type3A_128 = arith.extui %eq3A_127 : i1 to i32
    %cond3A_129 = arith.constant 0 : i32
    %cond3A_130 = arith.cmpi ne, %convert_element_type3A_128, %cond3A_129 : i32
    scf.if %cond3A_130 {
      %get3A_131 = arith.constant 0 : index
      %get3A_132 = arith.constant 0 : index
      %get3A_133 = vector.load %arg16[%get3A_131, %get3A_132] : memref<8x1024xf32, #tpu.memory_space<vmem>>, vector<1x1024xf32>
      %swap3A_134 = arith.constant 0 : index
      %swap3A_135 = arith.constant 0 : index
      %swap3A_136 = vector.load %arg14[%swap3A_134, %swap3A_135] : memref<1x1024xf32, #tpu.memory_space<vmem>>, vector<1x1024xf32>
      tpu.vector_store %arg14[%swap3A_134, %swap3A_135], %get3A_133 {strides = array<i32>} : memref<1x1024xf32, #tpu.memory_space<vmem>>, vector<1x1024xf32>,
      %get3A_137 = arith.constant 0 : index
      %get3A_138 = arith.constant 0 : index
      %get3A_139 = vector.load %arg17[%get3A_137, %get3A_138] : memref<8x128xf32, #tpu.memory_space<vmem>>, vector<1x1xf32>
      %swap3A_140 = arith.constant 0 : index
      %swap3A_141 = arith.constant 0 : index
      %swap3A_142 = vector.load %arg15[%swap3A_140, %swap3A_141] : memref<1x1xf32, #tpu.memory_space<vmem>>, vector<1x1xf32>
      tpu.vector_store %arg15[%swap3A_140, %swap3A_141], %get3A_139 {strides = array<i32>} : memref<1x1xf32, #tpu.memory_space<vmem>>, vector<1x1xf32>,
    } else {
    }
    return
  }
  func.func @transform_0(%arg0: i32) -> (i32, i32, i32) {
    %add3A = arith.constant 0 : i32
    %add3A_0 = arith.addi %add3A, %arg0 : i32
    %c0_i32 = arith.constant 0 : i32
    %c0_i32_1 = arith.constant 0 : i32
    %c0_i32_2 = arith.constant 0 : i32
    return %add3A_0, %c0_i32, %c0_i32_1 : i32, i32, i32
  }
  func.func @transform_1(%arg0: i32) -> (i32, i32, i32) {
    %add3A = arith.constant 0 : i32
    %add3A_0 = arith.addi %add3A, %arg0 : i32
    %c0_i32 = arith.constant 0 : i32
    %c0_i32_1 = arith.constant 0 : i32
    %c0_i32_2 = arith.constant 0 : i32
    return %add3A_0, %c0_i32, %c0_i32_1 : i32, i32, i32
  }
  func.func @transform_2(%arg0: i32) -> (i32, i32, i32) {
    %add3A = arith.constant 0 : i32
    %add3A_0 = arith.addi %add3A, %arg0 : i32
    %c0_i32 = arith.constant 0 : i32
    %c0_i32_1 = arith.constant 0 : i32
    %c0_i32_2 = arith.constant 0 : i32
    return %add3A_0, %c0_i32, %c0_i32_1 : i32, i32, i32
  }
  func.func @transform_3(%arg0: i32) -> (i32, i32) {
    %c0_i32 = arith.constant 0 : i32
    %c0_i32_0 = arith.constant 0 : i32
    %c0_i32_1 = arith.constant 0 : i32
    return %c0_i32, %c0_i32_0 : i32, i32
  }
  func.func @transform_4(%arg0: i32) -> (i32, i32) {
    %c0_i32 = arith.constant 0 : i32
    %c0_i32_0 = arith.constant 0 : i32
    %c0_i32_1 = arith.constant 0 : i32
    return %c0_i32, %c0_i32_0 : i32, i32
  }
  func.func @transform_5(%arg0: i32) -> (i32, i32) {
    %c0_i32 = arith.constant 0 : i32
    %c0_i32_0 = arith.constant 0 : i32
    %c0_i32_1 = arith.constant 0 : i32
    return %c0_i32, %c0_i32_0 : i32, i32
  }
  func.func @transform_6(%arg0: i32) -> (i32, i32) {
    %c0_i32 = arith.constant 0 : i32
    %c0_i32_0 = arith.constant 0 : i32
    %c0_i32_1 = arith.constant 0 : i32
    return %c0_i32, %c0_i32_0 : i32, i32
  }
  func.func @transform_7(%arg0: i32) -> (i32, i32) {
    %c0_i32 = arith.constant 0 : i32
    %c0_i32_0 = arith.constant 0 : i32
    %c0_i32_1 = arith.constant 0 : i32
    return %c0_i32, %c0_i32_0 : i32, i32
  }
  func.func @transform_8(%arg0: i32) -> (i32, i32) {
    %c0_i32 = arith.constant 0 : i32
    %c0_i32_0 = arith.constant 0 : i32
    %c0_i32_1 = arith.constant 0 : i32
    return %c0_i32, %c0_i32_0 : i32, i32
  }
  func.func @transform_9(%arg0: i32) -> (i32, i32) {
    %c0_i32 = arith.constant 0 : i32
    %c0_i32_0 = arith.constant 0 : i32
    %c0_i32_1 = arith.constant 0 : i32
    return %c0_i32, %c0_i32_0 : i32, i32
  }
  func.func @transform_10(%arg0: i32) -> (i32, i32) {
    %c0_i32 = arith.constant 0 : i32
    %c0_i32_0 = arith.constant 0 : i32
    %c0_i32_1 = arith.constant 0 : i32
    return %c0_i32, %c0_i32_0 : i32, i32
  }
  func.func @transform_11(%arg0: i32) -> (i32, i32, i32) {
    %c0_i32 = arith.constant 0 : i32
    %c0_i32_0 = arith.constant 0 : i32
    %c0_i32_1 = arith.constant 0 : i32
    return %arg0, %c0_i32, %c0_i32_0 : i32, i32, i32
  }
  func.func @transform_12(%arg0: i32) -> (i32, i32, i32) {
    %c0_i32 = arith.constant 0 : i32
    %c0_i32_0 = arith.constant 0 : i32
    %c0_i32_1 = arith.constant 0 : i32
    return %arg0, %c0_i32, %c0_i32_0 : i32, i32, i32
  }
  func.func @transform_13(%arg0: i32) -> (i32, i32) {
    %c0_i32 = arith.constant 0 : i32
    %c0_i32_0 = arith.constant 0 : i32
    %c0_i32_1 = arith.constant 0 : i32
    return %c0_i32, %c0_i32_0 : i32, i32
  }
  func.func @transform_14(%arg0: i32) -> (i32, i32) {
    %c0_i32 = arith.constant 0 : i32
    %c0_i32_0 = arith.constant 0 : i32
    %c0_i32_1 = arith.constant 0 : i32
    return %c0_i32, %c0_i32_0 : i32, i32
  }
}

module attributes {stable_mosaic.version = 14 : i64} {
  func.func @_main_body(%arg0: i32, %arg1: memref<1x750x1280xf32, #tpu.memory_space<vmem>>, %arg2: memref<1x750x1024xf32, #tpu.memory_space<vmem>>, %arg3: memref<1x750x1024xf32, #tpu.memory_space<vmem>>, %arg4: memref<1280x256xf32, #tpu.memory_space<vmem>>, %arg5: memref<1024x256xf32, #tpu.memory_space<vmem>>, %arg6: memref<1024x256xf32, #tpu.memory_space<vmem>>, %arg7: memref<1x256xf32, #tpu.memory_space<vmem>>, %arg8: memref<256x1024xf32, #tpu.memory_space<vmem>>, %arg9: memref<1024x256xbf16, #tpu.memory_space<vmem>>, %arg10: memref<256x3328xbf16, #tpu.memory_space<vmem>>, %arg11: memref<1x3328xf32, #tpu.memory_space<vmem>>, %arg12: memref<1x750x1xi32, #tpu.memory_space<vmem>>, %arg13: memref<1x8x3328xf32, #tpu.memory_space<vmem>>, %arg14: memref<1x1024xf32, #tpu.memory_space<vmem>>, %arg15: memref<1x1xf32, #tpu.memory_space<vmem>>, %arg16: memref<8x1024xf32, #tpu.memory_space<vmem>>, %arg17: memref<8x128xf32, #tpu.memory_space<vmem>>) attributes {dimension_semantics = [#tpu.dimension_semantics<arbitrary>], iteration_bounds = array<i64: 4>, scalar_prefetch = 0 : i64, scratch_operands = 2 : i64, tpu.core_type = #tpu.core_type<tc>, window_params = [{transform_indices = @transform_0, window_bounds = array<i64: 1, 750, 1280>}, {transform_indices = @transform_1, window_bounds = array<i64: 1, 750, 1024>}, {transform_indices = @transform_2, window_bounds = array<i64: 1, 750, 1024>}, {pipeline_mode = #tpu.pipeline_mode<synchronous>, transform_indices = @transform_3, window_bounds = array<i64: 1280, 256>}, {pipeline_mode = #tpu.pipeline_mode<synchronous>, transform_indices = @transform_4, window_bounds = array<i64: 1024, 256>}, {pipeline_mode = #tpu.pipeline_mode<synchronous>, transform_indices = @transform_5, window_bounds = array<i64: 1024, 256>}, {pipeline_mode = #tpu.pipeline_mode<synchronous>, transform_indices = @transform_6, window_bounds = array<i64: 1, 256>}, {pipeline_mode = #tpu.pipeline_mode<synchronous>, transform_indices = @transform_7, window_bounds = array<i64: 256, 1024>}, {pipeline_mode = #tpu.pipeline_mode<synchronous>, transform_indices = @transform_8, window_bounds = array<i64: 1024, 256>}, {pipeline_mode = #tpu.pipeline_mode<synchronous>, transform_indices = @transform_9, window_bounds = array<i64: 256, 3328>}, {pipeline_mode = #tpu.pipeline_mode<synchronous>, transform_indices = @transform_10, window_bounds = array<i64: 1, 3328>}, {transform_indices = @transform_11, window_bounds = array<i64: 1, 750, 1>}, {transform_indices = @transform_12, window_bounds = array<i64: 1, 8, 3328>}, {pipeline_mode = #tpu.pipeline_mode<synchronous>, transform_indices = @transform_13, window_bounds = array<i64: 1, 1024>}, {pipeline_mode = #tpu.pipeline_mode<synchronous>, transform_indices = @transform_14, window_bounds = array<i64: 1, 1>}]} {
    %eq3A = arith.constant 0 : i32
    %eq3A_0 = arith.cmpi eq, %arg0, %eq3A : i32
    %convert_element_type3A = arith.extui %eq3A_0 : i1 to i32
    %cond3A = arith.constant 0 : i32
    %cond3A_1 = arith.cmpi ne, %convert_element_type3A, %cond3A : i32
    scf.if %cond3A_1 {
      %broadcast_in_dim3A_131 = arith.constant 0.000000e+00 : f32
      %broadcast_in_dim3A_132 = vector.broadcast %broadcast_in_dim3A_131 : f32 to vector<8x1024xf32>
      %swap3A_133 = arith.constant 0 : index
      %swap3A_134 = arith.constant 0 : index
      %swap3A_135 = vector.load %arg16[%swap3A_133, %swap3A_134] : memref<8x1024xf32, #tpu.memory_space<vmem>>, vector<8x1024xf32>
      tpu.vector_store %arg16[%swap3A_133, %swap3A_134], %broadcast_in_dim3A_132 {strides = array<i32>} : memref<8x1024xf32, #tpu.memory_space<vmem>>, vector<8x1024xf32>,
      %get3A_136 = arith.constant 0 : index
      %get3A_137 = arith.constant 0 : index
      %get3A_138 = vector.load %arg8[%get3A_136, %get3A_137] : memref<256x1024xf32, #tpu.memory_space<vmem>>, vector<256x1024xf32>
      %mul3A_139 = arith.mulf %get3A_138, %get3A_138 : vector<256x1024xf32>
      %reduce_sum3A_140 = arith.constant dense<0.000000e+00> : vector<1024xf32>
      %reduce_sum3A_141 = vector.multi_reduction <add>, %mul3A_139, %reduce_sum3A_140 [0] : vector<256x1024xf32> to vector<1024xf32>
      %broadcast_in_dim3A_142 = vector.shape_cast %reduce_sum3A_141 : vector<1024xf32> to vector<1x1024xf32>
      %swap3A_143 = arith.constant 1 : index
      %swap3A_144 = arith.constant 0 : index
      %swap3A_145 = vector.load %arg16[%swap3A_143, %swap3A_144] : memref<8x1024xf32, #tpu.memory_space<vmem>>, vector<1x1024xf32>
      tpu.vector_store %arg16[%swap3A_143, %swap3A_144], %broadcast_in_dim3A_142 {strides = array<i32>} : memref<8x1024xf32, #tpu.memory_space<vmem>>, vector<1x1024xf32>,
      %broadcast_in_dim3A_146 = arith.constant 0.000000e+00 : f32
      %broadcast_in_dim3A_147 = vector.broadcast %broadcast_in_dim3A_146 : f32 to vector<8x128xf32>
      %swap3A_148 = arith.constant 0 : index
      %swap3A_149 = arith.constant 0 : index
      %swap3A_150 = vector.load %arg17[%swap3A_148, %swap3A_149] : memref<8x128xf32, #tpu.memory_space<vmem>>, vector<8x128xf32>
      tpu.vector_store %arg17[%swap3A_148, %swap3A_149], %broadcast_in_dim3A_147 {strides = array<i32>} : memref<8x128xf32, #tpu.memory_space<vmem>>, vector<8x128xf32>,
    } else {
    }
    %get3A = arith.constant 0 : index
    %get3A_2 = arith.constant 0 : index
    %get3A_3 = arith.constant 0 : index
    %get3A_4 = vector.load %arg1[%get3A, %get3A_2, %get3A_3] : memref<1x750x1280xf32, #tpu.memory_space<vmem>>, vector<1x750x1280xf32>
    %get3A_5 = vector.shape_cast %get3A_4 : vector<1x750x1280xf32> to vector<750x1280xf32>
    %get3A_6 = arith.constant 0 : index
    %get3A_7 = arith.constant 0 : index
    %get3A_8 = vector.load %arg4[%get3A_6, %get3A_7] : memref<1280x256xf32, #tpu.memory_space<vmem>>, vector<1280x256xf32>
    %dot_general3A = arith.constant dense<0.000000e+00> : vector<750x256xf32>
    %dot_general3A_9 = tpu.matmul %get3A_5, %get3A_8, %dot_general3A {dimension_numbers = #tpu.dot_dimension_numbers<[1], [0], [0], [1], [0, 0, 1, 1], [], []>, transpose_lhs_hint = false} : vector<750x1280xf32>, vector<1280x256xf32>, vector<750x256xf32> -> vector<750x256xf32>
    %get3A_10 = arith.constant 0 : index
    %get3A_11 = arith.constant 0 : index
    %get3A_12 = arith.constant 0 : index
    %get3A_13 = vector.load %arg2[%get3A_10, %get3A_11, %get3A_12] : memref<1x750x1024xf32, #tpu.memory_space<vmem>>, vector<1x750x1024xf32>
    %get3A_14 = vector.shape_cast %get3A_13 : vector<1x750x1024xf32> to vector<750x1024xf32>
    %get3A_15 = arith.constant 0 : index
    %get3A_16 = arith.constant 0 : index
    %get3A_17 = vector.load %arg5[%get3A_15, %get3A_16] : memref<1024x256xf32, #tpu.memory_space<vmem>>, vector<1024x256xf32>
    %dot_general3A_18 = arith.constant dense<0.000000e+00> : vector<750x256xf32>
    %dot_general3A_19 = tpu.matmul %get3A_14, %get3A_17, %dot_general3A_18 {dimension_numbers = #tpu.dot_dimension_numbers<[1], [0], [0], [1], [0, 0, 1, 1], [], []>, transpose_lhs_hint = false} : vector<750x1024xf32>, vector<1024x256xf32>, vector<750x256xf32> -> vector<750x256xf32>
    %add3A = arith.addf %dot_general3A_9, %dot_general3A_19 : vector<750x256xf32>
    %get3A_20 = arith.constant 0 : index
    %get3A_21 = arith.constant 0 : index
    %get3A_22 = arith.constant 0 : index
    %get3A_23 = vector.load %arg3[%get3A_20, %get3A_21, %get3A_22] : memref<1x750x1024xf32, #tpu.memory_space<vmem>>, vector<1x750x1024xf32>
    %get3A_24 = vector.shape_cast %get3A_23 : vector<1x750x1024xf32> to vector<750x1024xf32>
    %get3A_25 = arith.constant 0 : index
    %get3A_26 = arith.constant 0 : index
    %get3A_27 = vector.load %arg6[%get3A_25, %get3A_26] : memref<1024x256xf32, #tpu.memory_space<vmem>>, vector<1024x256xf32>
    %dot_general3A_28 = arith.constant dense<0.000000e+00> : vector<750x256xf32>
    %dot_general3A_29 = tpu.matmul %get3A_24, %get3A_27, %dot_general3A_28 {dimension_numbers = #tpu.dot_dimension_numbers<[1], [0], [0], [1], [0, 0, 1, 1], [], []>, transpose_lhs_hint = false} : vector<750x1024xf32>, vector<1024x256xf32>, vector<750x256xf32> -> vector<750x256xf32>
    %add3A_30 = arith.addf %add3A, %dot_general3A_29 : vector<750x256xf32>
    %get3A_31 = arith.constant 0 : index
    %get3A_32 = arith.constant 0 : index
    %get3A_33 = vector.load %arg7[%get3A_31, %get3A_32] : memref<1x256xf32, #tpu.memory_space<vmem>>, vector<1x256xf32>
    %add3A_34 = vector.broadcast %get3A_33 : vector<1x256xf32> to vector<750x256xf32>
    %add3A_35 = arith.addf %add3A_30, %add3A_34 : vector<750x256xf32>
    %mul3A = arith.mulf %add3A_35, %add3A_35 : vector<750x256xf32>
    %reduce_sum3A = arith.constant dense<0.000000e+00> : vector<750xf32>
    %reduce_sum3A_36 = vector.multi_reduction <add>, %mul3A, %reduce_sum3A [1] : vector<750x256xf32> to vector<750xf32>
    %broadcast_in_dim3A = vector.shape_cast %reduce_sum3A_36 : vector<750xf32> to vector<750x1xf32>
    %get3A_37 = arith.constant 0 : index
    %get3A_38 = arith.constant 0 : index
    %get3A_39 = vector.load %arg8[%get3A_37, %get3A_38] : memref<256x1024xf32, #tpu.memory_space<vmem>>, vector<256x1024xf32>
    %dot_general3A_40 = arith.constant dense<0.000000e+00> : vector<750x1024xf32>
    %dot_general3A_41 = tpu.matmul %add3A_35, %get3A_39, %dot_general3A_40 {dimension_numbers = #tpu.dot_dimension_numbers<[1], [0], [0], [1], [0, 0, 1, 1], [], []>, transpose_lhs_hint = false} : vector<750x256xf32>, vector<256x1024xf32>, vector<750x1024xf32> -> vector<750x1024xf32>
    %mul3A_42 = arith.constant 2.000000e+00 : f32
    %mul3A_43 = vector.broadcast %mul3A_42 : f32 to vector<750x1024xf32>
    %mul3A_44 = arith.mulf %mul3A_43, %dot_general3A_41 : vector<750x1024xf32>
    %sub3A = vector.broadcast %broadcast_in_dim3A : vector<750x1xf32> to vector<750x1024xf32>
    %sub3A_45 = arith.subf %sub3A, %mul3A_44 : vector<750x1024xf32>
    %get3A_46 = arith.constant 1 : index
    %get3A_47 = arith.constant 0 : index
    %get3A_48 = vector.load %arg16[%get3A_46, %get3A_47] : memref<8x1024xf32, #tpu.memory_space<vmem>>, vector<1x1024xf32>
    %add3A_49 = vector.broadcast %get3A_48 : vector<1x1024xf32> to vector<750x1024xf32>
    %add3A_50 = arith.addf %sub3A_45, %add3A_49 : vector<750x1024xf32>
    %reduce_min3A = arith.constant dense<0x7F800000> : vector<750xf32>
    %reduce_min3A_51 = vector.multi_reduction <minimumf>, %add3A_50, %reduce_min3A [1] : vector<750x1024xf32> to vector<750xf32>
    %broadcast_in_dim3A_52 = vector.shape_cast %reduce_min3A_51 : vector<750xf32> to vector<750x1xf32>
    %iota3A = tpu.iota {dimensions = array<i32: 1>} : vector<750x1024xi32>
    %eq3A_53 = vector.broadcast %broadcast_in_dim3A_52 : vector<750x1xf32> to vector<750x1024xf32>
    %eq3A_54 = arith.cmpf oeq, %add3A_50, %eq3A_53 : vector<750x1024xf32>
    %jit3A = arith.constant 1024 : i32
    %broadcast_in_dim3A_55 = vector.broadcast %jit3A : i32 to vector<750x1024xi32>
    %select_n3A = arith.select %eq3A_54, %iota3A, %broadcast_in_dim3A_55 : vector<750x1024xi1>, vector<750x1024xi32>
    %reduce_min3A_56 = arith.constant dense<2147483647> : vector<750xi32>
    %reduce_min3A_57 = vector.multi_reduction <minsi>, %select_n3A, %reduce_min3A_56 [1] : vector<750x1024xi32> to vector<750xi32>
    %broadcast_in_dim3A_58 = vector.shape_cast %reduce_min3A_57 : vector<750xi32> to vector<750x1xi32>
    %swap3A = arith.constant 0 : index
    %swap3A_59 = arith.constant 0 : index
    %swap3A_60 = arith.constant 0 : index
    %swap3A_61 = vector.load %arg12[%swap3A, %swap3A_59, %swap3A_60] : memref<1x750x1xi32, #tpu.memory_space<vmem>>, vector<1x750x1xi32>
    %swap3A_62 = vector.shape_cast %swap3A_61 : vector<1x750x1xi32> to vector<750x1xi32>
    %swap3A_63 = vector.shape_cast %broadcast_in_dim3A_58 : vector<750x1xi32> to vector<1x750x1xi32>
    tpu.vector_store %arg12[%swap3A, %swap3A_59, %swap3A_60], %swap3A_63 {strides = array<i32>} : memref<1x750x1xi32, #tpu.memory_space<vmem>>, vector<1x750x1xi32>,
    %sub3A_64 = vector.broadcast %broadcast_in_dim3A_52 : vector<750x1xf32> to vector<750x1024xf32>
    %sub3A_65 = arith.subf %sub3A_64, %add3A_50 : vector<750x1024xf32>
    %exp3A = math.exp %sub3A_65 : vector<750x1024xf32>
    %reduce_sum3A_66 = arith.constant dense<0.000000e+00> : vector<750xf32>
    %reduce_sum3A_67 = vector.multi_reduction <add>, %exp3A, %reduce_sum3A_66 [1] : vector<750x1024xf32> to vector<750xf32>
    %broadcast_in_dim3A_68 = vector.shape_cast %reduce_sum3A_67 : vector<750xf32> to vector<750x1xf32>
    %get3A_69 = arith.constant 0 : index
    %get3A_70 = arith.constant 0 : index
    %get3A_71 = vector.load %arg16[%get3A_69, %get3A_70] : memref<8x1024xf32, #tpu.memory_space<vmem>>, vector<1x1024xf32>
    %div3A = vector.broadcast %broadcast_in_dim3A_68 : vector<750x1xf32> to vector<750x1024xf32>
    %div3A_72 = arith.divf %exp3A, %div3A : vector<750x1024xf32>
    %reduce_sum3A_73 = arith.constant dense<0.000000e+00> : vector<1024xf32>
    %reduce_sum3A_74 = vector.multi_reduction <add>, %div3A_72, %reduce_sum3A_73 [0] : vector<750x1024xf32> to vector<1024xf32>
    %broadcast_in_dim3A_75 = vector.shape_cast %reduce_sum3A_74 : vector<1024xf32> to vector<1x1024xf32>
    %add3A_76 = arith.addf %get3A_71, %broadcast_in_dim3A_75 : vector<1x1024xf32>
    %swap3A_77 = arith.constant 0 : index
    %swap3A_78 = arith.constant 0 : index
    %swap3A_79 = vector.load %arg16[%swap3A_77, %swap3A_78] : memref<8x1024xf32, #tpu.memory_space<vmem>>, vector<1x1024xf32>
    tpu.vector_store %arg16[%swap3A_77, %swap3A_78], %add3A_76 {strides = array<i32>} : memref<8x1024xf32, #tpu.memory_space<vmem>>, vector<1x1024xf32>,
    %get3A_80 = arith.constant 0 : index
    %get3A_81 = arith.constant 0 : index
    %get3A_82 = vector.load %arg17[%get3A_80, %get3A_81] : memref<8x128xf32, #tpu.memory_space<vmem>>, vector<1x1xf32>
    %reduce_sum3A_83 = arith.constant dense<0.000000e+00> : vector<1xf32>
    %reduce_sum3A_84 = vector.multi_reduction <add>, %broadcast_in_dim3A_52, %reduce_sum3A_83 [0] : vector<750x1xf32> to vector<1xf32>
    %broadcast_in_dim3A_85 = vector.shape_cast %reduce_sum3A_84 : vector<1xf32> to vector<1x1xf32>
    %add3A_86 = arith.addf %get3A_82, %broadcast_in_dim3A_85 : vector<1x1xf32>
    %swap3A_87 = arith.constant 0 : index
    %swap3A_88 = arith.constant 0 : index
    %swap3A_89 = vector.load %arg17[%swap3A_87, %swap3A_88] : memref<8x128xf32, #tpu.memory_space<vmem>>, vector<1x1xf32>
    tpu.vector_store %arg17[%swap3A_87, %swap3A_88], %add3A_86 {strides = array<i32>} : memref<8x128xf32, #tpu.memory_space<vmem>>, vector<1x1xf32>,
    %slice3A = vector.extract_strided_slice %broadcast_in_dim3A_58 {offsets = [744, 0], sizes = [6, 1], strides = [1, 1]} : vector<750x1xi32> to vector<6x1xi32>
    %broadcast_in_dim3A_90 = arith.constant 0 : i32
    %broadcast_in_dim3A_91 = vector.broadcast %broadcast_in_dim3A_90 : i32 to vector<2x1xi32>
    %concatenate3A = tpu.concatenate %slice3A, %broadcast_in_dim3A_91 in 0 : vector<6x1xi32>, vector<2x1xi32> -> vector<8x1xi32>
    %iota3A_92 = tpu.iota {dimensions = array<i32: 1>} : vector<8x1024xi32>
    %eq3A_93 = vector.broadcast %concatenate3A : vector<8x1xi32> to vector<8x1024xi32>
    %eq3A_94 = arith.cmpi eq, %iota3A_92, %eq3A_93 : vector<8x1024xi32>
    %convert_element_type3A_95 = arith.extui %eq3A_94 : vector<8x1024xi1> to vector<8x1024xi32>
    %convert_element_type3A_96 = arith.sitofp %convert_element_type3A_95 : vector<8x1024xi32> to vector<8x1024xf32>
    %convert_element_type3A_97 = arith.truncf %convert_element_type3A_96 : vector<8x1024xf32> to vector<8x1024xbf16>
    %get3A_98 = arith.constant 0 : index
    %get3A_99 = arith.constant 0 : index
    %get3A_100 = vector.load %arg9[%get3A_98, %get3A_99] : memref<1024x256xbf16, #tpu.memory_space<vmem>>, vector<1024x256xbf16>
    %dot_general3A_101 = arith.constant dense<0.000000e+00> : vector<8x256xf32>
    %dot_general3A_102 = tpu.matmul %convert_element_type3A_97, %get3A_100, %dot_general3A_101 {dimension_numbers = #tpu.dot_dimension_numbers<[1], [0], [0], [1], [0, 0, 1, 1], [], []>, transpose_lhs_hint = false} : vector<8x1024xbf16>, vector<1024x256xbf16>, vector<8x256xf32> -> vector<8x256xf32>
    %slice3A_103 = vector.extract_strided_slice %add3A_35 {offsets = [744, 0], sizes = [6, 256], strides = [1, 1]} : vector<750x256xf32> to vector<6x256xf32>
    %broadcast_in_dim3A_104 = arith.constant 0.000000e+00 : f32
    %broadcast_in_dim3A_105 = vector.broadcast %broadcast_in_dim3A_104 : f32 to vector<2x256xf32>
    %concatenate3A_106 = tpu.concatenate %slice3A_103, %broadcast_in_dim3A_105 in 0 : vector<6x256xf32>, vector<2x256xf32> -> vector<8x256xf32>
    %sub3A_107 = arith.subf %dot_general3A_102, %concatenate3A_106 : vector<8x256xf32>
    %add3A_108 = arith.addf %concatenate3A_106, %sub3A_107 : vector<8x256xf32>
    %convert_element_type3A_109 = arith.truncf %add3A_108 : vector<8x256xf32> to vector<8x256xbf16>
    %get3A_110 = arith.constant 0 : index
    %get3A_111 = arith.constant 0 : index
    %get3A_112 = vector.load %arg10[%get3A_110, %get3A_111] : memref<256x3328xbf16, #tpu.memory_space<vmem>>, vector<256x3328xbf16>
    %dot_general3A_113 = arith.constant dense<0.000000e+00> : vector<8x3328xf32>
    %dot_general3A_114 = tpu.matmul %convert_element_type3A_109, %get3A_112, %dot_general3A_113 {dimension_numbers = #tpu.dot_dimension_numbers<[1], [0], [0], [1], [0, 0, 1, 1], [], []>, transpose_lhs_hint = false} : vector<8x256xbf16>, vector<256x3328xbf16>, vector<8x3328xf32> -> vector<8x3328xf32>
    %get3A_115 = arith.constant 0 : index
    %get3A_116 = arith.constant 0 : index
    %get3A_117 = vector.load %arg11[%get3A_115, %get3A_116] : memref<1x3328xf32, #tpu.memory_space<vmem>>, vector<1x3328xf32>
    %add3A_118 = vector.broadcast %get3A_117 : vector<1x3328xf32> to vector<8x3328xf32>
    %add3A_119 = arith.addf %dot_general3A_114, %add3A_118 : vector<8x3328xf32>
    %swap3A_120 = arith.constant 0 : index
    %swap3A_121 = arith.constant 0 : index
    %swap3A_122 = arith.constant 0 : index
    %swap3A_123 = vector.load %arg13[%swap3A_120, %swap3A_121, %swap3A_122] : memref<1x8x3328xf32, #tpu.memory_space<vmem>>, vector<1x8x3328xf32>
    %swap3A_124 = vector.shape_cast %swap3A_123 : vector<1x8x3328xf32> to vector<8x3328xf32>
    %swap3A_125 = vector.shape_cast %add3A_119 : vector<8x3328xf32> to vector<1x8x3328xf32>
    tpu.vector_store %arg13[%swap3A_120, %swap3A_121, %swap3A_122], %swap3A_125 {strides = array<i32>} : memref<1x8x3328xf32, #tpu.memory_space<vmem>>, vector<1x8x3328xf32>,
    %eq3A_126 = arith.constant 3 : i32
    %eq3A_127 = arith.cmpi eq, %arg0, %eq3A_126 : i32
    %convert_element_type3A_128 = arith.extui %eq3A_127 : i1 to i32
    %cond3A_129 = arith.constant 0 : i32
    %cond3A_130 = arith.cmpi ne, %convert_element_type3A_128, %cond3A_129 : i32
    scf.if %cond3A_130 {
      %get3A_131 = arith.constant 0 : index
      %get3A_132 = arith.constant 0 : index
      %get3A_133 = vector.load %arg16[%get3A_131, %get3A_132] : memref<8x1024xf32, #tpu.memory_space<vmem>>, vector<1x1024xf32>
      %swap3A_134 = arith.constant 0 : index
      %swap3A_135 = arith.constant 0 : index
      %swap3A_136 = vector.load %arg14[%swap3A_134, %swap3A_135] : memref<1x1024xf32, #tpu.memory_space<vmem>>, vector<1x1024xf32>
      tpu.vector_store %arg14[%swap3A_134, %swap3A_135], %get3A_133 {strides = array<i32>} : memref<1x1024xf32, #tpu.memory_space<vmem>>, vector<1x1024xf32>,
      %get3A_137 = arith.constant 0 : index
      %get3A_138 = arith.constant 0 : index
      %get3A_139 = vector.load %arg17[%get3A_137, %get3A_138] : memref<8x128xf32, #tpu.memory_space<vmem>>, vector<1x1xf32>
      %swap3A_140 = arith.constant 0 : index
      %swap3A_141 = arith.constant 0 : index
      %swap3A_142 = vector.load %arg15[%swap3A_140, %swap3A_141] : memref<1x1xf32, #tpu.memory_space<vmem>>, vector<1x1xf32>
      tpu.vector_store %arg15[%swap3A_140, %swap3A_141], %get3A_139 {strides = array<i32>} : memref<1x1xf32, #tpu.memory_space<vmem>>, vector<1x1xf32>,
    } else {
    }
    return
  }
  func.func @transform_0(%arg0: i32) -> (i32, i32, i32) {
    %add3A = arith.constant 4 : i32
    %add3A_0 = arith.addi %add3A, %arg0 : i32
    %c0_i32 = arith.constant 0 : i32
    %c0_i32_1 = arith.constant 0 : i32
    %c0_i32_2 = arith.constant 0 : i32
    return %add3A_0, %c0_i32, %c0_i32_1 : i32, i32, i32
  }
  func.func @transform_1(%arg0: i32) -> (i32, i32, i32) {
    %add3A = arith.constant 4 : i32
    %add3A_0 = arith.addi %add3A, %arg0 : i32
    %c0_i32 = arith.constant 0 : i32
    %c0_i32_1 = arith.constant 0 : i32
    %c0_i32_2 = arith.constant 0 : i32
    return %add3A_0, %c0_i32, %c0_i32_1 : i32, i32, i32
  }
  func.func @transform_2(%arg0: i32) -> (i32, i32, i32) {
    %add3A = arith.constant 4 : i32
    %add3A_0 = arith.addi %add3A, %arg0 : i32
    %c0_i32 = arith.constant 0 : i32
    %c0_i32_1 = arith.constant 0 : i32
    %c0_i32_2 = arith.constant 0 : i32
    return %add3A_0, %c0_i32, %c0_i32_1 : i32, i32, i32
  }
  func.func @transform_3(%arg0: i32) -> (i32, i32) {
    %c0_i32 = arith.constant 0 : i32
    %c0_i32_0 = arith.constant 0 : i32
    %c0_i32_1 = arith.constant 0 : i32
    return %c0_i32, %c0_i32_0 : i32, i32
  }
  func.func @transform_4(%arg0: i32) -> (i32, i32) {
    %c0_i32 = arith.constant 0 : i32
    %c0_i32_0 = arith.constant 0 : i32
    %c0_i32_1 = arith.constant 0 : i32
    return %c0_i32, %c0_i32_0 : i32, i32
  }
  func.func @transform_5(%arg0: i32) -> (i32, i32) {
    %c0_i32 = arith.constant 0 : i32
    %c0_i32_0 = arith.constant 0 : i32
    %c0_i32_1 = arith.constant 0 : i32
    return %c0_i32, %c0_i32_0 : i32, i32
  }
  func.func @transform_6(%arg0: i32) -> (i32, i32) {
    %c0_i32 = arith.constant 0 : i32
    %c0_i32_0 = arith.constant 0 : i32
    %c0_i32_1 = arith.constant 0 : i32
    return %c0_i32, %c0_i32_0 : i32, i32
  }
  func.func @transform_7(%arg0: i32) -> (i32, i32) {
    %c0_i32 = arith.constant 0 : i32
    %c0_i32_0 = arith.constant 0 : i32
    %c0_i32_1 = arith.constant 0 : i32
    return %c0_i32, %c0_i32_0 : i32, i32
  }
  func.func @transform_8(%arg0: i32) -> (i32, i32) {
    %c0_i32 = arith.constant 0 : i32
    %c0_i32_0 = arith.constant 0 : i32
    %c0_i32_1 = arith.constant 0 : i32
    return %c0_i32, %c0_i32_0 : i32, i32
  }
  func.func @transform_9(%arg0: i32) -> (i32, i32) {
    %c0_i32 = arith.constant 0 : i32
    %c0_i32_0 = arith.constant 0 : i32
    %c0_i32_1 = arith.constant 0 : i32
    return %c0_i32, %c0_i32_0 : i32, i32
  }
  func.func @transform_10(%arg0: i32) -> (i32, i32) {
    %c0_i32 = arith.constant 0 : i32
    %c0_i32_0 = arith.constant 0 : i32
    %c0_i32_1 = arith.constant 0 : i32
    return %c0_i32, %c0_i32_0 : i32, i32
  }
  func.func @transform_11(%arg0: i32) -> (i32, i32, i32) {
    %c0_i32 = arith.constant 0 : i32
    %c0_i32_0 = arith.constant 0 : i32
    %c0_i32_1 = arith.constant 0 : i32
    return %arg0, %c0_i32, %c0_i32_0 : i32, i32, i32
  }
  func.func @transform_12(%arg0: i32) -> (i32, i32, i32) {
    %c0_i32 = arith.constant 0 : i32
    %c0_i32_0 = arith.constant 0 : i32
    %c0_i32_1 = arith.constant 0 : i32
    return %arg0, %c0_i32, %c0_i32_0 : i32, i32, i32
  }
  func.func @transform_13(%arg0: i32) -> (i32, i32) {
    %c0_i32 = arith.constant 0 : i32
    %c0_i32_0 = arith.constant 0 : i32
    %c0_i32_1 = arith.constant 0 : i32
    return %c0_i32, %c0_i32_0 : i32, i32
  }
  func.func @transform_14(%arg0: i32) -> (i32, i32) {
    %c0_i32 = arith.constant 0 : i32
    %c0_i32_0 = arith.constant 0 : i32
    %c0_i32_1 = arith.constant 0 : i32
    return %c0_i32, %c0_i32_0 : i32, i32
  }
}

module attributes {stable_mosaic.version = 14 : i64} {
  func.func @_main_body(%arg0: i32, %arg1: memref<1x750x1280xf32, #tpu.memory_space<vmem>>, %arg2: memref<1x750x1024xf32, #tpu.memory_space<vmem>>, %arg3: memref<1x750x1024xf32, #tpu.memory_space<vmem>>, %arg4: memref<1280x256xf32, #tpu.memory_space<vmem>>, %arg5: memref<1024x256xf32, #tpu.memory_space<vmem>>, %arg6: memref<1024x256xf32, #tpu.memory_space<vmem>>, %arg7: memref<1x256xf32, #tpu.memory_space<vmem>>, %arg8: memref<256x1024xf32, #tpu.memory_space<vmem>>, %arg9: memref<1024x256xbf16, #tpu.memory_space<vmem>>, %arg10: memref<256x3328xbf16, #tpu.memory_space<vmem>>, %arg11: memref<1x3328xf32, #tpu.memory_space<vmem>>, %arg12: memref<1x750x1xi32, #tpu.memory_space<vmem>>, %arg13: memref<1x8x3328xf32, #tpu.memory_space<vmem>>, %arg14: memref<1x1024xf32, #tpu.memory_space<vmem>>, %arg15: memref<1x1xf32, #tpu.memory_space<vmem>>, %arg16: memref<8x1024xf32, #tpu.memory_space<vmem>>, %arg17: memref<8x128xf32, #tpu.memory_space<vmem>>) attributes {dimension_semantics = [#tpu.dimension_semantics<arbitrary>], iteration_bounds = array<i64: 4>, scalar_prefetch = 0 : i64, scratch_operands = 2 : i64, tpu.core_type = #tpu.core_type<tc>, window_params = [{transform_indices = @transform_0, window_bounds = array<i64: 1, 750, 1280>}, {transform_indices = @transform_1, window_bounds = array<i64: 1, 750, 1024>}, {transform_indices = @transform_2, window_bounds = array<i64: 1, 750, 1024>}, {pipeline_mode = #tpu.pipeline_mode<synchronous>, transform_indices = @transform_3, window_bounds = array<i64: 1280, 256>}, {pipeline_mode = #tpu.pipeline_mode<synchronous>, transform_indices = @transform_4, window_bounds = array<i64: 1024, 256>}, {pipeline_mode = #tpu.pipeline_mode<synchronous>, transform_indices = @transform_5, window_bounds = array<i64: 1024, 256>}, {pipeline_mode = #tpu.pipeline_mode<synchronous>, transform_indices = @transform_6, window_bounds = array<i64: 1, 256>}, {pipeline_mode = #tpu.pipeline_mode<synchronous>, transform_indices = @transform_7, window_bounds = array<i64: 256, 1024>}, {pipeline_mode = #tpu.pipeline_mode<synchronous>, transform_indices = @transform_8, window_bounds = array<i64: 1024, 256>}, {pipeline_mode = #tpu.pipeline_mode<synchronous>, transform_indices = @transform_9, window_bounds = array<i64: 256, 3328>}, {pipeline_mode = #tpu.pipeline_mode<synchronous>, transform_indices = @transform_10, window_bounds = array<i64: 1, 3328>}, {transform_indices = @transform_11, window_bounds = array<i64: 1, 750, 1>}, {transform_indices = @transform_12, window_bounds = array<i64: 1, 8, 3328>}, {pipeline_mode = #tpu.pipeline_mode<synchronous>, transform_indices = @transform_13, window_bounds = array<i64: 1, 1024>}, {pipeline_mode = #tpu.pipeline_mode<synchronous>, transform_indices = @transform_14, window_bounds = array<i64: 1, 1>}]} {
    %eq3A = arith.constant 0 : i32
    %eq3A_0 = arith.cmpi eq, %arg0, %eq3A : i32
    %convert_element_type3A = arith.extui %eq3A_0 : i1 to i32
    %cond3A = arith.constant 0 : i32
    %cond3A_1 = arith.cmpi ne, %convert_element_type3A, %cond3A : i32
    scf.if %cond3A_1 {
      %broadcast_in_dim3A_131 = arith.constant 0.000000e+00 : f32
      %broadcast_in_dim3A_132 = vector.broadcast %broadcast_in_dim3A_131 : f32 to vector<8x1024xf32>
      %swap3A_133 = arith.constant 0 : index
      %swap3A_134 = arith.constant 0 : index
      %swap3A_135 = vector.load %arg16[%swap3A_133, %swap3A_134] : memref<8x1024xf32, #tpu.memory_space<vmem>>, vector<8x1024xf32>
      tpu.vector_store %arg16[%swap3A_133, %swap3A_134], %broadcast_in_dim3A_132 {strides = array<i32>} : memref<8x1024xf32, #tpu.memory_space<vmem>>, vector<8x1024xf32>,
      %get3A_136 = arith.constant 0 : index
      %get3A_137 = arith.constant 0 : index
      %get3A_138 = vector.load %arg8[%get3A_136, %get3A_137] : memref<256x1024xf32, #tpu.memory_space<vmem>>, vector<256x1024xf32>
      %mul3A_139 = arith.mulf %get3A_138, %get3A_138 : vector<256x1024xf32>
      %reduce_sum3A_140 = arith.constant dense<0.000000e+00> : vector<1024xf32>
      %reduce_sum3A_141 = vector.multi_reduction <add>, %mul3A_139, %reduce_sum3A_140 [0] : vector<256x1024xf32> to vector<1024xf32>
      %broadcast_in_dim3A_142 = vector.shape_cast %reduce_sum3A_141 : vector<1024xf32> to vector<1x1024xf32>
      %swap3A_143 = arith.constant 1 : index
      %swap3A_144 = arith.constant 0 : index
      %swap3A_145 = vector.load %arg16[%swap3A_143, %swap3A_144] : memref<8x1024xf32, #tpu.memory_space<vmem>>, vector<1x1024xf32>
      tpu.vector_store %arg16[%swap3A_143, %swap3A_144], %broadcast_in_dim3A_142 {strides = array<i32>} : memref<8x1024xf32, #tpu.memory_space<vmem>>, vector<1x1024xf32>,
      %broadcast_in_dim3A_146 = arith.constant 0.000000e+00 : f32
      %broadcast_in_dim3A_147 = vector.broadcast %broadcast_in_dim3A_146 : f32 to vector<8x128xf32>
      %swap3A_148 = arith.constant 0 : index
      %swap3A_149 = arith.constant 0 : index
      %swap3A_150 = vector.load %arg17[%swap3A_148, %swap3A_149] : memref<8x128xf32, #tpu.memory_space<vmem>>, vector<8x128xf32>
      tpu.vector_store %arg17[%swap3A_148, %swap3A_149], %broadcast_in_dim3A_147 {strides = array<i32>} : memref<8x128xf32, #tpu.memory_space<vmem>>, vector<8x128xf32>,
    } else {
    }
    %get3A = arith.constant 0 : index
    %get3A_2 = arith.constant 0 : index
    %get3A_3 = arith.constant 0 : index
    %get3A_4 = vector.load %arg1[%get3A, %get3A_2, %get3A_3] : memref<1x750x1280xf32, #tpu.memory_space<vmem>>, vector<1x750x1280xf32>
    %get3A_5 = vector.shape_cast %get3A_4 : vector<1x750x1280xf32> to vector<750x1280xf32>
    %get3A_6 = arith.constant 0 : index
    %get3A_7 = arith.constant 0 : index
    %get3A_8 = vector.load %arg4[%get3A_6, %get3A_7] : memref<1280x256xf32, #tpu.memory_space<vmem>>, vector<1280x256xf32>
    %dot_general3A = arith.constant dense<0.000000e+00> : vector<750x256xf32>
    %dot_general3A_9 = tpu.matmul %get3A_5, %get3A_8, %dot_general3A {dimension_numbers = #tpu.dot_dimension_numbers<[1], [0], [0], [1], [0, 0, 1, 1], [], []>, transpose_lhs_hint = false} : vector<750x1280xf32>, vector<1280x256xf32>, vector<750x256xf32> -> vector<750x256xf32>
    %get3A_10 = arith.constant 0 : index
    %get3A_11 = arith.constant 0 : index
    %get3A_12 = arith.constant 0 : index
    %get3A_13 = vector.load %arg2[%get3A_10, %get3A_11, %get3A_12] : memref<1x750x1024xf32, #tpu.memory_space<vmem>>, vector<1x750x1024xf32>
    %get3A_14 = vector.shape_cast %get3A_13 : vector<1x750x1024xf32> to vector<750x1024xf32>
    %get3A_15 = arith.constant 0 : index
    %get3A_16 = arith.constant 0 : index
    %get3A_17 = vector.load %arg5[%get3A_15, %get3A_16] : memref<1024x256xf32, #tpu.memory_space<vmem>>, vector<1024x256xf32>
    %dot_general3A_18 = arith.constant dense<0.000000e+00> : vector<750x256xf32>
    %dot_general3A_19 = tpu.matmul %get3A_14, %get3A_17, %dot_general3A_18 {dimension_numbers = #tpu.dot_dimension_numbers<[1], [0], [0], [1], [0, 0, 1, 1], [], []>, transpose_lhs_hint = false} : vector<750x1024xf32>, vector<1024x256xf32>, vector<750x256xf32> -> vector<750x256xf32>
    %add3A = arith.addf %dot_general3A_9, %dot_general3A_19 : vector<750x256xf32>
    %get3A_20 = arith.constant 0 : index
    %get3A_21 = arith.constant 0 : index
    %get3A_22 = arith.constant 0 : index
    %get3A_23 = vector.load %arg3[%get3A_20, %get3A_21, %get3A_22] : memref<1x750x1024xf32, #tpu.memory_space<vmem>>, vector<1x750x1024xf32>
    %get3A_24 = vector.shape_cast %get3A_23 : vector<1x750x1024xf32> to vector<750x1024xf32>
    %get3A_25 = arith.constant 0 : index
    %get3A_26 = arith.constant 0 : index
    %get3A_27 = vector.load %arg6[%get3A_25, %get3A_26] : memref<1024x256xf32, #tpu.memory_space<vmem>>, vector<1024x256xf32>
    %dot_general3A_28 = arith.constant dense<0.000000e+00> : vector<750x256xf32>
    %dot_general3A_29 = tpu.matmul %get3A_24, %get3A_27, %dot_general3A_28 {dimension_numbers = #tpu.dot_dimension_numbers<[1], [0], [0], [1], [0, 0, 1, 1], [], []>, transpose_lhs_hint = false} : vector<750x1024xf32>, vector<1024x256xf32>, vector<750x256xf32> -> vector<750x256xf32>
    %add3A_30 = arith.addf %add3A, %dot_general3A_29 : vector<750x256xf32>
    %get3A_31 = arith.constant 0 : index
    %get3A_32 = arith.constant 0 : index
    %get3A_33 = vector.load %arg7[%get3A_31, %get3A_32] : memref<1x256xf32, #tpu.memory_space<vmem>>, vector<1x256xf32>
    %add3A_34 = vector.broadcast %get3A_33 : vector<1x256xf32> to vector<750x256xf32>
    %add3A_35 = arith.addf %add3A_30, %add3A_34 : vector<750x256xf32>
    %mul3A = arith.mulf %add3A_35, %add3A_35 : vector<750x256xf32>
    %reduce_sum3A = arith.constant dense<0.000000e+00> : vector<750xf32>
    %reduce_sum3A_36 = vector.multi_reduction <add>, %mul3A, %reduce_sum3A [1] : vector<750x256xf32> to vector<750xf32>
    %broadcast_in_dim3A = vector.shape_cast %reduce_sum3A_36 : vector<750xf32> to vector<750x1xf32>
    %get3A_37 = arith.constant 0 : index
    %get3A_38 = arith.constant 0 : index
    %get3A_39 = vector.load %arg8[%get3A_37, %get3A_38] : memref<256x1024xf32, #tpu.memory_space<vmem>>, vector<256x1024xf32>
    %dot_general3A_40 = arith.constant dense<0.000000e+00> : vector<750x1024xf32>
    %dot_general3A_41 = tpu.matmul %add3A_35, %get3A_39, %dot_general3A_40 {dimension_numbers = #tpu.dot_dimension_numbers<[1], [0], [0], [1], [0, 0, 1, 1], [], []>, transpose_lhs_hint = false} : vector<750x256xf32>, vector<256x1024xf32>, vector<750x1024xf32> -> vector<750x1024xf32>
    %mul3A_42 = arith.constant 2.000000e+00 : f32
    %mul3A_43 = vector.broadcast %mul3A_42 : f32 to vector<750x1024xf32>
    %mul3A_44 = arith.mulf %mul3A_43, %dot_general3A_41 : vector<750x1024xf32>
    %sub3A = vector.broadcast %broadcast_in_dim3A : vector<750x1xf32> to vector<750x1024xf32>
    %sub3A_45 = arith.subf %sub3A, %mul3A_44 : vector<750x1024xf32>
    %get3A_46 = arith.constant 1 : index
    %get3A_47 = arith.constant 0 : index
    %get3A_48 = vector.load %arg16[%get3A_46, %get3A_47] : memref<8x1024xf32, #tpu.memory_space<vmem>>, vector<1x1024xf32>
    %add3A_49 = vector.broadcast %get3A_48 : vector<1x1024xf32> to vector<750x1024xf32>
    %add3A_50 = arith.addf %sub3A_45, %add3A_49 : vector<750x1024xf32>
    %reduce_min3A = arith.constant dense<0x7F800000> : vector<750xf32>
    %reduce_min3A_51 = vector.multi_reduction <minimumf>, %add3A_50, %reduce_min3A [1] : vector<750x1024xf32> to vector<750xf32>
    %broadcast_in_dim3A_52 = vector.shape_cast %reduce_min3A_51 : vector<750xf32> to vector<750x1xf32>
    %iota3A = tpu.iota {dimensions = array<i32: 1>} : vector<750x1024xi32>
    %eq3A_53 = vector.broadcast %broadcast_in_dim3A_52 : vector<750x1xf32> to vector<750x1024xf32>
    %eq3A_54 = arith.cmpf oeq, %add3A_50, %eq3A_53 : vector<750x1024xf32>
    %jit3A = arith.constant 1024 : i32
    %broadcast_in_dim3A_55 = vector.broadcast %jit3A : i32 to vector<750x1024xi32>
    %select_n3A = arith.select %eq3A_54, %iota3A, %broadcast_in_dim3A_55 : vector<750x1024xi1>, vector<750x1024xi32>
    %reduce_min3A_56 = arith.constant dense<2147483647> : vector<750xi32>
    %reduce_min3A_57 = vector.multi_reduction <minsi>, %select_n3A, %reduce_min3A_56 [1] : vector<750x1024xi32> to vector<750xi32>
    %broadcast_in_dim3A_58 = vector.shape_cast %reduce_min3A_57 : vector<750xi32> to vector<750x1xi32>
    %swap3A = arith.constant 0 : index
    %swap3A_59 = arith.constant 0 : index
    %swap3A_60 = arith.constant 0 : index
    %swap3A_61 = vector.load %arg12[%swap3A, %swap3A_59, %swap3A_60] : memref<1x750x1xi32, #tpu.memory_space<vmem>>, vector<1x750x1xi32>
    %swap3A_62 = vector.shape_cast %swap3A_61 : vector<1x750x1xi32> to vector<750x1xi32>
    %swap3A_63 = vector.shape_cast %broadcast_in_dim3A_58 : vector<750x1xi32> to vector<1x750x1xi32>
    tpu.vector_store %arg12[%swap3A, %swap3A_59, %swap3A_60], %swap3A_63 {strides = array<i32>} : memref<1x750x1xi32, #tpu.memory_space<vmem>>, vector<1x750x1xi32>,
    %sub3A_64 = vector.broadcast %broadcast_in_dim3A_52 : vector<750x1xf32> to vector<750x1024xf32>
    %sub3A_65 = arith.subf %sub3A_64, %add3A_50 : vector<750x1024xf32>
    %exp3A = math.exp %sub3A_65 : vector<750x1024xf32>
    %reduce_sum3A_66 = arith.constant dense<0.000000e+00> : vector<750xf32>
    %reduce_sum3A_67 = vector.multi_reduction <add>, %exp3A, %reduce_sum3A_66 [1] : vector<750x1024xf32> to vector<750xf32>
    %broadcast_in_dim3A_68 = vector.shape_cast %reduce_sum3A_67 : vector<750xf32> to vector<750x1xf32>
    %get3A_69 = arith.constant 0 : index
    %get3A_70 = arith.constant 0 : index
    %get3A_71 = vector.load %arg16[%get3A_69, %get3A_70] : memref<8x1024xf32, #tpu.memory_space<vmem>>, vector<1x1024xf32>
    %div3A = vector.broadcast %broadcast_in_dim3A_68 : vector<750x1xf32> to vector<750x1024xf32>
    %div3A_72 = arith.divf %exp3A, %div3A : vector<750x1024xf32>
    %reduce_sum3A_73 = arith.constant dense<0.000000e+00> : vector<1024xf32>
    %reduce_sum3A_74 = vector.multi_reduction <add>, %div3A_72, %reduce_sum3A_73 [0] : vector<750x1024xf32> to vector<1024xf32>
    %broadcast_in_dim3A_75 = vector.shape_cast %reduce_sum3A_74 : vector<1024xf32> to vector<1x1024xf32>
    %add3A_76 = arith.addf %get3A_71, %broadcast_in_dim3A_75 : vector<1x1024xf32>
    %swap3A_77 = arith.constant 0 : index
    %swap3A_78 = arith.constant 0 : index
    %swap3A_79 = vector.load %arg16[%swap3A_77, %swap3A_78] : memref<8x1024xf32, #tpu.memory_space<vmem>>, vector<1x1024xf32>
    tpu.vector_store %arg16[%swap3A_77, %swap3A_78], %add3A_76 {strides = array<i32>} : memref<8x1024xf32, #tpu.memory_space<vmem>>, vector<1x1024xf32>,
    %get3A_80 = arith.constant 0 : index
    %get3A_81 = arith.constant 0 : index
    %get3A_82 = vector.load %arg17[%get3A_80, %get3A_81] : memref<8x128xf32, #tpu.memory_space<vmem>>, vector<1x1xf32>
    %reduce_sum3A_83 = arith.constant dense<0.000000e+00> : vector<1xf32>
    %reduce_sum3A_84 = vector.multi_reduction <add>, %broadcast_in_dim3A_52, %reduce_sum3A_83 [0] : vector<750x1xf32> to vector<1xf32>
    %broadcast_in_dim3A_85 = vector.shape_cast %reduce_sum3A_84 : vector<1xf32> to vector<1x1xf32>
    %add3A_86 = arith.addf %get3A_82, %broadcast_in_dim3A_85 : vector<1x1xf32>
    %swap3A_87 = arith.constant 0 : index
    %swap3A_88 = arith.constant 0 : index
    %swap3A_89 = vector.load %arg17[%swap3A_87, %swap3A_88] : memref<8x128xf32, #tpu.memory_space<vmem>>, vector<1x1xf32>
    tpu.vector_store %arg17[%swap3A_87, %swap3A_88], %add3A_86 {strides = array<i32>} : memref<8x128xf32, #tpu.memory_space<vmem>>, vector<1x1xf32>,
    %slice3A = vector.extract_strided_slice %broadcast_in_dim3A_58 {offsets = [744, 0], sizes = [6, 1], strides = [1, 1]} : vector<750x1xi32> to vector<6x1xi32>
    %broadcast_in_dim3A_90 = arith.constant 0 : i32
    %broadcast_in_dim3A_91 = vector.broadcast %broadcast_in_dim3A_90 : i32 to vector<2x1xi32>
    %concatenate3A = tpu.concatenate %slice3A, %broadcast_in_dim3A_91 in 0 : vector<6x1xi32>, vector<2x1xi32> -> vector<8x1xi32>
    %iota3A_92 = tpu.iota {dimensions = array<i32: 1>} : vector<8x1024xi32>
    %eq3A_93 = vector.broadcast %concatenate3A : vector<8x1xi32> to vector<8x1024xi32>
    %eq3A_94 = arith.cmpi eq, %iota3A_92, %eq3A_93 : vector<8x1024xi32>
    %convert_element_type3A_95 = arith.extui %eq3A_94 : vector<8x1024xi1> to vector<8x1024xi32>
    %convert_element_type3A_96 = arith.sitofp %convert_element_type3A_95 : vector<8x1024xi32> to vector<8x1024xf32>
    %convert_element_type3A_97 = arith.truncf %convert_element_type3A_96 : vector<8x1024xf32> to vector<8x1024xbf16>
    %get3A_98 = arith.constant 0 : index
    %get3A_99 = arith.constant 0 : index
    %get3A_100 = vector.load %arg9[%get3A_98, %get3A_99] : memref<1024x256xbf16, #tpu.memory_space<vmem>>, vector<1024x256xbf16>
    %dot_general3A_101 = arith.constant dense<0.000000e+00> : vector<8x256xf32>
    %dot_general3A_102 = tpu.matmul %convert_element_type3A_97, %get3A_100, %dot_general3A_101 {dimension_numbers = #tpu.dot_dimension_numbers<[1], [0], [0], [1], [0, 0, 1, 1], [], []>, transpose_lhs_hint = false} : vector<8x1024xbf16>, vector<1024x256xbf16>, vector<8x256xf32> -> vector<8x256xf32>
    %slice3A_103 = vector.extract_strided_slice %add3A_35 {offsets = [744, 0], sizes = [6, 256], strides = [1, 1]} : vector<750x256xf32> to vector<6x256xf32>
    %broadcast_in_dim3A_104 = arith.constant 0.000000e+00 : f32
    %broadcast_in_dim3A_105 = vector.broadcast %broadcast_in_dim3A_104 : f32 to vector<2x256xf32>
    %concatenate3A_106 = tpu.concatenate %slice3A_103, %broadcast_in_dim3A_105 in 0 : vector<6x256xf32>, vector<2x256xf32> -> vector<8x256xf32>
    %sub3A_107 = arith.subf %dot_general3A_102, %concatenate3A_106 : vector<8x256xf32>
    %add3A_108 = arith.addf %concatenate3A_106, %sub3A_107 : vector<8x256xf32>
    %convert_element_type3A_109 = arith.truncf %add3A_108 : vector<8x256xf32> to vector<8x256xbf16>
    %get3A_110 = arith.constant 0 : index
    %get3A_111 = arith.constant 0 : index
    %get3A_112 = vector.load %arg10[%get3A_110, %get3A_111] : memref<256x3328xbf16, #tpu.memory_space<vmem>>, vector<256x3328xbf16>
    %dot_general3A_113 = arith.constant dense<0.000000e+00> : vector<8x3328xf32>
    %dot_general3A_114 = tpu.matmul %convert_element_type3A_109, %get3A_112, %dot_general3A_113 {dimension_numbers = #tpu.dot_dimension_numbers<[1], [0], [0], [1], [0, 0, 1, 1], [], []>, transpose_lhs_hint = false} : vector<8x256xbf16>, vector<256x3328xbf16>, vector<8x3328xf32> -> vector<8x3328xf32>
    %get3A_115 = arith.constant 0 : index
    %get3A_116 = arith.constant 0 : index
    %get3A_117 = vector.load %arg11[%get3A_115, %get3A_116] : memref<1x3328xf32, #tpu.memory_space<vmem>>, vector<1x3328xf32>
    %add3A_118 = vector.broadcast %get3A_117 : vector<1x3328xf32> to vector<8x3328xf32>
    %add3A_119 = arith.addf %dot_general3A_114, %add3A_118 : vector<8x3328xf32>
    %swap3A_120 = arith.constant 0 : index
    %swap3A_121 = arith.constant 0 : index
    %swap3A_122 = arith.constant 0 : index
    %swap3A_123 = vector.load %arg13[%swap3A_120, %swap3A_121, %swap3A_122] : memref<1x8x3328xf32, #tpu.memory_space<vmem>>, vector<1x8x3328xf32>
    %swap3A_124 = vector.shape_cast %swap3A_123 : vector<1x8x3328xf32> to vector<8x3328xf32>
    %swap3A_125 = vector.shape_cast %add3A_119 : vector<8x3328xf32> to vector<1x8x3328xf32>
    tpu.vector_store %arg13[%swap3A_120, %swap3A_121, %swap3A_122], %swap3A_125 {strides = array<i32>} : memref<1x8x3328xf32, #tpu.memory_space<vmem>>, vector<1x8x3328xf32>,
    %eq3A_126 = arith.constant 3 : i32
    %eq3A_127 = arith.cmpi eq, %arg0, %eq3A_126 : i32
    %convert_element_type3A_128 = arith.extui %eq3A_127 : i1 to i32
    %cond3A_129 = arith.constant 0 : i32
    %cond3A_130 = arith.cmpi ne, %convert_element_type3A_128, %cond3A_129 : i32
    scf.if %cond3A_130 {
      %get3A_131 = arith.constant 0 : index
      %get3A_132 = arith.constant 0 : index
      %get3A_133 = vector.load %arg16[%get3A_131, %get3A_132] : memref<8x1024xf32, #tpu.memory_space<vmem>>, vector<1x1024xf32>
      %swap3A_134 = arith.constant 0 : index
      %swap3A_135 = arith.constant 0 : index
      %swap3A_136 = vector.load %arg14[%swap3A_134, %swap3A_135] : memref<1x1024xf32, #tpu.memory_space<vmem>>, vector<1x1024xf32>
      tpu.vector_store %arg14[%swap3A_134, %swap3A_135], %get3A_133 {strides = array<i32>} : memref<1x1024xf32, #tpu.memory_space<vmem>>, vector<1x1024xf32>,
      %get3A_137 = arith.constant 0 : index
      %get3A_138 = arith.constant 0 : index
      %get3A_139 = vector.load %arg17[%get3A_137, %get3A_138] : memref<8x128xf32, #tpu.memory_space<vmem>>, vector<1x1xf32>
      %swap3A_140 = arith.constant 0 : index
      %swap3A_141 = arith.constant 0 : index
      %swap3A_142 = vector.load %arg15[%swap3A_140, %swap3A_141] : memref<1x1xf32, #tpu.memory_space<vmem>>, vector<1x1xf32>
      tpu.vector_store %arg15[%swap3A_140, %swap3A_141], %get3A_139 {strides = array<i32>} : memref<1x1xf32, #tpu.memory_space<vmem>>, vector<1x1xf32>,
    } else {
    }
    return
  }
  func.func @transform_0(%arg0: i32) -> (i32, i32, i32) {
    %add3A = arith.constant 8 : i32
    %add3A_0 = arith.addi %add3A, %arg0 : i32
    %c0_i32 = arith.constant 0 : i32
    %c0_i32_1 = arith.constant 0 : i32
    %c0_i32_2 = arith.constant 0 : i32
    return %add3A_0, %c0_i32, %c0_i32_1 : i32, i32, i32
  }
  func.func @transform_1(%arg0: i32) -> (i32, i32, i32) {
    %add3A = arith.constant 8 : i32
    %add3A_0 = arith.addi %add3A, %arg0 : i32
    %c0_i32 = arith.constant 0 : i32
    %c0_i32_1 = arith.constant 0 : i32
    %c0_i32_2 = arith.constant 0 : i32
    return %add3A_0, %c0_i32, %c0_i32_1 : i32, i32, i32
  }
  func.func @transform_2(%arg0: i32) -> (i32, i32, i32) {
    %add3A = arith.constant 8 : i32
    %add3A_0 = arith.addi %add3A, %arg0 : i32
    %c0_i32 = arith.constant 0 : i32
    %c0_i32_1 = arith.constant 0 : i32
    %c0_i32_2 = arith.constant 0 : i32
    return %add3A_0, %c0_i32, %c0_i32_1 : i32, i32, i32
  }
  func.func @transform_3(%arg0: i32) -> (i32, i32) {
    %c0_i32 = arith.constant 0 : i32
    %c0_i32_0 = arith.constant 0 : i32
    %c0_i32_1 = arith.constant 0 : i32
    return %c0_i32, %c0_i32_0 : i32, i32
  }
  func.func @transform_4(%arg0: i32) -> (i32, i32) {
    %c0_i32 = arith.constant 0 : i32
    %c0_i32_0 = arith.constant 0 : i32
    %c0_i32_1 = arith.constant 0 : i32
    return %c0_i32, %c0_i32_0 : i32, i32
  }
  func.func @transform_5(%arg0: i32) -> (i32, i32) {
    %c0_i32 = arith.constant 0 : i32
    %c0_i32_0 = arith.constant 0 : i32
    %c0_i32_1 = arith.constant 0 : i32
    return %c0_i32, %c0_i32_0 : i32, i32
  }
  func.func @transform_6(%arg0: i32) -> (i32, i32) {
    %c0_i32 = arith.constant 0 : i32
    %c0_i32_0 = arith.constant 0 : i32
    %c0_i32_1 = arith.constant 0 : i32
    return %c0_i32, %c0_i32_0 : i32, i32
  }
  func.func @transform_7(%arg0: i32) -> (i32, i32) {
    %c0_i32 = arith.constant 0 : i32
    %c0_i32_0 = arith.constant 0 : i32
    %c0_i32_1 = arith.constant 0 : i32
    return %c0_i32, %c0_i32_0 : i32, i32
  }
  func.func @transform_8(%arg0: i32) -> (i32, i32) {
    %c0_i32 = arith.constant 0 : i32
    %c0_i32_0 = arith.constant 0 : i32
    %c0_i32_1 = arith.constant 0 : i32
    return %c0_i32, %c0_i32_0 : i32, i32
  }
  func.func @transform_9(%arg0: i32) -> (i32, i32) {
    %c0_i32 = arith.constant 0 : i32
    %c0_i32_0 = arith.constant 0 : i32
    %c0_i32_1 = arith.constant 0 : i32
    return %c0_i32, %c0_i32_0 : i32, i32
  }
  func.func @transform_10(%arg0: i32) -> (i32, i32) {
    %c0_i32 = arith.constant 0 : i32
    %c0_i32_0 = arith.constant 0 : i32
    %c0_i32_1 = arith.constant 0 : i32
    return %c0_i32, %c0_i32_0 : i32, i32
  }
  func.func @transform_11(%arg0: i32) -> (i32, i32, i32) {
    %c0_i32 = arith.constant 0 : i32
    %c0_i32_0 = arith.constant 0 : i32
    %c0_i32_1 = arith.constant 0 : i32
    return %arg0, %c0_i32, %c0_i32_0 : i32, i32, i32
  }
  func.func @transform_12(%arg0: i32) -> (i32, i32, i32) {
    %c0_i32 = arith.constant 0 : i32
    %c0_i32_0 = arith.constant 0 : i32
    %c0_i32_1 = arith.constant 0 : i32
    return %arg0, %c0_i32, %c0_i32_0 : i32, i32, i32
  }
  func.func @transform_13(%arg0: i32) -> (i32, i32) {
    %c0_i32 = arith.constant 0 : i32
    %c0_i32_0 = arith.constant 0 : i32
    %c0_i32_1 = arith.constant 0 : i32
    return %c0_i32, %c0_i32_0 : i32, i32
  }
  func.func @transform_14(%arg0: i32) -> (i32, i32) {
    %c0_i32 = arith.constant 0 : i32
    %c0_i32_0 = arith.constant 0 : i32
    %c0_i32_1 = arith.constant 0 : i32
    return %c0_i32, %c0_i32_0 : i32, i32
  }
}

module attributes {stable_mosaic.version = 14 : i64} {
  func.func @_main_body(%arg0: i32, %arg1: memref<1x750x1280xf32, #tpu.memory_space<vmem>>, %arg2: memref<1x750x1024xf32, #tpu.memory_space<vmem>>, %arg3: memref<1x750x1024xf32, #tpu.memory_space<vmem>>, %arg4: memref<1280x256xf32, #tpu.memory_space<vmem>>, %arg5: memref<1024x256xf32, #tpu.memory_space<vmem>>, %arg6: memref<1024x256xf32, #tpu.memory_space<vmem>>, %arg7: memref<1x256xf32, #tpu.memory_space<vmem>>, %arg8: memref<256x1024xf32, #tpu.memory_space<vmem>>, %arg9: memref<1024x256xbf16, #tpu.memory_space<vmem>>, %arg10: memref<256x3328xbf16, #tpu.memory_space<vmem>>, %arg11: memref<1x3328xf32, #tpu.memory_space<vmem>>, %arg12: memref<1x750x1xi32, #tpu.memory_space<vmem>>, %arg13: memref<1x8x3328xf32, #tpu.memory_space<vmem>>, %arg14: memref<1x1024xf32, #tpu.memory_space<vmem>>, %arg15: memref<1x1xf32, #tpu.memory_space<vmem>>, %arg16: memref<8x1024xf32, #tpu.memory_space<vmem>>, %arg17: memref<8x128xf32, #tpu.memory_space<vmem>>) attributes {dimension_semantics = [#tpu.dimension_semantics<arbitrary>], iteration_bounds = array<i64: 4>, scalar_prefetch = 0 : i64, scratch_operands = 2 : i64, tpu.core_type = #tpu.core_type<tc>, window_params = [{transform_indices = @transform_0, window_bounds = array<i64: 1, 750, 1280>}, {transform_indices = @transform_1, window_bounds = array<i64: 1, 750, 1024>}, {transform_indices = @transform_2, window_bounds = array<i64: 1, 750, 1024>}, {pipeline_mode = #tpu.pipeline_mode<synchronous>, transform_indices = @transform_3, window_bounds = array<i64: 1280, 256>}, {pipeline_mode = #tpu.pipeline_mode<synchronous>, transform_indices = @transform_4, window_bounds = array<i64: 1024, 256>}, {pipeline_mode = #tpu.pipeline_mode<synchronous>, transform_indices = @transform_5, window_bounds = array<i64: 1024, 256>}, {pipeline_mode = #tpu.pipeline_mode<synchronous>, transform_indices = @transform_6, window_bounds = array<i64: 1, 256>}, {pipeline_mode = #tpu.pipeline_mode<synchronous>, transform_indices = @transform_7, window_bounds = array<i64: 256, 1024>}, {pipeline_mode = #tpu.pipeline_mode<synchronous>, transform_indices = @transform_8, window_bounds = array<i64: 1024, 256>}, {pipeline_mode = #tpu.pipeline_mode<synchronous>, transform_indices = @transform_9, window_bounds = array<i64: 256, 3328>}, {pipeline_mode = #tpu.pipeline_mode<synchronous>, transform_indices = @transform_10, window_bounds = array<i64: 1, 3328>}, {transform_indices = @transform_11, window_bounds = array<i64: 1, 750, 1>}, {transform_indices = @transform_12, window_bounds = array<i64: 1, 8, 3328>}, {pipeline_mode = #tpu.pipeline_mode<synchronous>, transform_indices = @transform_13, window_bounds = array<i64: 1, 1024>}, {pipeline_mode = #tpu.pipeline_mode<synchronous>, transform_indices = @transform_14, window_bounds = array<i64: 1, 1>}]} {
    %eq3A = arith.constant 0 : i32
    %eq3A_0 = arith.cmpi eq, %arg0, %eq3A : i32
    %convert_element_type3A = arith.extui %eq3A_0 : i1 to i32
    %cond3A = arith.constant 0 : i32
    %cond3A_1 = arith.cmpi ne, %convert_element_type3A, %cond3A : i32
    scf.if %cond3A_1 {
      %broadcast_in_dim3A_131 = arith.constant 0.000000e+00 : f32
      %broadcast_in_dim3A_132 = vector.broadcast %broadcast_in_dim3A_131 : f32 to vector<8x1024xf32>
      %swap3A_133 = arith.constant 0 : index
      %swap3A_134 = arith.constant 0 : index
      %swap3A_135 = vector.load %arg16[%swap3A_133, %swap3A_134] : memref<8x1024xf32, #tpu.memory_space<vmem>>, vector<8x1024xf32>
      tpu.vector_store %arg16[%swap3A_133, %swap3A_134], %broadcast_in_dim3A_132 {strides = array<i32>} : memref<8x1024xf32, #tpu.memory_space<vmem>>, vector<8x1024xf32>,
      %get3A_136 = arith.constant 0 : index
      %get3A_137 = arith.constant 0 : index
      %get3A_138 = vector.load %arg8[%get3A_136, %get3A_137] : memref<256x1024xf32, #tpu.memory_space<vmem>>, vector<256x1024xf32>
      %mul3A_139 = arith.mulf %get3A_138, %get3A_138 : vector<256x1024xf32>
      %reduce_sum3A_140 = arith.constant dense<0.000000e+00> : vector<1024xf32>
      %reduce_sum3A_141 = vector.multi_reduction <add>, %mul3A_139, %reduce_sum3A_140 [0] : vector<256x1024xf32> to vector<1024xf32>
      %broadcast_in_dim3A_142 = vector.shape_cast %reduce_sum3A_141 : vector<1024xf32> to vector<1x1024xf32>
      %swap3A_143 = arith.constant 1 : index
      %swap3A_144 = arith.constant 0 : index
      %swap3A_145 = vector.load %arg16[%swap3A_143, %swap3A_144] : memref<8x1024xf32, #tpu.memory_space<vmem>>, vector<1x1024xf32>
      tpu.vector_store %arg16[%swap3A_143, %swap3A_144], %broadcast_in_dim3A_142 {strides = array<i32>} : memref<8x1024xf32, #tpu.memory_space<vmem>>, vector<1x1024xf32>,
      %broadcast_in_dim3A_146 = arith.constant 0.000000e+00 : f32
      %broadcast_in_dim3A_147 = vector.broadcast %broadcast_in_dim3A_146 : f32 to vector<8x128xf32>
      %swap3A_148 = arith.constant 0 : index
      %swap3A_149 = arith.constant 0 : index
      %swap3A_150 = vector.load %arg17[%swap3A_148, %swap3A_149] : memref<8x128xf32, #tpu.memory_space<vmem>>, vector<8x128xf32>
      tpu.vector_store %arg17[%swap3A_148, %swap3A_149], %broadcast_in_dim3A_147 {strides = array<i32>} : memref<8x128xf32, #tpu.memory_space<vmem>>, vector<8x128xf32>,
    } else {
    }
    %get3A = arith.constant 0 : index
    %get3A_2 = arith.constant 0 : index
    %get3A_3 = arith.constant 0 : index
    %get3A_4 = vector.load %arg1[%get3A, %get3A_2, %get3A_3] : memref<1x750x1280xf32, #tpu.memory_space<vmem>>, vector<1x750x1280xf32>
    %get3A_5 = vector.shape_cast %get3A_4 : vector<1x750x1280xf32> to vector<750x1280xf32>
    %get3A_6 = arith.constant 0 : index
    %get3A_7 = arith.constant 0 : index
    %get3A_8 = vector.load %arg4[%get3A_6, %get3A_7] : memref<1280x256xf32, #tpu.memory_space<vmem>>, vector<1280x256xf32>
    %dot_general3A = arith.constant dense<0.000000e+00> : vector<750x256xf32>
    %dot_general3A_9 = tpu.matmul %get3A_5, %get3A_8, %dot_general3A {dimension_numbers = #tpu.dot_dimension_numbers<[1], [0], [0], [1], [0, 0, 1, 1], [], []>, transpose_lhs_hint = false} : vector<750x1280xf32>, vector<1280x256xf32>, vector<750x256xf32> -> vector<750x256xf32>
    %get3A_10 = arith.constant 0 : index
    %get3A_11 = arith.constant 0 : index
    %get3A_12 = arith.constant 0 : index
    %get3A_13 = vector.load %arg2[%get3A_10, %get3A_11, %get3A_12] : memref<1x750x1024xf32, #tpu.memory_space<vmem>>, vector<1x750x1024xf32>
    %get3A_14 = vector.shape_cast %get3A_13 : vector<1x750x1024xf32> to vector<750x1024xf32>
    %get3A_15 = arith.constant 0 : index
    %get3A_16 = arith.constant 0 : index
    %get3A_17 = vector.load %arg5[%get3A_15, %get3A_16] : memref<1024x256xf32, #tpu.memory_space<vmem>>, vector<1024x256xf32>
    %dot_general3A_18 = arith.constant dense<0.000000e+00> : vector<750x256xf32>
    %dot_general3A_19 = tpu.matmul %get3A_14, %get3A_17, %dot_general3A_18 {dimension_numbers = #tpu.dot_dimension_numbers<[1], [0], [0], [1], [0, 0, 1, 1], [], []>, transpose_lhs_hint = false} : vector<750x1024xf32>, vector<1024x256xf32>, vector<750x256xf32> -> vector<750x256xf32>
    %add3A = arith.addf %dot_general3A_9, %dot_general3A_19 : vector<750x256xf32>
    %get3A_20 = arith.constant 0 : index
    %get3A_21 = arith.constant 0 : index
    %get3A_22 = arith.constant 0 : index
    %get3A_23 = vector.load %arg3[%get3A_20, %get3A_21, %get3A_22] : memref<1x750x1024xf32, #tpu.memory_space<vmem>>, vector<1x750x1024xf32>
    %get3A_24 = vector.shape_cast %get3A_23 : vector<1x750x1024xf32> to vector<750x1024xf32>
    %get3A_25 = arith.constant 0 : index
    %get3A_26 = arith.constant 0 : index
    %get3A_27 = vector.load %arg6[%get3A_25, %get3A_26] : memref<1024x256xf32, #tpu.memory_space<vmem>>, vector<1024x256xf32>
    %dot_general3A_28 = arith.constant dense<0.000000e+00> : vector<750x256xf32>
    %dot_general3A_29 = tpu.matmul %get3A_24, %get3A_27, %dot_general3A_28 {dimension_numbers = #tpu.dot_dimension_numbers<[1], [0], [0], [1], [0, 0, 1, 1], [], []>, transpose_lhs_hint = false} : vector<750x1024xf32>, vector<1024x256xf32>, vector<750x256xf32> -> vector<750x256xf32>
    %add3A_30 = arith.addf %add3A, %dot_general3A_29 : vector<750x256xf32>
    %get3A_31 = arith.constant 0 : index
    %get3A_32 = arith.constant 0 : index
    %get3A_33 = vector.load %arg7[%get3A_31, %get3A_32] : memref<1x256xf32, #tpu.memory_space<vmem>>, vector<1x256xf32>
    %add3A_34 = vector.broadcast %get3A_33 : vector<1x256xf32> to vector<750x256xf32>
    %add3A_35 = arith.addf %add3A_30, %add3A_34 : vector<750x256xf32>
    %mul3A = arith.mulf %add3A_35, %add3A_35 : vector<750x256xf32>
    %reduce_sum3A = arith.constant dense<0.000000e+00> : vector<750xf32>
    %reduce_sum3A_36 = vector.multi_reduction <add>, %mul3A, %reduce_sum3A [1] : vector<750x256xf32> to vector<750xf32>
    %broadcast_in_dim3A = vector.shape_cast %reduce_sum3A_36 : vector<750xf32> to vector<750x1xf32>
    %get3A_37 = arith.constant 0 : index
    %get3A_38 = arith.constant 0 : index
    %get3A_39 = vector.load %arg8[%get3A_37, %get3A_38] : memref<256x1024xf32, #tpu.memory_space<vmem>>, vector<256x1024xf32>
    %dot_general3A_40 = arith.constant dense<0.000000e+00> : vector<750x1024xf32>
    %dot_general3A_41 = tpu.matmul %add3A_35, %get3A_39, %dot_general3A_40 {dimension_numbers = #tpu.dot_dimension_numbers<[1], [0], [0], [1], [0, 0, 1, 1], [], []>, transpose_lhs_hint = false} : vector<750x256xf32>, vector<256x1024xf32>, vector<750x1024xf32> -> vector<750x1024xf32>
    %mul3A_42 = arith.constant 2.000000e+00 : f32
    %mul3A_43 = vector.broadcast %mul3A_42 : f32 to vector<750x1024xf32>
    %mul3A_44 = arith.mulf %mul3A_43, %dot_general3A_41 : vector<750x1024xf32>
    %sub3A = vector.broadcast %broadcast_in_dim3A : vector<750x1xf32> to vector<750x1024xf32>
    %sub3A_45 = arith.subf %sub3A, %mul3A_44 : vector<750x1024xf32>
    %get3A_46 = arith.constant 1 : index
    %get3A_47 = arith.constant 0 : index
    %get3A_48 = vector.load %arg16[%get3A_46, %get3A_47] : memref<8x1024xf32, #tpu.memory_space<vmem>>, vector<1x1024xf32>
    %add3A_49 = vector.broadcast %get3A_48 : vector<1x1024xf32> to vector<750x1024xf32>
    %add3A_50 = arith.addf %sub3A_45, %add3A_49 : vector<750x1024xf32>
    %reduce_min3A = arith.constant dense<0x7F800000> : vector<750xf32>
    %reduce_min3A_51 = vector.multi_reduction <minimumf>, %add3A_50, %reduce_min3A [1] : vector<750x1024xf32> to vector<750xf32>
    %broadcast_in_dim3A_52 = vector.shape_cast %reduce_min3A_51 : vector<750xf32> to vector<750x1xf32>
    %iota3A = tpu.iota {dimensions = array<i32: 1>} : vector<750x1024xi32>
    %eq3A_53 = vector.broadcast %broadcast_in_dim3A_52 : vector<750x1xf32> to vector<750x1024xf32>
    %eq3A_54 = arith.cmpf oeq, %add3A_50, %eq3A_53 : vector<750x1024xf32>
    %jit3A = arith.constant 1024 : i32
    %broadcast_in_dim3A_55 = vector.broadcast %jit3A : i32 to vector<750x1024xi32>
    %select_n3A = arith.select %eq3A_54, %iota3A, %broadcast_in_dim3A_55 : vector<750x1024xi1>, vector<750x1024xi32>
    %reduce_min3A_56 = arith.constant dense<2147483647> : vector<750xi32>
    %reduce_min3A_57 = vector.multi_reduction <minsi>, %select_n3A, %reduce_min3A_56 [1] : vector<750x1024xi32> to vector<750xi32>
    %broadcast_in_dim3A_58 = vector.shape_cast %reduce_min3A_57 : vector<750xi32> to vector<750x1xi32>
    %swap3A = arith.constant 0 : index
    %swap3A_59 = arith.constant 0 : index
    %swap3A_60 = arith.constant 0 : index
    %swap3A_61 = vector.load %arg12[%swap3A, %swap3A_59, %swap3A_60] : memref<1x750x1xi32, #tpu.memory_space<vmem>>, vector<1x750x1xi32>
    %swap3A_62 = vector.shape_cast %swap3A_61 : vector<1x750x1xi32> to vector<750x1xi32>
    %swap3A_63 = vector.shape_cast %broadcast_in_dim3A_58 : vector<750x1xi32> to vector<1x750x1xi32>
    tpu.vector_store %arg12[%swap3A, %swap3A_59, %swap3A_60], %swap3A_63 {strides = array<i32>} : memref<1x750x1xi32, #tpu.memory_space<vmem>>, vector<1x750x1xi32>,
    %sub3A_64 = vector.broadcast %broadcast_in_dim3A_52 : vector<750x1xf32> to vector<750x1024xf32>
    %sub3A_65 = arith.subf %sub3A_64, %add3A_50 : vector<750x1024xf32>
    %exp3A = math.exp %sub3A_65 : vector<750x1024xf32>
    %reduce_sum3A_66 = arith.constant dense<0.000000e+00> : vector<750xf32>
    %reduce_sum3A_67 = vector.multi_reduction <add>, %exp3A, %reduce_sum3A_66 [1] : vector<750x1024xf32> to vector<750xf32>
    %broadcast_in_dim3A_68 = vector.shape_cast %reduce_sum3A_67 : vector<750xf32> to vector<750x1xf32>
    %get3A_69 = arith.constant 0 : index
    %get3A_70 = arith.constant 0 : index
    %get3A_71 = vector.load %arg16[%get3A_69, %get3A_70] : memref<8x1024xf32, #tpu.memory_space<vmem>>, vector<1x1024xf32>
    %div3A = vector.broadcast %broadcast_in_dim3A_68 : vector<750x1xf32> to vector<750x1024xf32>
    %div3A_72 = arith.divf %exp3A, %div3A : vector<750x1024xf32>
    %reduce_sum3A_73 = arith.constant dense<0.000000e+00> : vector<1024xf32>
    %reduce_sum3A_74 = vector.multi_reduction <add>, %div3A_72, %reduce_sum3A_73 [0] : vector<750x1024xf32> to vector<1024xf32>
    %broadcast_in_dim3A_75 = vector.shape_cast %reduce_sum3A_74 : vector<1024xf32> to vector<1x1024xf32>
    %add3A_76 = arith.addf %get3A_71, %broadcast_in_dim3A_75 : vector<1x1024xf32>
    %swap3A_77 = arith.constant 0 : index
    %swap3A_78 = arith.constant 0 : index
    %swap3A_79 = vector.load %arg16[%swap3A_77, %swap3A_78] : memref<8x1024xf32, #tpu.memory_space<vmem>>, vector<1x1024xf32>
    tpu.vector_store %arg16[%swap3A_77, %swap3A_78], %add3A_76 {strides = array<i32>} : memref<8x1024xf32, #tpu.memory_space<vmem>>, vector<1x1024xf32>,
    %get3A_80 = arith.constant 0 : index
    %get3A_81 = arith.constant 0 : index
    %get3A_82 = vector.load %arg17[%get3A_80, %get3A_81] : memref<8x128xf32, #tpu.memory_space<vmem>>, vector<1x1xf32>
    %reduce_sum3A_83 = arith.constant dense<0.000000e+00> : vector<1xf32>
    %reduce_sum3A_84 = vector.multi_reduction <add>, %broadcast_in_dim3A_52, %reduce_sum3A_83 [0] : vector<750x1xf32> to vector<1xf32>
    %broadcast_in_dim3A_85 = vector.shape_cast %reduce_sum3A_84 : vector<1xf32> to vector<1x1xf32>
    %add3A_86 = arith.addf %get3A_82, %broadcast_in_dim3A_85 : vector<1x1xf32>
    %swap3A_87 = arith.constant 0 : index
    %swap3A_88 = arith.constant 0 : index
    %swap3A_89 = vector.load %arg17[%swap3A_87, %swap3A_88] : memref<8x128xf32, #tpu.memory_space<vmem>>, vector<1x1xf32>
    tpu.vector_store %arg17[%swap3A_87, %swap3A_88], %add3A_86 {strides = array<i32>} : memref<8x128xf32, #tpu.memory_space<vmem>>, vector<1x1xf32>,
    %slice3A = vector.extract_strided_slice %broadcast_in_dim3A_58 {offsets = [744, 0], sizes = [6, 1], strides = [1, 1]} : vector<750x1xi32> to vector<6x1xi32>
    %broadcast_in_dim3A_90 = arith.constant 0 : i32
    %broadcast_in_dim3A_91 = vector.broadcast %broadcast_in_dim3A_90 : i32 to vector<2x1xi32>
    %concatenate3A = tpu.concatenate %slice3A, %broadcast_in_dim3A_91 in 0 : vector<6x1xi32>, vector<2x1xi32> -> vector<8x1xi32>
    %iota3A_92 = tpu.iota {dimensions = array<i32: 1>} : vector<8x1024xi32>
    %eq3A_93 = vector.broadcast %concatenate3A : vector<8x1xi32> to vector<8x1024xi32>
    %eq3A_94 = arith.cmpi eq, %iota3A_92, %eq3A_93 : vector<8x1024xi32>
    %convert_element_type3A_95 = arith.extui %eq3A_94 : vector<8x1024xi1> to vector<8x1024xi32>
    %convert_element_type3A_96 = arith.sitofp %convert_element_type3A_95 : vector<8x1024xi32> to vector<8x1024xf32>
    %convert_element_type3A_97 = arith.truncf %convert_element_type3A_96 : vector<8x1024xf32> to vector<8x1024xbf16>
    %get3A_98 = arith.constant 0 : index
    %get3A_99 = arith.constant 0 : index
    %get3A_100 = vector.load %arg9[%get3A_98, %get3A_99] : memref<1024x256xbf16, #tpu.memory_space<vmem>>, vector<1024x256xbf16>
    %dot_general3A_101 = arith.constant dense<0.000000e+00> : vector<8x256xf32>
    %dot_general3A_102 = tpu.matmul %convert_element_type3A_97, %get3A_100, %dot_general3A_101 {dimension_numbers = #tpu.dot_dimension_numbers<[1], [0], [0], [1], [0, 0, 1, 1], [], []>, transpose_lhs_hint = false} : vector<8x1024xbf16>, vector<1024x256xbf16>, vector<8x256xf32> -> vector<8x256xf32>
    %slice3A_103 = vector.extract_strided_slice %add3A_35 {offsets = [744, 0], sizes = [6, 256], strides = [1, 1]} : vector<750x256xf32> to vector<6x256xf32>
    %broadcast_in_dim3A_104 = arith.constant 0.000000e+00 : f32
    %broadcast_in_dim3A_105 = vector.broadcast %broadcast_in_dim3A_104 : f32 to vector<2x256xf32>
    %concatenate3A_106 = tpu.concatenate %slice3A_103, %broadcast_in_dim3A_105 in 0 : vector<6x256xf32>, vector<2x256xf32> -> vector<8x256xf32>
    %sub3A_107 = arith.subf %dot_general3A_102, %concatenate3A_106 : vector<8x256xf32>
    %add3A_108 = arith.addf %concatenate3A_106, %sub3A_107 : vector<8x256xf32>
    %convert_element_type3A_109 = arith.truncf %add3A_108 : vector<8x256xf32> to vector<8x256xbf16>
    %get3A_110 = arith.constant 0 : index
    %get3A_111 = arith.constant 0 : index
    %get3A_112 = vector.load %arg10[%get3A_110, %get3A_111] : memref<256x3328xbf16, #tpu.memory_space<vmem>>, vector<256x3328xbf16>
    %dot_general3A_113 = arith.constant dense<0.000000e+00> : vector<8x3328xf32>
    %dot_general3A_114 = tpu.matmul %convert_element_type3A_109, %get3A_112, %dot_general3A_113 {dimension_numbers = #tpu.dot_dimension_numbers<[1], [0], [0], [1], [0, 0, 1, 1], [], []>, transpose_lhs_hint = false} : vector<8x256xbf16>, vector<256x3328xbf16>, vector<8x3328xf32> -> vector<8x3328xf32>
    %get3A_115 = arith.constant 0 : index
    %get3A_116 = arith.constant 0 : index
    %get3A_117 = vector.load %arg11[%get3A_115, %get3A_116] : memref<1x3328xf32, #tpu.memory_space<vmem>>, vector<1x3328xf32>
    %add3A_118 = vector.broadcast %get3A_117 : vector<1x3328xf32> to vector<8x3328xf32>
    %add3A_119 = arith.addf %dot_general3A_114, %add3A_118 : vector<8x3328xf32>
    %swap3A_120 = arith.constant 0 : index
    %swap3A_121 = arith.constant 0 : index
    %swap3A_122 = arith.constant 0 : index
    %swap3A_123 = vector.load %arg13[%swap3A_120, %swap3A_121, %swap3A_122] : memref<1x8x3328xf32, #tpu.memory_space<vmem>>, vector<1x8x3328xf32>
    %swap3A_124 = vector.shape_cast %swap3A_123 : vector<1x8x3328xf32> to vector<8x3328xf32>
    %swap3A_125 = vector.shape_cast %add3A_119 : vector<8x3328xf32> to vector<1x8x3328xf32>
    tpu.vector_store %arg13[%swap3A_120, %swap3A_121, %swap3A_122], %swap3A_125 {strides = array<i32>} : memref<1x8x3328xf32, #tpu.memory_space<vmem>>, vector<1x8x3328xf32>,
    %eq3A_126 = arith.constant 3 : i32
    %eq3A_127 = arith.cmpi eq, %arg0, %eq3A_126 : i32
    %convert_element_type3A_128 = arith.extui %eq3A_127 : i1 to i32
    %cond3A_129 = arith.constant 0 : i32
    %cond3A_130 = arith.cmpi ne, %convert_element_type3A_128, %cond3A_129 : i32
    scf.if %cond3A_130 {
      %get3A_131 = arith.constant 0 : index
      %get3A_132 = arith.constant 0 : index
      %get3A_133 = vector.load %arg16[%get3A_131, %get3A_132] : memref<8x1024xf32, #tpu.memory_space<vmem>>, vector<1x1024xf32>
      %swap3A_134 = arith.constant 0 : index
      %swap3A_135 = arith.constant 0 : index
      %swap3A_136 = vector.load %arg14[%swap3A_134, %swap3A_135] : memref<1x1024xf32, #tpu.memory_space<vmem>>, vector<1x1024xf32>
      tpu.vector_store %arg14[%swap3A_134, %swap3A_135], %get3A_133 {strides = array<i32>} : memref<1x1024xf32, #tpu.memory_space<vmem>>, vector<1x1024xf32>,
      %get3A_137 = arith.constant 0 : index
      %get3A_138 = arith.constant 0 : index
      %get3A_139 = vector.load %arg17[%get3A_137, %get3A_138] : memref<8x128xf32, #tpu.memory_space<vmem>>, vector<1x1xf32>
      %swap3A_140 = arith.constant 0 : index
      %swap3A_141 = arith.constant 0 : index
      %swap3A_142 = vector.load %arg15[%swap3A_140, %swap3A_141] : memref<1x1xf32, #tpu.memory_space<vmem>>, vector<1x1xf32>
      tpu.vector_store %arg15[%swap3A_140, %swap3A_141], %get3A_139 {strides = array<i32>} : memref<1x1xf32, #tpu.memory_space<vmem>>, vector<1x1xf32>,
    } else {
    }
    return
  }
  func.func @transform_0(%arg0: i32) -> (i32, i32, i32) {
    %add3A = arith.constant 12 : i32
    %add3A_0 = arith.addi %add3A, %arg0 : i32
    %c0_i32 = arith.constant 0 : i32
    %c0_i32_1 = arith.constant 0 : i32
    %c0_i32_2 = arith.constant 0 : i32
    return %add3A_0, %c0_i32, %c0_i32_1 : i32, i32, i32
  }
  func.func @transform_1(%arg0: i32) -> (i32, i32, i32) {
    %add3A = arith.constant 12 : i32
    %add3A_0 = arith.addi %add3A, %arg0 : i32
    %c0_i32 = arith.constant 0 : i32
    %c0_i32_1 = arith.constant 0 : i32
    %c0_i32_2 = arith.constant 0 : i32
    return %add3A_0, %c0_i32, %c0_i32_1 : i32, i32, i32
  }
  func.func @transform_2(%arg0: i32) -> (i32, i32, i32) {
    %add3A = arith.constant 12 : i32
    %add3A_0 = arith.addi %add3A, %arg0 : i32
    %c0_i32 = arith.constant 0 : i32
    %c0_i32_1 = arith.constant 0 : i32
    %c0_i32_2 = arith.constant 0 : i32
    return %add3A_0, %c0_i32, %c0_i32_1 : i32, i32, i32
  }
  func.func @transform_3(%arg0: i32) -> (i32, i32) {
    %c0_i32 = arith.constant 0 : i32
    %c0_i32_0 = arith.constant 0 : i32
    %c0_i32_1 = arith.constant 0 : i32
    return %c0_i32, %c0_i32_0 : i32, i32
  }
  func.func @transform_4(%arg0: i32) -> (i32, i32) {
    %c0_i32 = arith.constant 0 : i32
    %c0_i32_0 = arith.constant 0 : i32
    %c0_i32_1 = arith.constant 0 : i32
    return %c0_i32, %c0_i32_0 : i32, i32
  }
  func.func @transform_5(%arg0: i32) -> (i32, i32) {
    %c0_i32 = arith.constant 0 : i32
    %c0_i32_0 = arith.constant 0 : i32
    %c0_i32_1 = arith.constant 0 : i32
    return %c0_i32, %c0_i32_0 : i32, i32
  }
  func.func @transform_6(%arg0: i32) -> (i32, i32) {
    %c0_i32 = arith.constant 0 : i32
    %c0_i32_0 = arith.constant 0 : i32
    %c0_i32_1 = arith.constant 0 : i32
    return %c0_i32, %c0_i32_0 : i32, i32
  }
  func.func @transform_7(%arg0: i32) -> (i32, i32) {
    %c0_i32 = arith.constant 0 : i32
    %c0_i32_0 = arith.constant 0 : i32
    %c0_i32_1 = arith.constant 0 : i32
    return %c0_i32, %c0_i32_0 : i32, i32
  }
  func.func @transform_8(%arg0: i32) -> (i32, i32) {
    %c0_i32 = arith.constant 0 : i32
    %c0_i32_0 = arith.constant 0 : i32
    %c0_i32_1 = arith.constant 0 : i32
    return %c0_i32, %c0_i32_0 : i32, i32
  }
  func.func @transform_9(%arg0: i32) -> (i32, i32) {
    %c0_i32 = arith.constant 0 : i32
    %c0_i32_0 = arith.constant 0 : i32
    %c0_i32_1 = arith.constant 0 : i32
    return %c0_i32, %c0_i32_0 : i32, i32
  }
  func.func @transform_10(%arg0: i32) -> (i32, i32) {
    %c0_i32 = arith.constant 0 : i32
    %c0_i32_0 = arith.constant 0 : i32
    %c0_i32_1 = arith.constant 0 : i32
    return %c0_i32, %c0_i32_0 : i32, i32
  }
  func.func @transform_11(%arg0: i32) -> (i32, i32, i32) {
    %c0_i32 = arith.constant 0 : i32
    %c0_i32_0 = arith.constant 0 : i32
    %c0_i32_1 = arith.constant 0 : i32
    return %arg0, %c0_i32, %c0_i32_0 : i32, i32, i32
  }
  func.func @transform_12(%arg0: i32) -> (i32, i32, i32) {
    %c0_i32 = arith.constant 0 : i32
    %c0_i32_0 = arith.constant 0 : i32
    %c0_i32_1 = arith.constant 0 : i32
    return %arg0, %c0_i32, %c0_i32_0 : i32, i32, i32
  }
  func.func @transform_13(%arg0: i32) -> (i32, i32) {
    %c0_i32 = arith.constant 0 : i32
    %c0_i32_0 = arith.constant 0 : i32
    %c0_i32_1 = arith.constant 0 : i32
    return %c0_i32, %c0_i32_0 : i32, i32
  }
  func.func @transform_14(%arg0: i32) -> (i32, i32) {
    %c0_i32 = arith.constant 0 : i32
    %c0_i32_0 = arith.constant 0 : i32
    %c0_i32_1 = arith.constant 0 : i32
    return %c0_i32, %c0_i32_0 : i32, i32
  }
}

module attributes {stable_mosaic.version = 14 : i64} {
  func.func @_stats_body(%arg0: memref<4x1024xf32, #tpu.memory_space<vmem>>, %arg1: memref<4x1xf32, #tpu.memory_space<vmem>>, %arg2: memref<1x1xf32, #tpu.memory_space<vmem>>, %arg3: memref<1x1xf32, #tpu.memory_space<vmem>>) attributes {dimension_semantics = [], scalar_prefetch = 0 : i64, scratch_operands = 0 : i64, tpu.core_type = #tpu.core_type<tc>} {
    %get3A = arith.constant 0 : index
    %get3A_0 = arith.constant 0 : index
    %get3A_1 = vector.load %arg1[%get3A, %get3A_0] : memref<4x1xf32, #tpu.memory_space<vmem>>, vector<4x1xf32>
    %reduce_sum3A = arith.constant dense<0.000000e+00> : vector<1xf32>
    %reduce_sum3A_2 = vector.multi_reduction <add>, %get3A_1, %reduce_sum3A [0] : vector<4x1xf32> to vector<1xf32>
    %broadcast_in_dim3A = vector.shape_cast %reduce_sum3A_2 : vector<1xf32> to vector<1x1xf32>
    %div3A = arith.constant 3.072000e+06 : f32
    %div3A_3 = vector.broadcast %div3A : f32 to vector<1x1xf32>
    %div3A_4 = arith.divf %broadcast_in_dim3A, %div3A_3 : vector<1x1xf32>
    %swap3A = arith.constant 0 : index
    %swap3A_5 = arith.constant 0 : index
    %swap3A_6 = vector.load %arg2[%swap3A, %swap3A_5] : memref<1x1xf32, #tpu.memory_space<vmem>>, vector<1x1xf32>
    tpu.vector_store %arg2[%swap3A, %swap3A_5], %div3A_4 {strides = array<i32>} : memref<1x1xf32, #tpu.memory_space<vmem>>, vector<1x1xf32>,
    %get3A_7 = arith.constant 0 : index
    %get3A_8 = arith.constant 0 : index
    %get3A_9 = vector.load %arg0[%get3A_7, %get3A_8] : memref<4x1024xf32, #tpu.memory_space<vmem>>, vector<4x1024xf32>
    %reduce_sum3A_10 = arith.constant dense<0.000000e+00> : vector<1024xf32>
    %reduce_sum3A_11 = vector.multi_reduction <add>, %get3A_9, %reduce_sum3A_10 [0] : vector<4x1024xf32> to vector<1024xf32>
    %broadcast_in_dim3A_12 = vector.shape_cast %reduce_sum3A_11 : vector<1024xf32> to vector<1x1024xf32>
    %div3A_13 = arith.constant 1.200000e+04 : f32
    %div3A_14 = vector.broadcast %div3A_13 : f32 to vector<1x1024xf32>
    %div3A_15 = arith.divf %broadcast_in_dim3A_12, %div3A_14 : vector<1x1024xf32>
    %add3A = arith.constant 1.000000e-10 : f32
    %add3A_16 = vector.broadcast %add3A : f32 to vector<1x1024xf32>
    %add3A_17 = arith.addf %div3A_15, %add3A_16 : vector<1x1024xf32>
    %log3A = math.log %add3A_17 : vector<1x1024xf32>
    %mul3A = arith.mulf %div3A_15, %log3A : vector<1x1024xf32>
    %reduce_sum3A_18 = arith.constant dense<0.000000e+00> : vector<1xf32>
    %reduce_sum3A_19 = vector.multi_reduction <add>, %mul3A, %reduce_sum3A_18 [1] : vector<1x1024xf32> to vector<1xf32>
    %broadcast_in_dim3A_20 = vector.shape_cast %reduce_sum3A_19 : vector<1xf32> to vector<1x1xf32>
    %swap3A_21 = arith.constant 0 : index
    %swap3A_22 = arith.constant 0 : index
    %swap3A_23 = vector.load %arg3[%swap3A_21, %swap3A_22] : memref<1x1xf32, #tpu.memory_space<vmem>>, vector<1x1xf32>
    tpu.vector_store %arg3[%swap3A_21, %swap3A_22], %broadcast_in_dim3A_20 {strides = array<i32>} : memref<1x1xf32, #tpu.memory_space<vmem>>, vector<1x1xf32>,
    return
  }
}

module attributes {stable_mosaic.version = 14 : i64} {
  func.func @_tail_body(%arg0: i32, %arg1: memref<1x8x128xf32, #tpu.memory_space<vmem>>, %arg2: memref<1x8x3328xf32, #tpu.memory_space<vmem>>, %arg3: memref<1x8x3328xf32, #tpu.memory_space<vmem>>) attributes {dimension_semantics = [#tpu.dimension_semantics<arbitrary>], iteration_bounds = array<i64: 16>, scalar_prefetch = 0 : i64, scratch_operands = 0 : i64, tpu.core_type = #tpu.core_type<tc>, window_params = [{transform_indices = @transform_0, window_bounds = array<i64: 1, 8, 128>}, {transform_indices = @transform_1, window_bounds = array<i64: 1, 8, 3328>}, {transform_indices = @transform_2, window_bounds = array<i64: 1, 8, 3328>}]} {
    %get3A = arith.constant 0 : index
    %get3A_0 = arith.constant 0 : index
    %get3A_1 = arith.constant 0 : index
    %get3A_2 = vector.load %arg2[%get3A, %get3A_0, %get3A_1] : memref<1x8x3328xf32, #tpu.memory_space<vmem>>, vector<1x8x3328xf32>
    %swap3A = arith.constant 0 : index
    %swap3A_3 = arith.constant 0 : index
    %swap3A_4 = arith.constant 0 : index
    %swap3A_5 = vector.load %arg3[%swap3A, %swap3A_3, %swap3A_4] : memref<1x8x3328xf32, #tpu.memory_space<vmem>>, vector<1x8x3328xf32>
    tpu.vector_store %arg3[%swap3A, %swap3A_3, %swap3A_4], %get3A_2 {strides = array<i32>} : memref<1x8x3328xf32, #tpu.memory_space<vmem>>, vector<1x8x3328xf32>,
    return
  }
  func.func @transform_0(%arg0: i32) -> (i32, i32, i32) {
    %c93_i32 = arith.constant 93 : i32
    %c0_i32 = arith.constant 0 : i32
    %c0_i32_0 = arith.constant 0 : i32
    return %arg0, %c93_i32, %c0_i32 : i32, i32, i32
  }
  func.func @transform_1(%arg0: i32) -> (i32, i32, i32) {
    %c0_i32 = arith.constant 0 : i32
    %c0_i32_0 = arith.constant 0 : i32
    %c0_i32_1 = arith.constant 0 : i32
    return %arg0, %c0_i32, %c0_i32_0 : i32, i32, i32
  }
  func.func @transform_2(%arg0: i32) -> (i32, i32, i32) {
    %c93_i32 = arith.constant 93 : i32
    %c0_i32 = arith.constant 0 : i32
    %c0_i32_0 = arith.constant 0 : i32
    return %arg0, %c93_i32, %c0_i32 : i32, i32, i32
  }
}

</mosaic_0001>

<sc_bundles>
// kernel: kernel.13.cloned.1.call-start
scs
__scs_entry_jumppad:
0x0: {  	(pc) =	sbr.rel $0x88, $3  }
0x1: {  	(tag) =	ssettag $0x0;
	lr =	simm.s32 $0x1  }
0x2: {  	[smem:$0x3F99] =	sst lr;
	_ =	strace $0xD0000000  }
0x3: {  	_ = 	snop  }
0x4: {  	_ = 	snop  }
0x5: {  	_ = 	snop  }
0x6: {  	_ = 	snop  }
0x7: {  	_ = 	snop  }
__scs_overlays_trampoline_lowered:
0x8: {  	[smem:$0x3FA8] =	sst s0  }
0x9: {  	[smem:$0x3FA9] =	sst s1  }
0xa: {  	[smem:$0x3FAA] =	sst s2  }
0xb: {  	[smem:$0x3FAB] =	sst s3  }
0xc: {  	[smem:$0x3FAC] =	sst s4  }
0xd: {  	[smem:$0x3FAD] =	sst s5  }
0xe: {  	[smem:$0x3FAE] =	sst s6  }
0xf: {  	[smem:$0x3FAF] =	sst s7  }
0x10: {  	[smem:$0x3FB0] =	sst s8  }
0x11: {  	[smem:$0x3FB1] =	sst s9;
	s0 =	simm.s32 @!p0 $0x0  }
0x12: {  	s1 =	sld [smem:$0x3F97];
	s0 =	simm.s32 @p0 $0x1  }
0x13: {  	[smem:$0x3FB2] =	sst s0;
	s0 =	simm.s32 @!p1 $0x0  }
0x14: {  	s2 =	sld [smem:$0x3F96];
	s0 =	simm.s32 @p1 $0x1  }
0x15: {  	[smem:$0x3FB3] =	sst s0;
	s0 =	simm.s32 @!p2 $0x0  }
0x16: {  	s3 =	sld [smem:$0x3FDB];
	s0 =	simm.s32 @p2 $0x1  }
0x17: {  	s4 =	simm.s32 $0x1BF5;
	[smem:$0x3FB5] =	sst s0  }
0x18: {  	s0 =	sld [smem:$0x3F98];
	_ =	swait.ge [sflag:s4], $0x0  }
0x19: {  	s7 =	sld [smem:$0x3F99]  }
0x1a: {  	s8 =	sadd.s32 $0xFFFFE003, lr  }
0x1b: {  	s9 =	sadd.s32 $0xFFFFFEF7, lr;
	s5 =	simm.s32 $0xFFFFFFFF;
	p2 =	slt.u32 s8, $0xFFFFF086  }
0x1c: {  	p1 =	slt.u32 s9, $0xF7A;
	s5 =	simm.s32 @!p2 $0x0  }
0x1d: {  	s5 =	simm.s32 @p1 $0x1;
	p0 =	seq.s32 s7, s2  }
0x1e: {  	s7 =	smul.u32 @!p0 $0xF7A, s2;
	p2 =	seq.s32 @!p0 s5, $0x0  }
0x1f: {  	s9 =	smul.u32 $0xF7A, s1;
	s8 =	simm.s32 @!p0 $0x1BF5;
	p2 =	por !p2, p0  }
0x20: {  	[sflag:s8] =	ssyncset.s32 @!p0 $0xFFFFF086;
	s6 =	sadd.s32 @!p0 s3, s7;
	s7 =	simm.s32 @!p0 $0x108  }
0x21: {  	s3 =	sadd.s32 s3, s9;
	s6 =	sadd.s32 @!p0 $0x88, s6;
	s7 =	simm.s32 @p2 $0x1082  }
0x22: {  	[simem:s7], [sflag:s8] =	dma.local @!p0 [hbm:s6], $0xF7A  }
0x23: {  	s9 =	sor.u32 $0xD0000000, s2;
	s6 =	simm.s32 $0x108;
	_ =	swait.ge @!p0 [sflag:s8], $0x0  }
0x24: {  	s3 =	sadd.s32 $0x88, s3;
	s6 =	simm.s32 @!p1 $0x1082;
	[sflag:s4] =	ssyncset.s32 $0xFFFFF086  }
0x25: {  	[simem:s6], [sflag:s4] =	dma.local [hbm:s3], $0xF7A  }
0x26: {  	[smem:$0x3F99] =	sst s1;
	(tag) =	ssettag s2;
	_ =	strace s9  }
0x27: {  	s1 =	sld [smem:$0x3FA9]  }
0x28: {  	s2 =	sld [smem:$0x3FAA]  }
0x29: {  	s4 =	sld [smem:$0x3FAC]  }
0x2a: {  	p0 =	seq.s32 s5, $0x0;
	s5 =	sld [smem:$0x3FAD]  }
0x2b: {  	s6 =	sld [smem:$0x3FAE]  }
0x2c: {  	s7 =	sld [smem:$0x3FAF]  }
0x2d: {  	s3 =	simm.s32 $0x108;
	s8 =	sld [smem:$0x3FB0]  }
0x2e: {  	s3 =	simm.s32 @!p0 $0x1082;
	s9 =	sld [smem:$0x3FB1]  }
0x2f: {  	lr =	sadd.s32 s0, s3;
	s0 =	sld [smem:$0x3FA8]  }
0x30: {  	s3 =	sld [smem:$0x3FAB]  }
0x31: {  	[smem:$0x3FB4] =	sst s10  }
0x32: {  	s10 =	sld [smem:$0x3FB2];
	_ =	sdelay $0x3  }
0x33: {  	p0 =	seq.s32 s10, $0x1;
	s10 =	sld [smem:$0x3FB4];
	_ =	sdelay $0x3  }
0x34: {  	[smem:$0x3FB4] =	sst s10  }
0x35: {  	s10 =	sld [smem:$0x3FB3];
	_ =	sdelay $0x3  }
0x36: {  	p1 =	seq.s32 s10, $0x1;
	s10 =	sld [smem:$0x3FB4];
	_ =	sdelay $0x3  }
0x37: {  	[smem:$0x3FB4] =	sst s10  }
0x38: {  	s10 =	sld [smem:$0x3FB5]  }
0x39: {  	_ = 	snop;
	(pc) =	sbr.ind lr, $3  }
0x3a: {  	_ = 	snop  }
0x3b: {  	_ = 	snop  }
0x3c: {  	p2 =	seq.s32 s10, $0x1;
	s10 =	sld [smem:$0x3FB4]  }
0x3d: {  	_ =	shalt  }
0x3e: {  	_ =	shalt  }
0x3f: {  	_ =	shalt  }
0x40: {  	_ =	shalt  }
0x41: {  	_ =	shalt  }
0x42: {  	_ =	shalt  }
0x43: {  	_ =	shalt  }
0x44: {  	_ =	shalt  }
0x45: {  	_ =	shalt  }
0x46: {  	_ =	shalt  }
0x47: {  	_ =	shalt  }
0x48: {  	_ =	shalt  }
0x49: {  	_ =	shalt  }
0x4a: {  	_ =	shalt  }
0x4b: {  	_ =	shalt  }
0x4c: {  	_ =	shalt  }
0x4d: {  	_ =	shalt  }
0x4e: {  	_ =	shalt  }
0x4f: {  	_ =	shalt  }
0x50: {  	_ =	shalt  }
0x51: {  	_ =	shalt  }
0x52: {  	_ =	shalt  }
0x53: {  	_ =	shalt  }
0x54: {  	_ =	shalt  }
0x55: {  	_ =	shalt  }
0x56: {  	_ =	shalt  }
0x57: {  	_ =	shalt  }
0x58: {  	_ =	shalt  }
0x59: {  	_ =	shalt  }
0x5a: {  	_ =	shalt  }
0x5b: {  	_ =	shalt  }
0x5c: {  	_ =	shalt  }
0x5d: {  	_ =	shalt  }
0x5e: {  	_ =	shalt  }
0x5f: {  	_ =	shalt  }
0x60: {  	_ =	shalt  }
0x61: {  	_ =	shalt  }
0x62: {  	_ =	shalt  }
0x63: {  	_ =	shalt  }
0x64: {  	_ =	shalt  }
0x65: {  	_ =	shalt  }
0x66: {  	_ =	shalt  }
0x67: {  	_ =	shalt  }
0x68: {  	_ =	shalt  }
0x69: {  	_ =	shalt  }
0x6a: {  	_ =	shalt  }
0x6b: {  	_ =	shalt  }
0x6c: {  	_ =	shalt  }
0x6d: {  	_ =	shalt  }
0x6e: {  	_ =	shalt  }
0x6f: {  	_ =	shalt  }
0x70: {  	_ =	shalt  }
0x71: {  	_ =	shalt  }
0x72: {  	_ =	shalt  }
0x73: {  	_ =	shalt  }
0x74: {  	_ =	shalt  }
0x75: {  	_ =	shalt  }
0x76: {  	_ =	shalt  }
0x77: {  	_ =	shalt  }
0x78: {  	_ =	shalt  }
0x79: {  	_ =	shalt  }
0x7a: {  	_ =	shalt  }
0x7b: {  	_ =	shalt  }
0x7c: {  	_ =	shalt  }
0x7d: {  	_ =	shalt  }
0x7e: {  	_ =	shalt  }
0x7f: {  	_ =	shalt  }
0x80: {  	_ =	shalt  }
0x81: {  	_ =	shalt  }
0x82: {  	_ =	shalt  }
0x83: {  	_ =	shalt  }
0x84: {  	_ =	shalt  }
0x85: {  	_ =	shalt  }
0x86: {  	_ =	shalt  }
0x87: {  	_ =	shalt  }
.Lfunc_end0:
.L_simem_size_0:
called_computation_lowered:
.L_overlay_start_0:
0x88: {  	s2 =	sld [smem:$0x3FD9]  }
0x89: {  	s3 =	sld [smem:$0x3FFE];
	_ =	sdelay $0x1  }
0x8a: {  	s1 =	srdreg.scid  }
0x8b: {  	s0 =	sand.u32 $0x1, s1  }
0x8c: {  	s16 =	sshll.u32 s0, $0xA;
	s2 =	sadd.s32 s3, s2  }
0x8d: {  	s2 =	sadd.s32 s2, s16  }
0x8e: {  	[smem:$0x3FC0] =	sst s2  }
0x8f: {  	_ = 	snop  }
0x90: {  	(tm) =	ssettm $0x1  }
0x91: {  	s17 =	sld [smem:$0x3FFB];
	_ =	sdelay $0x3  }
0x92: {  	_ =	strace s17  }
0x93: {  	s2 =	sld [smem:$0x3FFC];
	_ =	sdelay $0x3  }
0x94: {  	_ =	strace s2  }
0x95: {  	s2 =	sld [smem:$0x3FFD];
	_ =	sdelay $0x3  }
0x96: {  	_ =	strace s2  }
0x97: {  	_ =	strace $0x8FFFFFFF  }
0x98: {  	s18 =	sld [smem:$0x3FDB];
	_ =	sdelay $0x1  }
0x99: {  	s19 =	simm.s32 $_scs_section_size  }
0x9a: {  	s4 =	simm.s32 $_size__tile_overlayer_lowered;
	s5 =	simm.s32 $_tile_overlayer_lowered  }
0x9b: {  	s22 =	simm.s32 $0x1BFF;
	s21 =	sshll.u32 s5, $0x1;
	s2 =	sadd.s32 s19, s18  }
0x9c: {  	s6 =	simm.s32 $0x0;
	s20 =	sshll.u32 s4, $0x1;
	s4 =	sadd.s32 s21, s2  }
0x9d: {  	[timem:s6], [sflag:s22] =	dma.local [hbm:s4], s20  }
0x9e: {  	_ =	swait.ge [sflag:s22], s20  }
0x9f: {  	s3 =	ssub.s32 $0x0, s20;
	[sflag:s22] =	ssyncset.done $0x0  }
0xa0: {  	[sflag:s22] =	ssyncadd.s32 s3;
	_ =	sdelay $0x1  }
0xa1: {  	s23 =	simm.s32 $0x1B8B  }
0xa2: {  	_ =	swait.ge [sflag:s23], $0x1  }
0xa3: {  	[sflag:s23] =	ssyncset.done $0x0  }
0xa4: {  	s25 =	simm.s32 $0x1B8E;
	s24 =	sld [smem:$0x3FFE];
	[sflag:s23] =	ssyncadd.s32 $0xFFFFFFFF  }
0xa5: {  	s26 =	simm.s32 $execute0_lowered;
	[smem:$0x3FD2] =	sst s25  }
0xa6: {  	s4 =	sshll.u32 s26, $0x1;
	_ =	strace $0x80000046;
	[dreg:$0x1] =	wrdreg $0xFFFFFFFF  }
0xa7: {  	s28 =	simm.s32 $_size_execute0_lowered;
	s2 =	sadd.s32 s2, s4;
	[dreg:$0x0] =	wrdreg $0x0  }
0xa8: {  	s4 =	sshll.u32 s28, $0x1;
	[dreg:$0x2] =	wrdreg s2  }
0xa9: {  	[dreg:$0x3] =	wrdreg s4  }
0xaa: {  	[dreg:$0x4] =	wrdreg $0xC0  }
0xab: {  	_ =	task [dreg:s6], $0x5FFFF  }
0xac: {  	[dreg:$0x1] =	wrdreg $0xFFFFFFFF  }
0xad: {  	[dreg:$0x0] =	wrdreg $0x60  }
0xae: {  	[dreg:$0x2] =	wrdreg s24  }
0xaf: {  	[dreg:$0x3] =	wrdreg $0x9  }
0xb0: {  	_ =	task.clear_ibuf [dreg:s6], $0x4FFFF;
	_ =	strace $0x90000046  }
0xb1: {  	s29 =	simm.s32 $0x9;
	_ =	strace $0x80000048  }
0xb2: {  	_ =	swait.ge [sflag:s29], $0x1  }
0xb3: {  	[sflag:s29] =	ssyncadd.s32 $0xFFFFFFFF  }
0xb4: {  	_ =	strace $0x90000048  }
0xb5: {  	_ =	sfence  }
0xb6: {  	s30 =	sld [smem:$0x0];
	_ =	sdelay $0x2  }
0xb7: {  	s31 =	sshll.u32 s1, $0xD;
	s1 =	sshrl.u32 s1, $0x2  }
0xb8: {  	s3 =	sand.u32 $0x4000, s31;
	s1 =	sadd.s32 s1, s30  }
0xb9: {  	s0 =	sor.u32 s3, s0;
	s1 =	sshll.u32 s1, $0x11  }
0xba: {  	s0 =	sor.u32 s1, s0  }
0xbb: {  	s0 =	sadd.s32 $0x8F2B, s0  }
0xbc: {  	[sflag:s0] =	ssyncadd.remote.s32 $0x1  }
0xbd: {  	_ =	sfence.sel $0xFFFF  }
0xbe: {  	[dreg:$0x0] =	wrdreg $0xFFFFFFFF;
	(pc) =	sbr.abs _section_cstart, $3  }
0xbf: {  	[dreg:$0x1] =	wrdreg $0xFFFFFFFF  }
0xc0: {  	_ =	task.clear_ibuf [dreg:s6], $0x2FFFF;
	_ =	strace $0x9FFFFFFF  }
0xc1: {  	(tm) =	ssettm $0x7FFFFFFF  }
tec
execute0_lowered:
.L_overlay_start_1:
0x0: {  	(tag) =	ssettag $0x1  }
0x1: {  	s0 =	srdreg.scid;
	s2 =	stileid.u32  }
0x2: {  	s3 =	simm.s32 $0x1;
	s6 =	rddreg [dreg:$0x0];
	s8 =	simm.s32 $0xDB00  }
0x3: {  	s17 =	simm.s32 $0xE300;
	s18 =	simm.s32 $0xEB00;
	s7 =	sand.u32 $0x1, s0  }
0x4: {  	s19 =	simm.s32 $0xF300;
	s20 =	simm.s32 $0xFB00;
	s0 =	sshll.u32 s7, $0x4  }
0x5: {  	s1 =	sor.u32 s2, s0;
	s0 =	sand.u32 $0x7, s2;
	s2 =	simm.s32 $0x0  }
0x6: {  	s21 =	simm.s32 $0x10300;
	s22 =	simm.s32 $0x10B00;
	[smem:$0x7FF] =	sst s2  }
0x7: {  	s23 =	simm.s32 $0x11300;
	_ =	strace $0x80000047;
	[dreg:$0x2] =	wrdreg s8  }
0x8: {  	s25 =	simm.s32 $0x11B00;
	s11 =	simm.s32 $0x12300;
	[dreg:$0x3] =	wrdreg s17  }
0x9: {  	s12 =	simm.s32 $0x12B00;
	s13 =	simm.s32 $0x13300;
	[dreg:$0x4] =	wrdreg s18  }
0xa: {  	s14 =	simm.s32 $0x14300;
	s15 =	simm.s32 $0x14B00;
	[dreg:$0x5] =	wrdreg s19  }
0xb: {  	s16 =	simm.s32 $0x15300;
	s26 =	simm.s32 $0x17B00;
	[dreg:$0x6] =	wrdreg s20  }
0xc: {  	s31 =	simm.s32 $0xB00;
	s28 =	simm.s32 $0x2B00;
	[dreg:$0x7] =	wrdreg s21  }
0xd: {  	s30 =	simm.s32 $0x3300;
	s7 =	ssub.s32 $0x2, s7;
	[dreg:$0x8] =	wrdreg s22  }
0xe: {  	s29 =	simm.s32 $0x6;
	s10 =	sshrl.u32 s7, $0x1;
	[dreg:$0x9] =	wrdreg s23  }
0xf: {  	p0 =	seq.s32 s1, $0x0;
	p1 =	sne.s32 s0, $0x0;
	[dreg:$0xa] =	wrdreg s25  }
0x10: {  	s1 =	sshrl.u32 s1, $0x3;
	s7 =	ssub.s32 s7, s10;
	[dreg:$0xb] =	wrdreg s11  }
0x11: {  	s24 =	smul.u32 $0x60, s0;
	s10 =	sadd.s32 $0x32B300, s6;
	[dreg:$0xc] =	wrdreg s12  }
0x12: {  	s0 =	smul.u32 $0x4E000, s0;
	p0 =	por !p1, !p0;
	[dreg:$0xd] =	wrdreg s13  }
0x13: {  	s8 =	sadd.s32 $0x32B100, s6;
	s11 =	sadd.s32 $0x32B400, s6;
	[dreg:$0xe] =	wrdreg s14  }
0x14: {  	s12 =	sadd.s32 $0x32B500, s6;
	s13 =	sadd.s32 $0x32B600, s6;
	[dreg:$0xf] =	wrdreg s15  }
0x15: {  	s14 =	sadd.s32 $0x32B700, s6;
	s15 =	sadd.s32 $0x32B800, s6;
	[dreg:$0x10] =	wrdreg s16  }
0x16: {  	s17 =	simm.s32 $0x15B00;
	s16 =	sadd.s32 $0x32B900, s6;
	[dreg:$0x15] =	wrdreg s26  }
0x17: {  	s18 =	simm.s32 $0x16300;
	s19 =	simm.s32 $0x16B00;
	[dreg:$0x11] =	wrdreg s17  }
0x18: {  	s20 =	simm.s32 $0x17300;
	s22 =	simm.s32 $0x18B00;
	[dreg:$0x12] =	wrdreg s18  }
0x19: {  	s23 =	simm.s32 $0x19300;
	s25 =	smax.u32 s7, $0x1;
	[dreg:$0x13] =	wrdreg s19  }
0x1a: {  	s26 =	simm.s32 $0x19B00;
	s7 =	simm.s32 $0x4;
	[dreg:$0x14] =	wrdreg s20  }
0x1b: {  	p0 =	por !p0, !p0;
	s17 =	sadd.s32 $0x32BA00, s6;
	[dreg:$0x17] =	wrdreg s22  }
0x1c: {  	s18 =	sadd.s32 $0x32BB00, s6;
	s19 =	sadd.s32 $0x32BC00, s6;
	[dreg:$0x1c] =	wrdreg s25  }
0x1d: {  	s4 =	sor.u32 $0x8, s24;
	s20 =	simm.s32 $0x18300;
	[dreg:$0x18] =	wrdreg s23  }
0x1e: {  	[dreg:$0x19] =	wrdreg s26;
	s26 =	simm.s32 $0x300;
	s3 =	simm.s32 @!p0 $0x0  }
0x1f: {  	s22 =	simm.s32 $0x1300;
	s23 =	simm.s32 $0x1B00;
	s1 =	ssub.s32 s1, s3  }
0x20: {  	s25 =	simm.s32 $0x2300;
	[dreg:$0x1b] =	wrdreg s4;
	s5 =	smul.u32 $0x300, s1  }
0x21: {  	[dreg:$0x16] =	wrdreg s20;
	s4 =	simm.s32 $0x0;
	s21 =	smul.u32 $0x263000, s1  }
0x22: {  	s20 =	simm.s32 $0x5;
	s3 =	sadd.s32 $0x32B000, s6;
	s5 =	sshrl.u32 s5, $0x3  }
0x23: {  	v0 =	vlaneseq.u32;
	[dreg:$0x1e] =	wrdreg s4;
	s0 =	sadd.s32 s0, s21;
	s9 =	sadd.s32 s5, s6  }
0x24: {  	v1 =	vshrl.u32 v0, $0x3;
	s1 =	simm.s32 $0x2;
	[dreg:$0x1d] =	wrdreg s0;
	s9 =	sadd.s32 $0x3A2400, s9  }
0x25: {  	vm0 =	vmmov $0xffff;
	v0 =	vand.u32 $0x7, v0;
	v1 =	vmul.u32 $0x8, v1;
	s5 =	sadd.s32 $0x3A2600, s6;
	[dreg:$0x1a] =	wrdreg s9;
	s9 =	sadd.s32 $0x32B200, s6  }
.LBB2_1:
0x26: {  	s6 =	rddreg [dreg:$0x1a];
	s4 =	simm.s32 $0x9  }
0x27: {  	[tilespmem:s2], [sflag:$0x9] =	stream.linear.gather [hbm4b:s6+s2], $0x300, $0x38;
	[tilespmem:$0x1A300] =	vst v63  }
0x28: {  	_ =	swait.ge [sflag:s4], $0x300  }
0x29: {  	[sflag:s4] =	ssyncset.done $0x0  }
0x2a: {  	[sflag:s4] =	ssyncadd.s32 $0xFFFFFD00  }
0x2b: {  	v2 =	vld.msk [tilespmem:s24+$0x0], $0xff;
	_ =	sdelay $0x4  }
0x2c: {  	v3 =	vshrl.u32 v2, $0x3  }
0x2d: {  	v3 =	vmul.u32 $0xD0, v3  }
0x2e: {  	v2 =	vand.u32 $0x7, v2  }
0x2f: {  	v2 =	vor.u32 v2, v3  }
0x30: {  	v2 =	vperm.xlane v2, v0;
	_ =	sdelay $0x1  }
0x31: {  	v2 =	vadd.s32 v1, v2;
	_ =	sdelay $0x4  }
0x32: {  	[tilespmem:s26], [sflag:$0x1] =	stream.indirect_vreg.gather [hbm4b:s3+s2], $0x80, v2, vm0, $0xb8;
	[tilespmem:$0x1A300] =	vst v63  }
0x33: {  	_ = 	snop  }
0x34: {  	[tilespmem:s31], [sflag:$0x1] =	stream.indirect_vreg.gather [hbm4b:s8+s2], $0x80, v2, vm0, $0xb8;
	[tilespmem:$0x1A300] =	vst v63  }
0x35: {  	_ = 	snop  }
0x36: {  	[tilespmem:s22], [sflag:$0x1] =	stream.indirect_vreg.gather [hbm4b:s9+s2], $0x80, v2, vm0, $0xb8;
	[tilespmem:$0x1A300] =	vst v63  }
0x37: {  	_ = 	snop  }
0x38: {  	[tilespmem:s23], [sflag:$0x1] =	stream.indirect_vreg.gather [hbm4b:s10+s2], $0x80, v2, vm0, $0xb8;
	[tilespmem:$0x1A300] =	vst v63  }
0x39: {  	_ = 	snop  }
0x3a: {  	[tilespmem:s25], [sflag:$0x1] =	stream.indirect_vreg.gather [hbm4b:s11+s2], $0x80, v2, vm0, $0xb8;
	[tilespmem:$0x1A300] =	vst v63  }
0x3b: {  	_ = 	snop  }
0x3c: {  	[tilespmem:s28], [sflag:$0x1] =	stream.indirect_vreg.gather [hbm4b:s12+s2], $0x80, v2, vm0, $0xb8;
	[tilespmem:$0x1A300] =	vst v63  }
0x3d: {  	_ = 	snop  }
0x3e: {  	[tilespmem:s30], [sflag:$0x1] =	stream.indirect_vreg.gather [hbm4b:s13+s2], $0x80, v2, vm0, $0xb8;
	[tilespmem:$0x1A300] =	vst v63  }
0x3f: {  	s4 =	simm.s32 $0x3B00  }
0x40: {  	[tilespmem:s4], [sflag:$0x1] =	stream.indirect_vreg.gather [hbm4b:s14+s2], $0x80, v2, vm0, $0xb8;
	[tilespmem:$0x1A300] =	vst v63  }
0x41: {  	s0 =	simm.s32 $0x4300  }
0x42: {  	[tilespmem:s0], [sflag:$0x1] =	stream.indirect_vreg.gather [hbm4b:s15+s2], $0x80, v2, vm0, $0xb8;
	[tilespmem:$0x1A300] =	vst v63  }
0x43: {  	s6 =	simm.s32 $0x4B00  }
0x44: {  	[tilespmem:s6], [sflag:$0x1] =	stream.indirect_vreg.gather [hbm4b:s16+s2], $0x80, v2, vm0, $0xb8;
	[tilespmem:$0x1A300] =	vst v63  }
0x45: {  	s22 =	simm.s32 $0x5300  }
0x46: {  	[tilespmem:s22], [sflag:$0x1] =	stream.indirect_vreg.gather [hbm4b:s17+s2], $0x80, v2, vm0, $0xb8;
	[tilespmem:$0x1A300] =	vst v63  }
0x47: {  	s23 =	simm.s32 $0x5B00  }
0x48: {  	[tilespmem:s23], [sflag:$0x1] =	stream.indirect_vreg.gather [hbm4b:s18+s2], $0x80, v2, vm0, $0xb8;
	[tilespmem:$0x1A300] =	vst v63  }
0x49: {  	s26 =	rddreg [dreg:$0x1b];
	s25 =	simm.s32 $0x6300  }
0x4a: {  	[tilespmem:s25], [sflag:$0x1] =	stream.indirect_vreg.gather [hbm4b:s19+s2], $0x80, v2, vm0, $0xb8;
	[tilespmem:$0x1A300] =	vst v63  }
0x4b: {  	v2 =	vld.msk [tilespmem:s26+$0x0], $0xff;
	_ =	sdelay $0x4  }
0x4c: {  	v3 =	vshrl.u32 v2, $0x3  }
0x4d: {  	v3 =	vmul.u32 $0xD0, v3  }
0x4e: {  	v2 =	vand.u32 $0x7, v2  }
0x4f: {  	v2 =	vor.u32 v2, v3  }
0x50: {  	v2 =	vperm.xlane v2, v0;
	_ =	sdelay $0x1  }
0x51: {  	v2 =	vadd.s32 v1, v2;
	_ =	sdelay $0x3  }
0x52: {  	s28 =	simm.s32 $0x6B00  }
0x53: {  	[tilespmem:s28], [sflag:$0x2] =	stream.indirect_vreg.gather [hbm4b:s3+s2], $0x80, v2, vm0, $0xb8;
	[tilespmem:$0x1A300] =	vst v63  }
0x54: {  	s0 =	simm.s32 $0x7300  }
0x55: {  	[tilespmem:s0], [sflag:$0x2] =	stream.indirect_vreg.gather [hbm4b:s8+s2], $0x80, v2, vm0, $0xb8;
	[tilespmem:$0x1A300] =	vst v63  }
0x56: {  	s30 =	simm.s32 $0x7B00  }
0x57: {  	[tilespmem:s30], [sflag:$0x2] =	stream.indirect_vreg.gather [hbm4b:s9+s2], $0x80, v2, vm0, $0xb8;
	[tilespmem:$0x1A300] =	vst v63  }
0x58: {  	s31 =	simm.s32 $0x8300  }
0x59: {  	[tilespmem:s31], [sflag:$0x2] =	stream.indirect_vreg.gather [hbm4b:s10+s2], $0x80, v2, vm0, $0xb8;
	[tilespmem:$0x1A300] =	vst v63  }
0x5a: {  	s4 =	simm.s32 $0x8B00  }
0x5b: {  	[tilespmem:s4], [sflag:$0x2] =	stream.indirect_vreg.gather [hbm4b:s11+s2], $0x80, v2, vm0, $0xb8;
	[tilespmem:$0x1A300] =	vst v63  }
0x5c: {  	s6 =	simm.s32 $0x9300  }
0x5d: {  	[tilespmem:s6], [sflag:$0x2] =	stream.indirect_vreg.gather [hbm4b:s12+s2], $0x80, v2, vm0, $0xb8;
	[tilespmem:$0x1A300] =	vst v63  }
0x5e: {  	s22 =	simm.s32 $0x9B00  }
0x5f: {  	[tilespmem:s22], [sflag:$0x2] =	stream.indirect_vreg.gather [hbm4b:s13+s2], $0x80, v2, vm0, $0xb8;
	[tilespmem:$0x1A300] =	vst v63  }
0x60: {  	s23 =	simm.s32 $0xA300  }
0x61: {  	[tilespmem:s23], [sflag:$0x2] =	stream.indirect_vreg.gather [hbm4b:s14+s2], $0x80, v2, vm0, $0xb8;
	[tilespmem:$0x1A300] =	vst v63  }
0x62: {  	s25 =	simm.s32 $0xAB00  }
0x63: {  	[tilespmem:s25], [sflag:$0x2] =	stream.indirect_vreg.gather [hbm4b:s15+s2], $0x80, v2, vm0, $0xb8;
	[tilespmem:$0x1A300] =	vst v63  }
0x64: {  	s26 =	simm.s32 $0xB300  }
0x65: {  	[tilespmem:s26], [sflag:$0x2] =	stream.indirect_vreg.gather [hbm4b:s16+s2], $0x80, v2, vm0, $0xb8;
	[tilespmem:$0x1A300] =	vst v63  }
0x66: {  	s28 =	simm.s32 $0xBB00  }
0x67: {  	[tilespmem:s28], [sflag:$0x2] =	stream.indirect_vreg.gather [hbm4b:s17+s2], $0x80, v2, vm0, $0xb8;
	[tilespmem:$0x1A300] =	vst v63  }
0x68: {  	s0 =	simm.s32 $0x3;
	s30 =	simm.s32 $0xC300;
	s31 =	simm.s32 $0xCB00  }
0x69: {  	[tilespmem:s30], [sflag:$0x2] =	stream.indirect_vreg.gather [hbm4b:s18+s2], $0x80, v2, vm0, $0xb8;
	[tilespmem:$0x1A300] =	vst v63  }
0x6a: {  	s22 =	rddreg [dreg:$0x1d];
	s23 =	simm.s32 $0x0;
	s25 =	simm.s32 $0xD300  }
0x6b: {  	[tilespmem:s31], [sflag:$0x2] =	stream.indirect_vreg.gather [hbm4b:s19+s2], $0x80, v2, vm0, $0xb8;
	[tilespmem:$0x1A300] =	vst v63  }
.LBB2_2:
0x6c: {  	s4 =	simm.s32 $0x1  }
0x6d: {  	_ =	swait.ge [sflag:s4], $0x6800  }
0x6e: {  	[sflag:s4] =	ssyncset.done $0x0  }
0x6f: {  	[sflag:s4] =	ssyncadd.s32 $0xFFFF9800  }
0x70: {  	_ =	swait.ge [sflag:s1], $0x6800  }
0x71: {  	p0 =	seq.s32 s23, $0x0;
	[sflag:s1] =	ssyncset.done $0x0  }
0x72: {  	s6 =	simm.s32 @!p0 $0x7;
	[sflag:s1] =	ssyncadd.s32 $0xFFFF9800  }
0x73: {  	_ =	swait.ge @!p0 [sflag:s6], $0x6800  }
0x74: {  	[sflag:s6] =	ssyncset.done @!p0 $0x0  }
0x75: {  	s28 =	sadd.s32 s23, s24;
	[sflag:s6] =	ssyncadd.s32 @!p0 $0xFFFF9800;
	s6 =	simm.s32 @!p0 $0x8  }
0x76: {  	s30 =	smov.u32 s24;
	s24 =	sadd.s32 $0x10, s28;
	_ =	swait.ge @!p0 [sflag:s6], $0x6800  }
0x77: {  	p1 =	slt.s32 s24, $0x2E0;
	[sflag:s6] =	ssyncset.done @!p0 $0x0  }
0x78: {  	s24 =	simm.s32 @!p1 $0x2E0;
	[sflag:s6] =	ssyncadd.s32 @!p0 $0xFFFF9800  }
0x79: {  	v2 =	vld.msk [tilespmem:s24+$0x0], $0xff;
	_ =	sdelay $0x4  }
0x7a: {  	v3 =	vshrl.u32 v2, $0x3  }
0x7b: {  	v3 =	vmul.u32 $0xD0, v3  }
0x7c: {  	v2 =	vand.u32 $0x7, v2  }
0x7d: {  	v2 =	vor.u32 v2, v3  }
0x7e: {  	v2 =	vperm.xlane v2, v0;
	_ =	sdelay $0x1  }
0x7f: {  	v2 =	vadd.s32 v1, v2;
	_ =	sdelay $0x4  }
0x80: {  	[tilespmem:s25], [sflag:$0x3] =	stream.indirect_vreg.gather [hbm4b:s3+s2], $0x80, v2, vm0, $0xb8;
	[tilespmem:$0x1A300] =	vst v63  }
0x81: {  	s1 =	rddreg [dreg:$0x2]  }
0x82: {  	[tilespmem:s1], [sflag:$0x3] =	stream.indirect_vreg.gather [hbm4b:s8+s2], $0x80, v2, vm0, $0xb8;
	[tilespmem:$0x1A300] =	vst v63  }
0x83: {  	s4 =	rddreg [dreg:$0x3]  }
0x84: {  	[tilespmem:s4], [sflag:$0x3] =	stream.indirect_vreg.gather [hbm4b:s9+s2], $0x80, v2, vm0, $0xb8;
	[tilespmem:$0x1A300] =	vst v63  }
0x85: {  	s26 =	rddreg [dreg:$0x4]  }
0x86: {  	[tilespmem:s26], [sflag:$0x3] =	stream.indirect_vreg.gather [hbm4b:s10+s2], $0x80, v2, vm0, $0xb8;
	[tilespmem:$0x1A300] =	vst v63  }
0x87: {  	s1 =	rddreg [dreg:$0x5]  }
0x88: {  	[tilespmem:s1], [sflag:$0x3] =	stream.indirect_vreg.gather [hbm4b:s11+s2], $0x80, v2, vm0, $0xb8;
	[tilespmem:$0x1A300] =	vst v63  }
0x89: {  	s4 =	rddreg [dreg:$0x6]  }
0x8a: {  	[tilespmem:s4], [sflag:$0x3] =	stream.indirect_vreg.gather [hbm4b:s12+s2], $0x80, v2, vm0, $0xb8;
	[tilespmem:$0x1A300] =	vst v63  }
0x8b: {  	s26 =	rddreg [dreg:$0x7]  }
0x8c: {  	[tilespmem:s26], [sflag:$0x3] =	stream.indirect_vreg.gather [hbm4b:s13+s2], $0x80, v2, vm0, $0xb8;
	[tilespmem:$0x1A300] =	vst v63  }
0x8d: {  	s1 =	rddreg [dreg:$0x8]  }
0x8e: {  	[tilespmem:s1], [sflag:$0x3] =	stream.indirect_vreg.gather [hbm4b:s14+s2], $0x80, v2, vm0, $0xb8;
	[tilespmem:$0x1A300] =	vst v63  }
0x8f: {  	s4 =	rddreg [dreg:$0x9]  }
0x90: {  	[tilespmem:s4], [sflag:$0x3] =	stream.indirect_vreg.gather [hbm4b:s15+s2], $0x80, v2, vm0, $0xb8;
	[tilespmem:$0x1A300] =	vst v63  }
0x91: {  	s26 =	rddreg [dreg:$0xa]  }
0x92: {  	[tilespmem:s26], [sflag:$0x3] =	stream.indirect_vreg.gather [hbm4b:s16+s2], $0x80, v2, vm0, $0xb8;
	[tilespmem:$0x1A300] =	vst v63  }
0x93: {  	s6 =	sadd.s32 $0x18, s28;
	s1 =	rddreg [dreg:$0xb]  }
0x94: {  	[tilespmem:s1], [sflag:$0x3] =	stream.indirect_vreg.gather [hbm4b:s17+s2], $0x80, v2, vm0, $0xb8;
	[tilespmem:$0x1A300] =	vst v63  }
0x95: {  	p0 =	slt.s32 s6, $0x2E0;
	s4 =	rddreg [dreg:$0xc]  }
0x96: {  	[tilespmem:s4], [sflag:$0x3] =	stream.indirect_vreg.gather [hbm4b:s18+s2], $0x80, v2, vm0, $0xb8;
	[tilespmem:$0x1A300] =	vst v63  }
0x97: {  	s6 =	simm.s32 @!p0 $0x2E0;
	s26 =	rddreg [dreg:$0xd]  }
0x98: {  	[tilespmem:s26], [sflag:$0x3] =	stream.indirect_vreg.gather [hbm4b:s19+s2], $0x80, v2, vm0, $0xb8;
	[tilespmem:$0x1A300] =	vst v63  }
0x99: {  	v2 =	vld.msk [tilespmem:s6+$0x0], $0xff;
	_ =	sdelay $0x4  }
0x9a: {  	v3 =	vshrl.u32 v2, $0x3  }
0x9b: {  	v3 =	vmul.u32 $0xD0, v3  }
0x9c: {  	v2 =	vand.u32 $0x7, v2  }
0x9d: {  	v2 =	vor.u32 v2, v3  }
0x9e: {  	v2 =	vperm.xlane v2, v0;
	_ =	sdelay $0x1  }
0x9f: {  	v2 =	vadd.s32 v1, v2;
	_ =	sdelay $0x3  }
0xa0: {  	s4 =	simm.s32 $0x13B00  }
0xa1: {  	[tilespmem:s4], [sflag:$0x4] =	stream.indirect_vreg.gather [hbm4b:s3+s2], $0x80, v2, vm0, $0xb8;
	[tilespmem:$0x1A300] =	vst v63  }
0xa2: {  	s1 =	rddreg [dreg:$0xe]  }
0xa3: {  	[tilespmem:s1], [sflag:$0x4] =	stream.indirect_vreg.gather [hbm4b:s8+s2], $0x80, v2, vm0, $0xb8;
	[tilespmem:$0x1A300] =	vst v63  }
0xa4: {  	s26 =	rddreg [dreg:$0xf]  }
0xa5: {  	[tilespmem:s26], [sflag:$0x4] =	stream.indirect_vreg.gather [hbm4b:s9+s2], $0x80, v2, vm0, $0xb8;
	[tilespmem:$0x1A300] =	vst v63  }
0xa6: {  	s25 =	rddreg [dreg:$0x10]  }
0xa7: {  	[tilespmem:s25], [sflag:$0x4] =	stream.indirect_vreg.gather [hbm4b:s10+s2], $0x80, v2, vm0, $0xb8;
	[tilespmem:$0x1A300] =	vst v63  }
0xa8: {  	s1 =	rddreg [dreg:$0x11]  }
0xa9: {  	[tilespmem:s1], [sflag:$0x4] =	stream.indirect_vreg.gather [hbm4b:s11+s2], $0x80, v2, vm0, $0xb8;
	[tilespmem:$0x1A300] =	vst v63  }
0xaa: {  	s25 =	rddreg [dreg:$0x12]  }
0xab: {  	[tilespmem:s25], [sflag:$0x4] =	stream.indirect_vreg.gather [hbm4b:s12+s2], $0x80, v2, vm0, $0xb8;
	[tilespmem:$0x1A300] =	vst v63  }
0xac: {  	s1 =	rddreg [dreg:$0x13]  }
0xad: {  	[tilespmem:s1], [sflag:$0x4] =	stream.indirect_vreg.gather [hbm4b:s13+s2], $0x80, v2, vm0, $0xb8;
	[tilespmem:$0x1A300] =	vst v63  }
0xae: {  	s25 =	rddreg [dreg:$0x14]  }
0xaf: {  	[tilespmem:s25], [sflag:$0x4] =	stream.indirect_vreg.gather [hbm4b:s14+s2], $0x80, v2, vm0, $0xb8;
	[tilespmem:$0x1A300] =	vst v63  }
0xb0: {  	s1 =	rddreg [dreg:$0x15]  }
0xb1: {  	[tilespmem:s1], [sflag:$0x4] =	stream.indirect_vreg.gather [hbm4b:s15+s2], $0x80, v2, vm0, $0xb8;
	[tilespmem:$0x1A300] =	vst v63  }
0xb2: {  	s25 =	rddreg [dreg:$0x16]  }
0xb3: {  	[tilespmem:s25], [sflag:$0x4] =	stream.indirect_vreg.gather [hbm4b:s16+s2], $0x80, v2, vm0, $0xb8;
	[tilespmem:$0x1A300] =	vst v63  }
0xb4: {  	s1 =	rddreg [dreg:$0x17]  }
0xb5: {  	[tilespmem:s1], [sflag:$0x4] =	stream.indirect_vreg.gather [hbm4b:s17+s2], $0x80, v2, vm0, $0xb8;
	[tilespmem:$0x1A300] =	vst v63  }
0xb6: {  	s25 =	rddreg [dreg:$0x18]  }
0xb7: {  	[tilespmem:s25], [sflag:$0x4] =	stream.indirect_vreg.gather [hbm4b:s18+s2], $0x80, v2, vm0, $0xb8;
	[tilespmem:$0x1A300] =	vst v63  }
0xb8: {  	s25 =	sadd.s32 $0x8, s28  }
0xb9: {  	s1 =	rddreg [dreg:$0x19];
	p0 =	slt.s32 s25, $0x2E0  }
0xba: {  	[tilespmem:s1], [sflag:$0x4] =	stream.indirect_vreg.gather [hbm4b:s19+s2], $0x80, v2, vm0, $0xb8;
	[tilespmem:$0x1A300] =	vst v63  }
0xbb: {  	s25 =	simm.s32 @!p0 $0x2E0  }
0xbc: {  	s1 =	sshrl.u32 s22, $0x3;
	s25 =	sshrl.u32 s25, $0x3  }
0xbd: {  	s31 =	simm.s32 $0x300;
	s26 =	sadd.s32 s5, s1;
	s25 =	smul.u32 $0x6800, s25  }
0xbe: {  	[hbm4b:s26+s2] =	stream.linear.scatter [tilespmem:s31], [sflag:$0x5], $0x6800, $0x38;
	[tilespmem:$0x1A300] =	vst v63  }
0xbf: {  	s25 =	sadd.s32 s21, s25  }
0xc0: {  	s25 =	sshrl.u32 s25, $0x3  }
0xc1: {  	s1 =	simm.s32 $0x6B00;
	s25 =	sadd.s32 s5, s25  }
0xc2: {  	[hbm4b:s25+s2] =	stream.linear.scatter [tilespmem:s1], [sflag:$0x6], $0x6800, $0x38;
	[tilespmem:$0x1A300] =	vst v63  }
0xc3: {  	_ =	swait.ge [sflag:s0], $0x6800  }
0xc4: {  	[sflag:s0] =	ssyncset.done $0x0  }
0xc5: {  	[sflag:s0] =	ssyncadd.s32 $0xFFFF9800  }
0xc6: {  	_ =	swait.ge [sflag:s7], $0x6800  }
0xc7: {  	[sflag:s7] =	ssyncset.done $0x0  }
0xc8: {  	[sflag:s7] =	ssyncadd.s32 $0xFFFF9800  }
0xc9: {  	_ =	swait.ge [sflag:s20], $0x6800  }
0xca: {  	[sflag:s20] =	ssyncset.done $0x0  }
0xcb: {  	[sflag:s20] =	ssyncadd.s32 $0xFFFF9800  }
0xcc: {  	s25 =	sadd.s32 $0x20, s28;
	_ =	swait.ge [sflag:s29], $0x6800  }
0xcd: {  	p0 =	slt.s32 s25, $0x2E0;
	[sflag:s29] =	ssyncset.done $0x0  }
0xce: {  	s25 =	simm.s32 @!p0 $0x2E0;
	[sflag:s29] =	ssyncadd.s32 $0xFFFF9800  }
0xcf: {  	v2 =	vld.msk [tilespmem:s25+$0x0], $0xff;
	_ =	sdelay $0x4  }
0xd0: {  	v3 =	vshrl.u32 v2, $0x3  }
0xd1: {  	v3 =	vmul.u32 $0xD0, v3  }
0xd2: {  	v2 =	vand.u32 $0x7, v2  }
0xd3: {  	v2 =	vor.u32 v2, v3  }
0xd4: {  	v2 =	vperm.xlane v2, v0;
	_ =	sdelay $0x1  }
0xd5: {  	v2 =	vadd.s32 v1, v2;
	_ =	sdelay $0x3  }
0xd6: {  	s26 =	simm.s32 $0x300  }
0xd7: {  	[tilespmem:s26], [sflag:$0x1] =	stream.indirect_vreg.gather [hbm4b:s3+s2], $0x80, v2, vm0, $0xb8;
	[tilespmem:$0x1A300] =	vst v63  }
0xd8: {  	s31 =	simm.s32 $0xB00  }
0xd9: {  	[tilespmem:s31], [sflag:$0x1] =	stream.indirect_vreg.gather [hbm4b:s8+s2], $0x80, v2, vm0, $0xb8;
	[tilespmem:$0x1A300] =	vst v63  }
0xda: {  	s25 =	simm.s32 $0x1300  }
0xdb: {  	[tilespmem:s25], [sflag:$0x1] =	stream.indirect_vreg.gather [hbm4b:s9+s2], $0x80, v2, vm0, $0xb8;
	[tilespmem:$0x1A300] =	vst v63  }
0xdc: {  	s25 =	simm.s32 $0x1B00  }
0xdd: {  	[tilespmem:s25], [sflag:$0x1] =	stream.indirect_vreg.gather [hbm4b:s10+s2], $0x80, v2, vm0, $0xb8;
	[tilespmem:$0x1A300] =	vst v63  }
0xde: {  	s25 =	simm.s32 $0x2300  }
0xdf: {  	[tilespmem:s25], [sflag:$0x1] =	stream.indirect_vreg.gather [hbm4b:s11+s2], $0x80, v2, vm0, $0xb8;
	[tilespmem:$0x1A300] =	vst v63  }
0xe0: {  	s25 =	simm.s32 $0x2B00  }
0xe1: {  	[tilespmem:s25], [sflag:$0x1] =	stream.indirect_vreg.gather [hbm4b:s12+s2], $0x80, v2, vm0, $0xb8;
	[tilespmem:$0x1A300] =	vst v63  }
0xe2: {  	s25 =	simm.s32 $0x3300  }
0xe3: {  	[tilespmem:s25], [sflag:$0x1] =	stream.indirect_vreg.gather [hbm4b:s13+s2], $0x80, v2, vm0, $0xb8;
	[tilespmem:$0x1A300] =	vst v63  }
0xe4: {  	s25 =	simm.s32 $0x3B00  }
0xe5: {  	[tilespmem:s25], [sflag:$0x1] =	stream.indirect_vreg.gather [hbm4b:s14+s2], $0x80, v2, vm0, $0xb8;
	[tilespmem:$0x1A300] =	vst v63  }
0xe6: {  	s25 =	simm.s32 $0x4300  }
0xe7: {  	[tilespmem:s25], [sflag:$0x1] =	stream.indirect_vreg.gather [hbm4b:s15+s2], $0x80, v2, vm0, $0xb8;
	[tilespmem:$0x1A300] =	vst v63  }
0xe8: {  	s25 =	simm.s32 $0x4B00  }
0xe9: {  	[tilespmem:s25], [sflag:$0x1] =	stream.indirect_vreg.gather [hbm4b:s16+s2], $0x80, v2, vm0, $0xb8;
	[tilespmem:$0x1A300] =	vst v63  }
0xea: {  	s25 =	simm.s32 $0x5300  }
0xeb: {  	[tilespmem:s25], [sflag:$0x1] =	stream.indirect_vreg.gather [hbm4b:s17+s2], $0x80, v2, vm0, $0xb8;
	[tilespmem:$0x1A300] =	vst v63  }
0xec: {  	s25 =	simm.s32 $0x5B00  }
0xed: {  	[tilespmem:s25], [sflag:$0x1] =	stream.indirect_vreg.gather [hbm4b:s18+s2], $0x80, v2, vm0, $0xb8;
	[tilespmem:$0x1A300] =	vst v63  }
0xee: {  	s25 =	simm.s32 $0x6300  }
0xef: {  	[tilespmem:s25], [sflag:$0x1] =	stream.indirect_vreg.gather [hbm4b:s19+s2], $0x80, v2, vm0, $0xb8;
	[tilespmem:$0x1A300] =	vst v63  }
0xf0: {  	s25 =	sadd.s32 $0x28, s28  }
0xf1: {  	p0 =	slt.s32 s25, $0x2E0  }
0xf2: {  	s25 =	simm.s32 @!p0 $0x2E0  }
0xf3: {  	v2 =	vld.msk [tilespmem:s25+$0x0], $0xff;
	_ =	sdelay $0x4  }
0xf4: {  	v3 =	vshrl.u32 v2, $0x3  }
0xf5: {  	v3 =	vmul.u32 $0xD0, v3  }
0xf6: {  	v2 =	vand.u32 $0x7, v2  }
0xf7: {  	v2 =	vor.u32 v2, v3  }
0xf8: {  	v2 =	vperm.xlane v2, v0;
	_ =	sdelay $0x1  }
0xf9: {  	v2 =	vadd.s32 v1, v2;
	_ =	sdelay $0x4  }
0xfa: {  	[tilespmem:s1], [sflag:$0x2] =	stream.indirect_vreg.gather [hbm4b:s3+s2], $0x80, v2, vm0, $0xb8;
	[tilespmem:$0x1A300] =	vst v63  }
0xfb: {  	s28 =	simm.s32 $0x7300  }
0xfc: {  	[tilespmem:s28], [sflag:$0x2] =	stream.indirect_vreg.gather [hbm4b:s8+s2], $0x80, v2, vm0, $0xb8;
	[tilespmem:$0x1A300] =	vst v63  }
0xfd: {  	s28 =	simm.s32 $0x7B00  }
0xfe: {  	[tilespmem:s28], [sflag:$0x2] =	stream.indirect_vreg.gather [hbm4b:s9+s2], $0x80, v2, vm0, $0xb8;
	[tilespmem:$0x1A300] =	vst v63  }
0xff: {  	s28 =	simm.s32 $0x8300  }
0x100: {  	[tilespmem:s28], [sflag:$0x2] =	stream.indirect_vreg.gather [hbm4b:s10+s2], $0x80, v2, vm0, $0xb8;
	[tilespmem:$0x1A300] =	vst v63  }
0x101: {  	s28 =	simm.s32 $0x8B00  }
0x102: {  	[tilespmem:s28], [sflag:$0x2] =	stream.indirect_vreg.gather [hbm4b:s11+s2], $0x80, v2, vm0, $0xb8;
	[tilespmem:$0x1A300] =	vst v63  }
0x103: {  	s28 =	simm.s32 $0x9300  }
0x104: {  	[tilespmem:s28], [sflag:$0x2] =	stream.indirect_vreg.gather [hbm4b:s12+s2], $0x80, v2, vm0, $0xb8;
	[tilespmem:$0x1A300] =	vst v63  }
0x105: {  	s28 =	simm.s32 $0x9B00  }
0x106: {  	[tilespmem:s28], [sflag:$0x2] =	stream.indirect_vreg.gather [hbm4b:s13+s2], $0x80, v2, vm0, $0xb8;
	[tilespmem:$0x1A300] =	vst v63  }
0x107: {  	s28 =	simm.s32 $0xA300  }
0x108: {  	[tilespmem:s28], [sflag:$0x2] =	stream.indirect_vreg.gather [hbm4b:s14+s2], $0x80, v2, vm0, $0xb8;
	[tilespmem:$0x1A300] =	vst v63  }
0x109: {  	s28 =	simm.s32 $0xAB00  }
0x10a: {  	[tilespmem:s28], [sflag:$0x2] =	stream.indirect_vreg.gather [hbm4b:s15+s2], $0x80, v2, vm0, $0xb8;
	[tilespmem:$0x1A300] =	vst v63  }
0x10b: {  	s23 =	sadd.s32 $0x20, s23;
	s24 =	sshrl.u32 s24, $0x3;
	s28 =	simm.s32 $0xB300  }
0x10c: {  	[tilespmem:s28], [sflag:$0x2] =	stream.indirect_vreg.gather [hbm4b:s16+s2], $0x80, v2, vm0, $0xb8;
	[tilespmem:$0x1A300] =	vst v63  }
0x10d: {  	s24 =	smul.u32 $0x6800, s24;
	s6 =	sshrl.u32 s6, $0x3;
	s28 =	simm.s32 $0xBB00  }
0x10e: {  	[tilespmem:s28], [sflag:$0x2] =	stream.indirect_vreg.gather [hbm4b:s17+s2], $0x80, v2, vm0, $0xb8;
	[tilespmem:$0x1A300] =	vst v63  }
0x10f: {  	s24 =	sadd.s32 s21, s24;
	s6 =	smul.u32 $0x6800, s6;
	s28 =	simm.s32 $0xC300  }
0x110: {  	[tilespmem:s28], [sflag:$0x2] =	stream.indirect_vreg.gather [hbm4b:s18+s2], $0x80, v2, vm0, $0xb8;
	[tilespmem:$0x1A300] =	vst v63  }
0x111: {  	s6 =	sadd.s32 s21, s6;
	p0 =	sne.s32 s23, $0x60;
	s28 =	simm.s32 $0xCB00  }
0x112: {  	[tilespmem:s28], [sflag:$0x2] =	stream.indirect_vreg.gather [hbm4b:s19+s2], $0x80, v2, vm0, $0xb8;
	[tilespmem:$0x1A300] =	vst v63  }
.Ltmp0:
0x113: {  	s24 =	sshrl.u32 s24, $0x3;
	s6 =	sshrl.u32 s6, $0x3;
	(pc) =	sbr.rel @p0 .LBB2_2-.Ltmp0, $4  }
0x114: {  	s24 =	sadd.s32 s5, s24;
	s6 =	sadd.s32 s5, s6;
	s25 =	simm.s32 $0xD300  }
0x115: {  	[hbm4b:s24+s2] =	stream.linear.scatter [tilespmem:s25], [sflag:$0x7], $0x6800, $0x38;
	[tilespmem:$0x1A300] =	vst v63  }
0x116: {  	s22 =	sadd.s32 $0x1A000, s22;
	s1 =	simm.s32 $0x2;
	s24 =	smov.u32 s30  }
0x117: {  	[hbm4b:s6+s2] =	stream.linear.scatter [tilespmem:s4], [sflag:$0x8], $0x6800, $0x38;
	[tilespmem:$0x1A300] =	vst v63  }
0x118: {  	s0 =	simm.s32 $0x1  }
0x119: {  	_ =	swait.ge [sflag:s0], $0x6800  }
0x11a: {  	[sflag:s0] =	ssyncset.done $0x0  }
0x11b: {  	[sflag:s0] =	ssyncadd.s32 $0xFFFF9800  }
0x11c: {  	_ =	swait.ge [sflag:s1], $0x6800  }
0x11d: {  	[sflag:s1] =	ssyncset.done $0x0  }
0x11e: {  	s4 =	simm.s32 $0x7;
	[sflag:s1] =	ssyncadd.s32 $0xFFFF9800  }
0x11f: {  	_ =	swait.ge [sflag:s4], $0x6800  }
0x120: {  	[sflag:s4] =	ssyncset.done $0x0  }
0x121: {  	s25 =	simm.s32 $0x8;
	[sflag:s4] =	ssyncadd.s32 $0xFFFF9800  }
0x122: {  	_ =	swait.ge [sflag:s25], $0x6800  }
0x123: {  	s22 =	rddreg [dreg:$0x1e]  }
0x124: {  	s6 =	rddreg [dreg:$0x1c];
	s22 =	sadd.s32 $0x1, s22  }
0x125: {  	p0 =	sne.s32 s22, s6  }
.Ltmp1:
0x126: {  	_ = 	snop;
	(pc) =	sbr.rel @p0 .LBB2_1-.Ltmp1, $4  }
0x127: {  	_ = 	snop  }
0x128: {  	s23 =	simm.s32 $0x1B00;
	[sflag:s25] =	ssyncset.done $0x0  }
0x129: {  	s28 =	simm.s32 $0x2B00;
	s30 =	simm.s32 $0x3300;
	[sflag:s25] =	ssyncadd.s32 $0xFFFF9800  }
0x12a: {  	s25 =	simm.s32 $0x2300;
	[dreg:$0x1e] =	wrdreg s22;
	s22 =	simm.s32 $0x1300  }
0x12b: {  	_ =	sfence.sel $0x180000  }
0x12c: {  	[bflag:$0x0] =	sbarrier.arrive $0xFFFF  }
0x12d: {  	_ =	strace $0x90000047  }
0x12e: {  	s0 =	stileid.u32;
	[bflag:$0x2] =	sbarrier.arrive $0xFFFF  }
0x12f: {  	p0 =	sne.s32 s0, $0x0;
	s0 =	rddreg [dreg:$0x1]  }
0x130: {  	s0 =	sadd.s32 @!p0 $0x100000, s0  }
0x131: {  	[sflag:s0] =	ssyncadd.tile.s32 @!p0 $0x1;
	_ =	shalt  }
.Lfunc_end2:
_tile_overlayer_lowered:
.L_overlay_start_2:
0x132: {  	(tag) =	ssettag $0x2  }
0x133: {  	s0 =	rddreg [dreg:$0x0];
	s2 =	stileid.u32  }
0x134: {  	s1 =	rddreg [dreg:$0x1];
	p0 =	sne.s32 s2, $0x0  }
0x135: {  	s3 =	rddreg [dreg:$0x2];
	[bflag:$0x3] =	sbarrier.arrive $0xFFFF;
	s2 =	simm.s32 @!p0 $0x1C09  }
0x136: {  	[timem:s3], [sflag:s2] =	dma.local @!p0 [hbm:s0], s1  }
0x137: {  	s0 =	simm.s32 @!p0 $0x9  }
0x138: {  	_ =	swait.ge @!p0 [sflag:s0], s1  }
0x139: {  	s1 =	ssub.s32 @!p0 $0x0, s1;
	[sflag:s0] =	ssyncset.done @!p0 $0x0  }
0x13a: {  	[sflag:s0] =	ssyncadd.s32 @!p0 s1  }
0x13b: {  	[bflag:$0x3] =	sbarrier.arrive $0xFFFF  }
0x13c: {  	_ =	shalt  }

// kernel: kernel.16.cloned.1.call-start
scs
__scs_entry_jumppad:
0x0: {  	(pc) =	sbr.rel $0x88, $3  }
0x1: {  	(tag) =	ssettag $0x0;
	lr =	simm.s32 $0x1  }
0x2: {  	[smem:$0x3F99] =	sst lr;
	_ =	strace $0xD0000000  }
0x3: {  	_ = 	snop  }
0x4: {  	_ = 	snop  }
0x5: {  	_ = 	snop  }
0x6: {  	_ = 	snop  }
0x7: {  	_ = 	snop  }
__scs_overlays_trampoline_lowered:
0x8: {  	[smem:$0x3FA8] =	sst s0  }
0x9: {  	[smem:$0x3FA9] =	sst s1  }
0xa: {  	[smem:$0x3FAA] =	sst s2  }
0xb: {  	[smem:$0x3FAB] =	sst s3  }
0xc: {  	[smem:$0x3FAC] =	sst s4  }
0xd: {  	[smem:$0x3FAD] =	sst s5  }
0xe: {  	[smem:$0x3FAE] =	sst s6  }
0xf: {  	[smem:$0x3FAF] =	sst s7  }
0x10: {  	[smem:$0x3FB0] =	sst s8  }
0x11: {  	[smem:$0x3FB1] =	sst s9;
	s0 =	simm.s32 @!p0 $0x0  }
0x12: {  	s1 =	sld [smem:$0x3F97];
	s0 =	simm.s32 @p0 $0x1  }
0x13: {  	[smem:$0x3FB2] =	sst s0;
	s0 =	simm.s32 @!p1 $0x0  }
0x14: {  	s2 =	sld [smem:$0x3F96];
	s0 =	simm.s32 @p1 $0x1  }
0x15: {  	[smem:$0x3FB3] =	sst s0;
	s0 =	simm.s32 @!p2 $0x0  }
0x16: {  	s3 =	sld [smem:$0x3FDB];
	s0 =	simm.s32 @p2 $0x1  }
0x17: {  	s4 =	simm.s32 $0x1BF5;
	[smem:$0x3FB5] =	sst s0  }
0x18: {  	s0 =	sld [smem:$0x3F98];
	_ =	swait.ge [sflag:s4], $0x0  }
0x19: {  	s7 =	sld [smem:$0x3F99]  }
0x1a: {  	s8 =	sadd.s32 $0xFFFFE003, lr  }
0x1b: {  	s9 =	sadd.s32 $0xFFFFFEF7, lr;
	s5 =	simm.s32 $0xFFFFFFFF;
	p2 =	slt.u32 s8, $0xFFFFF086  }
0x1c: {  	p1 =	slt.u32 s9, $0xF7A;
	s5 =	simm.s32 @!p2 $0x0  }
0x1d: {  	s5 =	simm.s32 @p1 $0x1;
	p0 =	seq.s32 s7, s2  }
0x1e: {  	s7 =	smul.u32 @!p0 $0xF7A, s2;
	p2 =	seq.s32 @!p0 s5, $0x0  }
0x1f: {  	s9 =	smul.u32 $0xF7A, s1;
	s8 =	simm.s32 @!p0 $0x1BF5;
	p2 =	por !p2, p0  }
0x20: {  	[sflag:s8] =	ssyncset.s32 @!p0 $0xFFFFF086;
	s6 =	sadd.s32 @!p0 s3, s7;
	s7 =	simm.s32 @!p0 $0x108  }
0x21: {  	s3 =	sadd.s32 s3, s9;
	s6 =	sadd.s32 @!p0 $0x88, s6;
	s7 =	simm.s32 @p2 $0x1082  }
0x22: {  	[simem:s7], [sflag:s8] =	dma.local @!p0 [hbm:s6], $0xF7A  }
0x23: {  	s9 =	sor.u32 $0xD0000000, s2;
	s6 =	simm.s32 $0x108;
	_ =	swait.ge @!p0 [sflag:s8], $0x0  }
0x24: {  	s3 =	sadd.s32 $0x88, s3;
	s6 =	simm.s32 @!p1 $0x1082;
	[sflag:s4] =	ssyncset.s32 $0xFFFFF086  }
0x25: {  	[simem:s6], [sflag:s4] =	dma.local [hbm:s3], $0xF7A  }
0x26: {  	[smem:$0x3F99] =	sst s1;
	(tag) =	ssettag s2;
	_ =	strace s9  }
0x27: {  	s1 =	sld [smem:$0x3FA9]  }
0x28: {  	s2 =	sld [smem:$0x3FAA]  }
0x29: {  	s4 =	sld [smem:$0x3FAC]  }
0x2a: {  	p0 =	seq.s32 s5, $0x0;
	s5 =	sld [smem:$0x3FAD]  }
0x2b: {  	s6 =	sld [smem:$0x3FAE]  }
0x2c: {  	s7 =	sld [smem:$0x3FAF]  }
0x2d: {  	s3 =	simm.s32 $0x108;
	s8 =	sld [smem:$0x3FB0]  }
0x2e: {  	s3 =	simm.s32 @!p0 $0x1082;
	s9 =	sld [smem:$0x3FB1]  }
0x2f: {  	lr =	sadd.s32 s0, s3;
	s0 =	sld [smem:$0x3FA8]  }
0x30: {  	s3 =	sld [smem:$0x3FAB]  }
0x31: {  	[smem:$0x3FB4] =	sst s10  }
0x32: {  	s10 =	sld [smem:$0x3FB2];
	_ =	sdelay $0x3  }
0x33: {  	p0 =	seq.s32 s10, $0x1;
	s10 =	sld [smem:$0x3FB4];
	_ =	sdelay $0x3  }
0x34: {  	[smem:$0x3FB4] =	sst s10  }
0x35: {  	s10 =	sld [smem:$0x3FB3];
	_ =	sdelay $0x3  }
0x36: {  	p1 =	seq.s32 s10, $0x1;
	s10 =	sld [smem:$0x3FB4];
	_ =	sdelay $0x3  }
0x37: {  	[smem:$0x3FB4] =	sst s10  }
0x38: {  	s10 =	sld [smem:$0x3FB5]  }
0x39: {  	_ = 	snop;
	(pc) =	sbr.ind lr, $3  }
0x3a: {  	_ = 	snop  }
0x3b: {  	_ = 	snop  }
0x3c: {  	p2 =	seq.s32 s10, $0x1;
	s10 =	sld [smem:$0x3FB4]  }
0x3d: {  	_ =	shalt  }
0x3e: {  	_ =	shalt  }
0x3f: {  	_ =	shalt  }
0x40: {  	_ =	shalt  }
0x41: {  	_ =	shalt  }
0x42: {  	_ =	shalt  }
0x43: {  	_ =	shalt  }
0x44: {  	_ =	shalt  }
0x45: {  	_ =	shalt  }
0x46: {  	_ =	shalt  }
0x47: {  	_ =	shalt  }
0x48: {  	_ =	shalt  }
0x49: {  	_ =	shalt  }
0x4a: {  	_ =	shalt  }
0x4b: {  	_ =	shalt  }
0x4c: {  	_ =	shalt  }
0x4d: {  	_ =	shalt  }
0x4e: {  	_ =	shalt  }
0x4f: {  	_ =	shalt  }
0x50: {  	_ =	shalt  }
0x51: {  	_ =	shalt  }
0x52: {  	_ =	shalt  }
0x53: {  	_ =	shalt  }
0x54: {  	_ =	shalt  }
0x55: {  	_ =	shalt  }
0x56: {  	_ =	shalt  }
0x57: {  	_ =	shalt  }
0x58: {  	_ =	shalt  }
0x59: {  	_ =	shalt  }
0x5a: {  	_ =	shalt  }
0x5b: {  	_ =	shalt  }
0x5c: {  	_ =	shalt  }
0x5d: {  	_ =	shalt  }
0x5e: {  	_ =	shalt  }
0x5f: {  	_ =	shalt  }
0x60: {  	_ =	shalt  }
0x61: {  	_ =	shalt  }
0x62: {  	_ =	shalt  }
0x63: {  	_ =	shalt  }
0x64: {  	_ =	shalt  }
0x65: {  	_ =	shalt  }
0x66: {  	_ =	shalt  }
0x67: {  	_ =	shalt  }
0x68: {  	_ =	shalt  }
0x69: {  	_ =	shalt  }
0x6a: {  	_ =	shalt  }
0x6b: {  	_ =	shalt  }
0x6c: {  	_ =	shalt  }
0x6d: {  	_ =	shalt  }
0x6e: {  	_ =	shalt  }
0x6f: {  	_ =	shalt  }
0x70: {  	_ =	shalt  }
0x71: {  	_ =	shalt  }
0x72: {  	_ =	shalt  }
0x73: {  	_ =	shalt  }
0x74: {  	_ =	shalt  }
0x75: {  	_ =	shalt  }
0x76: {  	_ =	shalt  }
0x77: {  	_ =	shalt  }
0x78: {  	_ =	shalt  }
0x79: {  	_ =	shalt  }
0x7a: {  	_ =	shalt  }
0x7b: {  	_ =	shalt  }
0x7c: {  	_ =	shalt  }
0x7d: {  	_ =	shalt  }
0x7e: {  	_ =	shalt  }
0x7f: {  	_ =	shalt  }
0x80: {  	_ =	shalt  }
0x81: {  	_ =	shalt  }
0x82: {  	_ =	shalt  }
0x83: {  	_ =	shalt  }
0x84: {  	_ =	shalt  }
0x85: {  	_ =	shalt  }
0x86: {  	_ =	shalt  }
0x87: {  	_ =	shalt  }
.Lfunc_end0:
.L_simem_size_0:
called_computation.1_lowered:
.L_overlay_start_0:
0x88: {  	s2 =	sld [smem:$0x3FD9]  }
0x89: {  	s3 =	sld [smem:$0x3FFE];
	_ =	sdelay $0x1  }
0x8a: {  	s1 =	srdreg.scid  }
0x8b: {  	s0 =	sand.u32 $0x1, s1  }
0x8c: {  	s16 =	sshll.u32 s0, $0xA;
	s2 =	sadd.s32 s3, s2  }
0x8d: {  	s2 =	sadd.s32 s2, s16  }
0x8e: {  	[smem:$0x3FC0] =	sst s2  }
0x8f: {  	_ = 	snop  }
0x90: {  	(tm) =	ssettm $0x1  }
0x91: {  	s17 =	sld [smem:$0x3FFB];
	_ =	sdelay $0x3  }
0x92: {  	_ =	strace s17  }
0x93: {  	s2 =	sld [smem:$0x3FFC];
	_ =	sdelay $0x3  }
0x94: {  	_ =	strace s2  }
0x95: {  	s2 =	sld [smem:$0x3FFD];
	_ =	sdelay $0x3  }
0x96: {  	_ =	strace s2  }
0x97: {  	_ =	strace $0x8FFFFFFF  }
0x98: {  	s18 =	sld [smem:$0x3FDB];
	_ =	sdelay $0x1  }
0x99: {  	s19 =	simm.s32 $_scs_section_size  }
0x9a: {  	s4 =	simm.s32 $_size__tile_overlayer_lowered;
	s5 =	simm.s32 $_tile_overlayer_lowered  }
0x9b: {  	s22 =	simm.s32 $0x1BFF;
	s21 =	sshll.u32 s5, $0x1;
	s2 =	sadd.s32 s19, s18  }
0x9c: {  	s6 =	simm.s32 $0x0;
	s20 =	sshll.u32 s4, $0x1;
	s4 =	sadd.s32 s21, s2  }
0x9d: {  	[timem:s6], [sflag:s22] =	dma.local [hbm:s4], s20  }
0x9e: {  	_ =	swait.ge [sflag:s22], s20  }
0x9f: {  	s3 =	ssub.s32 $0x0, s20;
	[sflag:s22] =	ssyncset.done $0x0  }
0xa0: {  	[sflag:s22] =	ssyncadd.s32 s3;
	_ =	sdelay $0x1  }
0xa1: {  	s23 =	simm.s32 $0x1B8B  }
0xa2: {  	_ =	swait.ge [sflag:s23], $0x1  }
0xa3: {  	[sflag:s23] =	ssyncset.done $0x0  }
0xa4: {  	s25 =	simm.s32 $0x1B8E;
	s24 =	sld [smem:$0x3FFE];
	[sflag:s23] =	ssyncadd.s32 $0xFFFFFFFF  }
0xa5: {  	s26 =	simm.s32 $execute0_lowered;
	[smem:$0x3FD2] =	sst s25  }
0xa6: {  	s4 =	sshll.u32 s26, $0x1;
	_ =	strace $0x80000049;
	[dreg:$0x1] =	wrdreg $0xFFFFFFFF  }
0xa7: {  	s28 =	simm.s32 $_size_execute0_lowered;
	s2 =	sadd.s32 s2, s4;
	[dreg:$0x0] =	wrdreg $0x0  }
0xa8: {  	s4 =	sshll.u32 s28, $0x1;
	[dreg:$0x2] =	wrdreg s2  }
0xa9: {  	[dreg:$0x3] =	wrdreg s4  }
0xaa: {  	[dreg:$0x4] =	wrdreg $0xC0  }
0xab: {  	_ =	task [dreg:s6], $0x5FFFF  }
0xac: {  	[dreg:$0x1] =	wrdreg $0xFFFFFFFF  }
0xad: {  	[dreg:$0x0] =	wrdreg $0x60  }
0xae: {  	[dreg:$0x2] =	wrdreg s24  }
0xaf: {  	[dreg:$0x3] =	wrdreg $0x9  }
0xb0: {  	_ =	task.clear_ibuf [dreg:s6], $0x4FFFF;
	_ =	strace $0x90000049  }
0xb1: {  	s29 =	simm.s32 $0x9;
	_ =	strace $0x8000004B  }
0xb2: {  	_ =	swait.ge [sflag:s29], $0x1  }
0xb3: {  	[sflag:s29] =	ssyncadd.s32 $0xFFFFFFFF  }
0xb4: {  	_ =	strace $0x9000004B  }
0xb5: {  	_ =	sfence  }
0xb6: {  	s30 =	sld [smem:$0x0];
	_ =	sdelay $0x2  }
0xb7: {  	s31 =	sshll.u32 s1, $0xD;
	s1 =	sshrl.u32 s1, $0x2  }
0xb8: {  	s3 =	sand.u32 $0x4000, s31;
	s1 =	sadd.s32 s1, s30  }
0xb9: {  	s0 =	sor.u32 s3, s0;
	s1 =	sshll.u32 s1, $0x11  }
0xba: {  	s0 =	sor.u32 s1, s0  }
0xbb: {  	s0 =	sadd.s32 $0x8F2B, s0  }
0xbc: {  	[sflag:s0] =	ssyncadd.remote.s32 $0x1  }
0xbd: {  	_ =	sfence.sel $0xFFFF  }
0xbe: {  	[dreg:$0x0] =	wrdreg $0xFFFFFFFF;
	(pc) =	sbr.abs _section_cstart, $3  }
0xbf: {  	[dreg:$0x1] =	wrdreg $0xFFFFFFFF  }
0xc0: {  	_ =	task.clear_ibuf [dreg:s6], $0x2FFFF;
	_ =	strace $0x9FFFFFFF  }
0xc1: {  	(tm) =	ssettm $0x7FFFFFFF  }
tec
execute0_lowered:
.L_overlay_start_1:
0x0: {  	(tag) =	ssettag $0x1  }
0x1: {  	s0 =	srdreg.scid  }
0x2: {  	s1 =	sand.u32 $0x1, s0  }
0x3: {  	s3 =	stileid.u32;
	s0 =	sshll.u32 s1, $0x4  }
0x4: {  	s2 =	sor.u32 s3, s0;
	s0 =	sand.u32 $0x7, s3  }
0x5: {  	p0 =	seq.s32 s2, $0x0;
	p1 =	sne.s32 s0, $0x0  }
0x6: {  	s6 =	rddreg [dreg:$0x0];
	p0 =	por !p1, !p0  }
0x7: {  	s9 =	simm.s32 $0xDB00;
	s3 =	simm.s32 $0x1;
	p0 =	por !p0, !p0  }
0x8: {  	s18 =	simm.s32 $0xE300;
	s2 =	sshrl.u32 s2, $0x3;
	s3 =	simm.s32 @!p0 $0x0  }
0x9: {  	s19 =	simm.s32 $0xEB00;
	s7 =	ssub.s32 s2, s3;
	s2 =	simm.s32 $0x0  }
0xa: {  	s20 =	simm.s32 $0xF300;
	s21 =	simm.s32 $0xFB00;
	[smem:$0x7FF] =	sst s2  }
0xb: {  	s22 =	simm.s32 $0x10300;
	_ =	strace $0x8000004A;
	[dreg:$0x2] =	wrdreg s9  }
0xc: {  	s11 =	simm.s32 $0x10B00;
	s12 =	simm.s32 $0x11300;
	[dreg:$0x3] =	wrdreg s18  }
0xd: {  	s13 =	simm.s32 $0x11B00;
	s14 =	simm.s32 $0x12300;
	[dreg:$0x4] =	wrdreg s19  }
0xe: {  	s15 =	simm.s32 $0x12B00;
	s16 =	simm.s32 $0x13300;
	[dreg:$0x5] =	wrdreg s20  }
0xf: {  	s17 =	simm.s32 $0x14300;
	s23 =	simm.s32 $0x16300;
	[dreg:$0x6] =	wrdreg s21  }
0x10: {  	s25 =	simm.s32 $0x16B00;
	s4 =	simm.s32 $0x17300;
	[dreg:$0x7] =	wrdreg s22  }
0x11: {  	s28 =	simm.s32 $0x2300;
	s30 =	simm.s32 $0x2B00;
	[dreg:$0x8] =	wrdreg s11  }
0x12: {  	s31 =	simm.s32 $0x0;
	s1 =	ssub.s32 $0x2, s1;
	[dreg:$0x9] =	wrdreg s12  }
0x13: {  	s29 =	simm.s32 $0x6;
	s10 =	sshrl.u32 s1, $0x1;
	[dreg:$0xa] =	wrdreg s13  }
0x14: {  	s1 =	ssub.s32 s1, s10;
	s24 =	smul.u32 $0x60, s0;
	[dreg:$0xb] =	wrdreg s14  }
0x15: {  	s10 =	sadd.s32 $0x32B300, s6;
	s0 =	smul.u32 $0x4E000, s0;
	[dreg:$0xc] =	wrdreg s15  }
0x16: {  	s1 =	smax.u32 s1, $0x1;
	s3 =	smul.u32 $0x300, s7;
	[dreg:$0xd] =	wrdreg s16  }
0x17: {  	s26 =	sor.u32 $0x8, s24;
	s7 =	smul.u32 $0x263000, s7;
	[dreg:$0xe] =	wrdreg s17  }
0x18: {  	s9 =	sadd.s32 $0x32B200, s6;
	s11 =	sadd.s32 $0x32B400, s6;
	[dreg:$0x12] =	wrdreg s23  }
0x19: {  	s12 =	sadd.s32 $0x32B500, s6;
	s13 =	sadd.s32 $0x32B600, s6;
	[dreg:$0x1b] =	wrdreg s26  }
0x1a: {  	s14 =	sadd.s32 $0x32B700, s6;
	s15 =	sadd.s32 $0x32B800, s6;
	[dreg:$0x13] =	wrdreg s25  }
0x1b: {  	s16 =	sadd.s32 $0x32B900, s6;
	s18 =	simm.s32 $0x14B00;
	[dreg:$0x14] =	wrdreg s4  }
0x1c: {  	s17 =	sadd.s32 $0x32BA00, s6;
	s19 =	simm.s32 $0x15300;
	[dreg:$0x1c] =	wrdreg s1  }
0x1d: {  	s20 =	simm.s32 $0x15B00;
	s22 =	simm.s32 $0x18300;
	[dreg:$0xf] =	wrdreg s18  }
0x1e: {  	s23 =	simm.s32 $0x18B00;
	s25 =	simm.s32 $0x19300;
	[dreg:$0x10] =	wrdreg s19  }
0x1f: {  	s26 =	simm.s32 $0x19B00;
	s1 =	simm.s32 $0x2;
	[dreg:$0x11] =	wrdreg s20  }
0x20: {  	s5 =	sshrl.u32 s3, $0x3;
	s3 =	sadd.s32 $0x32B000, s6;
	[dreg:$0x16] =	wrdreg s22  }
0x21: {  	s18 =	sadd.s32 $0x32BB00, s6;
	s19 =	sadd.s32 $0x32BC00, s6;
	[dreg:$0x17] =	wrdreg s23  }
0x22: {  	s21 =	sadd.s32 $0x98C000, s7;
	s20 =	simm.s32 $0x17B00;
	[dreg:$0x18] =	wrdreg s25  }
0x23: {  	[dreg:$0x19] =	wrdreg s26;
	s26 =	simm.s32 $0x300;
	s22 =	simm.s32 $0xB00  }
0x24: {  	s23 =	simm.s32 $0x1300;
	s25 =	simm.s32 $0x1B00;
	s7 =	simm.s32 $0x4  }
0x25: {  	s8 =	sadd.s32 s5, s6;
	s5 =	sadd.s32 $0x3A2600, s6;
	s0 =	sadd.s32 s0, s21  }
0x26: {  	v0 =	vlaneseq.u32;
	[dreg:$0x15] =	wrdreg s20;
	s8 =	sadd.s32 $0x877A00, s8;
	s0 =	sshrl.u32 s0, $0x3  }
0x27: {  	v1 =	vshrl.u32 v0, $0x3;
	s20 =	simm.s32 $0x5;
	[dreg:$0x1a] =	wrdreg s8;
	s0 =	sadd.s32 s0, s5  }
0x28: {  	vm0 =	vmmov $0xffff;
	v0 =	vand.u32 $0x7, v0;
	v1 =	vmul.u32 $0x8, v1;
	s8 =	sadd.s32 $0x32B100, s6;
	[dreg:$0x1d] =	wrdreg s0;
	s0 =	simm.s32 $0x3  }
.LBB2_1:
0x29: {  	[dreg:$0x1e] =	wrdreg s31  }
0x2a: {  	s6 =	rddreg [dreg:$0x1a];
	s4 =	simm.s32 $0x9  }
0x2b: {  	[tilespmem:s2], [sflag:$0x9] =	stream.linear.gather [hbm4b:s6+s2], $0x300, $0x38;
	[tilespmem:$0x1A300] =	vst v63  }
0x2c: {  	_ =	swait.ge [sflag:s4], $0x300  }
0x2d: {  	[sflag:s4] =	ssyncset.done $0x0  }
0x2e: {  	[sflag:s4] =	ssyncadd.s32 $0xFFFFFD00  }
0x2f: {  	v2 =	vld.msk [tilespmem:s24+$0x0], $0xff;
	_ =	sdelay $0x4  }
0x30: {  	v3 =	vshrl.u32 v2, $0x3  }
0x31: {  	v3 =	vmul.u32 $0xD0, v3  }
0x32: {  	v2 =	vand.u32 $0x7, v2  }
0x33: {  	v2 =	vor.u32 v2, v3  }
0x34: {  	v2 =	vperm.xlane v2, v0;
	_ =	sdelay $0x1  }
0x35: {  	v2 =	vadd.s32 v1, v2;
	_ =	sdelay $0x4  }
0x36: {  	[tilespmem:s26], [sflag:$0x1] =	stream.indirect_vreg.gather [hbm4b:s3+s2], $0x80, v2, vm0, $0xb8;
	[tilespmem:$0x1A300] =	vst v63  }
0x37: {  	_ = 	snop  }
0x38: {  	[tilespmem:s22], [sflag:$0x1] =	stream.indirect_vreg.gather [hbm4b:s8+s2], $0x80, v2, vm0, $0xb8;
	[tilespmem:$0x1A300] =	vst v63  }
0x39: {  	_ = 	snop  }
0x3a: {  	[tilespmem:s23], [sflag:$0x1] =	stream.indirect_vreg.gather [hbm4b:s9+s2], $0x80, v2, vm0, $0xb8;
	[tilespmem:$0x1A300] =	vst v63  }
0x3b: {  	_ = 	snop  }
0x3c: {  	[tilespmem:s25], [sflag:$0x1] =	stream.indirect_vreg.gather [hbm4b:s10+s2], $0x80, v2, vm0, $0xb8;
	[tilespmem:$0x1A300] =	vst v63  }
0x3d: {  	_ = 	snop  }
0x3e: {  	[tilespmem:s28], [sflag:$0x1] =	stream.indirect_vreg.gather [hbm4b:s11+s2], $0x80, v2, vm0, $0xb8;
	[tilespmem:$0x1A300] =	vst v63  }
0x3f: {  	_ = 	snop  }
0x40: {  	[tilespmem:s30], [sflag:$0x1] =	stream.indirect_vreg.gather [hbm4b:s12+s2], $0x80, v2, vm0, $0xb8;
	[tilespmem:$0x1A300] =	vst v63  }
0x41: {  	s4 =	simm.s32 $0x3300  }
0x42: {  	[tilespmem:s4], [sflag:$0x1] =	stream.indirect_vreg.gather [hbm4b:s13+s2], $0x80, v2, vm0, $0xb8;
	[tilespmem:$0x1A300] =	vst v63  }
0x43: {  	s22 =	simm.s32 $0x3B00  }
0x44: {  	[tilespmem:s22], [sflag:$0x1] =	stream.indirect_vreg.gather [hbm4b:s14+s2], $0x80, v2, vm0, $0xb8;
	[tilespmem:$0x1A300] =	vst v63  }
0x45: {  	s23 =	simm.s32 $0x4300  }
0x46: {  	[tilespmem:s23], [sflag:$0x1] =	stream.indirect_vreg.gather [hbm4b:s15+s2], $0x80, v2, vm0, $0xb8;
	[tilespmem:$0x1A300] =	vst v63  }
0x47: {  	s25 =	simm.s32 $0x4B00  }
0x48: {  	[tilespmem:s25], [sflag:$0x1] =	stream.indirect_vreg.gather [hbm4b:s16+s2], $0x80, v2, vm0, $0xb8;
	[tilespmem:$0x1A300] =	vst v63  }
0x49: {  	s26 =	simm.s32 $0x5300  }
0x4a: {  	[tilespmem:s26], [sflag:$0x1] =	stream.indirect_vreg.gather [hbm4b:s17+s2], $0x80, v2, vm0, $0xb8;
	[tilespmem:$0x1A300] =	vst v63  }
0x4b: {  	s28 =	simm.s32 $0x5B00  }
0x4c: {  	[tilespmem:s28], [sflag:$0x1] =	stream.indirect_vreg.gather [hbm4b:s18+s2], $0x80, v2, vm0, $0xb8;
	[tilespmem:$0x1A300] =	vst v63  }
0x4d: {  	s30 =	simm.s32 $0x6300;
	s4 =	rddreg [dreg:$0x1b]  }
0x4e: {  	[tilespmem:s30], [sflag:$0x1] =	stream.indirect_vreg.gather [hbm4b:s19+s2], $0x80, v2, vm0, $0xb8;
	[tilespmem:$0x1A300] =	vst v63  }
0x4f: {  	v2 =	vld.msk [tilespmem:s4+$0x0], $0xff;
	_ =	sdelay $0x4  }
0x50: {  	v3 =	vshrl.u32 v2, $0x3  }
0x51: {  	v3 =	vmul.u32 $0xD0, v3  }
0x52: {  	v2 =	vand.u32 $0x7, v2  }
0x53: {  	v2 =	vor.u32 v2, v3  }
0x54: {  	v2 =	vperm.xlane v2, v0;
	_ =	sdelay $0x1  }
0x55: {  	v2 =	vadd.s32 v1, v2;
	_ =	sdelay $0x3  }
0x56: {  	s22 =	simm.s32 $0x6B00  }
0x57: {  	[tilespmem:s22], [sflag:$0x2] =	stream.indirect_vreg.gather [hbm4b:s3+s2], $0x80, v2, vm0, $0xb8;
	[tilespmem:$0x1A300] =	vst v63  }
0x58: {  	s23 =	simm.s32 $0x7300  }
0x59: {  	[tilespmem:s23], [sflag:$0x2] =	stream.indirect_vreg.gather [hbm4b:s8+s2], $0x80, v2, vm0, $0xb8;
	[tilespmem:$0x1A300] =	vst v63  }
0x5a: {  	s25 =	simm.s32 $0x7B00  }
0x5b: {  	[tilespmem:s25], [sflag:$0x2] =	stream.indirect_vreg.gather [hbm4b:s9+s2], $0x80, v2, vm0, $0xb8;
	[tilespmem:$0x1A300] =	vst v63  }
0x5c: {  	s26 =	simm.s32 $0x8300  }
0x5d: {  	[tilespmem:s26], [sflag:$0x2] =	stream.indirect_vreg.gather [hbm4b:s10+s2], $0x80, v2, vm0, $0xb8;
	[tilespmem:$0x1A300] =	vst v63  }
0x5e: {  	s28 =	simm.s32 $0x8B00  }
0x5f: {  	[tilespmem:s28], [sflag:$0x2] =	stream.indirect_vreg.gather [hbm4b:s11+s2], $0x80, v2, vm0, $0xb8;
	[tilespmem:$0x1A300] =	vst v63  }
0x60: {  	s30 =	simm.s32 $0x9300  }
0x61: {  	[tilespmem:s30], [sflag:$0x2] =	stream.indirect_vreg.gather [hbm4b:s12+s2], $0x80, v2, vm0, $0xb8;
	[tilespmem:$0x1A300] =	vst v63  }
0x62: {  	s6 =	simm.s32 $0x9B00  }
0x63: {  	[tilespmem:s6], [sflag:$0x2] =	stream.indirect_vreg.gather [hbm4b:s13+s2], $0x80, v2, vm0, $0xb8;
	[tilespmem:$0x1A300] =	vst v63  }
0x64: {  	s22 =	simm.s32 $0xA300  }
0x65: {  	[tilespmem:s22], [sflag:$0x2] =	stream.indirect_vreg.gather [hbm4b:s14+s2], $0x80, v2, vm0, $0xb8;
	[tilespmem:$0x1A300] =	vst v63  }
0x66: {  	s23 =	simm.s32 $0xAB00  }
0x67: {  	[tilespmem:s23], [sflag:$0x2] =	stream.indirect_vreg.gather [hbm4b:s15+s2], $0x80, v2, vm0, $0xb8;
	[tilespmem:$0x1A300] =	vst v63  }
0x68: {  	s25 =	simm.s32 $0xB300  }
0x69: {  	[tilespmem:s25], [sflag:$0x2] =	stream.indirect_vreg.gather [hbm4b:s16+s2], $0x80, v2, vm0, $0xb8;
	[tilespmem:$0x1A300] =	vst v63  }
0x6a: {  	s26 =	simm.s32 $0xBB00  }
0x6b: {  	[tilespmem:s26], [sflag:$0x2] =	stream.indirect_vreg.gather [hbm4b:s17+s2], $0x80, v2, vm0, $0xb8;
	[tilespmem:$0x1A300] =	vst v63  }
0x6c: {  	s31 =	simm.s32 $0x1;
	s28 =	simm.s32 $0xC300;
	s30 =	simm.s32 $0xCB00  }
0x6d: {  	[tilespmem:s28], [sflag:$0x2] =	stream.indirect_vreg.gather [hbm4b:s18+s2], $0x80, v2, vm0, $0xb8;
	[tilespmem:$0x1A300] =	vst v63  }
0x6e: {  	s22 =	rddreg [dreg:$0x1d];
	s23 =	simm.s32 $0x0;
	s25 =	simm.s32 $0xD300  }
0x6f: {  	[tilespmem:s30], [sflag:$0x2] =	stream.indirect_vreg.gather [hbm4b:s19+s2], $0x80, v2, vm0, $0xb8;
	[tilespmem:$0x1A300] =	vst v63  }
.LBB2_2:
0x70: {  	_ =	swait.ge [sflag:s31], $0x6800  }
0x71: {  	[sflag:s31] =	ssyncset.done $0x0  }
0x72: {  	[sflag:s31] =	ssyncadd.s32 $0xFFFF9800  }
0x73: {  	_ =	swait.ge [sflag:s1], $0x6800  }
0x74: {  	p0 =	seq.s32 s23, $0x0;
	[sflag:s1] =	ssyncset.done $0x0  }
0x75: {  	s6 =	simm.s32 @!p0 $0x7;
	[sflag:s1] =	ssyncadd.s32 $0xFFFF9800  }
0x76: {  	_ =	swait.ge @!p0 [sflag:s6], $0x6800  }
0x77: {  	[sflag:s6] =	ssyncset.done @!p0 $0x0  }
0x78: {  	s28 =	sadd.s32 s23, s24;
	[sflag:s6] =	ssyncadd.s32 @!p0 $0xFFFF9800;
	s6 =	simm.s32 @!p0 $0x8  }
0x79: {  	s30 =	smov.u32 s24;
	s24 =	sadd.s32 $0x10, s28;
	_ =	swait.ge @!p0 [sflag:s6], $0x6800  }
0x7a: {  	p1 =	slt.s32 s24, $0x2E0;
	[sflag:s6] =	ssyncset.done @!p0 $0x0  }
0x7b: {  	s24 =	simm.s32 @!p1 $0x2E0;
	[sflag:s6] =	ssyncadd.s32 @!p0 $0xFFFF9800  }
0x7c: {  	v2 =	vld.msk [tilespmem:s24+$0x0], $0xff;
	_ =	sdelay $0x4  }
0x7d: {  	v3 =	vshrl.u32 v2, $0x3  }
0x7e: {  	v3 =	vmul.u32 $0xD0, v3  }
0x7f: {  	v2 =	vand.u32 $0x7, v2  }
0x80: {  	v2 =	vor.u32 v2, v3  }
0x81: {  	v2 =	vperm.xlane v2, v0;
	_ =	sdelay $0x1  }
0x82: {  	v2 =	vadd.s32 v1, v2;
	_ =	sdelay $0x4  }
0x83: {  	[tilespmem:s25], [sflag:$0x3] =	stream.indirect_vreg.gather [hbm4b:s3+s2], $0x80, v2, vm0, $0xb8;
	[tilespmem:$0x1A300] =	vst v63  }
0x84: {  	s4 =	rddreg [dreg:$0x2]  }
0x85: {  	[tilespmem:s4], [sflag:$0x3] =	stream.indirect_vreg.gather [hbm4b:s8+s2], $0x80, v2, vm0, $0xb8;
	[tilespmem:$0x1A300] =	vst v63  }
0x86: {  	s26 =	rddreg [dreg:$0x3]  }
0x87: {  	[tilespmem:s26], [sflag:$0x3] =	stream.indirect_vreg.gather [hbm4b:s9+s2], $0x80, v2, vm0, $0xb8;
	[tilespmem:$0x1A300] =	vst v63  }
0x88: {  	s1 =	rddreg [dreg:$0x4]  }
0x89: {  	[tilespmem:s1], [sflag:$0x3] =	stream.indirect_vreg.gather [hbm4b:s10+s2], $0x80, v2, vm0, $0xb8;
	[tilespmem:$0x1A300] =	vst v63  }
0x8a: {  	s4 =	rddreg [dreg:$0x5]  }
0x8b: {  	[tilespmem:s4], [sflag:$0x3] =	stream.indirect_vreg.gather [hbm4b:s11+s2], $0x80, v2, vm0, $0xb8;
	[tilespmem:$0x1A300] =	vst v63  }
0x8c: {  	s26 =	rddreg [dreg:$0x6]  }
0x8d: {  	[tilespmem:s26], [sflag:$0x3] =	stream.indirect_vreg.gather [hbm4b:s12+s2], $0x80, v2, vm0, $0xb8;
	[tilespmem:$0x1A300] =	vst v63  }
0x8e: {  	s1 =	rddreg [dreg:$0x7]  }
0x8f: {  	[tilespmem:s1], [sflag:$0x3] =	stream.indirect_vreg.gather [hbm4b:s13+s2], $0x80, v2, vm0, $0xb8;
	[tilespmem:$0x1A300] =	vst v63  }
0x90: {  	s4 =	rddreg [dreg:$0x8]  }
0x91: {  	[tilespmem:s4], [sflag:$0x3] =	stream.indirect_vreg.gather [hbm4b:s14+s2], $0x80, v2, vm0, $0xb8;
	[tilespmem:$0x1A300] =	vst v63  }
0x92: {  	s26 =	rddreg [dreg:$0x9]  }
0x93: {  	[tilespmem:s26], [sflag:$0x3] =	stream.indirect_vreg.gather [hbm4b:s15+s2], $0x80, v2, vm0, $0xb8;
	[tilespmem:$0x1A300] =	vst v63  }
0x94: {  	s1 =	rddreg [dreg:$0xa]  }
0x95: {  	[tilespmem:s1], [sflag:$0x3] =	stream.indirect_vreg.gather [hbm4b:s16+s2], $0x80, v2, vm0, $0xb8;
	[tilespmem:$0x1A300] =	vst v63  }
0x96: {  	s6 =	sadd.s32 $0x18, s28;
	s4 =	rddreg [dreg:$0xb]  }
0x97: {  	[tilespmem:s4], [sflag:$0x3] =	stream.indirect_vreg.gather [hbm4b:s17+s2], $0x80, v2, vm0, $0xb8;
	[tilespmem:$0x1A300] =	vst v63  }
0x98: {  	p0 =	slt.s32 s6, $0x2E0;
	s26 =	rddreg [dreg:$0xc]  }
0x99: {  	[tilespmem:s26], [sflag:$0x3] =	stream.indirect_vreg.gather [hbm4b:s18+s2], $0x80, v2, vm0, $0xb8;
	[tilespmem:$0x1A300] =	vst v63  }
0x9a: {  	s6 =	simm.s32 @!p0 $0x2E0;
	s1 =	rddreg [dreg:$0xd]  }
0x9b: {  	[tilespmem:s1], [sflag:$0x3] =	stream.indirect_vreg.gather [hbm4b:s19+s2], $0x80, v2, vm0, $0xb8;
	[tilespmem:$0x1A300] =	vst v63  }
0x9c: {  	v2 =	vld.msk [tilespmem:s6+$0x0], $0xff;
	_ =	sdelay $0x4  }
0x9d: {  	v3 =	vshrl.u32 v2, $0x3  }
0x9e: {  	v3 =	vmul.u32 $0xD0, v3  }
0x9f: {  	v2 =	vand.u32 $0x7, v2  }
0xa0: {  	v2 =	vor.u32 v2, v3  }
0xa1: {  	v2 =	vperm.xlane v2, v0;
	_ =	sdelay $0x1  }
0xa2: {  	v2 =	vadd.s32 v1, v2;
	_ =	sdelay $0x3  }
0xa3: {  	s1 =	simm.s32 $0x13B00  }
0xa4: {  	[tilespmem:s1], [sflag:$0x4] =	stream.indirect_vreg.gather [hbm4b:s3+s2], $0x80, v2, vm0, $0xb8;
	[tilespmem:$0x1A300] =	vst v63  }
0xa5: {  	s4 =	rddreg [dreg:$0xe]  }
0xa6: {  	[tilespmem:s4], [sflag:$0x4] =	stream.indirect_vreg.gather [hbm4b:s8+s2], $0x80, v2, vm0, $0xb8;
	[tilespmem:$0x1A300] =	vst v63  }
0xa7: {  	s26 =	rddreg [dreg:$0xf]  }
0xa8: {  	[tilespmem:s26], [sflag:$0x4] =	stream.indirect_vreg.gather [hbm4b:s9+s2], $0x80, v2, vm0, $0xb8;
	[tilespmem:$0x1A300] =	vst v63  }
0xa9: {  	s25 =	rddreg [dreg:$0x10]  }
0xaa: {  	[tilespmem:s25], [sflag:$0x4] =	stream.indirect_vreg.gather [hbm4b:s10+s2], $0x80, v2, vm0, $0xb8;
	[tilespmem:$0x1A300] =	vst v63  }
0xab: {  	s4 =	rddreg [dreg:$0x11]  }
0xac: {  	[tilespmem:s4], [sflag:$0x4] =	stream.indirect_vreg.gather [hbm4b:s11+s2], $0x80, v2, vm0, $0xb8;
	[tilespmem:$0x1A300] =	vst v63  }
0xad: {  	s25 =	rddreg [dreg:$0x12]  }
0xae: {  	[tilespmem:s25], [sflag:$0x4] =	stream.indirect_vreg.gather [hbm4b:s12+s2], $0x80, v2, vm0, $0xb8;
	[tilespmem:$0x1A300] =	vst v63  }
0xaf: {  	s4 =	rddreg [dreg:$0x13]  }
0xb0: {  	[tilespmem:s4], [sflag:$0x4] =	stream.indirect_vreg.gather [hbm4b:s13+s2], $0x80, v2, vm0, $0xb8;
	[tilespmem:$0x1A300] =	vst v63  }
0xb1: {  	s25 =	rddreg [dreg:$0x14]  }
0xb2: {  	[tilespmem:s25], [sflag:$0x4] =	stream.indirect_vreg.gather [hbm4b:s14+s2], $0x80, v2, vm0, $0xb8;
	[tilespmem:$0x1A300] =	vst v63  }
0xb3: {  	s4 =	rddreg [dreg:$0x15]  }
0xb4: {  	[tilespmem:s4], [sflag:$0x4] =	stream.indirect_vreg.gather [hbm4b:s15+s2], $0x80, v2, vm0, $0xb8;
	[tilespmem:$0x1A300] =	vst v63  }
0xb5: {  	s25 =	rddreg [dreg:$0x16]  }
0xb6: {  	[tilespmem:s25], [sflag:$0x4] =	stream.indirect_vreg.gather [hbm4b:s16+s2], $0x80, v2, vm0, $0xb8;
	[tilespmem:$0x1A300] =	vst v63  }
0xb7: {  	s4 =	rddreg [dreg:$0x17]  }
0xb8: {  	[tilespmem:s4], [sflag:$0x4] =	stream.indirect_vreg.gather [hbm4b:s17+s2], $0x80, v2, vm0, $0xb8;
	[tilespmem:$0x1A300] =	vst v63  }
0xb9: {  	s25 =	rddreg [dreg:$0x18]  }
0xba: {  	[tilespmem:s25], [sflag:$0x4] =	stream.indirect_vreg.gather [hbm4b:s18+s2], $0x80, v2, vm0, $0xb8;
	[tilespmem:$0x1A300] =	vst v63  }
0xbb: {  	s25 =	sadd.s32 $0x8, s28  }
0xbc: {  	s4 =	rddreg [dreg:$0x19];
	p0 =	slt.s32 s25, $0x2E0  }
0xbd: {  	[tilespmem:s4], [sflag:$0x4] =	stream.indirect_vreg.gather [hbm4b:s19+s2], $0x80, v2, vm0, $0xb8;
	[tilespmem:$0x1A300] =	vst v63  }
0xbe: {  	s25 =	simm.s32 @!p0 $0x2E0  }
0xbf: {  	s25 =	sshrl.u32 s25, $0x3  }
0xc0: {  	s26 =	simm.s32 $0x300;
	s25 =	smul.u32 $0x6800, s25  }
0xc1: {  	[hbm4b:s22+s2] =	stream.linear.scatter [tilespmem:s26], [sflag:$0x5], $0x6800, $0x38;
	[tilespmem:$0x1A300] =	vst v63  }
0xc2: {  	s25 =	sadd.s32 s21, s25  }
0xc3: {  	s25 =	sshrl.u32 s25, $0x3  }
0xc4: {  	s4 =	simm.s32 $0x6B00;
	s25 =	sadd.s32 s5, s25  }
0xc5: {  	[hbm4b:s25+s2] =	stream.linear.scatter [tilespmem:s4], [sflag:$0x6], $0x6800, $0x38;
	[tilespmem:$0x1A300] =	vst v63  }
0xc6: {  	_ =	swait.ge [sflag:s0], $0x6800  }
0xc7: {  	[sflag:s0] =	ssyncset.done $0x0  }
0xc8: {  	[sflag:s0] =	ssyncadd.s32 $0xFFFF9800  }
0xc9: {  	_ =	swait.ge [sflag:s7], $0x6800  }
0xca: {  	[sflag:s7] =	ssyncset.done $0x0  }
0xcb: {  	[sflag:s7] =	ssyncadd.s32 $0xFFFF9800  }
0xcc: {  	_ =	swait.ge [sflag:s20], $0x6800  }
0xcd: {  	[sflag:s20] =	ssyncset.done $0x0  }
0xce: {  	[sflag:s20] =	ssyncadd.s32 $0xFFFF9800  }
0xcf: {  	s25 =	sadd.s32 $0x20, s28;
	_ =	swait.ge [sflag:s29], $0x6800  }
0xd0: {  	p0 =	slt.s32 s25, $0x2E0;
	[sflag:s29] =	ssyncset.done $0x0  }
0xd1: {  	s25 =	simm.s32 @!p0 $0x2E0;
	[sflag:s29] =	ssyncadd.s32 $0xFFFF9800  }
0xd2: {  	v2 =	vld.msk [tilespmem:s25+$0x0], $0xff;
	_ =	sdelay $0x4  }
0xd3: {  	v3 =	vshrl.u32 v2, $0x3  }
0xd4: {  	v3 =	vmul.u32 $0xD0, v3  }
0xd5: {  	v2 =	vand.u32 $0x7, v2  }
0xd6: {  	v2 =	vor.u32 v2, v3  }
0xd7: {  	v2 =	vperm.xlane v2, v0;
	_ =	sdelay $0x1  }
0xd8: {  	v2 =	vadd.s32 v1, v2;
	_ =	sdelay $0x4  }
0xd9: {  	[tilespmem:s26], [sflag:$0x1] =	stream.indirect_vreg.gather [hbm4b:s3+s2], $0x80, v2, vm0, $0xb8;
	[tilespmem:$0x1A300] =	vst v63  }
0xda: {  	s25 =	simm.s32 $0xB00  }
0xdb: {  	[tilespmem:s25], [sflag:$0x1] =	stream.indirect_vreg.gather [hbm4b:s8+s2], $0x80, v2, vm0, $0xb8;
	[tilespmem:$0x1A300] =	vst v63  }
0xdc: {  	s25 =	simm.s32 $0x1300  }
0xdd: {  	[tilespmem:s25], [sflag:$0x1] =	stream.indirect_vreg.gather [hbm4b:s9+s2], $0x80, v2, vm0, $0xb8;
	[tilespmem:$0x1A300] =	vst v63  }
0xde: {  	s25 =	simm.s32 $0x1B00  }
0xdf: {  	[tilespmem:s25], [sflag:$0x1] =	stream.indirect_vreg.gather [hbm4b:s10+s2], $0x80, v2, vm0, $0xb8;
	[tilespmem:$0x1A300] =	vst v63  }
0xe0: {  	s25 =	simm.s32 $0x2300  }
0xe1: {  	[tilespmem:s25], [sflag:$0x1] =	stream.indirect_vreg.gather [hbm4b:s11+s2], $0x80, v2, vm0, $0xb8;
	[tilespmem:$0x1A300] =	vst v63  }
0xe2: {  	s25 =	simm.s32 $0x2B00  }
0xe3: {  	[tilespmem:s25], [sflag:$0x1] =	stream.indirect_vreg.gather [hbm4b:s12+s2], $0x80, v2, vm0, $0xb8;
	[tilespmem:$0x1A300] =	vst v63  }
0xe4: {  	s25 =	simm.s32 $0x3300  }
0xe5: {  	[tilespmem:s25], [sflag:$0x1] =	stream.indirect_vreg.gather [hbm4b:s13+s2], $0x80, v2, vm0, $0xb8;
	[tilespmem:$0x1A300] =	vst v63  }
0xe6: {  	s25 =	simm.s32 $0x3B00  }
0xe7: {  	[tilespmem:s25], [sflag:$0x1] =	stream.indirect_vreg.gather [hbm4b:s14+s2], $0x80, v2, vm0, $0xb8;
	[tilespmem:$0x1A300] =	vst v63  }
0xe8: {  	s25 =	simm.s32 $0x4300  }
0xe9: {  	[tilespmem:s25], [sflag:$0x1] =	stream.indirect_vreg.gather [hbm4b:s15+s2], $0x80, v2, vm0, $0xb8;
	[tilespmem:$0x1A300] =	vst v63  }
0xea: {  	s25 =	simm.s32 $0x4B00  }
0xeb: {  	[tilespmem:s25], [sflag:$0x1] =	stream.indirect_vreg.gather [hbm4b:s16+s2], $0x80, v2, vm0, $0xb8;
	[tilespmem:$0x1A300] =	vst v63  }
0xec: {  	s25 =	simm.s32 $0x5300  }
0xed: {  	[tilespmem:s25], [sflag:$0x1] =	stream.indirect_vreg.gather [hbm4b:s17+s2], $0x80, v2, vm0, $0xb8;
	[tilespmem:$0x1A300] =	vst v63  }
0xee: {  	s25 =	simm.s32 $0x5B00  }
0xef: {  	[tilespmem:s25], [sflag:$0x1] =	stream.indirect_vreg.gather [hbm4b:s18+s2], $0x80, v2, vm0, $0xb8;
	[tilespmem:$0x1A300] =	vst v63  }
0xf0: {  	s25 =	simm.s32 $0x6300  }
0xf1: {  	[tilespmem:s25], [sflag:$0x1] =	stream.indirect_vreg.gather [hbm4b:s19+s2], $0x80, v2, vm0, $0xb8;
	[tilespmem:$0x1A300] =	vst v63  }
0xf2: {  	s25 =	sadd.s32 $0x28, s28  }
0xf3: {  	p0 =	slt.s32 s25, $0x2E0  }
0xf4: {  	s25 =	simm.s32 @!p0 $0x2E0  }
0xf5: {  	v2 =	vld.msk [tilespmem:s25+$0x0], $0xff;
	_ =	sdelay $0x4  }
0xf6: {  	v3 =	vshrl.u32 v2, $0x3  }
0xf7: {  	v3 =	vmul.u32 $0xD0, v3  }
0xf8: {  	v2 =	vand.u32 $0x7, v2  }
0xf9: {  	v2 =	vor.u32 v2, v3  }
0xfa: {  	v2 =	vperm.xlane v2, v0;
	_ =	sdelay $0x1  }
0xfb: {  	v2 =	vadd.s32 v1, v2;
	_ =	sdelay $0x4  }
0xfc: {  	[tilespmem:s4], [sflag:$0x2] =	stream.indirect_vreg.gather [hbm4b:s3+s2], $0x80, v2, vm0, $0xb8;
	[tilespmem:$0x1A300] =	vst v63  }
0xfd: {  	s28 =	simm.s32 $0x7300  }
0xfe: {  	[tilespmem:s28], [sflag:$0x2] =	stream.indirect_vreg.gather [hbm4b:s8+s2], $0x80, v2, vm0, $0xb8;
	[tilespmem:$0x1A300] =	vst v63  }
0xff: {  	s28 =	simm.s32 $0x7B00  }
0x100: {  	[tilespmem:s28], [sflag:$0x2] =	stream.indirect_vreg.gather [hbm4b:s9+s2], $0x80, v2, vm0, $0xb8;
	[tilespmem:$0x1A300] =	vst v63  }
0x101: {  	s28 =	simm.s32 $0x8300  }
0x102: {  	[tilespmem:s28], [sflag:$0x2] =	stream.indirect_vreg.gather [hbm4b:s10+s2], $0x80, v2, vm0, $0xb8;
	[tilespmem:$0x1A300] =	vst v63  }
0x103: {  	s28 =	simm.s32 $0x8B00  }
0x104: {  	[tilespmem:s28], [sflag:$0x2] =	stream.indirect_vreg.gather [hbm4b:s11+s2], $0x80, v2, vm0, $0xb8;
	[tilespmem:$0x1A300] =	vst v63  }
0x105: {  	s28 =	simm.s32 $0x9300  }
0x106: {  	[tilespmem:s28], [sflag:$0x2] =	stream.indirect_vreg.gather [hbm4b:s12+s2], $0x80, v2, vm0, $0xb8;
	[tilespmem:$0x1A300] =	vst v63  }
0x107: {  	s28 =	simm.s32 $0x9B00  }
0x108: {  	[tilespmem:s28], [sflag:$0x2] =	stream.indirect_vreg.gather [hbm4b:s13+s2], $0x80, v2, vm0, $0xb8;
	[tilespmem:$0x1A300] =	vst v63  }
0x109: {  	s24 =	sshrl.u32 s24, $0x3;
	s28 =	simm.s32 $0xA300  }
0x10a: {  	[tilespmem:s28], [sflag:$0x2] =	stream.indirect_vreg.gather [hbm4b:s14+s2], $0x80, v2, vm0, $0xb8;
	[tilespmem:$0x1A300] =	vst v63  }
0x10b: {  	s24 =	smul.u32 $0x6800, s24;
	s28 =	simm.s32 $0xAB00  }
0x10c: {  	[tilespmem:s28], [sflag:$0x2] =	stream.indirect_vreg.gather [hbm4b:s15+s2], $0x80, v2, vm0, $0xb8;
	[tilespmem:$0x1A300] =	vst v63  }
0x10d: {  	s23 =	sadd.s32 $0x20, s23;
	s24 =	sadd.s32 s21, s24;
	s28 =	simm.s32 $0xB300  }
0x10e: {  	[tilespmem:s28], [sflag:$0x2] =	stream.indirect_vreg.gather [hbm4b:s16+s2], $0x80, v2, vm0, $0xb8;
	[tilespmem:$0x1A300] =	vst v63  }
0x10f: {  	s24 =	sshrl.u32 s24, $0x3;
	s6 =	sshrl.u32 s6, $0x3;
	s28 =	simm.s32 $0xBB00  }
0x110: {  	[tilespmem:s28], [sflag:$0x2] =	stream.indirect_vreg.gather [hbm4b:s17+s2], $0x80, v2, vm0, $0xb8;
	[tilespmem:$0x1A300] =	vst v63  }
0x111: {  	s24 =	sadd.s32 s5, s24;
	s6 =	smul.u32 $0x6800, s6;
	s28 =	simm.s32 $0xC300  }
0x112: {  	[tilespmem:s28], [sflag:$0x2] =	stream.indirect_vreg.gather [hbm4b:s18+s2], $0x80, v2, vm0, $0xb8;
	[tilespmem:$0x1A300] =	vst v63  }
0x113: {  	s6 =	sadd.s32 s21, s6;
	p0 =	sne.s32 s23, $0x60;
	s28 =	simm.s32 $0xCB00  }
0x114: {  	[tilespmem:s28], [sflag:$0x2] =	stream.indirect_vreg.gather [hbm4b:s19+s2], $0x80, v2, vm0, $0xb8;
	[tilespmem:$0x1A300] =	vst v63  }
.Ltmp0:
0x115: {  	s6 =	sshrl.u32 s6, $0x3;
	s25 =	simm.s32 $0xD300;
	(pc) =	sbr.rel @p0 .LBB2_2-.Ltmp0, $4  }
0x116: {  	[hbm4b:s24+s2] =	stream.linear.scatter [tilespmem:s25], [sflag:$0x7], $0x6800, $0x38;
	[tilespmem:$0x1A300] =	vst v63  }
0x117: {  	s6 =	sadd.s32 s5, s6  }
0x118: {  	[hbm4b:s6+s2] =	stream.linear.scatter [tilespmem:s1], [sflag:$0x8], $0x6800, $0x38;
	[tilespmem:$0x1A300] =	vst v63  }
0x119: {  	s22 =	sadd.s32 $0x3400, s22;
	s24 =	smov.u32 s30;
	s1 =	simm.s32 $0x2  }
0x11a: {  	_ =	swait.ge [sflag:s31], $0x6800  }
0x11b: {  	[sflag:s31] =	ssyncset.done $0x0  }
0x11c: {  	[sflag:s31] =	ssyncadd.s32 $0xFFFF9800  }
0x11d: {  	_ =	swait.ge [sflag:s1], $0x6800  }
0x11e: {  	[sflag:s1] =	ssyncset.done $0x0  }
0x11f: {  	s4 =	simm.s32 $0x7;
	[sflag:s1] =	ssyncadd.s32 $0xFFFF9800  }
0x120: {  	_ =	swait.ge [sflag:s4], $0x6800  }
0x121: {  	[sflag:s4] =	ssyncset.done $0x0  }
0x122: {  	s25 =	simm.s32 $0x8;
	[sflag:s4] =	ssyncadd.s32 $0xFFFF9800  }
0x123: {  	_ =	swait.ge [sflag:s25], $0x6800  }
0x124: {  	s31 =	rddreg [dreg:$0x1e]  }
0x125: {  	s6 =	rddreg [dreg:$0x1c];
	s31 =	sadd.s32 $0x1, s31  }
0x126: {  	p0 =	sne.s32 s31, s6  }
.Ltmp1:
0x127: {  	_ = 	snop;
	(pc) =	sbr.rel @p0 .LBB2_1-.Ltmp1, $4  }
0x128: {  	_ = 	snop  }
0x129: {  	s22 =	simm.s32 $0xB00  }
0x12a: {  	s23 =	simm.s32 $0x1300;
	s28 =	simm.s32 $0x2300;
	[sflag:s25] =	ssyncset.done $0x0  }
0x12b: {  	s30 =	simm.s32 $0x2B00;
	[sflag:s25] =	ssyncadd.s32 $0xFFFF9800;
	s25 =	simm.s32 $0x1B00  }
0x12c: {  	_ =	sfence.sel $0x180000  }
0x12d: {  	[bflag:$0x0] =	sbarrier.arrive $0xFFFF  }
0x12e: {  	_ =	strace $0x9000004A  }
0x12f: {  	s0 =	stileid.u32;
	[bflag:$0x2] =	sbarrier.arrive $0xFFFF  }
0x130: {  	p0 =	sne.s32 s0, $0x0;
	s0 =	rddreg [dreg:$0x1]  }
0x131: {  	s0 =	sadd.s32 @!p0 $0x100000, s0  }
0x132: {  	[sflag:s0] =	ssyncadd.tile.s32 @!p0 $0x1;
	_ =	shalt  }
.Lfunc_end2:
_tile_overlayer_lowered:
.L_overlay_start_2:
0x133: {  	(tag) =	ssettag $0x2  }
0x134: {  	s0 =	rddreg [dreg:$0x0];
	s2 =	stileid.u32  }
0x135: {  	s1 =	rddreg [dreg:$0x1];
	p0 =	sne.s32 s2, $0x0  }
0x136: {  	s3 =	rddreg [dreg:$0x2];
	[bflag:$0x3] =	sbarrier.arrive $0xFFFF;
	s2 =	simm.s32 @!p0 $0x1C09  }
0x137: {  	[timem:s3], [sflag:s2] =	dma.local @!p0 [hbm:s0], s1  }
0x138: {  	s0 =	simm.s32 @!p0 $0x9  }
0x139: {  	_ =	swait.ge @!p0 [sflag:s0], s1  }
0x13a: {  	s1 =	ssub.s32 @!p0 $0x0, s1;
	[sflag:s0] =	ssyncset.done @!p0 $0x0  }
0x13b: {  	[sflag:s0] =	ssyncadd.s32 @!p0 s1  }
0x13c: {  	[bflag:$0x3] =	sbarrier.arrive $0xFFFF  }
0x13d: {  	_ =	shalt  }

// kernel: kernel.19.cloned.1.call-start
scs
__scs_entry_jumppad:
0x0: {  	(pc) =	sbr.rel $0x88, $3  }
0x1: {  	(tag) =	ssettag $0x0;
	lr =	simm.s32 $0x1  }
0x2: {  	[smem:$0x3F99] =	sst lr;
	_ =	strace $0xD0000000  }
0x3: {  	_ = 	snop  }
0x4: {  	_ = 	snop  }
0x5: {  	_ = 	snop  }
0x6: {  	_ = 	snop  }
0x7: {  	_ = 	snop  }
__scs_overlays_trampoline_lowered:
0x8: {  	[smem:$0x3FA8] =	sst s0  }
0x9: {  	[smem:$0x3FA9] =	sst s1  }
0xa: {  	[smem:$0x3FAA] =	sst s2  }
0xb: {  	[smem:$0x3FAB] =	sst s3  }
0xc: {  	[smem:$0x3FAC] =	sst s4  }
0xd: {  	[smem:$0x3FAD] =	sst s5  }
0xe: {  	[smem:$0x3FAE] =	sst s6  }
0xf: {  	[smem:$0x3FAF] =	sst s7  }
0x10: {  	[smem:$0x3FB0] =	sst s8  }
0x11: {  	[smem:$0x3FB1] =	sst s9;
	s0 =	simm.s32 @!p0 $0x0  }
0x12: {  	s1 =	sld [smem:$0x3F97];
	s0 =	simm.s32 @p0 $0x1  }
0x13: {  	[smem:$0x3FB2] =	sst s0;
	s0 =	simm.s32 @!p1 $0x0  }
0x14: {  	s2 =	sld [smem:$0x3F96];
	s0 =	simm.s32 @p1 $0x1  }
0x15: {  	[smem:$0x3FB3] =	sst s0;
	s0 =	simm.s32 @!p2 $0x0  }
0x16: {  	s3 =	sld [smem:$0x3FDB];
	s0 =	simm.s32 @p2 $0x1  }
0x17: {  	s4 =	simm.s32 $0x1BF5;
	[smem:$0x3FB5] =	sst s0  }
0x18: {  	s0 =	sld [smem:$0x3F98];
	_ =	swait.ge [sflag:s4], $0x0  }
0x19: {  	s7 =	sld [smem:$0x3F99]  }
0x1a: {  	s8 =	sadd.s32 $0xFFFFE003, lr  }
0x1b: {  	s9 =	sadd.s32 $0xFFFFFEF7, lr;
	s5 =	simm.s32 $0xFFFFFFFF;
	p2 =	slt.u32 s8, $0xFFFFF086  }
0x1c: {  	p1 =	slt.u32 s9, $0xF7A;
	s5 =	simm.s32 @!p2 $0x0  }
0x1d: {  	s5 =	simm.s32 @p1 $0x1;
	p0 =	seq.s32 s7, s2  }
0x1e: {  	s7 =	smul.u32 @!p0 $0xF7A, s2;
	p2 =	seq.s32 @!p0 s5, $0x0  }
0x1f: {  	s9 =	smul.u32 $0xF7A, s1;
	s8 =	simm.s32 @!p0 $0x1BF5;
	p2 =	por !p2, p0  }
0x20: {  	[sflag:s8] =	ssyncset.s32 @!p0 $0xFFFFF086;
	s6 =	sadd.s32 @!p0 s3, s7;
	s7 =	simm.s32 @!p0 $0x108  }
0x21: {  	s3 =	sadd.s32 s3, s9;
	s6 =	sadd.s32 @!p0 $0x88, s6;
	s7 =	simm.s32 @p2 $0x1082  }
0x22: {  	[simem:s7], [sflag:s8] =	dma.local @!p0 [hbm:s6], $0xF7A  }
0x23: {  	s9 =	sor.u32 $0xD0000000, s2;
	s6 =	simm.s32 $0x108;
	_ =	swait.ge @!p0 [sflag:s8], $0x0  }
0x24: {  	s3 =	sadd.s32 $0x88, s3;
	s6 =	simm.s32 @!p1 $0x1082;
	[sflag:s4] =	ssyncset.s32 $0xFFFFF086  }
0x25: {  	[simem:s6], [sflag:s4] =	dma.local [hbm:s3], $0xF7A  }
0x26: {  	[smem:$0x3F99] =	sst s1;
	(tag) =	ssettag s2;
	_ =	strace s9  }
0x27: {  	s1 =	sld [smem:$0x3FA9]  }
0x28: {  	s2 =	sld [smem:$0x3FAA]  }
0x29: {  	s4 =	sld [smem:$0x3FAC]  }
0x2a: {  	p0 =	seq.s32 s5, $0x0;
	s5 =	sld [smem:$0x3FAD]  }
0x2b: {  	s6 =	sld [smem:$0x3FAE]  }
0x2c: {  	s7 =	sld [smem:$0x3FAF]  }
0x2d: {  	s3 =	simm.s32 $0x108;
	s8 =	sld [smem:$0x3FB0]  }
0x2e: {  	s3 =	simm.s32 @!p0 $0x1082;
	s9 =	sld [smem:$0x3FB1]  }
0x2f: {  	lr =	sadd.s32 s0, s3;
	s0 =	sld [smem:$0x3FA8]  }
0x30: {  	s3 =	sld [smem:$0x3FAB]  }
0x31: {  	[smem:$0x3FB4] =	sst s10  }
0x32: {  	s10 =	sld [smem:$0x3FB2];
	_ =	sdelay $0x3  }
0x33: {  	p0 =	seq.s32 s10, $0x1;
	s10 =	sld [smem:$0x3FB4];
	_ =	sdelay $0x3  }
0x34: {  	[smem:$0x3FB4] =	sst s10  }
0x35: {  	s10 =	sld [smem:$0x3FB3];
	_ =	sdelay $0x3  }
0x36: {  	p1 =	seq.s32 s10, $0x1;
	s10 =	sld [smem:$0x3FB4];
	_ =	sdelay $0x3  }
0x37: {  	[smem:$0x3FB4] =	sst s10  }
0x38: {  	s10 =	sld [smem:$0x3FB5]  }
0x39: {  	_ = 	snop;
	(pc) =	sbr.ind lr, $3  }
0x3a: {  	_ = 	snop  }
0x3b: {  	_ = 	snop  }
0x3c: {  	p2 =	seq.s32 s10, $0x1;
	s10 =	sld [smem:$0x3FB4]  }
0x3d: {  	_ =	shalt  }
0x3e: {  	_ =	shalt  }
0x3f: {  	_ =	shalt  }
0x40: {  	_ =	shalt  }
0x41: {  	_ =	shalt  }
0x42: {  	_ =	shalt  }
0x43: {  	_ =	shalt  }
0x44: {  	_ =	shalt  }
0x45: {  	_ =	shalt  }
0x46: {  	_ =	shalt  }
0x47: {  	_ =	shalt  }
0x48: {  	_ =	shalt  }
0x49: {  	_ =	shalt  }
0x4a: {  	_ =	shalt  }
0x4b: {  	_ =	shalt  }
0x4c: {  	_ =	shalt  }
0x4d: {  	_ =	shalt  }
0x4e: {  	_ =	shalt  }
0x4f: {  	_ =	shalt  }
0x50: {  	_ =	shalt  }
0x51: {  	_ =	shalt  }
0x52: {  	_ =	shalt  }
0x53: {  	_ =	shalt  }
0x54: {  	_ =	shalt  }
0x55: {  	_ =	shalt  }
0x56: {  	_ =	shalt  }
0x57: {  	_ =	shalt  }
0x58: {  	_ =	shalt  }
0x59: {  	_ =	shalt  }
0x5a: {  	_ =	shalt  }
0x5b: {  	_ =	shalt  }
0x5c: {  	_ =	shalt  }
0x5d: {  	_ =	shalt  }
0x5e: {  	_ =	shalt  }
0x5f: {  	_ =	shalt  }
0x60: {  	_ =	shalt  }
0x61: {  	_ =	shalt  }
0x62: {  	_ =	shalt  }
0x63: {  	_ =	shalt  }
0x64: {  	_ =	shalt  }
0x65: {  	_ =	shalt  }
0x66: {  	_ =	shalt  }
0x67: {  	_ =	shalt  }
0x68: {  	_ =	shalt  }
0x69: {  	_ =	shalt  }
0x6a: {  	_ =	shalt  }
0x6b: {  	_ =	shalt  }
0x6c: {  	_ =	shalt  }
0x6d: {  	_ =	shalt  }
0x6e: {  	_ =	shalt  }
0x6f: {  	_ =	shalt  }
0x70: {  	_ =	shalt  }
0x71: {  	_ =	shalt  }
0x72: {  	_ =	shalt  }
0x73: {  	_ =	shalt  }
0x74: {  	_ =	shalt  }
0x75: {  	_ =	shalt  }
0x76: {  	_ =	shalt  }
0x77: {  	_ =	shalt  }
0x78: {  	_ =	shalt  }
0x79: {  	_ =	shalt  }
0x7a: {  	_ =	shalt  }
0x7b: {  	_ =	shalt  }
0x7c: {  	_ =	shalt  }
0x7d: {  	_ =	shalt  }
0x7e: {  	_ =	shalt  }
0x7f: {  	_ =	shalt  }
0x80: {  	_ =	shalt  }
0x81: {  	_ =	shalt  }
0x82: {  	_ =	shalt  }
0x83: {  	_ =	shalt  }
0x84: {  	_ =	shalt  }
0x85: {  	_ =	shalt  }
0x86: {  	_ =	shalt  }
0x87: {  	_ =	shalt  }
.Lfunc_end0:
.L_simem_size_0:
called_computation.2_lowered:
.L_overlay_start_0:
0x88: {  	s2 =	sld [smem:$0x3FD9]  }
0x89: {  	s3 =	sld [smem:$0x3FFE];
	_ =	sdelay $0x1  }
0x8a: {  	s1 =	srdreg.scid  }
0x8b: {  	s0 =	sand.u32 $0x1, s1  }
0x8c: {  	s16 =	sshll.u32 s0, $0xA;
	s2 =	sadd.s32 s3, s2  }
0x8d: {  	s2 =	sadd.s32 s2, s16  }
0x8e: {  	[smem:$0x3FC0] =	sst s2  }
0x8f: {  	_ = 	snop  }
0x90: {  	(tm) =	ssettm $0x1  }
0x91: {  	s17 =	sld [smem:$0x3FFB];
	_ =	sdelay $0x3  }
0x92: {  	_ =	strace s17  }
0x93: {  	s2 =	sld [smem:$0x3FFC];
	_ =	sdelay $0x3  }
0x94: {  	_ =	strace s2  }
0x95: {  	s2 =	sld [smem:$0x3FFD];
	_ =	sdelay $0x3  }
0x96: {  	_ =	strace s2  }
0x97: {  	_ =	strace $0x8FFFFFFF  }
0x98: {  	s18 =	sld [smem:$0x3FDB];
	_ =	sdelay $0x1  }
0x99: {  	s19 =	simm.s32 $_scs_section_size  }
0x9a: {  	s4 =	simm.s32 $_size__tile_overlayer_lowered;
	s5 =	simm.s32 $_tile_overlayer_lowered  }
0x9b: {  	s22 =	simm.s32 $0x1BFF;
	s21 =	sshll.u32 s5, $0x1;
	s2 =	sadd.s32 s19, s18  }
0x9c: {  	s6 =	simm.s32 $0x0;
	s20 =	sshll.u32 s4, $0x1;
	s4 =	sadd.s32 s21, s2  }
0x9d: {  	[timem:s6], [sflag:s22] =	dma.local [hbm:s4], s20  }
0x9e: {  	_ =	swait.ge [sflag:s22], s20  }
0x9f: {  	s3 =	ssub.s32 $0x0, s20;
	[sflag:s22] =	ssyncset.done $0x0  }
0xa0: {  	[sflag:s22] =	ssyncadd.s32 s3;
	_ =	sdelay $0x1  }
0xa1: {  	s23 =	simm.s32 $0x1B8B  }
0xa2: {  	_ =	swait.ge [sflag:s23], $0x1  }
0xa3: {  	[sflag:s23] =	ssyncset.done $0x0  }
0xa4: {  	s25 =	simm.s32 $0x1B8E;
	s24 =	sld [smem:$0x3FFE];
	[sflag:s23] =	ssyncadd.s32 $0xFFFFFFFF  }
0xa5: {  	s26 =	simm.s32 $execute0_lowered;
	[smem:$0x3FD2] =	sst s25  }
0xa6: {  	s4 =	sshll.u32 s26, $0x1;
	_ =	strace $0x8000004C;
	[dreg:$0x1] =	wrdreg $0xFFFFFFFF  }
0xa7: {  	s28 =	simm.s32 $_size_execute0_lowered;
	s2 =	sadd.s32 s2, s4;
	[dreg:$0x0] =	wrdreg $0x0  }
0xa8: {  	s4 =	sshll.u32 s28, $0x1;
	[dreg:$0x2] =	wrdreg s2  }
0xa9: {  	[dreg:$0x3] =	wrdreg s4  }
0xaa: {  	[dreg:$0x4] =	wrdreg $0xC0  }
0xab: {  	_ =	task [dreg:s6], $0x5FFFF  }
0xac: {  	[dreg:$0x1] =	wrdreg $0xFFFFFFFF  }
0xad: {  	[dreg:$0x0] =	wrdreg $0x60  }
0xae: {  	[dreg:$0x2] =	wrdreg s24  }
0xaf: {  	[dreg:$0x3] =	wrdreg $0x9  }
0xb0: {  	_ =	task.clear_ibuf [dreg:s6], $0x4FFFF;
	_ =	strace $0x9000004C  }
0xb1: {  	s29 =	simm.s32 $0x9;
	_ =	strace $0x8000004E  }
0xb2: {  	_ =	swait.ge [sflag:s29], $0x1  }
0xb3: {  	[sflag:s29] =	ssyncadd.s32 $0xFFFFFFFF  }
0xb4: {  	_ =	strace $0x9000004E  }
0xb5: {  	_ =	sfence  }
0xb6: {  	s30 =	sld [smem:$0x0];
	_ =	sdelay $0x2  }
0xb7: {  	s31 =	sshll.u32 s1, $0xD;
	s1 =	sshrl.u32 s1, $0x2  }
0xb8: {  	s3 =	sand.u32 $0x4000, s31;
	s1 =	sadd.s32 s1, s30  }
0xb9: {  	s0 =	sor.u32 s3, s0;
	s1 =	sshll.u32 s1, $0x11  }
0xba: {  	s0 =	sor.u32 s1, s0  }
0xbb: {  	s0 =	sadd.s32 $0x8F2B, s0  }
0xbc: {  	[sflag:s0] =	ssyncadd.remote.s32 $0x1  }
0xbd: {  	_ =	sfence.sel $0xFFFF  }
0xbe: {  	[dreg:$0x0] =	wrdreg $0xFFFFFFFF;
	(pc) =	sbr.abs _section_cstart, $3  }
0xbf: {  	[dreg:$0x1] =	wrdreg $0xFFFFFFFF  }
0xc0: {  	_ =	task.clear_ibuf [dreg:s6], $0x2FFFF;
	_ =	strace $0x9FFFFFFF  }
0xc1: {  	(tm) =	ssettm $0x7FFFFFFF  }
tec
execute0_lowered:
.L_overlay_start_1:
0x0: {  	(tag) =	ssettag $0x1  }
0x1: {  	s0 =	srdreg.scid  }
0x2: {  	s1 =	sand.u32 $0x1, s0  }
0x3: {  	s3 =	stileid.u32;
	s0 =	sshll.u32 s1, $0x4  }
0x4: {  	s2 =	sor.u32 s3, s0;
	s0 =	sand.u32 $0x7, s3  }
0x5: {  	p0 =	seq.s32 s2, $0x0;
	p1 =	sne.s32 s0, $0x0  }
0x6: {  	s6 =	rddreg [dreg:$0x0];
	p0 =	por !p1, !p0  }
0x7: {  	s9 =	simm.s32 $0xDB00;
	s3 =	simm.s32 $0x1;
	p0 =	por !p0, !p0  }
0x8: {  	s18 =	simm.s32 $0xE300;
	s2 =	sshrl.u32 s2, $0x3;
	s3 =	simm.s32 @!p0 $0x0  }
0x9: {  	s19 =	simm.s32 $0xEB00;
	s7 =	ssub.s32 s2, s3;
	s2 =	simm.s32 $0x0  }
0xa: {  	s20 =	simm.s32 $0xF300;
	s21 =	simm.s32 $0xFB00;
	[smem:$0x7FF] =	sst s2  }
0xb: {  	s22 =	simm.s32 $0x10300;
	_ =	strace $0x8000004D;
	[dreg:$0x2] =	wrdreg s9  }
0xc: {  	s11 =	simm.s32 $0x10B00;
	s12 =	simm.s32 $0x11300;
	[dreg:$0x3] =	wrdreg s18  }
0xd: {  	s13 =	simm.s32 $0x11B00;
	s14 =	simm.s32 $0x12300;
	[dreg:$0x4] =	wrdreg s19  }
0xe: {  	s15 =	simm.s32 $0x12B00;
	s16 =	simm.s32 $0x13300;
	[dreg:$0x5] =	wrdreg s20  }
0xf: {  	s17 =	simm.s32 $0x14300;
	s23 =	simm.s32 $0x16300;
	[dreg:$0x6] =	wrdreg s21  }
0x10: {  	s25 =	simm.s32 $0x16B00;
	s4 =	simm.s32 $0x17300;
	[dreg:$0x7] =	wrdreg s22  }
0x11: {  	s28 =	simm.s32 $0x2300;
	s30 =	simm.s32 $0x2B00;
	[dreg:$0x8] =	wrdreg s11  }
0x12: {  	s31 =	simm.s32 $0x0;
	s1 =	ssub.s32 $0x2, s1;
	[dreg:$0x9] =	wrdreg s12  }
0x13: {  	s29 =	simm.s32 $0x6;
	s10 =	sshrl.u32 s1, $0x1;
	[dreg:$0xa] =	wrdreg s13  }
0x14: {  	s1 =	ssub.s32 s1, s10;
	s24 =	smul.u32 $0x60, s0;
	[dreg:$0xb] =	wrdreg s14  }
0x15: {  	s10 =	sadd.s32 $0x32B300, s6;
	s0 =	smul.u32 $0x4E000, s0;
	[dreg:$0xc] =	wrdreg s15  }
0x16: {  	s1 =	smax.u32 s1, $0x1;
	s3 =	smul.u32 $0x300, s7;
	[dreg:$0xd] =	wrdreg s16  }
0x17: {  	s26 =	sor.u32 $0x8, s24;
	s7 =	smul.u32 $0x263000, s7;
	[dreg:$0xe] =	wrdreg s17  }
0x18: {  	s9 =	sadd.s32 $0x32B200, s6;
	s11 =	sadd.s32 $0x32B400, s6;
	[dreg:$0x12] =	wrdreg s23  }
0x19: {  	s12 =	sadd.s32 $0x32B500, s6;
	s13 =	sadd.s32 $0x32B600, s6;
	[dreg:$0x1b] =	wrdreg s26  }
0x1a: {  	s14 =	sadd.s32 $0x32B700, s6;
	s15 =	sadd.s32 $0x32B800, s6;
	[dreg:$0x13] =	wrdreg s25  }
0x1b: {  	s16 =	sadd.s32 $0x32B900, s6;
	s18 =	simm.s32 $0x14B00;
	[dreg:$0x14] =	wrdreg s4  }
0x1c: {  	s17 =	sadd.s32 $0x32BA00, s6;
	s19 =	simm.s32 $0x15300;
	[dreg:$0x1c] =	wrdreg s1  }
0x1d: {  	s20 =	simm.s32 $0x15B00;
	s22 =	simm.s32 $0x18300;
	[dreg:$0xf] =	wrdreg s18  }
0x1e: {  	s23 =	simm.s32 $0x18B00;
	s25 =	simm.s32 $0x19300;
	[dreg:$0x10] =	wrdreg s19  }
0x1f: {  	s26 =	simm.s32 $0x19B00;
	s1 =	simm.s32 $0x2;
	[dreg:$0x11] =	wrdreg s20  }
0x20: {  	s5 =	sshrl.u32 s3, $0x3;
	s3 =	sadd.s32 $0x32B000, s6;
	[dreg:$0x16] =	wrdreg s22  }
0x21: {  	s18 =	sadd.s32 $0x32BB00, s6;
	s19 =	sadd.s32 $0x32BC00, s6;
	[dreg:$0x17] =	wrdreg s23  }
0x22: {  	s21 =	sadd.s32 $0x1318000, s7;
	s20 =	simm.s32 $0x17B00;
	[dreg:$0x18] =	wrdreg s25  }
0x23: {  	[dreg:$0x19] =	wrdreg s26;
	s26 =	simm.s32 $0x300;
	s22 =	simm.s32 $0xB00  }
0x24: {  	s23 =	simm.s32 $0x1300;
	s25 =	simm.s32 $0x1B00;
	s7 =	simm.s32 $0x4  }
0x25: {  	s8 =	sadd.s32 s5, s6;
	s5 =	sadd.s32 $0x3A2600, s6;
	s0 =	sadd.s32 s0, s21  }
0x26: {  	v0 =	vlaneseq.u32;
	[dreg:$0x15] =	wrdreg s20;
	s8 =	sadd.s32 $0x886C00, s8;
	s0 =	sshrl.u32 s0, $0x3  }
0x27: {  	v1 =	vshrl.u32 v0, $0x3;
	s20 =	simm.s32 $0x5;
	[dreg:$0x1a] =	wrdreg s8;
	s0 =	sadd.s32 s0, s5  }
0x28: {  	vm0 =	vmmov $0xffff;
	v0 =	vand.u32 $0x7, v0;
	v1 =	vmul.u32 $0x8, v1;
	s8 =	sadd.s32 $0x32B100, s6;
	[dreg:$0x1d] =	wrdreg s0;
	s0 =	simm.s32 $0x3  }
.LBB2_1:
0x29: {  	[dreg:$0x1e] =	wrdreg s31  }
0x2a: {  	s6 =	rddreg [dreg:$0x1a];
	s4 =	simm.s32 $0x9  }
0x2b: {  	[tilespmem:s2], [sflag:$0x9] =	stream.linear.gather [hbm4b:s6+s2], $0x300, $0x38;
	[tilespmem:$0x1A300] =	vst v63  }
0x2c: {  	_ =	swait.ge [sflag:s4], $0x300  }
0x2d: {  	[sflag:s4] =	ssyncset.done $0x0  }
0x2e: {  	[sflag:s4] =	ssyncadd.s32 $0xFFFFFD00  }
0x2f: {  	v2 =	vld.msk [tilespmem:s24+$0x0], $0xff;
	_ =	sdelay $0x4  }
0x30: {  	v3 =	vshrl.u32 v2, $0x3  }
0x31: {  	v3 =	vmul.u32 $0xD0, v3  }
0x32: {  	v2 =	vand.u32 $0x7, v2  }
0x33: {  	v2 =	vor.u32 v2, v3  }
0x34: {  	v2 =	vperm.xlane v2, v0;
	_ =	sdelay $0x1  }
0x35: {  	v2 =	vadd.s32 v1, v2;
	_ =	sdelay $0x4  }
0x36: {  	[tilespmem:s26], [sflag:$0x1] =	stream.indirect_vreg.gather [hbm4b:s3+s2], $0x80, v2, vm0, $0xb8;
	[tilespmem:$0x1A300] =	vst v63  }
0x37: {  	_ = 	snop  }
0x38: {  	[tilespmem:s22], [sflag:$0x1] =	stream.indirect_vreg.gather [hbm4b:s8+s2], $0x80, v2, vm0, $0xb8;
	[tilespmem:$0x1A300] =	vst v63  }
0x39: {  	_ = 	snop  }
0x3a: {  	[tilespmem:s23], [sflag:$0x1] =	stream.indirect_vreg.gather [hbm4b:s9+s2], $0x80, v2, vm0, $0xb8;
	[tilespmem:$0x1A300] =	vst v63  }
0x3b: {  	_ = 	snop  }
0x3c: {  	[tilespmem:s25], [sflag:$0x1] =	stream.indirect_vreg.gather [hbm4b:s10+s2], $0x80, v2, vm0, $0xb8;
	[tilespmem:$0x1A300] =	vst v63  }
0x3d: {  	_ = 	snop  }
0x3e: {  	[tilespmem:s28], [sflag:$0x1] =	stream.indirect_vreg.gather [hbm4b:s11+s2], $0x80, v2, vm0, $0xb8;
	[tilespmem:$0x1A300] =	vst v63  }
0x3f: {  	_ = 	snop  }
0x40: {  	[tilespmem:s30], [sflag:$0x1] =	stream.indirect_vreg.gather [hbm4b:s12+s2], $0x80, v2, vm0, $0xb8;
	[tilespmem:$0x1A300] =	vst v63  }
0x41: {  	s4 =	simm.s32 $0x3300  }
0x42: {  	[tilespmem:s4], [sflag:$0x1] =	stream.indirect_vreg.gather [hbm4b:s13+s2], $0x80, v2, vm0, $0xb8;
	[tilespmem:$0x1A300] =	vst v63  }
0x43: {  	s22 =	simm.s32 $0x3B00  }
0x44: {  	[tilespmem:s22], [sflag:$0x1] =	stream.indirect_vreg.gather [hbm4b:s14+s2], $0x80, v2, vm0, $0xb8;
	[tilespmem:$0x1A300] =	vst v63  }
0x45: {  	s23 =	simm.s32 $0x4300  }
0x46: {  	[tilespmem:s23], [sflag:$0x1] =	stream.indirect_vreg.gather [hbm4b:s15+s2], $0x80, v2, vm0, $0xb8;
	[tilespmem:$0x1A300] =	vst v63  }
0x47: {  	s25 =	simm.s32 $0x4B00  }
0x48: {  	[tilespmem:s25], [sflag:$0x1] =	stream.indirect_vreg.gather [hbm4b:s16+s2], $0x80, v2, vm0, $0xb8;
	[tilespmem:$0x1A300] =	vst v63  }
0x49: {  	s26 =	simm.s32 $0x5300  }
0x4a: {  	[tilespmem:s26], [sflag:$0x1] =	stream.indirect_vreg.gather [hbm4b:s17+s2], $0x80, v2, vm0, $0xb8;
	[tilespmem:$0x1A300] =	vst v63  }
0x4b: {  	s28 =	simm.s32 $0x5B00  }
0x4c: {  	[tilespmem:s28], [sflag:$0x1] =	stream.indirect_vreg.gather [hbm4b:s18+s2], $0x80, v2, vm0, $0xb8;
	[tilespmem:$0x1A300] =	vst v63  }
0x4d: {  	s30 =	simm.s32 $0x6300;
	s4 =	rddreg [dreg:$0x1b]  }
0x4e: {  	[tilespmem:s30], [sflag:$0x1] =	stream.indirect_vreg.gather [hbm4b:s19+s2], $0x80, v2, vm0, $0xb8;
	[tilespmem:$0x1A300] =	vst v63  }
0x4f: {  	v2 =	vld.msk [tilespmem:s4+$0x0], $0xff;
	_ =	sdelay $0x4  }
0x50: {  	v3 =	vshrl.u32 v2, $0x3  }
0x51: {  	v3 =	vmul.u32 $0xD0, v3  }
0x52: {  	v2 =	vand.u32 $0x7, v2  }
0x53: {  	v2 =	vor.u32 v2, v3  }
0x54: {  	v2 =	vperm.xlane v2, v0;
	_ =	sdelay $0x1  }
0x55: {  	v2 =	vadd.s32 v1, v2;
	_ =	sdelay $0x3  }
0x56: {  	s22 =	simm.s32 $0x6B00  }
0x57: {  	[tilespmem:s22], [sflag:$0x2] =	stream.indirect_vreg.gather [hbm4b:s3+s2], $0x80, v2, vm0, $0xb8;
	[tilespmem:$0x1A300] =	vst v63  }
0x58: {  	s23 =	simm.s32 $0x7300  }
0x59: {  	[tilespmem:s23], [sflag:$0x2] =	stream.indirect_vreg.gather [hbm4b:s8+s2], $0x80, v2, vm0, $0xb8;
	[tilespmem:$0x1A300] =	vst v63  }
0x5a: {  	s25 =	simm.s32 $0x7B00  }
0x5b: {  	[tilespmem:s25], [sflag:$0x2] =	stream.indirect_vreg.gather [hbm4b:s9+s2], $0x80, v2, vm0, $0xb8;
	[tilespmem:$0x1A300] =	vst v63  }
0x5c: {  	s26 =	simm.s32 $0x8300  }
0x5d: {  	[tilespmem:s26], [sflag:$0x2] =	stream.indirect_vreg.gather [hbm4b:s10+s2], $0x80, v2, vm0, $0xb8;
	[tilespmem:$0x1A300] =	vst v63  }
0x5e: {  	s28 =	simm.s32 $0x8B00  }
0x5f: {  	[tilespmem:s28], [sflag:$0x2] =	stream.indirect_vreg.gather [hbm4b:s11+s2], $0x80, v2, vm0, $0xb8;
	[tilespmem:$0x1A300] =	vst v63  }
0x60: {  	s30 =	simm.s32 $0x9300  }
0x61: {  	[tilespmem:s30], [sflag:$0x2] =	stream.indirect_vreg.gather [hbm4b:s12+s2], $0x80, v2, vm0, $0xb8;
	[tilespmem:$0x1A300] =	vst v63  }
0x62: {  	s6 =	simm.s32 $0x9B00  }
0x63: {  	[tilespmem:s6], [sflag:$0x2] =	stream.indirect_vreg.gather [hbm4b:s13+s2], $0x80, v2, vm0, $0xb8;
	[tilespmem:$0x1A300] =	vst v63  }
0x64: {  	s22 =	simm.s32 $0xA300  }
0x65: {  	[tilespmem:s22], [sflag:$0x2] =	stream.indirect_vreg.gather [hbm4b:s14+s2], $0x80, v2, vm0, $0xb8;
	[tilespmem:$0x1A300] =	vst v63  }
0x66: {  	s23 =	simm.s32 $0xAB00  }
0x67: {  	[tilespmem:s23], [sflag:$0x2] =	stream.indirect_vreg.gather [hbm4b:s15+s2], $0x80, v2, vm0, $0xb8;
	[tilespmem:$0x1A300] =	vst v63  }
0x68: {  	s25 =	simm.s32 $0xB300  }
0x69: {  	[tilespmem:s25], [sflag:$0x2] =	stream.indirect_vreg.gather [hbm4b:s16+s2], $0x80, v2, vm0, $0xb8;
	[tilespmem:$0x1A300] =	vst v63  }
0x6a: {  	s26 =	simm.s32 $0xBB00  }
0x6b: {  	[tilespmem:s26], [sflag:$0x2] =	stream.indirect_vreg.gather [hbm4b:s17+s2], $0x80, v2, vm0, $0xb8;
	[tilespmem:$0x1A300] =	vst v63  }
0x6c: {  	s31 =	simm.s32 $0x1;
	s28 =	simm.s32 $0xC300;
	s30 =	simm.s32 $0xCB00  }
0x6d: {  	[tilespmem:s28], [sflag:$0x2] =	stream.indirect_vreg.gather [hbm4b:s18+s2], $0x80, v2, vm0, $0xb8;
	[tilespmem:$0x1A300] =	vst v63  }
0x6e: {  	s22 =	rddreg [dreg:$0x1d];
	s23 =	simm.s32 $0x0;
	s25 =	simm.s32 $0xD300  }
0x6f: {  	[tilespmem:s30], [sflag:$0x2] =	stream.indirect_vreg.gather [hbm4b:s19+s2], $0x80, v2, vm0, $0xb8;
	[tilespmem:$0x1A300] =	vst v63  }
.LBB2_2:
0x70: {  	_ =	swait.ge [sflag:s31], $0x6800  }
0x71: {  	[sflag:s31] =	ssyncset.done $0x0  }
0x72: {  	[sflag:s31] =	ssyncadd.s32 $0xFFFF9800  }
0x73: {  	_ =	swait.ge [sflag:s1], $0x6800  }
0x74: {  	p0 =	seq.s32 s23, $0x0;
	[sflag:s1] =	ssyncset.done $0x0  }
0x75: {  	s6 =	simm.s32 @!p0 $0x7;
	[sflag:s1] =	ssyncadd.s32 $0xFFFF9800  }
0x76: {  	_ =	swait.ge @!p0 [sflag:s6], $0x6800  }
0x77: {  	[sflag:s6] =	ssyncset.done @!p0 $0x0  }
0x78: {  	s28 =	sadd.s32 s23, s24;
	[sflag:s6] =	ssyncadd.s32 @!p0 $0xFFFF9800;
	s6 =	simm.s32 @!p0 $0x8  }
0x79: {  	s30 =	smov.u32 s24;
	s24 =	sadd.s32 $0x10, s28;
	_ =	swait.ge @!p0 [sflag:s6], $0x6800  }
0x7a: {  	p1 =	slt.s32 s24, $0x2E0;
	[sflag:s6] =	ssyncset.done @!p0 $0x0  }
0x7b: {  	s24 =	simm.s32 @!p1 $0x2E0;
	[sflag:s6] =	ssyncadd.s32 @!p0 $0xFFFF9800  }
0x7c: {  	v2 =	vld.msk [tilespmem:s24+$0x0], $0xff;
	_ =	sdelay $0x4  }
0x7d: {  	v3 =	vshrl.u32 v2, $0x3  }
0x7e: {  	v3 =	vmul.u32 $0xD0, v3  }
0x7f: {  	v2 =	vand.u32 $0x7, v2  }
0x80: {  	v2 =	vor.u32 v2, v3  }
0x81: {  	v2 =	vperm.xlane v2, v0;
	_ =	sdelay $0x1  }
0x82: {  	v2 =	vadd.s32 v1, v2;
	_ =	sdelay $0x4  }
0x83: {  	[tilespmem:s25], [sflag:$0x3] =	stream.indirect_vreg.gather [hbm4b:s3+s2], $0x80, v2, vm0, $0xb8;
	[tilespmem:$0x1A300] =	vst v63  }
0x84: {  	s4 =	rddreg [dreg:$0x2]  }
0x85: {  	[tilespmem:s4], [sflag:$0x3] =	stream.indirect_vreg.gather [hbm4b:s8+s2], $0x80, v2, vm0, $0xb8;
	[tilespmem:$0x1A300] =	vst v63  }
0x86: {  	s26 =	rddreg [dreg:$0x3]  }
0x87: {  	[tilespmem:s26], [sflag:$0x3] =	stream.indirect_vreg.gather [hbm4b:s9+s2], $0x80, v2, vm0, $0xb8;
	[tilespmem:$0x1A300] =	vst v63  }
0x88: {  	s1 =	rddreg [dreg:$0x4]  }
0x89: {  	[tilespmem:s1], [sflag:$0x3] =	stream.indirect_vreg.gather [hbm4b:s10+s2], $0x80, v2, vm0, $0xb8;
	[tilespmem:$0x1A300] =	vst v63  }
0x8a: {  	s4 =	rddreg [dreg:$0x5]  }
0x8b: {  	[tilespmem:s4], [sflag:$0x3] =	stream.indirect_vreg.gather [hbm4b:s11+s2], $0x80, v2, vm0, $0xb8;
	[tilespmem:$0x1A300] =	vst v63  }
0x8c: {  	s26 =	rddreg [dreg:$0x6]  }
0x8d: {  	[tilespmem:s26], [sflag:$0x3] =	stream.indirect_vreg.gather [hbm4b:s12+s2], $0x80, v2, vm0, $0xb8;
	[tilespmem:$0x1A300] =	vst v63  }
0x8e: {  	s1 =	rddreg [dreg:$0x7]  }
0x8f: {  	[tilespmem:s1], [sflag:$0x3] =	stream.indirect_vreg.gather [hbm4b:s13+s2], $0x80, v2, vm0, $0xb8;
	[tilespmem:$0x1A300] =	vst v63  }
0x90: {  	s4 =	rddreg [dreg:$0x8]  }
0x91: {  	[tilespmem:s4], [sflag:$0x3] =	stream.indirect_vreg.gather [hbm4b:s14+s2], $0x80, v2, vm0, $0xb8;
	[tilespmem:$0x1A300] =	vst v63  }
0x92: {  	s26 =	rddreg [dreg:$0x9]  }
0x93: {  	[tilespmem:s26], [sflag:$0x3] =	stream.indirect_vreg.gather [hbm4b:s15+s2], $0x80, v2, vm0, $0xb8;
	[tilespmem:$0x1A300] =	vst v63  }
0x94: {  	s1 =	rddreg [dreg:$0xa]  }
0x95: {  	[tilespmem:s1], [sflag:$0x3] =	stream.indirect_vreg.gather [hbm4b:s16+s2], $0x80, v2, vm0, $0xb8;
	[tilespmem:$0x1A300] =	vst v63  }
0x96: {  	s6 =	sadd.s32 $0x18, s28;
	s4 =	rddreg [dreg:$0xb]  }
0x97: {  	[tilespmem:s4], [sflag:$0x3] =	stream.indirect_vreg.gather [hbm4b:s17+s2], $0x80, v2, vm0, $0xb8;
	[tilespmem:$0x1A300] =	vst v63  }
0x98: {  	p0 =	slt.s32 s6, $0x2E0;
	s26 =	rddreg [dreg:$0xc]  }
0x99: {  	[tilespmem:s26], [sflag:$0x3] =	stream.indirect_vreg.gather [hbm4b:s18+s2], $0x80, v2, vm0, $0xb8;
	[tilespmem:$0x1A300] =	vst v63  }
0x9a: {  	s6 =	simm.s32 @!p0 $0x2E0;
	s1 =	rddreg [dreg:$0xd]  }
0x9b: {  	[tilespmem:s1], [sflag:$0x3] =	stream.indirect_vreg.gather [hbm4b:s19+s2], $0x80, v2, vm0, $0xb8;
	[tilespmem:$0x1A300] =	vst v63  }
0x9c: {  	v2 =	vld.msk [tilespmem:s6+$0x0], $0xff;
	_ =	sdelay $0x4  }
0x9d: {  	v3 =	vshrl.u32 v2, $0x3  }
0x9e: {  	v3 =	vmul.u32 $0xD0, v3  }
0x9f: {  	v2 =	vand.u32 $0x7, v2  }
0xa0: {  	v2 =	vor.u32 v2, v3  }
0xa1: {  	v2 =	vperm.xlane v2, v0;
	_ =	sdelay $0x1  }
0xa2: {  	v2 =	vadd.s32 v1, v2;
	_ =	sdelay $0x3  }
0xa3: {  	s1 =	simm.s32 $0x13B00  }
0xa4: {  	[tilespmem:s1], [sflag:$0x4] =	stream.indirect_vreg.gather [hbm4b:s3+s2], $0x80, v2, vm0, $0xb8;
	[tilespmem:$0x1A300] =	vst v63  }
0xa5: {  	s4 =	rddreg [dreg:$0xe]  }
0xa6: {  	[tilespmem:s4], [sflag:$0x4] =	stream.indirect_vreg.gather [hbm4b:s8+s2], $0x80, v2, vm0, $0xb8;
	[tilespmem:$0x1A300] =	vst v63  }
0xa7: {  	s26 =	rddreg [dreg:$0xf]  }
0xa8: {  	[tilespmem:s26], [sflag:$0x4] =	stream.indirect_vreg.gather [hbm4b:s9+s2], $0x80, v2, vm0, $0xb8;
	[tilespmem:$0x1A300] =	vst v63  }
0xa9: {  	s25 =	rddreg [dreg:$0x10]  }
0xaa: {  	[tilespmem:s25], [sflag:$0x4] =	stream.indirect_vreg.gather [hbm4b:s10+s2], $0x80, v2, vm0, $0xb8;
	[tilespmem:$0x1A300] =	vst v63  }
0xab: {  	s4 =	rddreg [dreg:$0x11]  }
0xac: {  	[tilespmem:s4], [sflag:$0x4] =	stream.indirect_vreg.gather [hbm4b:s11+s2], $0x80, v2, vm0, $0xb8;
	[tilespmem:$0x1A300] =	vst v63  }
0xad: {  	s25 =	rddreg [dreg:$0x12]  }
0xae: {  	[tilespmem:s25], [sflag:$0x4] =	stream.indirect_vreg.gather [hbm4b:s12+s2], $0x80, v2, vm0, $0xb8;
	[tilespmem:$0x1A300] =	vst v63  }
0xaf: {  	s4 =	rddreg [dreg:$0x13]  }
0xb0: {  	[tilespmem:s4], [sflag:$0x4] =	stream.indirect_vreg.gather [hbm4b:s13+s2], $0x80, v2, vm0, $0xb8;
	[tilespmem:$0x1A300] =	vst v63  }
0xb1: {  	s25 =	rddreg [dreg:$0x14]  }
0xb2: {  	[tilespmem:s25], [sflag:$0x4] =	stream.indirect_vreg.gather [hbm4b:s14+s2], $0x80, v2, vm0, $0xb8;
	[tilespmem:$0x1A300] =	vst v63  }
0xb3: {  	s4 =	rddreg [dreg:$0x15]  }
0xb4: {  	[tilespmem:s4], [sflag:$0x4] =	stream.indirect_vreg.gather [hbm4b:s15+s2], $0x80, v2, vm0, $0xb8;
	[tilespmem:$0x1A300] =	vst v63  }
0xb5: {  	s25 =	rddreg [dreg:$0x16]  }
0xb6: {  	[tilespmem:s25], [sflag:$0x4] =	stream.indirect_vreg.gather [hbm4b:s16+s2], $0x80, v2, vm0, $0xb8;
	[tilespmem:$0x1A300] =	vst v63  }
0xb7: {  	s4 =	rddreg [dreg:$0x17]  }
0xb8: {  	[tilespmem:s4], [sflag:$0x4] =	stream.indirect_vreg.gather [hbm4b:s17+s2], $0x80, v2, vm0, $0xb8;
	[tilespmem:$0x1A300] =	vst v63  }
0xb9: {  	s25 =	rddreg [dreg:$0x18]  }
0xba: {  	[tilespmem:s25], [sflag:$0x4] =	stream.indirect_vreg.gather [hbm4b:s18+s2], $0x80, v2, vm0, $0xb8;
	[tilespmem:$0x1A300] =	vst v63  }
0xbb: {  	s25 =	sadd.s32 $0x8, s28  }
0xbc: {  	s4 =	rddreg [dreg:$0x19];
	p0 =	slt.s32 s25, $0x2E0  }
0xbd: {  	[tilespmem:s4], [sflag:$0x4] =	stream.indirect_vreg.gather [hbm4b:s19+s2], $0x80, v2, vm0, $0xb8;
	[tilespmem:$0x1A300] =	vst v63  }
0xbe: {  	s25 =	simm.s32 @!p0 $0x2E0  }
0xbf: {  	s25 =	sshrl.u32 s25, $0x3  }
0xc0: {  	s26 =	simm.s32 $0x300;
	s25 =	smul.u32 $0x6800, s25  }
0xc1: {  	[hbm4b:s22+s2] =	stream.linear.scatter [tilespmem:s26], [sflag:$0x5], $0x6800, $0x38;
	[tilespmem:$0x1A300] =	vst v63  }
0xc2: {  	s25 =	sadd.s32 s21, s25  }
0xc3: {  	s25 =	sshrl.u32 s25, $0x3  }
0xc4: {  	s4 =	simm.s32 $0x6B00;
	s25 =	sadd.s32 s5, s25  }
0xc5: {  	[hbm4b:s25+s2] =	stream.linear.scatter [tilespmem:s4], [sflag:$0x6], $0x6800, $0x38;
	[tilespmem:$0x1A300] =	vst v63  }
0xc6: {  	_ =	swait.ge [sflag:s0], $0x6800  }
0xc7: {  	[sflag:s0] =	ssyncset.done $0x0  }
0xc8: {  	[sflag:s0] =	ssyncadd.s32 $0xFFFF9800  }
0xc9: {  	_ =	swait.ge [sflag:s7], $0x6800  }
0xca: {  	[sflag:s7] =	ssyncset.done $0x0  }
0xcb: {  	[sflag:s7] =	ssyncadd.s32 $0xFFFF9800  }
0xcc: {  	_ =	swait.ge [sflag:s20], $0x6800  }
0xcd: {  	[sflag:s20] =	ssyncset.done $0x0  }
0xce: {  	[sflag:s20] =	ssyncadd.s32 $0xFFFF9800  }
0xcf: {  	s25 =	sadd.s32 $0x20, s28;
	_ =	swait.ge [sflag:s29], $0x6800  }
0xd0: {  	p0 =	slt.s32 s25, $0x2E0;
	[sflag:s29] =	ssyncset.done $0x0  }
0xd1: {  	s25 =	simm.s32 @!p0 $0x2E0;
	[sflag:s29] =	ssyncadd.s32 $0xFFFF9800  }
0xd2: {  	v2 =	vld.msk [tilespmem:s25+$0x0], $0xff;
	_ =	sdelay $0x4  }
0xd3: {  	v3 =	vshrl.u32 v2, $0x3  }
0xd4: {  	v3 =	vmul.u32 $0xD0, v3  }
0xd5: {  	v2 =	vand.u32 $0x7, v2  }
0xd6: {  	v2 =	vor.u32 v2, v3  }
0xd7: {  	v2 =	vperm.xlane v2, v0;
	_ =	sdelay $0x1  }
0xd8: {  	v2 =	vadd.s32 v1, v2;
	_ =	sdelay $0x4  }
0xd9: {  	[tilespmem:s26], [sflag:$0x1] =	stream.indirect_vreg.gather [hbm4b:s3+s2], $0x80, v2, vm0, $0xb8;
	[tilespmem:$0x1A300] =	vst v63  }
0xda: {  	s25 =	simm.s32 $0xB00  }
0xdb: {  	[tilespmem:s25], [sflag:$0x1] =	stream.indirect_vreg.gather [hbm4b:s8+s2], $0x80, v2, vm0, $0xb8;
	[tilespmem:$0x1A300] =	vst v63  }
0xdc: {  	s25 =	simm.s32 $0x1300  }
0xdd: {  	[tilespmem:s25], [sflag:$0x1] =	stream.indirect_vreg.gather [hbm4b:s9+s2], $0x80, v2, vm0, $0xb8;
	[tilespmem:$0x1A300] =	vst v63  }
0xde: {  	s25 =	simm.s32 $0x1B00  }
0xdf: {  	[tilespmem:s25], [sflag:$0x1] =	stream.indirect_vreg.gather [hbm4b:s10+s2], $0x80, v2, vm0, $0xb8;
	[tilespmem:$0x1A300] =	vst v63  }
0xe0: {  	s25 =	simm.s32 $0x2300  }
0xe1: {  	[tilespmem:s25], [sflag:$0x1] =	stream.indirect_vreg.gather [hbm4b:s11+s2], $0x80, v2, vm0, $0xb8;
	[tilespmem:$0x1A300] =	vst v63  }
0xe2: {  	s25 =	simm.s32 $0x2B00  }
0xe3: {  	[tilespmem:s25], [sflag:$0x1] =	stream.indirect_vreg.gather [hbm4b:s12+s2], $0x80, v2, vm0, $0xb8;
	[tilespmem:$0x1A300] =	vst v63  }
0xe4: {  	s25 =	simm.s32 $0x3300  }
0xe5: {  	[tilespmem:s25], [sflag:$0x1] =	stream.indirect_vreg.gather [hbm4b:s13+s2], $0x80, v2, vm0, $0xb8;
	[tilespmem:$0x1A300] =	vst v63  }
0xe6: {  	s25 =	simm.s32 $0x3B00  }
0xe7: {  	[tilespmem:s25], [sflag:$0x1] =	stream.indirect_vreg.gather [hbm4b:s14+s2], $0x80, v2, vm0, $0xb8;
	[tilespmem:$0x1A300] =	vst v63  }
0xe8: {  	s25 =	simm.s32 $0x4300  }
0xe9: {  	[tilespmem:s25], [sflag:$0x1] =	stream.indirect_vreg.gather [hbm4b:s15+s2], $0x80, v2, vm0, $0xb8;
	[tilespmem:$0x1A300] =	vst v63  }
0xea: {  	s25 =	simm.s32 $0x4B00  }
0xeb: {  	[tilespmem:s25], [sflag:$0x1] =	stream.indirect_vreg.gather [hbm4b:s16+s2], $0x80, v2, vm0, $0xb8;
	[tilespmem:$0x1A300] =	vst v63  }
0xec: {  	s25 =	simm.s32 $0x5300  }
0xed: {  	[tilespmem:s25], [sflag:$0x1] =	stream.indirect_vreg.gather [hbm4b:s17+s2], $0x80, v2, vm0, $0xb8;
	[tilespmem:$0x1A300] =	vst v63  }
0xee: {  	s25 =	simm.s32 $0x5B00  }
0xef: {  	[tilespmem:s25], [sflag:$0x1] =	stream.indirect_vreg.gather [hbm4b:s18+s2], $0x80, v2, vm0, $0xb8;
	[tilespmem:$0x1A300] =	vst v63  }
0xf0: {  	s25 =	simm.s32 $0x6300  }
0xf1: {  	[tilespmem:s25], [sflag:$0x1] =	stream.indirect_vreg.gather [hbm4b:s19+s2], $0x80, v2, vm0, $0xb8;
	[tilespmem:$0x1A300] =	vst v63  }
0xf2: {  	s25 =	sadd.s32 $0x28, s28  }
0xf3: {  	p0 =	slt.s32 s25, $0x2E0  }
0xf4: {  	s25 =	simm.s32 @!p0 $0x2E0  }
0xf5: {  	v2 =	vld.msk [tilespmem:s25+$0x0], $0xff;
	_ =	sdelay $0x4  }
0xf6: {  	v3 =	vshrl.u32 v2, $0x3  }
0xf7: {  	v3 =	vmul.u32 $0xD0, v3  }
0xf8: {  	v2 =	vand.u32 $0x7, v2  }
0xf9: {  	v2 =	vor.u32 v2, v3  }
0xfa: {  	v2 =	vperm.xlane v2, v0;
	_ =	sdelay $0x1  }
0xfb: {  	v2 =	vadd.s32 v1, v2;
	_ =	sdelay $0x4  }
0xfc: {  	[tilespmem:s4], [sflag:$0x2] =	stream.indirect_vreg.gather [hbm4b:s3+s2], $0x80, v2, vm0, $0xb8;
	[tilespmem:$0x1A300] =	vst v63  }
0xfd: {  	s28 =	simm.s32 $0x7300  }
0xfe: {  	[tilespmem:s28], [sflag:$0x2] =	stream.indirect_vreg.gather [hbm4b:s8+s2], $0x80, v2, vm0, $0xb8;
	[tilespmem:$0x1A300] =	vst v63  }
0xff: {  	s28 =	simm.s32 $0x7B00  }
0x100: {  	[tilespmem:s28], [sflag:$0x2] =	stream.indirect_vreg.gather [hbm4b:s9+s2], $0x80, v2, vm0, $0xb8;
	[tilespmem:$0x1A300] =	vst v63  }
0x101: {  	s28 =	simm.s32 $0x8300  }
0x102: {  	[tilespmem:s28], [sflag:$0x2] =	stream.indirect_vreg.gather [hbm4b:s10+s2], $0x80, v2, vm0, $0xb8;
	[tilespmem:$0x1A300] =	vst v63  }
0x103: {  	s28 =	simm.s32 $0x8B00  }
0x104: {  	[tilespmem:s28], [sflag:$0x2] =	stream.indirect_vreg.gather [hbm4b:s11+s2], $0x80, v2, vm0, $0xb8;
	[tilespmem:$0x1A300] =	vst v63  }
0x105: {  	s28 =	simm.s32 $0x9300  }
0x106: {  	[tilespmem:s28], [sflag:$0x2] =	stream.indirect_vreg.gather [hbm4b:s12+s2], $0x80, v2, vm0, $0xb8;
	[tilespmem:$0x1A300] =	vst v63  }
0x107: {  	s28 =	simm.s32 $0x9B00  }
0x108: {  	[tilespmem:s28], [sflag:$0x2] =	stream.indirect_vreg.gather [hbm4b:s13+s2], $0x80, v2, vm0, $0xb8;
	[tilespmem:$0x1A300] =	vst v63  }
0x109: {  	s24 =	sshrl.u32 s24, $0x3;
	s28 =	simm.s32 $0xA300  }
0x10a: {  	[tilespmem:s28], [sflag:$0x2] =	stream.indirect_vreg.gather [hbm4b:s14+s2], $0x80, v2, vm0, $0xb8;
	[tilespmem:$0x1A300] =	vst v63  }
0x10b: {  	s24 =	smul.u32 $0x6800, s24;
	s28 =	simm.s32 $0xAB00  }
0x10c: {  	[tilespmem:s28], [sflag:$0x2] =	stream.indirect_vreg.gather [hbm4b:s15+s2], $0x80, v2, vm0, $0xb8;
	[tilespmem:$0x1A300] =	vst v63  }
0x10d: {  	s23 =	sadd.s32 $0x20, s23;
	s24 =	sadd.s32 s21, s24;
	s28 =	simm.s32 $0xB300  }
0x10e: {  	[tilespmem:s28], [sflag:$0x2] =	stream.indirect_vreg.gather [hbm4b:s16+s2], $0x80, v2, vm0, $0xb8;
	[tilespmem:$0x1A300] =	vst v63  }
0x10f: {  	s24 =	sshrl.u32 s24, $0x3;
	s6 =	sshrl.u32 s6, $0x3;
	s28 =	simm.s32 $0xBB00  }
0x110: {  	[tilespmem:s28], [sflag:$0x2] =	stream.indirect_vreg.gather [hbm4b:s17+s2], $0x80, v2, vm0, $0xb8;
	[tilespmem:$0x1A300] =	vst v63  }
0x111: {  	s24 =	sadd.s32 s5, s24;
	s6 =	smul.u32 $0x6800, s6;
	s28 =	simm.s32 $0xC300  }
0x112: {  	[tilespmem:s28], [sflag:$0x2] =	stream.indirect_vreg.gather [hbm4b:s18+s2], $0x80, v2, vm0, $0xb8;
	[tilespmem:$0x1A300] =	vst v63  }
0x113: {  	s6 =	sadd.s32 s21, s6;
	p0 =	sne.s32 s23, $0x60;
	s28 =	simm.s32 $0xCB00  }
0x114: {  	[tilespmem:s28], [sflag:$0x2] =	stream.indirect_vreg.gather [hbm4b:s19+s2], $0x80, v2, vm0, $0xb8;
	[tilespmem:$0x1A300] =	vst v63  }
.Ltmp0:
0x115: {  	s6 =	sshrl.u32 s6, $0x3;
	s25 =	simm.s32 $0xD300;
	(pc) =	sbr.rel @p0 .LBB2_2-.Ltmp0, $4  }
0x116: {  	[hbm4b:s24+s2] =	stream.linear.scatter [tilespmem:s25], [sflag:$0x7], $0x6800, $0x38;
	[tilespmem:$0x1A300] =	vst v63  }
0x117: {  	s6 =	sadd.s32 s5, s6  }
0x118: {  	[hbm4b:s6+s2] =	stream.linear.scatter [tilespmem:s1], [sflag:$0x8], $0x6800, $0x38;
	[tilespmem:$0x1A300] =	vst v63  }
0x119: {  	s22 =	sadd.s32 $0x3400, s22;
	s24 =	smov.u32 s30;
	s1 =	simm.s32 $0x2  }
0x11a: {  	_ =	swait.ge [sflag:s31], $0x6800  }
0x11b: {  	[sflag:s31] =	ssyncset.done $0x0  }
0x11c: {  	[sflag:s31] =	ssyncadd.s32 $0xFFFF9800  }
0x11d: {  	_ =	swait.ge [sflag:s1], $0x6800  }
0x11e: {  	[sflag:s1] =	ssyncset.done $0x0  }
0x11f: {  	s4 =	simm.s32 $0x7;
	[sflag:s1] =	ssyncadd.s32 $0xFFFF9800  }
0x120: {  	_ =	swait.ge [sflag:s4], $0x6800  }
0x121: {  	[sflag:s4] =	ssyncset.done $0x0  }
0x122: {  	s25 =	simm.s32 $0x8;
	[sflag:s4] =	ssyncadd.s32 $0xFFFF9800  }
0x123: {  	_ =	swait.ge [sflag:s25], $0x6800  }
0x124: {  	s31 =	rddreg [dreg:$0x1e]  }
0x125: {  	s6 =	rddreg [dreg:$0x1c];
	s31 =	sadd.s32 $0x1, s31  }
0x126: {  	p0 =	sne.s32 s31, s6  }
.Ltmp1:
0x127: {  	_ = 	snop;
	(pc) =	sbr.rel @p0 .LBB2_1-.Ltmp1, $4  }
0x128: {  	_ = 	snop  }
0x129: {  	s22 =	simm.s32 $0xB00  }
0x12a: {  	s23 =	simm.s32 $0x1300;
	s28 =	simm.s32 $0x2300;
	[sflag:s25] =	ssyncset.done $0x0  }
0x12b: {  	s30 =	simm.s32 $0x2B00;
	[sflag:s25] =	ssyncadd.s32 $0xFFFF9800;
	s25 =	simm.s32 $0x1B00  }
0x12c: {  	_ =	sfence.sel $0x180000  }
0x12d: {  	[bflag:$0x0] =	sbarrier.arrive $0xFFFF  }
0x12e: {  	_ =	strace $0x9000004D  }
0x12f: {  	s0 =	stileid.u32;
	[bflag:$0x2] =	sbarrier.arrive $0xFFFF  }
0x130: {  	p0 =	sne.s32 s0, $0x0;
	s0 =	rddreg [dreg:$0x1]  }
0x131: {  	s0 =	sadd.s32 @!p0 $0x100000, s0  }
0x132: {  	[sflag:s0] =	ssyncadd.tile.s32 @!p0 $0x1;
	_ =	shalt  }
.Lfunc_end2:
_tile_overlayer_lowered:
.L_overlay_start_2:
0x133: {  	(tag) =	ssettag $0x2  }
0x134: {  	s0 =	rddreg [dreg:$0x0];
	s2 =	stileid.u32  }
0x135: {  	s1 =	rddreg [dreg:$0x1];
	p0 =	sne.s32 s2, $0x0  }
0x136: {  	s3 =	rddreg [dreg:$0x2];
	[bflag:$0x3] =	sbarrier.arrive $0xFFFF;
	s2 =	simm.s32 @!p0 $0x1C09  }
0x137: {  	[timem:s3], [sflag:s2] =	dma.local @!p0 [hbm:s0], s1  }
0x138: {  	s0 =	simm.s32 @!p0 $0x9  }
0x139: {  	_ =	swait.ge @!p0 [sflag:s0], s1  }
0x13a: {  	s1 =	ssub.s32 @!p0 $0x0, s1;
	[sflag:s0] =	ssyncset.done @!p0 $0x0  }
0x13b: {  	[sflag:s0] =	ssyncadd.s32 @!p0 s1  }
0x13c: {  	[bflag:$0x3] =	sbarrier.arrive $0xFFFF  }
0x13d: {  	_ =	shalt  }

// kernel: kernel.22.cloned.1.call-start
scs
__scs_entry_jumppad:
0x0: {  	(pc) =	sbr.rel $0x88, $3  }
0x1: {  	(tag) =	ssettag $0x0;
	lr =	simm.s32 $0x1  }
0x2: {  	[smem:$0x3F99] =	sst lr;
	_ =	strace $0xD0000000  }
0x3: {  	_ = 	snop  }
0x4: {  	_ = 	snop  }
0x5: {  	_ = 	snop  }
0x6: {  	_ = 	snop  }
0x7: {  	_ = 	snop  }
__scs_overlays_trampoline_lowered:
0x8: {  	[smem:$0x3FA8] =	sst s0  }
0x9: {  	[smem:$0x3FA9] =	sst s1  }
0xa: {  	[smem:$0x3FAA] =	sst s2  }
0xb: {  	[smem:$0x3FAB] =	sst s3  }
0xc: {  	[smem:$0x3FAC] =	sst s4  }
0xd: {  	[smem:$0x3FAD] =	sst s5  }
0xe: {  	[smem:$0x3FAE] =	sst s6  }
0xf: {  	[smem:$0x3FAF] =	sst s7  }
0x10: {  	[smem:$0x3FB0] =	sst s8  }
0x11: {  	[smem:$0x3FB1] =	sst s9;
	s0 =	simm.s32 @!p0 $0x0  }
0x12: {  	s1 =	sld [smem:$0x3F97];
	s0 =	simm.s32 @p0 $0x1  }
0x13: {  	[smem:$0x3FB2] =	sst s0;
	s0 =	simm.s32 @!p1 $0x0  }
0x14: {  	s2 =	sld [smem:$0x3F96];
	s0 =	simm.s32 @p1 $0x1  }
0x15: {  	[smem:$0x3FB3] =	sst s0;
	s0 =	simm.s32 @!p2 $0x0  }
0x16: {  	s3 =	sld [smem:$0x3FDB];
	s0 =	simm.s32 @p2 $0x1  }
0x17: {  	s4 =	simm.s32 $0x1BF5;
	[smem:$0x3FB5] =	sst s0  }
0x18: {  	s0 =	sld [smem:$0x3F98];
	_ =	swait.ge [sflag:s4], $0x0  }
0x19: {  	s7 =	sld [smem:$0x3F99]  }
0x1a: {  	s8 =	sadd.s32 $0xFFFFE003, lr  }
0x1b: {  	s9 =	sadd.s32 $0xFFFFFEF7, lr;
	s5 =	simm.s32 $0xFFFFFFFF;
	p2 =	slt.u32 s8, $0xFFFFF086  }
0x1c: {  	p1 =	slt.u32 s9, $0xF7A;
	s5 =	simm.s32 @!p2 $0x0  }
0x1d: {  	s5 =	simm.s32 @p1 $0x1;
	p0 =	seq.s32 s7, s2  }
0x1e: {  	s7 =	smul.u32 @!p0 $0xF7A, s2;
	p2 =	seq.s32 @!p0 s5, $0x0  }
0x1f: {  	s9 =	smul.u32 $0xF7A, s1;
	s8 =	simm.s32 @!p0 $0x1BF5;
	p2 =	por !p2, p0  }
0x20: {  	[sflag:s8] =	ssyncset.s32 @!p0 $0xFFFFF086;
	s6 =	sadd.s32 @!p0 s3, s7;
	s7 =	simm.s32 @!p0 $0x108  }
0x21: {  	s3 =	sadd.s32 s3, s9;
	s6 =	sadd.s32 @!p0 $0x88, s6;
	s7 =	simm.s32 @p2 $0x1082  }
0x22: {  	[simem:s7], [sflag:s8] =	dma.local @!p0 [hbm:s6], $0xF7A  }
0x23: {  	s9 =	sor.u32 $0xD0000000, s2;
	s6 =	simm.s32 $0x108;
	_ =	swait.ge @!p0 [sflag:s8], $0x0  }
0x24: {  	s3 =	sadd.s32 $0x88, s3;
	s6 =	simm.s32 @!p1 $0x1082;
	[sflag:s4] =	ssyncset.s32 $0xFFFFF086  }
0x25: {  	[simem:s6], [sflag:s4] =	dma.local [hbm:s3], $0xF7A  }
0x26: {  	[smem:$0x3F99] =	sst s1;
	(tag) =	ssettag s2;
	_ =	strace s9  }
0x27: {  	s1 =	sld [smem:$0x3FA9]  }
0x28: {  	s2 =	sld [smem:$0x3FAA]  }
0x29: {  	s4 =	sld [smem:$0x3FAC]  }
0x2a: {  	p0 =	seq.s32 s5, $0x0;
	s5 =	sld [smem:$0x3FAD]  }
0x2b: {  	s6 =	sld [smem:$0x3FAE]  }
0x2c: {  	s7 =	sld [smem:$0x3FAF]  }
0x2d: {  	s3 =	simm.s32 $0x108;
	s8 =	sld [smem:$0x3FB0]  }
0x2e: {  	s3 =	simm.s32 @!p0 $0x1082;
	s9 =	sld [smem:$0x3FB1]  }
0x2f: {  	lr =	sadd.s32 s0, s3;
	s0 =	sld [smem:$0x3FA8]  }
0x30: {  	s3 =	sld [smem:$0x3FAB]  }
0x31: {  	[smem:$0x3FB4] =	sst s10  }
0x32: {  	s10 =	sld [smem:$0x3FB2];
	_ =	sdelay $0x3  }
0x33: {  	p0 =	seq.s32 s10, $0x1;
	s10 =	sld [smem:$0x3FB4];
	_ =	sdelay $0x3  }
0x34: {  	[smem:$0x3FB4] =	sst s10  }
0x35: {  	s10 =	sld [smem:$0x3FB3];
	_ =	sdelay $0x3  }
0x36: {  	p1 =	seq.s32 s10, $0x1;
	s10 =	sld [smem:$0x3FB4];
	_ =	sdelay $0x3  }
0x37: {  	[smem:$0x3FB4] =	sst s10  }
0x38: {  	s10 =	sld [smem:$0x3FB5]  }
0x39: {  	_ = 	snop;
	(pc) =	sbr.ind lr, $3  }
0x3a: {  	_ = 	snop  }
0x3b: {  	_ = 	snop  }
0x3c: {  	p2 =	seq.s32 s10, $0x1;
	s10 =	sld [smem:$0x3FB4]  }
0x3d: {  	_ =	shalt  }
0x3e: {  	_ =	shalt  }
0x3f: {  	_ =	shalt  }
0x40: {  	_ =	shalt  }
0x41: {  	_ =	shalt  }
0x42: {  	_ =	shalt  }
0x43: {  	_ =	shalt  }
0x44: {  	_ =	shalt  }
0x45: {  	_ =	shalt  }
0x46: {  	_ =	shalt  }
0x47: {  	_ =	shalt  }
0x48: {  	_ =	shalt  }
0x49: {  	_ =	shalt  }
0x4a: {  	_ =	shalt  }
0x4b: {  	_ =	shalt  }
0x4c: {  	_ =	shalt  }
0x4d: {  	_ =	shalt  }
0x4e: {  	_ =	shalt  }
0x4f: {  	_ =	shalt  }
0x50: {  	_ =	shalt  }
0x51: {  	_ =	shalt  }
0x52: {  	_ =	shalt  }
0x53: {  	_ =	shalt  }
0x54: {  	_ =	shalt  }
0x55: {  	_ =	shalt  }
0x56: {  	_ =	shalt  }
0x57: {  	_ =	shalt  }
0x58: {  	_ =	shalt  }
0x59: {  	_ =	shalt  }
0x5a: {  	_ =	shalt  }
0x5b: {  	_ =	shalt  }
0x5c: {  	_ =	shalt  }
0x5d: {  	_ =	shalt  }
0x5e: {  	_ =	shalt  }
0x5f: {  	_ =	shalt  }
0x60: {  	_ =	shalt  }
0x61: {  	_ =	shalt  }
0x62: {  	_ =	shalt  }
0x63: {  	_ =	shalt  }
0x64: {  	_ =	shalt  }
0x65: {  	_ =	shalt  }
0x66: {  	_ =	shalt  }
0x67: {  	_ =	shalt  }
0x68: {  	_ =	shalt  }
0x69: {  	_ =	shalt  }
0x6a: {  	_ =	shalt  }
0x6b: {  	_ =	shalt  }
0x6c: {  	_ =	shalt  }
0x6d: {  	_ =	shalt  }
0x6e: {  	_ =	shalt  }
0x6f: {  	_ =	shalt  }
0x70: {  	_ =	shalt  }
0x71: {  	_ =	shalt  }
0x72: {  	_ =	shalt  }
0x73: {  	_ =	shalt  }
0x74: {  	_ =	shalt  }
0x75: {  	_ =	shalt  }
0x76: {  	_ =	shalt  }
0x77: {  	_ =	shalt  }
0x78: {  	_ =	shalt  }
0x79: {  	_ =	shalt  }
0x7a: {  	_ =	shalt  }
0x7b: {  	_ =	shalt  }
0x7c: {  	_ =	shalt  }
0x7d: {  	_ =	shalt  }
0x7e: {  	_ =	shalt  }
0x7f: {  	_ =	shalt  }
0x80: {  	_ =	shalt  }
0x81: {  	_ =	shalt  }
0x82: {  	_ =	shalt  }
0x83: {  	_ =	shalt  }
0x84: {  	_ =	shalt  }
0x85: {  	_ =	shalt  }
0x86: {  	_ =	shalt  }
0x87: {  	_ =	shalt  }
.Lfunc_end0:
.L_simem_size_0:
called_computation.3_lowered:
.L_overlay_start_0:
0x88: {  	s2 =	sld [smem:$0x3FD9]  }
0x89: {  	s3 =	sld [smem:$0x3FFE];
	_ =	sdelay $0x1  }
0x8a: {  	s1 =	srdreg.scid  }
0x8b: {  	s0 =	sand.u32 $0x1, s1  }
0x8c: {  	s16 =	sshll.u32 s0, $0xA;
	s2 =	sadd.s32 s3, s2  }
0x8d: {  	s2 =	sadd.s32 s2, s16  }
0x8e: {  	[smem:$0x3FC0] =	sst s2  }
0x8f: {  	_ = 	snop  }
0x90: {  	(tm) =	ssettm $0x1  }
0x91: {  	s17 =	sld [smem:$0x3FFB];
	_ =	sdelay $0x3  }
0x92: {  	_ =	strace s17  }
0x93: {  	s2 =	sld [smem:$0x3FFC];
	_ =	sdelay $0x3  }
0x94: {  	_ =	strace s2  }
0x95: {  	s2 =	sld [smem:$0x3FFD];
	_ =	sdelay $0x3  }
0x96: {  	_ =	strace s2  }
0x97: {  	_ =	strace $0x8FFFFFFF  }
0x98: {  	s18 =	sld [smem:$0x3FDB];
	_ =	sdelay $0x1  }
0x99: {  	s19 =	simm.s32 $_scs_section_size  }
0x9a: {  	s4 =	simm.s32 $_size__tile_overlayer_lowered;
	s5 =	simm.s32 $_tile_overlayer_lowered  }
0x9b: {  	s22 =	simm.s32 $0x1BFF;
	s21 =	sshll.u32 s5, $0x1;
	s2 =	sadd.s32 s19, s18  }
0x9c: {  	s6 =	simm.s32 $0x0;
	s20 =	sshll.u32 s4, $0x1;
	s4 =	sadd.s32 s21, s2  }
0x9d: {  	[timem:s6], [sflag:s22] =	dma.local [hbm:s4], s20  }
0x9e: {  	_ =	swait.ge [sflag:s22], s20  }
0x9f: {  	s3 =	ssub.s32 $0x0, s20;
	[sflag:s22] =	ssyncset.done $0x0  }
0xa0: {  	[sflag:s22] =	ssyncadd.s32 s3;
	_ =	sdelay $0x1  }
0xa1: {  	s23 =	simm.s32 $0x1B8B  }
0xa2: {  	_ =	swait.ge [sflag:s23], $0x1  }
0xa3: {  	[sflag:s23] =	ssyncset.done $0x0  }
0xa4: {  	s25 =	simm.s32 $0x1B8E;
	s24 =	sld [smem:$0x3FFE];
	[sflag:s23] =	ssyncadd.s32 $0xFFFFFFFF  }
0xa5: {  	s26 =	simm.s32 $execute0_lowered;
	[smem:$0x3FD2] =	sst s25  }
0xa6: {  	s4 =	sshll.u32 s26, $0x1;
	_ =	strace $0x8000004F;
	[dreg:$0x1] =	wrdreg $0xFFFFFFFF  }
0xa7: {  	s28 =	simm.s32 $_size_execute0_lowered;
	s2 =	sadd.s32 s2, s4;
	[dreg:$0x0] =	wrdreg $0x0  }
0xa8: {  	s4 =	sshll.u32 s28, $0x1;
	[dreg:$0x2] =	wrdreg s2  }
0xa9: {  	[dreg:$0x3] =	wrdreg s4  }
0xaa: {  	[dreg:$0x4] =	wrdreg $0xC0  }
0xab: {  	_ =	task [dreg:s6], $0x5FFFF  }
0xac: {  	[dreg:$0x1] =	wrdreg $0xFFFFFFFF  }
0xad: {  	[dreg:$0x0] =	wrdreg $0x60  }
0xae: {  	[dreg:$0x2] =	wrdreg s24  }
0xaf: {  	[dreg:$0x3] =	wrdreg $0x9  }
0xb0: {  	_ =	task.clear_ibuf [dreg:s6], $0x4FFFF;
	_ =	strace $0x9000004F  }
0xb1: {  	s29 =	simm.s32 $0x9;
	_ =	strace $0x80000051  }
0xb2: {  	_ =	swait.ge [sflag:s29], $0x1  }
0xb3: {  	[sflag:s29] =	ssyncadd.s32 $0xFFFFFFFF  }
0xb4: {  	_ =	strace $0x90000051  }
0xb5: {  	_ =	sfence  }
0xb6: {  	s30 =	sld [smem:$0x0];
	_ =	sdelay $0x2  }
0xb7: {  	s31 =	sshll.u32 s1, $0xD;
	s1 =	sshrl.u32 s1, $0x2  }
0xb8: {  	s3 =	sand.u32 $0x4000, s31;
	s1 =	sadd.s32 s1, s30  }
0xb9: {  	s0 =	sor.u32 s3, s0;
	s1 =	sshll.u32 s1, $0x11  }
0xba: {  	s0 =	sor.u32 s1, s0  }
0xbb: {  	s0 =	sadd.s32 $0x8F2B, s0  }
0xbc: {  	[sflag:s0] =	ssyncadd.remote.s32 $0x1  }
0xbd: {  	_ =	sfence.sel $0xFFFF  }
0xbe: {  	[dreg:$0x0] =	wrdreg $0xFFFFFFFF;
	(pc) =	sbr.abs _section_cstart, $3  }
0xbf: {  	[dreg:$0x1] =	wrdreg $0xFFFFFFFF  }
0xc0: {  	_ =	task.clear_ibuf [dreg:s6], $0x2FFFF;
	_ =	strace $0x9FFFFFFF  }
0xc1: {  	(tm) =	ssettm $0x7FFFFFFF  }
tec
execute0_lowered:
.L_overlay_start_1:
0x0: {  	(tag) =	ssettag $0x1  }
0x1: {  	s0 =	srdreg.scid  }
0x2: {  	s1 =	sand.u32 $0x1, s0  }
0x3: {  	s3 =	stileid.u32;
	s0 =	sshll.u32 s1, $0x4  }
0x4: {  	s2 =	sor.u32 s3, s0;
	s0 =	sand.u32 $0x7, s3  }
0x5: {  	p0 =	seq.s32 s2, $0x0;
	p1 =	sne.s32 s0, $0x0  }
0x6: {  	s6 =	rddreg [dreg:$0x0];
	p0 =	por !p1, !p0  }
0x7: {  	s9 =	simm.s32 $0xDB00;
	s3 =	simm.s32 $0x1;
	p0 =	por !p0, !p0  }
0x8: {  	s18 =	simm.s32 $0xE300;
	s2 =	sshrl.u32 s2, $0x3;
	s3 =	simm.s32 @!p0 $0x0  }
0x9: {  	s19 =	simm.s32 $0xEB00;
	s7 =	ssub.s32 s2, s3;
	s2 =	simm.s32 $0x0  }
0xa: {  	s20 =	simm.s32 $0xF300;
	s21 =	simm.s32 $0xFB00;
	[smem:$0x7FF] =	sst s2  }
0xb: {  	s22 =	simm.s32 $0x10300;
	_ =	strace $0x80000050;
	[dreg:$0x2] =	wrdreg s9  }
0xc: {  	s11 =	simm.s32 $0x10B00;
	s12 =	simm.s32 $0x11300;
	[dreg:$0x3] =	wrdreg s18  }
0xd: {  	s13 =	simm.s32 $0x11B00;
	s14 =	simm.s32 $0x12300;
	[dreg:$0x4] =	wrdreg s19  }
0xe: {  	s15 =	simm.s32 $0x12B00;
	s16 =	simm.s32 $0x13300;
	[dreg:$0x5] =	wrdreg s20  }
0xf: {  	s17 =	simm.s32 $0x14300;
	s23 =	simm.s32 $0x16300;
	[dreg:$0x6] =	wrdreg s21  }
0x10: {  	s25 =	simm.s32 $0x16B00;
	s4 =	simm.s32 $0x17300;
	[dreg:$0x7] =	wrdreg s22  }
0x11: {  	s28 =	simm.s32 $0x2300;
	s30 =	simm.s32 $0x2B00;
	[dreg:$0x8] =	wrdreg s11  }
0x12: {  	s31 =	simm.s32 $0x0;
	s1 =	ssub.s32 $0x2, s1;
	[dreg:$0x9] =	wrdreg s12  }
0x13: {  	s29 =	simm.s32 $0x6;
	s10 =	sshrl.u32 s1, $0x1;
	[dreg:$0xa] =	wrdreg s13  }
0x14: {  	s1 =	ssub.s32 s1, s10;
	s24 =	smul.u32 $0x60, s0;
	[dreg:$0xb] =	wrdreg s14  }
0x15: {  	s10 =	sadd.s32 $0x32B300, s6;
	s0 =	smul.u32 $0x4E000, s0;
	[dreg:$0xc] =	wrdreg s15  }
0x16: {  	s1 =	smax.u32 s1, $0x1;
	s3 =	smul.u32 $0x300, s7;
	[dreg:$0xd] =	wrdreg s16  }
0x17: {  	s26 =	sor.u32 $0x8, s24;
	s7 =	smul.u32 $0x263000, s7;
	[dreg:$0xe] =	wrdreg s17  }
0x18: {  	s9 =	sadd.s32 $0x32B200, s6;
	s11 =	sadd.s32 $0x32B400, s6;
	[dreg:$0x12] =	wrdreg s23  }
0x19: {  	s12 =	sadd.s32 $0x32B500, s6;
	s13 =	sadd.s32 $0x32B600, s6;
	[dreg:$0x1b] =	wrdreg s26  }
0x1a: {  	s14 =	sadd.s32 $0x32B700, s6;
	s15 =	sadd.s32 $0x32B800, s6;
	[dreg:$0x13] =	wrdreg s25  }
0x1b: {  	s16 =	sadd.s32 $0x32B900, s6;
	s18 =	simm.s32 $0x14B00;
	[dreg:$0x14] =	wrdreg s4  }
0x1c: {  	s17 =	sadd.s32 $0x32BA00, s6;
	s19 =	simm.s32 $0x15300;
	[dreg:$0x1c] =	wrdreg s1  }
0x1d: {  	s20 =	simm.s32 $0x15B00;
	s22 =	simm.s32 $0x18300;
	[dreg:$0xf] =	wrdreg s18  }
0x1e: {  	s23 =	simm.s32 $0x18B00;
	s25 =	simm.s32 $0x19300;
	[dreg:$0x10] =	wrdreg s19  }
0x1f: {  	s26 =	simm.s32 $0x19B00;
	s1 =	simm.s32 $0x2;
	[dreg:$0x11] =	wrdreg s20  }
0x20: {  	s5 =	sshrl.u32 s3, $0x3;
	s3 =	sadd.s32 $0x32B000, s6;
	[dreg:$0x16] =	wrdreg s22  }
0x21: {  	s18 =	sadd.s32 $0x32BB00, s6;
	s19 =	sadd.s32 $0x32BC00, s6;
	[dreg:$0x17] =	wrdreg s23  }
0x22: {  	s21 =	sadd.s32 $0x1CA4000, s7;
	s20 =	simm.s32 $0x17B00;
	[dreg:$0x18] =	wrdreg s25  }
0x23: {  	[dreg:$0x19] =	wrdreg s26;
	s26 =	simm.s32 $0x300;
	s22 =	simm.s32 $0xB00  }
0x24: {  	s23 =	simm.s32 $0x1300;
	s25 =	simm.s32 $0x1B00;
	s7 =	simm.s32 $0x4  }
0x25: {  	s8 =	sadd.s32 s5, s6;
	s5 =	sadd.s32 $0x3A2600, s6;
	s0 =	sadd.s32 s0, s21  }
0x26: {  	v0 =	vlaneseq.u32;
	[dreg:$0x15] =	wrdreg s20;
	s8 =	sadd.s32 $0x877A00, s8;
	s0 =	sshrl.u32 s0, $0x3  }
0x27: {  	v1 =	vshrl.u32 v0, $0x3;
	s20 =	simm.s32 $0x5;
	[dreg:$0x1a] =	wrdreg s8;
	s0 =	sadd.s32 s0, s5  }
0x28: {  	vm0 =	vmmov $0xffff;
	v0 =	vand.u32 $0x7, v0;
	v1 =	vmul.u32 $0x8, v1;
	s8 =	sadd.s32 $0x32B100, s6;
	[dreg:$0x1d] =	wrdreg s0;
	s0 =	simm.s32 $0x3  }
.LBB2_1:
0x29: {  	[dreg:$0x1e] =	wrdreg s31  }
0x2a: {  	s6 =	rddreg [dreg:$0x1a];
	s4 =	simm.s32 $0x9  }
0x2b: {  	[tilespmem:s2], [sflag:$0x9] =	stream.linear.gather [hbm4b:s6+s2], $0x300, $0x38;
	[tilespmem:$0x1A300] =	vst v63  }
0x2c: {  	_ =	swait.ge [sflag:s4], $0x300  }
0x2d: {  	[sflag:s4] =	ssyncset.done $0x0  }
0x2e: {  	[sflag:s4] =	ssyncadd.s32 $0xFFFFFD00  }
0x2f: {  	v2 =	vld.msk [tilespmem:s24+$0x0], $0xff;
	_ =	sdelay $0x4  }
0x30: {  	v3 =	vshrl.u32 v2, $0x3  }
0x31: {  	v3 =	vmul.u32 $0xD0, v3  }
0x32: {  	v2 =	vand.u32 $0x7, v2  }
0x33: {  	v2 =	vor.u32 v2, v3  }
0x34: {  	v2 =	vperm.xlane v2, v0;
	_ =	sdelay $0x1  }
0x35: {  	v2 =	vadd.s32 v1, v2;
	_ =	sdelay $0x4  }
0x36: {  	[tilespmem:s26], [sflag:$0x1] =	stream.indirect_vreg.gather [hbm4b:s3+s2], $0x80, v2, vm0, $0xb8;
	[tilespmem:$0x1A300] =	vst v63  }
0x37: {  	_ = 	snop  }
0x38: {  	[tilespmem:s22], [sflag:$0x1] =	stream.indirect_vreg.gather [hbm4b:s8+s2], $0x80, v2, vm0, $0xb8;
	[tilespmem:$0x1A300] =	vst v63  }
0x39: {  	_ = 	snop  }
0x3a: {  	[tilespmem:s23], [sflag:$0x1] =	stream.indirect_vreg.gather [hbm4b:s9+s2], $0x80, v2, vm0, $0xb8;
	[tilespmem:$0x1A300] =	vst v63  }
0x3b: {  	_ = 	snop  }
0x3c: {  	[tilespmem:s25], [sflag:$0x1] =	stream.indirect_vreg.gather [hbm4b:s10+s2], $0x80, v2, vm0, $0xb8;
	[tilespmem:$0x1A300] =	vst v63  }
0x3d: {  	_ = 	snop  }
0x3e: {  	[tilespmem:s28], [sflag:$0x1] =	stream.indirect_vreg.gather [hbm4b:s11+s2], $0x80, v2, vm0, $0xb8;
	[tilespmem:$0x1A300] =	vst v63  }
0x3f: {  	_ = 	snop  }
0x40: {  	[tilespmem:s30], [sflag:$0x1] =	stream.indirect_vreg.gather [hbm4b:s12+s2], $0x80, v2, vm0, $0xb8;
	[tilespmem:$0x1A300] =	vst v63  }
0x41: {  	s4 =	simm.s32 $0x3300  }
0x42: {  	[tilespmem:s4], [sflag:$0x1] =	stream.indirect_vreg.gather [hbm4b:s13+s2], $0x80, v2, vm0, $0xb8;
	[tilespmem:$0x1A300] =	vst v63  }
0x43: {  	s22 =	simm.s32 $0x3B00  }
0x44: {  	[tilespmem:s22], [sflag:$0x1] =	stream.indirect_vreg.gather [hbm4b:s14+s2], $0x80, v2, vm0, $0xb8;
	[tilespmem:$0x1A300] =	vst v63  }
0x45: {  	s23 =	simm.s32 $0x4300  }
0x46: {  	[tilespmem:s23], [sflag:$0x1] =	stream.indirect_vreg.gather [hbm4b:s15+s2], $0x80, v2, vm0, $0xb8;
	[tilespmem:$0x1A300] =	vst v63  }
0x47: {  	s25 =	simm.s32 $0x4B00  }
0x48: {  	[tilespmem:s25], [sflag:$0x1] =	stream.indirect_vreg.gather [hbm4b:s16+s2], $0x80, v2, vm0, $0xb8;
	[tilespmem:$0x1A300] =	vst v63  }
0x49: {  	s26 =	simm.s32 $0x5300  }
0x4a: {  	[tilespmem:s26], [sflag:$0x1] =	stream.indirect_vreg.gather [hbm4b:s17+s2], $0x80, v2, vm0, $0xb8;
	[tilespmem:$0x1A300] =	vst v63  }
0x4b: {  	s28 =	simm.s32 $0x5B00  }
0x4c: {  	[tilespmem:s28], [sflag:$0x1] =	stream.indirect_vreg.gather [hbm4b:s18+s2], $0x80, v2, vm0, $0xb8;
	[tilespmem:$0x1A300] =	vst v63  }
0x4d: {  	s30 =	simm.s32 $0x6300;
	s4 =	rddreg [dreg:$0x1b]  }
0x4e: {  	[tilespmem:s30], [sflag:$0x1] =	stream.indirect_vreg.gather [hbm4b:s19+s2], $0x80, v2, vm0, $0xb8;
	[tilespmem:$0x1A300] =	vst v63  }
0x4f: {  	v2 =	vld.msk [tilespmem:s4+$0x0], $0xff;
	_ =	sdelay $0x4  }
0x50: {  	v3 =	vshrl.u32 v2, $0x3  }
0x51: {  	v3 =	vmul.u32 $0xD0, v3  }
0x52: {  	v2 =	vand.u32 $0x7, v2  }
0x53: {  	v2 =	vor.u32 v2, v3  }
0x54: {  	v2 =	vperm.xlane v2, v0;
	_ =	sdelay $0x1  }
0x55: {  	v2 =	vadd.s32 v1, v2;
	_ =	sdelay $0x3  }
0x56: {  	s22 =	simm.s32 $0x6B00  }
0x57: {  	[tilespmem:s22], [sflag:$0x2] =	stream.indirect_vreg.gather [hbm4b:s3+s2], $0x80, v2, vm0, $0xb8;
	[tilespmem:$0x1A300] =	vst v63  }
0x58: {  	s23 =	simm.s32 $0x7300  }
0x59: {  	[tilespmem:s23], [sflag:$0x2] =	stream.indirect_vreg.gather [hbm4b:s8+s2], $0x80, v2, vm0, $0xb8;
	[tilespmem:$0x1A300] =	vst v63  }
0x5a: {  	s25 =	simm.s32 $0x7B00  }
0x5b: {  	[tilespmem:s25], [sflag:$0x2] =	stream.indirect_vreg.gather [hbm4b:s9+s2], $0x80, v2, vm0, $0xb8;
	[tilespmem:$0x1A300] =	vst v63  }
0x5c: {  	s26 =	simm.s32 $0x8300  }
0x5d: {  	[tilespmem:s26], [sflag:$0x2] =	stream.indirect_vreg.gather [hbm4b:s10+s2], $0x80, v2, vm0, $0xb8;
	[tilespmem:$0x1A300] =	vst v63  }
0x5e: {  	s28 =	simm.s32 $0x8B00  }
0x5f: {  	[tilespmem:s28], [sflag:$0x2] =	stream.indirect_vreg.gather [hbm4b:s11+s2], $0x80, v2, vm0, $0xb8;
	[tilespmem:$0x1A300] =	vst v63  }
0x60: {  	s30 =	simm.s32 $0x9300  }
0x61: {  	[tilespmem:s30], [sflag:$0x2] =	stream.indirect_vreg.gather [hbm4b:s12+s2], $0x80, v2, vm0, $0xb8;
	[tilespmem:$0x1A300] =	vst v63  }
0x62: {  	s6 =	simm.s32 $0x9B00  }
0x63: {  	[tilespmem:s6], [sflag:$0x2] =	stream.indirect_vreg.gather [hbm4b:s13+s2], $0x80, v2, vm0, $0xb8;
	[tilespmem:$0x1A300] =	vst v63  }
0x64: {  	s22 =	simm.s32 $0xA300  }
0x65: {  	[tilespmem:s22], [sflag:$0x2] =	stream.indirect_vreg.gather [hbm4b:s14+s2], $0x80, v2, vm0, $0xb8;
	[tilespmem:$0x1A300] =	vst v63  }
0x66: {  	s23 =	simm.s32 $0xAB00  }
0x67: {  	[tilespmem:s23], [sflag:$0x2] =	stream.indirect_vreg.gather [hbm4b:s15+s2], $0x80, v2, vm0, $0xb8;
	[tilespmem:$0x1A300] =	vst v63  }
0x68: {  	s25 =	simm.s32 $0xB300  }
0x69: {  	[tilespmem:s25], [sflag:$0x2] =	stream.indirect_vreg.gather [hbm4b:s16+s2], $0x80, v2, vm0, $0xb8;
	[tilespmem:$0x1A300] =	vst v63  }
0x6a: {  	s26 =	simm.s32 $0xBB00  }
0x6b: {  	[tilespmem:s26], [sflag:$0x2] =	stream.indirect_vreg.gather [hbm4b:s17+s2], $0x80, v2, vm0, $0xb8;
	[tilespmem:$0x1A300] =	vst v63  }
0x6c: {  	s31 =	simm.s32 $0x1;
	s28 =	simm.s32 $0xC300;
	s30 =	simm.s32 $0xCB00  }
0x6d: {  	[tilespmem:s28], [sflag:$0x2] =	stream.indirect_vreg.gather [hbm4b:s18+s2], $0x80, v2, vm0, $0xb8;
	[tilespmem:$0x1A300] =	vst v63  }
0x6e: {  	s22 =	rddreg [dreg:$0x1d];
	s23 =	simm.s32 $0x0;
	s25 =	simm.s32 $0xD300  }
0x6f: {  	[tilespmem:s30], [sflag:$0x2] =	stream.indirect_vreg.gather [hbm4b:s19+s2], $0x80, v2, vm0, $0xb8;
	[tilespmem:$0x1A300] =	vst v63  }
.LBB2_2:
0x70: {  	_ =	swait.ge [sflag:s31], $0x6800  }
0x71: {  	[sflag:s31] =	ssyncset.done $0x0  }
0x72: {  	[sflag:s31] =	ssyncadd.s32 $0xFFFF9800  }
0x73: {  	_ =	swait.ge [sflag:s1], $0x6800  }
0x74: {  	p0 =	seq.s32 s23, $0x0;
	[sflag:s1] =	ssyncset.done $0x0  }
0x75: {  	s6 =	simm.s32 @!p0 $0x7;
	[sflag:s1] =	ssyncadd.s32 $0xFFFF9800  }
0x76: {  	_ =	swait.ge @!p0 [sflag:s6], $0x6800  }
0x77: {  	[sflag:s6] =	ssyncset.done @!p0 $0x0  }
0x78: {  	s28 =	sadd.s32 s23, s24;
	[sflag:s6] =	ssyncadd.s32 @!p0 $0xFFFF9800;
	s6 =	simm.s32 @!p0 $0x8  }
0x79: {  	s30 =	smov.u32 s24;
	s24 =	sadd.s32 $0x10, s28;
	_ =	swait.ge @!p0 [sflag:s6], $0x6800  }
0x7a: {  	p1 =	slt.s32 s24, $0x2E0;
	[sflag:s6] =	ssyncset.done @!p0 $0x0  }
0x7b: {  	s24 =	simm.s32 @!p1 $0x2E0;
	[sflag:s6] =	ssyncadd.s32 @!p0 $0xFFFF9800  }
0x7c: {  	v2 =	vld.msk [tilespmem:s24+$0x0], $0xff;
	_ =	sdelay $0x4  }
0x7d: {  	v3 =	vshrl.u32 v2, $0x3  }
0x7e: {  	v3 =	vmul.u32 $0xD0, v3  }
0x7f: {  	v2 =	vand.u32 $0x7, v2  }
0x80: {  	v2 =	vor.u32 v2, v3  }
0x81: {  	v2 =	vperm.xlane v2, v0;
	_ =	sdelay $0x1  }
0x82: {  	v2 =	vadd.s32 v1, v2;
	_ =	sdelay $0x4  }
0x83: {  	[tilespmem:s25], [sflag:$0x3] =	stream.indirect_vreg.gather [hbm4b:s3+s2], $0x80, v2, vm0, $0xb8;
	[tilespmem:$0x1A300] =	vst v63  }
0x84: {  	s4 =	rddreg [dreg:$0x2]  }
0x85: {  	[tilespmem:s4], [sflag:$0x3] =	stream.indirect_vreg.gather [hbm4b:s8+s2], $0x80, v2, vm0, $0xb8;
	[tilespmem:$0x1A300] =	vst v63  }
0x86: {  	s26 =	rddreg [dreg:$0x3]  }
0x87: {  	[tilespmem:s26], [sflag:$0x3] =	stream.indirect_vreg.gather [hbm4b:s9+s2], $0x80, v2, vm0, $0xb8;
	[tilespmem:$0x1A300] =	vst v63  }
0x88: {  	s1 =	rddreg [dreg:$0x4]  }
0x89: {  	[tilespmem:s1], [sflag:$0x3] =	stream.indirect_vreg.gather [hbm4b:s10+s2], $0x80, v2, vm0, $0xb8;
	[tilespmem:$0x1A300] =	vst v63  }
0x8a: {  	s4 =	rddreg [dreg:$0x5]  }
0x8b: {  	[tilespmem:s4], [sflag:$0x3] =	stream.indirect_vreg.gather [hbm4b:s11+s2], $0x80, v2, vm0, $0xb8;
	[tilespmem:$0x1A300] =	vst v63  }
0x8c: {  	s26 =	rddreg [dreg:$0x6]  }
0x8d: {  	[tilespmem:s26], [sflag:$0x3] =	stream.indirect_vreg.gather [hbm4b:s12+s2], $0x80, v2, vm0, $0xb8;
	[tilespmem:$0x1A300] =	vst v63  }
0x8e: {  	s1 =	rddreg [dreg:$0x7]  }
0x8f: {  	[tilespmem:s1], [sflag:$0x3] =	stream.indirect_vreg.gather [hbm4b:s13+s2], $0x80, v2, vm0, $0xb8;
	[tilespmem:$0x1A300] =	vst v63  }
0x90: {  	s4 =	rddreg [dreg:$0x8]  }
0x91: {  	[tilespmem:s4], [sflag:$0x3] =	stream.indirect_vreg.gather [hbm4b:s14+s2], $0x80, v2, vm0, $0xb8;
	[tilespmem:$0x1A300] =	vst v63  }
0x92: {  	s26 =	rddreg [dreg:$0x9]  }
0x93: {  	[tilespmem:s26], [sflag:$0x3] =	stream.indirect_vreg.gather [hbm4b:s15+s2], $0x80, v2, vm0, $0xb8;
	[tilespmem:$0x1A300] =	vst v63  }
0x94: {  	s1 =	rddreg [dreg:$0xa]  }
0x95: {  	[tilespmem:s1], [sflag:$0x3] =	stream.indirect_vreg.gather [hbm4b:s16+s2], $0x80, v2, vm0, $0xb8;
	[tilespmem:$0x1A300] =	vst v63  }
0x96: {  	s6 =	sadd.s32 $0x18, s28;
	s4 =	rddreg [dreg:$0xb]  }
0x97: {  	[tilespmem:s4], [sflag:$0x3] =	stream.indirect_vreg.gather [hbm4b:s17+s2], $0x80, v2, vm0, $0xb8;
	[tilespmem:$0x1A300] =	vst v63  }
0x98: {  	p0 =	slt.s32 s6, $0x2E0;
	s26 =	rddreg [dreg:$0xc]  }
0x99: {  	[tilespmem:s26], [sflag:$0x3] =	stream.indirect_vreg.gather [hbm4b:s18+s2], $0x80, v2, vm0, $0xb8;
	[tilespmem:$0x1A300] =	vst v63  }
0x9a: {  	s6 =	simm.s32 @!p0 $0x2E0;
	s1 =	rddreg [dreg:$0xd]  }
0x9b: {  	[tilespmem:s1], [sflag:$0x3] =	stream.indirect_vreg.gather [hbm4b:s19+s2], $0x80, v2, vm0, $0xb8;
	[tilespmem:$0x1A300] =	vst v63  }
0x9c: {  	v2 =	vld.msk [tilespmem:s6+$0x0], $0xff;
	_ =	sdelay $0x4  }
0x9d: {  	v3 =	vshrl.u32 v2, $0x3  }
0x9e: {  	v3 =	vmul.u32 $0xD0, v3  }
0x9f: {  	v2 =	vand.u32 $0x7, v2  }
0xa0: {  	v2 =	vor.u32 v2, v3  }
0xa1: {  	v2 =	vperm.xlane v2, v0;
	_ =	sdelay $0x1  }
0xa2: {  	v2 =	vadd.s32 v1, v2;
	_ =	sdelay $0x3  }
0xa3: {  	s1 =	simm.s32 $0x13B00  }
0xa4: {  	[tilespmem:s1], [sflag:$0x4] =	stream.indirect_vreg.gather [hbm4b:s3+s2], $0x80, v2, vm0, $0xb8;
	[tilespmem:$0x1A300] =	vst v63  }
0xa5: {  	s4 =	rddreg [dreg:$0xe]  }
0xa6: {  	[tilespmem:s4], [sflag:$0x4] =	stream.indirect_vreg.gather [hbm4b:s8+s2], $0x80, v2, vm0, $0xb8;
	[tilespmem:$0x1A300] =	vst v63  }
0xa7: {  	s26 =	rddreg [dreg:$0xf]  }
0xa8: {  	[tilespmem:s26], [sflag:$0x4] =	stream.indirect_vreg.gather [hbm4b:s9+s2], $0x80, v2, vm0, $0xb8;
	[tilespmem:$0x1A300] =	vst v63  }
0xa9: {  	s25 =	rddreg [dreg:$0x10]  }
0xaa: {  	[tilespmem:s25], [sflag:$0x4] =	stream.indirect_vreg.gather [hbm4b:s10+s2], $0x80, v2, vm0, $0xb8;
	[tilespmem:$0x1A300] =	vst v63  }
0xab: {  	s4 =	rddreg [dreg:$0x11]  }
0xac: {  	[tilespmem:s4], [sflag:$0x4] =	stream.indirect_vreg.gather [hbm4b:s11+s2], $0x80, v2, vm0, $0xb8;
	[tilespmem:$0x1A300] =	vst v63  }
0xad: {  	s25 =	rddreg [dreg:$0x12]  }
0xae: {  	[tilespmem:s25], [sflag:$0x4] =	stream.indirect_vreg.gather [hbm4b:s12+s2], $0x80, v2, vm0, $0xb8;
	[tilespmem:$0x1A300] =	vst v63  }
0xaf: {  	s4 =	rddreg [dreg:$0x13]  }
0xb0: {  	[tilespmem:s4], [sflag:$0x4] =	stream.indirect_vreg.gather [hbm4b:s13+s2], $0x80, v2, vm0, $0xb8;
	[tilespmem:$0x1A300] =	vst v63  }
0xb1: {  	s25 =	rddreg [dreg:$0x14]  }
0xb2: {  	[tilespmem:s25], [sflag:$0x4] =	stream.indirect_vreg.gather [hbm4b:s14+s2], $0x80, v2, vm0, $0xb8;
	[tilespmem:$0x1A300] =	vst v63  }
0xb3: {  	s4 =	rddreg [dreg:$0x15]  }
0xb4: {  	[tilespmem:s4], [sflag:$0x4] =	stream.indirect_vreg.gather [hbm4b:s15+s2], $0x80, v2, vm0, $0xb8;
	[tilespmem:$0x1A300] =	vst v63  }
0xb5: {  	s25 =	rddreg [dreg:$0x16]  }
0xb6: {  	[tilespmem:s25], [sflag:$0x4] =	stream.indirect_vreg.gather [hbm4b:s16+s2], $0x80, v2, vm0, $0xb8;
	[tilespmem:$0x1A300] =	vst v63  }
0xb7: {  	s4 =	rddreg [dreg:$0x17]  }
0xb8: {  	[tilespmem:s4], [sflag:$0x4] =	stream.indirect_vreg.gather [hbm4b:s17+s2], $0x80, v2, vm0, $0xb8;
	[tilespmem:$0x1A300] =	vst v63  }
0xb9: {  	s25 =	rddreg [dreg:$0x18]  }
0xba: {  	[tilespmem:s25], [sflag:$0x4] =	stream.indirect_vreg.gather [hbm4b:s18+s2], $0x80, v2, vm0, $0xb8;
	[tilespmem:$0x1A300] =	vst v63  }
0xbb: {  	s25 =	sadd.s32 $0x8, s28  }
0xbc: {  	s4 =	rddreg [dreg:$0x19];
	p0 =	slt.s32 s25, $0x2E0  }
0xbd: {  	[tilespmem:s4], [sflag:$0x4] =	stream.indirect_vreg.gather [hbm4b:s19+s2], $0x80, v2, vm0, $0xb8;
	[tilespmem:$0x1A300] =	vst v63  }
0xbe: {  	s25 =	simm.s32 @!p0 $0x2E0  }
0xbf: {  	s25 =	sshrl.u32 s25, $0x3  }
0xc0: {  	s26 =	simm.s32 $0x300;
	s25 =	smul.u32 $0x6800, s25  }
0xc1: {  	[hbm4b:s22+s2] =	stream.linear.scatter [tilespmem:s26], [sflag:$0x5], $0x6800, $0x38;
	[tilespmem:$0x1A300] =	vst v63  }
0xc2: {  	s25 =	sadd.s32 s21, s25  }
0xc3: {  	s25 =	sshrl.u32 s25, $0x3  }
0xc4: {  	s4 =	simm.s32 $0x6B00;
	s25 =	sadd.s32 s5, s25  }
0xc5: {  	[hbm4b:s25+s2] =	stream.linear.scatter [tilespmem:s4], [sflag:$0x6], $0x6800, $0x38;
	[tilespmem:$0x1A300] =	vst v63  }
0xc6: {  	_ =	swait.ge [sflag:s0], $0x6800  }
0xc7: {  	[sflag:s0] =	ssyncset.done $0x0  }
0xc8: {  	[sflag:s0] =	ssyncadd.s32 $0xFFFF9800  }
0xc9: {  	_ =	swait.ge [sflag:s7], $0x6800  }
0xca: {  	[sflag:s7] =	ssyncset.done $0x0  }
0xcb: {  	[sflag:s7] =	ssyncadd.s32 $0xFFFF9800  }
0xcc: {  	_ =	swait.ge [sflag:s20], $0x6800  }
0xcd: {  	[sflag:s20] =	ssyncset.done $0x0  }
0xce: {  	[sflag:s20] =	ssyncadd.s32 $0xFFFF9800  }
0xcf: {  	s25 =	sadd.s32 $0x20, s28;
	_ =	swait.ge [sflag:s29], $0x6800  }
0xd0: {  	p0 =	slt.s32 s25, $0x2E0;
	[sflag:s29] =	ssyncset.done $0x0  }
0xd1: {  	s25 =	simm.s32 @!p0 $0x2E0;
	[sflag:s29] =	ssyncadd.s32 $0xFFFF9800  }
0xd2: {  	v2 =	vld.msk [tilespmem:s25+$0x0], $0xff;
	_ =	sdelay $0x4  }
0xd3: {  	v3 =	vshrl.u32 v2, $0x3  }
0xd4: {  	v3 =	vmul.u32 $0xD0, v3  }
0xd5: {  	v2 =	vand.u32 $0x7, v2  }
0xd6: {  	v2 =	vor.u32 v2, v3  }
0xd7: {  	v2 =	vperm.xlane v2, v0;
	_ =	sdelay $0x1  }
0xd8: {  	v2 =	vadd.s32 v1, v2;
	_ =	sdelay $0x4  }
0xd9: {  	[tilespmem:s26], [sflag:$0x1] =	stream.indirect_vreg.gather [hbm4b:s3+s2], $0x80, v2, vm0, $0xb8;
	[tilespmem:$0x1A300] =	vst v63  }
0xda: {  	s25 =	simm.s32 $0xB00  }
0xdb: {  	[tilespmem:s25], [sflag:$0x1] =	stream.indirect_vreg.gather [hbm4b:s8+s2], $0x80, v2, vm0, $0xb8;
	[tilespmem:$0x1A300] =	vst v63  }
0xdc: {  	s25 =	simm.s32 $0x1300  }
0xdd: {  	[tilespmem:s25], [sflag:$0x1] =	stream.indirect_vreg.gather [hbm4b:s9+s2], $0x80, v2, vm0, $0xb8;
	[tilespmem:$0x1A300] =	vst v63  }
0xde: {  	s25 =	simm.s32 $0x1B00  }
0xdf: {  	[tilespmem:s25], [sflag:$0x1] =	stream.indirect_vreg.gather [hbm4b:s10+s2], $0x80, v2, vm0, $0xb8;
	[tilespmem:$0x1A300] =	vst v63  }
0xe0: {  	s25 =	simm.s32 $0x2300  }
0xe1: {  	[tilespmem:s25], [sflag:$0x1] =	stream.indirect_vreg.gather [hbm4b:s11+s2], $0x80, v2, vm0, $0xb8;
	[tilespmem:$0x1A300] =	vst v63  }
0xe2: {  	s25 =	simm.s32 $0x2B00  }
0xe3: {  	[tilespmem:s25], [sflag:$0x1] =	stream.indirect_vreg.gather [hbm4b:s12+s2], $0x80, v2, vm0, $0xb8;
	[tilespmem:$0x1A300] =	vst v63  }
0xe4: {  	s25 =	simm.s32 $0x3300  }
0xe5: {  	[tilespmem:s25], [sflag:$0x1] =	stream.indirect_vreg.gather [hbm4b:s13+s2], $0x80, v2, vm0, $0xb8;
	[tilespmem:$0x1A300] =	vst v63  }
0xe6: {  	s25 =	simm.s32 $0x3B00  }
0xe7: {  	[tilespmem:s25], [sflag:$0x1] =	stream.indirect_vreg.gather [hbm4b:s14+s2], $0x80, v2, vm0, $0xb8;
	[tilespmem:$0x1A300] =	vst v63  }
0xe8: {  	s25 =	simm.s32 $0x4300  }
0xe9: {  	[tilespmem:s25], [sflag:$0x1] =	stream.indirect_vreg.gather [hbm4b:s15+s2], $0x80, v2, vm0, $0xb8;
	[tilespmem:$0x1A300] =	vst v63  }
0xea: {  	s25 =	simm.s32 $0x4B00  }
0xeb: {  	[tilespmem:s25], [sflag:$0x1] =	stream.indirect_vreg.gather [hbm4b:s16+s2], $0x80, v2, vm0, $0xb8;
	[tilespmem:$0x1A300] =	vst v63  }
0xec: {  	s25 =	simm.s32 $0x5300  }
0xed: {  	[tilespmem:s25], [sflag:$0x1] =	stream.indirect_vreg.gather [hbm4b:s17+s2], $0x80, v2, vm0, $0xb8;
	[tilespmem:$0x1A300] =	vst v63  }
0xee: {  	s25 =	simm.s32 $0x5B00  }
0xef: {  	[tilespmem:s25], [sflag:$0x1] =	stream.indirect_vreg.gather [hbm4b:s18+s2], $0x80, v2, vm0, $0xb8;
	[tilespmem:$0x1A300] =	vst v63  }
0xf0: {  	s25 =	simm.s32 $0x6300  }
0xf1: {  	[tilespmem:s25], [sflag:$0x1] =	stream.indirect_vreg.gather [hbm4b:s19+s2], $0x80, v2, vm0, $0xb8;
	[tilespmem:$0x1A300] =	vst v63  }
0xf2: {  	s25 =	sadd.s32 $0x28, s28  }
0xf3: {  	p0 =	slt.s32 s25, $0x2E0  }
0xf4: {  	s25 =	simm.s32 @!p0 $0x2E0  }
0xf5: {  	v2 =	vld.msk [tilespmem:s25+$0x0], $0xff;
	_ =	sdelay $0x4  }
0xf6: {  	v3 =	vshrl.u32 v2, $0x3  }
0xf7: {  	v3 =	vmul.u32 $0xD0, v3  }
0xf8: {  	v2 =	vand.u32 $0x7, v2  }
0xf9: {  	v2 =	vor.u32 v2, v3  }
0xfa: {  	v2 =	vperm.xlane v2, v0;
	_ =	sdelay $0x1  }
0xfb: {  	v2 =	vadd.s32 v1, v2;
	_ =	sdelay $0x4  }
0xfc: {  	[tilespmem:s4], [sflag:$0x2] =	stream.indirect_vreg.gather [hbm4b:s3+s2], $0x80, v2, vm0, $0xb8;
	[tilespmem:$0x1A300] =	vst v63  }
0xfd: {  	s28 =	simm.s32 $0x7300  }
0xfe: {  	[tilespmem:s28], [sflag:$0x2] =	stream.indirect_vreg.gather [hbm4b:s8+s2], $0x80, v2, vm0, $0xb8;
	[tilespmem:$0x1A300] =	vst v63  }
0xff: {  	s28 =	simm.s32 $0x7B00  }
0x100: {  	[tilespmem:s28], [sflag:$0x2] =	stream.indirect_vreg.gather [hbm4b:s9+s2], $0x80, v2, vm0, $0xb8;
	[tilespmem:$0x1A300] =	vst v63  }
0x101: {  	s28 =	simm.s32 $0x8300  }
0x102: {  	[tilespmem:s28], [sflag:$0x2] =	stream.indirect_vreg.gather [hbm4b:s10+s2], $0x80, v2, vm0, $0xb8;
	[tilespmem:$0x1A300] =	vst v63  }
0x103: {  	s28 =	simm.s32 $0x8B00  }
0x104: {  	[tilespmem:s28], [sflag:$0x2] =	stream.indirect_vreg.gather [hbm4b:s11+s2], $0x80, v2, vm0, $0xb8;
	[tilespmem:$0x1A300] =	vst v63  }
0x105: {  	s28 =	simm.s32 $0x9300  }
0x106: {  	[tilespmem:s28], [sflag:$0x2] =	stream.indirect_vreg.gather [hbm4b:s12+s2], $0x80, v2, vm0, $0xb8;
	[tilespmem:$0x1A300] =	vst v63  }
0x107: {  	s28 =	simm.s32 $0x9B00  }
0x108: {  	[tilespmem:s28], [sflag:$0x2] =	stream.indirect_vreg.gather [hbm4b:s13+s2], $0x80, v2, vm0, $0xb8;
	[tilespmem:$0x1A300] =	vst v63  }
0x109: {  	s24 =	sshrl.u32 s24, $0x3;
	s28 =	simm.s32 $0xA300  }
0x10a: {  	[tilespmem:s28], [sflag:$0x2] =	stream.indirect_vreg.gather [hbm4b:s14+s2], $0x80, v2, vm0, $0xb8;
	[tilespmem:$0x1A300] =	vst v63  }
0x10b: {  	s24 =	smul.u32 $0x6800, s24;
	s28 =	simm.s32 $0xAB00  }
0x10c: {  	[tilespmem:s28], [sflag:$0x2] =	stream.indirect_vreg.gather [hbm4b:s15+s2], $0x80, v2, vm0, $0xb8;
	[tilespmem:$0x1A300] =	vst v63  }
0x10d: {  	s23 =	sadd.s32 $0x20, s23;
	s24 =	sadd.s32 s21, s24;
	s28 =	simm.s32 $0xB300  }
0x10e: {  	[tilespmem:s28], [sflag:$0x2] =	stream.indirect_vreg.gather [hbm4b:s16+s2], $0x80, v2, vm0, $0xb8;
	[tilespmem:$0x1A300] =	vst v63  }
0x10f: {  	s24 =	sshrl.u32 s24, $0x3;
	s6 =	sshrl.u32 s6, $0x3;
	s28 =	simm.s32 $0xBB00  }
0x110: {  	[tilespmem:s28], [sflag:$0x2] =	stream.indirect_vreg.gather [hbm4b:s17+s2], $0x80, v2, vm0, $0xb8;
	[tilespmem:$0x1A300] =	vst v63  }
0x111: {  	s24 =	sadd.s32 s5, s24;
	s6 =	smul.u32 $0x6800, s6;
	s28 =	simm.s32 $0xC300  }
0x112: {  	[tilespmem:s28], [sflag:$0x2] =	stream.indirect_vreg.gather [hbm4b:s18+s2], $0x80, v2, vm0, $0xb8;
	[tilespmem:$0x1A300] =	vst v63  }
0x113: {  	s6 =	sadd.s32 s21, s6;
	p0 =	sne.s32 s23, $0x60;
	s28 =	simm.s32 $0xCB00  }
0x114: {  	[tilespmem:s28], [sflag:$0x2] =	stream.indirect_vreg.gather [hbm4b:s19+s2], $0x80, v2, vm0, $0xb8;
	[tilespmem:$0x1A300] =	vst v63  }
.Ltmp0:
0x115: {  	s6 =	sshrl.u32 s6, $0x3;
	s25 =	simm.s32 $0xD300;
	(pc) =	sbr.rel @p0 .LBB2_2-.Ltmp0, $4  }
0x116: {  	[hbm4b:s24+s2] =	stream.linear.scatter [tilespmem:s25], [sflag:$0x7], $0x6800, $0x38;
	[tilespmem:$0x1A300] =	vst v63  }
0x117: {  	s6 =	sadd.s32 s5, s6  }
0x118: {  	[hbm4b:s6+s2] =	stream.linear.scatter [tilespmem:s1], [sflag:$0x8], $0x6800, $0x38;
	[tilespmem:$0x1A300] =	vst v63  }
0x119: {  	s22 =	sadd.s32 $0x3400, s22;
	s24 =	smov.u32 s30;
	s1 =	simm.s32 $0x2  }
0x11a: {  	_ =	swait.ge [sflag:s31], $0x6800  }
0x11b: {  	[sflag:s31] =	ssyncset.done $0x0  }
0x11c: {  	[sflag:s31] =	ssyncadd.s32 $0xFFFF9800  }
0x11d: {  	_ =	swait.ge [sflag:s1], $0x6800  }
0x11e: {  	[sflag:s1] =	ssyncset.done $0x0  }
0x11f: {  	s4 =	simm.s32 $0x7;
	[sflag:s1] =	ssyncadd.s32 $0xFFFF9800  }
0x120: {  	_ =	swait.ge [sflag:s4], $0x6800  }
0x121: {  	[sflag:s4] =	ssyncset.done $0x0  }
0x122: {  	s25 =	simm.s32 $0x8;
	[sflag:s4] =	ssyncadd.s32 $0xFFFF9800  }
0x123: {  	_ =	swait.ge [sflag:s25], $0x6800  }
0x124: {  	s31 =	rddreg [dreg:$0x1e]  }
0x125: {  	s6 =	rddreg [dreg:$0x1c];
	s31 =	sadd.s32 $0x1, s31  }
0x126: {  	p0 =	sne.s32 s31, s6  }
.Ltmp1:
0x127: {  	_ = 	snop;
	(pc) =	sbr.rel @p0 .LBB2_1-.Ltmp1, $4  }
0x128: {  	_ = 	snop  }
0x129: {  	s22 =	simm.s32 $0xB00  }
0x12a: {  	s23 =	simm.s32 $0x1300;
	s28 =	simm.s32 $0x2300;
	[sflag:s25] =	ssyncset.done $0x0  }
0x12b: {  	s30 =	simm.s32 $0x2B00;
	[sflag:s25] =	ssyncadd.s32 $0xFFFF9800;
	s25 =	simm.s32 $0x1B00  }
0x12c: {  	_ =	sfence.sel $0x180000  }
0x12d: {  	[bflag:$0x0] =	sbarrier.arrive $0xFFFF  }
0x12e: {  	_ =	strace $0x90000050  }
0x12f: {  	s0 =	stileid.u32;
	[bflag:$0x2] =	sbarrier.arrive $0xFFFF  }
0x130: {  	p0 =	sne.s32 s0, $0x0;
	s0 =	rddreg [dreg:$0x1]  }
0x131: {  	s0 =	sadd.s32 @!p0 $0x100000, s0  }
0x132: {  	[sflag:s0] =	ssyncadd.tile.s32 @!p0 $0x1;
	_ =	shalt  }
.Lfunc_end2:
_tile_overlayer_lowered:
.L_overlay_start_2:
0x133: {  	(tag) =	ssettag $0x2  }
0x134: {  	s0 =	rddreg [dreg:$0x0];
	s2 =	stileid.u32  }
0x135: {  	s1 =	rddreg [dreg:$0x1];
	p0 =	sne.s32 s2, $0x0  }
0x136: {  	s3 =	rddreg [dreg:$0x2];
	[bflag:$0x3] =	sbarrier.arrive $0xFFFF;
	s2 =	simm.s32 @!p0 $0x1C09  }
0x137: {  	[timem:s3], [sflag:s2] =	dma.local @!p0 [hbm:s0], s1  }
0x138: {  	s0 =	simm.s32 @!p0 $0x9  }
0x139: {  	_ =	swait.ge @!p0 [sflag:s0], s1  }
0x13a: {  	s1 =	ssub.s32 @!p0 $0x0, s1;
	[sflag:s0] =	ssyncset.done @!p0 $0x0  }
0x13b: {  	[sflag:s0] =	ssyncadd.s32 @!p0 s1  }
0x13c: {  	[bflag:$0x3] =	sbarrier.arrive $0xFFFF  }
0x13d: {  	_ =	shalt  }

</sc_bundles>
